<compile_context>
chip_gen: v7x
topology: tpu7x:2x2x1
jax: 0.10.2.dev20260603
libtpu: 0.0.44.dev20260713+nightly
codegen_flags: <defaults>
</compile_context>

<pallas_src>
import functools

import jax
import jax.numpy as jnp
from jax import lax
from jax.experimental import pallas as pl
from jax.experimental.pallas import tpu as pltpu
from jax.experimental.pallas import tpu_sc as plsc

N = 10000
E = 320000
D = 128

NC = 2
NS = 16
NW = NC * NS
EW = E // NW
BLK = 80
NBLK = EW // BLK
NR = N // 16

_ROWB = 1000


def _proj_body(x_ref, wp_ref, bp_ref, wl_ref, wr_ref, al_ref, ar_ref, wb_ref,
               hl_ref, hr_ref, sl_ref, sr_ref, db_ref):
    h = jnp.dot(x_ref[...], wp_ref[...], preferred_element_type=jnp.float32)
    h = h + bp_ref[...]
    hl = jnp.dot(h, wl_ref[...], preferred_element_type=jnp.float32)
    hr = jnp.dot(h, wr_ref[...], preferred_element_type=jnp.float32)
    hl_ref[...] = hl
    hr_ref[...] = hr
    sl_ref[...] = jnp.sum(hl * al_ref[...], axis=1, keepdims=True)
    sr_ref[...] = jnp.sum(hr * ar_ref[...], axis=1, keepdims=True)
    hb = jnp.dot(h, wb_ref[...], preferred_element_type=jnp.float32)
    db_ref[...] = hb[:, 0:1] - hb[:, 1:2]


def _proj(x, Wp, bp2, Wl, Wr, al2, ar2, W_beta):
    grid = (N // _ROWB,)
    full = lambda shp: pl.BlockSpec(shp, lambda i: (0,) * len(shp))
    rows = lambda shp: pl.BlockSpec(shp, lambda i: (i,) + (0,) * (len(shp) - 1))
    return pl.pallas_call(
        _proj_body,
        grid=grid,
        in_specs=[
            rows((_ROWB, D)),
            full((D, D)), full((1, D)), full((D, D)), full((D, D)),
            full((1, D)), full((1, D)), full((D, 2)),
        ],
        out_specs=[
            rows((_ROWB, D)), rows((_ROWB, D)),
            rows((_ROWB, 1)), rows((_ROWB, 1)), rows((_ROWB, 1)),
        ],
        out_shape=[
            jax.ShapeDtypeStruct((N, D), jnp.float32),
            jax.ShapeDtypeStruct((N, D), jnp.float32),
            jax.ShapeDtypeStruct((N, 1), jnp.float32),
            jax.ShapeDtypeStruct((N, 1), jnp.float32),
            jax.ShapeDtypeStruct((N, 1), jnp.float32),
        ],
    )(x, Wp, bp2, Wl, Wr, al2, ar2, W_beta)


_MESH = plsc.VectorSubcoreMesh(core_axis_name="c", subcore_axis_name="s",
                               num_cores=NC, num_subcores=NS)
_SC_PARAMS = pltpu.CompilerParams(needs_layout_passes=False,
                                  use_tc_tiling_on_sc=False)


def _leaky(t):
    return jnp.where(t >= 0.0, t, 0.2 * t)


@functools.partial(
    pl.kernel,
    out_type=[
        jax.ShapeDtypeStruct((NW, NBLK, BLK), jnp.float32),
        jax.ShapeDtypeStruct((NC, NR, 16), jnp.float32),
    ],
    mesh=_MESH,
    scratch_types=[
        pltpu.VMEM((NBLK, BLK), jnp.int32),
        pltpu.VMEM((NBLK, BLK), jnp.int32),
        pltpu.VMEM((N,), jnp.float32),
        pltpu.VMEM((N,), jnp.float32),
        pltpu.VMEM((NBLK, BLK), jnp.float32),
        pltpu.VMEM((NR, 16), jnp.float32),
        pltpu.VMEM((5, NR // 5), jnp.int32),
        pltpu.VMEM_SHARED((NR, 16), jnp.float32),
        pltpu.SemaphoreType.DMA,
    ],
    compiler_params=_SC_PARAMS,
)
def _pass1(src_hbm, dst_hbm, sl_hbm, sr_hbm, rid_hbm, p_hbm, den_hbm,
           src_v, dst_v, sl_v, sr_v, p_v, den_v, rid_v, den_sh, sem):
    cid = lax.axis_index("c")
    sid = lax.axis_index("s")
    w = cid * NS + sid

    pltpu.sync_copy(src_hbm.at[w], src_v)
    pltpu.sync_copy(dst_hbm.at[w], dst_v)
    pltpu.sync_copy(sl_hbm, sl_v)
    pltpu.sync_copy(sr_hbm, sr_v)
    pltpu.sync_copy(rid_hbm, rid_v)

    zero16 = jnp.zeros((16,), jnp.float32)

    @pl.loop(0, NR)
    def _(r):
        den_v[r, :] = zero16

    @pl.when(sid == 0)
    def _():
        pltpu.sync_copy(den_v, den_sh)
    plsc.subcore_barrier()

    def _mstep(i, m):
        return jnp.maximum(m, sl_v[pl.ds(i * 16, 16)])
    mvec = lax.fori_loop(1, N // 16, _mstep, sl_v[pl.ds(0, 16)])
    max_sl = jnp.max(mvec)

    @pl.loop(0, NBLK)
    def _(j):
        for g in range(BLK // 16):
            sl16 = pl.ds(g * 16, 16)
            sv = src_v[j, sl16]
            dv = dst_v[j, sl16]
            a = plsc.load_gather(sl_v, [sv])
            b = plsc.load_gather(sr_v, [dv])
            e = _leaky(a + b)
            mh = _leaky(max_sl + b)
            p = jnp.exp(e - mh)
            p_v[j, sl16] = p
            plsc.addupdate_scatter(den_v, [dv >> 4, dv & 15], p)

    pltpu.sync_copy(p_v, p_hbm.at[w])
    for k in range(5):
        pltpu.async_copy(den_v.at[pl.ds(k * (NR // 5), NR // 5)],
                         den_sh.at[rid_v.at[k]], sem, add=True).wait()
    plsc.subcore_barrier()

    @pl.when(sid == 0)
    def _():
        pltpu.sync_copy(den_sh, den_hbm.at[cid])


CHUNK = 25
NCHUNK = NBLK // CHUNK
RING = 4
AHEAD = RING // 2


@functools.partial(
    pl.kernel,
    out_type=jax.ShapeDtypeStruct((NC, N, D), jnp.float32),
    mesh=_MESH,
    scratch_types=[
        pltpu.VMEM((CHUNK, BLK), jnp.int32),
        pltpu.VMEM((CHUNK, BLK), jnp.int32),
        pltpu.VMEM((CHUNK, BLK), jnp.float32),
        pltpu.VMEM((RING, BLK, D), jnp.float32),
        pltpu.VMEM_SHARED((N, D), jnp.float32),
        pltpu.SemaphoreType.DMA,
        pltpu.SemaphoreType.DMA,
    ],
    compiler_params=_SC_PARAMS,
)
def _pass2(src_hbm, dst_hbm, p_hbm, hl_hbm, msg_hbm,
           src_v, dst_v, p_v, rows_v, msg_sh, gsem, ssem):
    cid = lax.axis_index("c")
    sid = lax.axis_index("s")
    w = cid * NS + sid

    zero16 = jnp.zeros((16,), jnp.float32)

    for bb in range(2):
        @pl.loop(0, BLK)
        def _(r):
            for c in range(D // 16):
                rows_v[bb, r, pl.ds(c * 16, 16)] = zero16

    base_row = sid * (N // NS)
    _nz = (N // NS) // BLK
    for q in range(_nz):
        pltpu.sync_copy(rows_v.at[q & 1], msg_sh.at[pl.ds(base_row + q * BLK, BLK)])
    _tail = N // NS - _nz * BLK
    if _tail:
        pltpu.sync_copy(rows_v.at[0].at[pl.ds(0, _tail)],
                        msg_sh.at[pl.ds(base_row + _nz * BLK, _tail)])
    plsc.subcore_barrier()

    def _drain(sem):
        pltpu.make_async_copy(hl_hbm.at[pl.ds(0, BLK)], rows_v.at[0], sem).wait()

    for ch in range(NCHUNK):
        pltpu.sync_copy(src_hbm.at[w].at[pl.ds(ch * CHUNK, CHUNK)], src_v)
        pltpu.sync_copy(dst_hbm.at[w].at[pl.ds(ch * CHUNK, CHUNK)], dst_v)
        pltpu.sync_copy(p_hbm.at[w].at[pl.ds(ch * CHUNK, CHUNK)], p_v)

        for jj in range(AHEAD):
            pltpu.async_copy(hl_hbm.at[src_v.at[jj]], rows_v.at[jj], gsem)

        @pl.loop(0, CHUNK)
        def _(j):
            b = j & (RING - 1)
            _drain(gsem)

            @pl.when(j >= AHEAD)
            def _():
                _drain(ssem)

            @pl.when(j + AHEAD < CHUNK)
            def _():
                pltpu.async_copy(hl_hbm.at[src_v.at[j + AHEAD]],
                                 rows_v.at[(j + AHEAD) & (RING - 1)], gsem)

            @pl.loop(0, BLK, unroll=4)
            def _(e2):
                a = plsc.load_gather(
                    p_v, [jnp.full((16,), j, jnp.int32),
                          jnp.full((16,), e2, jnp.int32)])
                for c in range(D // 16):
                    slc = pl.ds(c * 16, 16)
                    rows_v[b, e2, slc] = rows_v[b, e2, slc] * a

            pltpu.async_copy(rows_v.at[b], msg_sh.at[dst_v.at[j]], ssem, add=True)

        for _ in range(AHEAD):
            _drain(ssem)

    plsc.subcore_barrier()
    pltpu.sync_copy(msg_sh.at[pl.ds(base_row, N // NS)],
                    msg_hbm.at[cid].at[pl.ds(base_row, N // NS)])


def _comb_body(msg_ref, den_ref, db_ref, hr_ref, out_ref):
    msg = msg_ref[0] + msg_ref[1]
    den = den_ref[0] + den_ref[1] + 1e-16
    b0 = jax.nn.sigmoid(db_ref[...])
    out_ref[...] = jnp.maximum(b0 * (msg / den) + (1.0 - b0) * hr_ref[...], 0.0)


def _comb(msg, den, db, hr):
    grid = (N // _ROWB,)
    return pl.pallas_call(
        _comb_body,
        grid=grid,
        in_specs=[
            pl.BlockSpec((NC, _ROWB, D), lambda i: (0, i, 0)),
            pl.BlockSpec((NC, _ROWB, 1), lambda i: (0, i, 0)),
            pl.BlockSpec((_ROWB, 1), lambda i: (i, 0)),
            pl.BlockSpec((_ROWB, D), lambda i: (i, 0)),
        ],
        out_specs=pl.BlockSpec((_ROWB, D), lambda i: (i, 0)),
        out_shape=jax.ShapeDtypeStruct((N, D), jnp.float32),
    )(msg, den, db, hr)


def kernel(x, edge_index, global_node_idx, Wp, bp, Wl, Wr, attn_l, attn_r, W_beta):
    del global_node_idx
    src = edge_index[0].reshape(NW, NBLK, BLK)
    dst = edge_index[1].reshape(NW, NBLK, BLK)
    rid = jnp.arange(NR, dtype=jnp.int32).reshape(5, NR // 5)

    hl, hr, sl, sr, db = _proj(x, Wp, bp.reshape(1, D), Wl, Wr,
                               attn_l.reshape(1, D), attn_r.reshape(1, D), W_beta)
    p, den = _pass1(src, dst, sl.reshape(N), sr.reshape(N), rid)
    msg = _pass2(src, dst, p, hl)
    return _comb(msg, den.reshape(NC, N, 1), db, hr)

# --- scband reference (transcript-rebuilt; emitter-appended) ---
"""Pipeline reference for scband-latte-9414568313294 (READ-ONLY COPY).

The authoritative reference and input builder live on the scoring server;
editing this copy changes nothing except your own understanding.
"""

import jax, jax.numpy as jnp
import numpy as np

N = 10000
E = 320000
D = 128


def setup_inputs(seed: int = 0) -> dict:
    key = jax.random.key(seed)
    ks = jax.random.split(key, 12)
    x = jax.random.normal(ks[0], (N, D), dtype=jnp.float32)
    edge_index = jax.random.randint(ks[1], (2, E), 0, N, dtype=jnp.int32)
    global_node_idx = jnp.arange(N, dtype=jnp.int32)
    s = 1.0 / np.sqrt(D)
    Wp = jax.random.normal(ks[2], (D, D), dtype=jnp.float32) * s
    bp = jnp.zeros((D,), dtype=jnp.float32)
    Wl = jax.random.normal(ks[3], (D, D), dtype=jnp.float32) * s
    Wr = jax.random.normal(ks[4], (D, D), dtype=jnp.float32) * s
    attn_l = jax.random.normal(ks[5], (D,), dtype=jnp.float32) * s
    attn_r = jax.random.normal(ks[6], (D,), dtype=jnp.float32) * s
    W_beta = jax.random.normal(ks[7], (D, 2), dtype=jnp.float32) * s
    return {"x": x, "edge_index": edge_index, "global_node_idx": global_node_idx,
            "Wp": Wp, "bp": bp, "Wl": Wl, "Wr": Wr,
            "attn_l": attn_l, "attn_r": attn_r, "W_beta": W_beta}


def reference(x, edge_index, global_node_idx, Wp, bp, Wl, Wr, attn_l, attn_r, W_beta):
    # feature projection (LATTE.feature_projection)
    h = x @ Wp + bp
    # per-metapath linear projections (LATTEConv linear_l / linear_r, attn_heads=1)
    h_l = h @ Wl
    h_r = h @ Wr
    src = edge_index[0]
    dst = edge_index[1]
    # edge attention logits (GAT-style per-metapath attention)
    s_l = h_l @ attn_l  # [N]
    s_r = h_r @ attn_r  # [N]
    e = jnp.take(s_l, src, axis=0) + jnp.take(s_r, dst, axis=0)
    e = jax.nn.leaky_relu(e, 0.2)
    # segment softmax over incoming edges of each dst node
    m = jax.ops.segment_max(e, dst, num_segments=N)
    m = jnp.where(jnp.isfinite(m), m, 0.0)
    e_exp = jnp.exp(e - jnp.take(m, dst, axis=0))
    denom = jax.ops.segment_sum(e_exp, dst, num_segments=N)
    alpha = e_exp / (jnp.take(denom, dst, axis=0) + 1e-16)
    # scatter-add aggregation of messages
    msg = jax.ops.segment_sum(jnp.take(h_l, src, axis=0) * alpha[:, None], dst, num_segments=N)
    # relation-level attention beta: softmax over (metapath, self) relations
    beta = jax.nn.softmax(h @ W_beta, axis=-1)
    out = beta[:, 0:1] * msg + beta[:, 1:2] * h_r
    # layer activation ('relu'), layer_pooling='last', n_layers=1
    return jax.nn.relu(out)

if __name__ == "__main__":
    import jax
    _d = setup_inputs()
    print(jax.jit(kernel)(*tuple(_d.values())))

</pallas_src>

<mosaic_0001>
#map = affine_map<(d0, d1) -> (0, 0, 0)>
#map1 = affine_map<(d0, d1) -> (0)>
#map2 = affine_map<(d0, d1) -> (0, 0)>
module attributes {stable_mosaic.version = 14 : i64} {
  func.func @_pass1(%arg0: i32, %arg1: i32, %arg2: memref<32x125x80xi32, #tpu.memory_space<hbm>>, %arg3: memref<32x125x80xi32, #tpu.memory_space<hbm>>, %arg4: memref<10000xf32, #tpu.memory_space<hbm>>, %arg5: memref<10000xf32, #tpu.memory_space<hbm>>, %arg6: memref<5x125xi32, #tpu.memory_space<hbm>>, %arg7: memref<32x125x80xf32, #tpu.memory_space<hbm>>, %arg8: memref<2x625x16xf32, #tpu.memory_space<hbm>>, %arg9: memref<125x80xi32, #tpu.memory_space<vmem>>, %arg10: memref<125x80xi32, #tpu.memory_space<vmem>>, %arg11: memref<10000xf32, #tpu.memory_space<vmem>>, %arg12: memref<10000xf32, #tpu.memory_space<vmem>>, %arg13: memref<125x80xf32, #tpu.memory_space<vmem>>, %arg14: memref<625x16xf32, #tpu.memory_space<vmem>>, %arg15: memref<5x125xi32, #tpu.memory_space<vmem>>, %arg16: memref<625x16xf32, #tpu.memory_space<vmem_shared>>, %arg17: memref<!tpu.dma_semaphore, #tpu.memory_space<semaphore_mem>>) attributes {dimension_semantics = [#tpu.dimension_semantics<core_parallel>, #tpu.dimension_semantics<subcore_parallel>], iteration_bounds = array<i64: 2, 16>, scalar_prefetch = 0 : i64, scratch_operands = 9 : i64, tpu.core_type = #tpu.core_type<sc_vector_subcore>, window_params = [{transform_indices = #map}, {transform_indices = #map}, {transform_indices = #map1}, {transform_indices = #map1}, {transform_indices = #map2}, {transform_indices = #map}, {transform_indices = #map}]} {
    %mul3A = arith.constant 16 : i32
    %mul3A_0 = arith.muli %arg0, %mul3A : i32
    %add3A = arith.addi %mul3A_0, %arg1 : i32
    "tpu.region"() ({
      %run_scoped3A = tpu.sem_alloc : memref<!tpu.dma_semaphore, #tpu.memory_space<semaphore_mem>>
      %dma_start3A_127 = arith.constant 0 : i32
      %dma_start3A_128 = arith.constant 0 : i32
      %dma_start3A_129 = tpu.memref_slice %arg2[%add3A, %dma_start3A_127, %dma_start3A_128] : memref<32x125x80xi32, #tpu.memory_space<hbm>> -> memref<1x125x80xi32, #tpu.memory_space<hbm>>
      %dma_start3A_130 = tpu.memref_squeeze %dma_start3A_129 : memref<1x125x80xi32, #tpu.memory_space<hbm>> -> memref<125x80xi32, #tpu.memory_space<hbm>>
      %dma_start3A_131 = arith.constant 0 : i32
      %dma_start3A_132 = arith.constant 0 : i32
      %dma_start3A_133 = tpu.memref_slice %arg2[%add3A, %dma_start3A_131, %dma_start3A_132] : memref<32x125x80xi32, #tpu.memory_space<hbm>> -> memref<1x125x80xi32, #tpu.memory_space<hbm>>
      %dma_start3A_134 = tpu.memref_squeeze %dma_start3A_133 : memref<1x125x80xi32, #tpu.memory_space<hbm>> -> memref<125x80xi32, #tpu.memory_space<hbm>>
      tpu.enqueue_dma source(%dma_start3A_134 : memref<125x80xi32, #tpu.memory_space<hbm>>) target(%arg9 : memref<125x80xi32, #tpu.memory_space<vmem>>) target_semaphore(%run_scoped3A : memref<!tpu.dma_semaphore, #tpu.memory_space<semaphore_mem>>)
      %dma_wait3A_135 = arith.constant 0 : i32
      %dma_wait3A_136 = arith.constant 0 : i32
      %dma_wait3A_137 = tpu.memref_slice %arg2[%add3A, %dma_wait3A_135, %dma_wait3A_136] : memref<32x125x80xi32, #tpu.memory_space<hbm>> -> memref<1x125x80xi32, #tpu.memory_space<hbm>>
      %dma_wait3A_138 = tpu.memref_squeeze %dma_wait3A_137 : memref<1x125x80xi32, #tpu.memory_space<hbm>> -> memref<125x80xi32, #tpu.memory_space<hbm>>
      %dma_wait3A_139 = arith.constant 0 : i32
      %dma_wait3A_140 = arith.constant 0 : i32
      %dma_wait3A_141 = tpu.memref_slice %arg2[%add3A, %dma_wait3A_139, %dma_wait3A_140] : memref<32x125x80xi32, #tpu.memory_space<hbm>> -> memref<1x125x80xi32, #tpu.memory_space<hbm>>
      %dma_wait3A_142 = tpu.memref_squeeze %dma_wait3A_141 : memref<1x125x80xi32, #tpu.memory_space<hbm>> -> memref<125x80xi32, #tpu.memory_space<hbm>>
      tpu.wait_dma2 semaphore(%run_scoped3A : memref<!tpu.dma_semaphore, #tpu.memory_space<semaphore_mem>>) src(%dma_wait3A_142 : memref<125x80xi32, #tpu.memory_space<hbm>>) dst(%arg9 : memref<125x80xi32, #tpu.memory_space<vmem>>)
      tpu.yield
    }) : () -> ()
    "tpu.region"() ({
      %run_scoped3A = tpu.sem_alloc : memref<!tpu.dma_semaphore, #tpu.memory_space<semaphore_mem>>
      %dma_start3A_127 = arith.constant 0 : i32
      %dma_start3A_128 = arith.constant 0 : i32
      %dma_start3A_129 = tpu.memref_slice %arg3[%add3A, %dma_start3A_127, %dma_start3A_128] : memref<32x125x80xi32, #tpu.memory_space<hbm>> -> memref<1x125x80xi32, #tpu.memory_space<hbm>>
      %dma_start3A_130 = tpu.memref_squeeze %dma_start3A_129 : memref<1x125x80xi32, #tpu.memory_space<hbm>> -> memref<125x80xi32, #tpu.memory_space<hbm>>
      %dma_start3A_131 = arith.constant 0 : i32
      %dma_start3A_132 = arith.constant 0 : i32
      %dma_start3A_133 = tpu.memref_slice %arg3[%add3A, %dma_start3A_131, %dma_start3A_132] : memref<32x125x80xi32, #tpu.memory_space<hbm>> -> memref<1x125x80xi32, #tpu.memory_space<hbm>>
      %dma_start3A_134 = tpu.memref_squeeze %dma_start3A_133 : memref<1x125x80xi32, #tpu.memory_space<hbm>> -> memref<125x80xi32, #tpu.memory_space<hbm>>
      tpu.enqueue_dma source(%dma_start3A_134 : memref<125x80xi32, #tpu.memory_space<hbm>>) target(%arg10 : memref<125x80xi32, #tpu.memory_space<vmem>>) target_semaphore(%run_scoped3A : memref<!tpu.dma_semaphore, #tpu.memory_space<semaphore_mem>>)
      %dma_wait3A_135 = arith.constant 0 : i32
      %dma_wait3A_136 = arith.constant 0 : i32
      %dma_wait3A_137 = tpu.memref_slice %arg3[%add3A, %dma_wait3A_135, %dma_wait3A_136] : memref<32x125x80xi32, #tpu.memory_space<hbm>> -> memref<1x125x80xi32, #tpu.memory_space<hbm>>
      %dma_wait3A_138 = tpu.memref_squeeze %dma_wait3A_137 : memref<1x125x80xi32, #tpu.memory_space<hbm>> -> memref<125x80xi32, #tpu.memory_space<hbm>>
      %dma_wait3A_139 = arith.constant 0 : i32
      %dma_wait3A_140 = arith.constant 0 : i32
      %dma_wait3A_141 = tpu.memref_slice %arg3[%add3A, %dma_wait3A_139, %dma_wait3A_140] : memref<32x125x80xi32, #tpu.memory_space<hbm>> -> memref<1x125x80xi32, #tpu.memory_space<hbm>>
      %dma_wait3A_142 = tpu.memref_squeeze %dma_wait3A_141 : memref<1x125x80xi32, #tpu.memory_space<hbm>> -> memref<125x80xi32, #tpu.memory_space<hbm>>
      tpu.wait_dma2 semaphore(%run_scoped3A : memref<!tpu.dma_semaphore, #tpu.memory_space<semaphore_mem>>) src(%dma_wait3A_142 : memref<125x80xi32, #tpu.memory_space<hbm>>) dst(%arg10 : memref<125x80xi32, #tpu.memory_space<vmem>>)
      tpu.yield
    }) : () -> ()
    "tpu.region"() ({
      %run_scoped3A = tpu.sem_alloc : memref<!tpu.dma_semaphore, #tpu.memory_space<semaphore_mem>>
      tpu.enqueue_dma source(%arg4 : memref<10000xf32, #tpu.memory_space<hbm>>) target(%arg11 : memref<10000xf32, #tpu.memory_space<vmem>>) target_semaphore(%run_scoped3A : memref<!tpu.dma_semaphore, #tpu.memory_space<semaphore_mem>>)
      tpu.wait_dma2 semaphore(%run_scoped3A : memref<!tpu.dma_semaphore, #tpu.memory_space<semaphore_mem>>) src(%arg4 : memref<10000xf32, #tpu.memory_space<hbm>>) dst(%arg11 : memref<10000xf32, #tpu.memory_space<vmem>>)
      tpu.yield
    }) : () -> ()
    "tpu.region"() ({
      %run_scoped3A = tpu.sem_alloc : memref<!tpu.dma_semaphore, #tpu.memory_space<semaphore_mem>>
      tpu.enqueue_dma source(%arg5 : memref<10000xf32, #tpu.memory_space<hbm>>) target(%arg12 : memref<10000xf32, #tpu.memory_space<vmem>>) target_semaphore(%run_scoped3A : memref<!tpu.dma_semaphore, #tpu.memory_space<semaphore_mem>>)
      tpu.wait_dma2 semaphore(%run_scoped3A : memref<!tpu.dma_semaphore, #tpu.memory_space<semaphore_mem>>) src(%arg5 : memref<10000xf32, #tpu.memory_space<hbm>>) dst(%arg12 : memref<10000xf32, #tpu.memory_space<vmem>>)
      tpu.yield
    }) : () -> ()
    "tpu.region"() ({
      %run_scoped3A = tpu.sem_alloc : memref<!tpu.dma_semaphore, #tpu.memory_space<semaphore_mem>>
      tpu.enqueue_dma source(%arg6 : memref<5x125xi32, #tpu.memory_space<hbm>>) target(%arg15 : memref<5x125xi32, #tpu.memory_space<vmem>>) target_semaphore(%run_scoped3A : memref<!tpu.dma_semaphore, #tpu.memory_space<semaphore_mem>>)
      tpu.wait_dma2 semaphore(%run_scoped3A : memref<!tpu.dma_semaphore, #tpu.memory_space<semaphore_mem>>) src(%arg6 : memref<5x125xi32, #tpu.memory_space<hbm>>) dst(%arg15 : memref<5x125xi32, #tpu.memory_space<vmem>>)
      tpu.yield
    }) : () -> ()
    %broadcast_in_dim3A = arith.constant 0.000000e+00 : f32
    %broadcast_in_dim3A_1 = vector.broadcast %broadcast_in_dim3A : f32 to vector<16xf32>
    %scan3A = arith.constant 0 : i32
    %scan3A_2 = arith.constant 625 : i32
    %scan3A_3 = arith.addi %scan3A, %scan3A_2 : i32
    %scan3A_4 = arith.constant 1 : i32
    scf.for %scan3A_127 = %scan3A to %scan3A_3 step %scan3A_4  : i32 {
      %mul3A_128 = arith.constant 1 : i32
      %mul3A_129 = arith.muli %scan3A_127, %mul3A_128 : i32
      %add3A_130 = arith.constant 0 : i32
      %add3A_131 = arith.addi %add3A_130, %mul3A_129 : i32
      %swap3A = arith.index_cast %add3A_131 : i32 to index
      %swap3A_132 = arith.constant 0 : index
      %swap3A_133 = tpu.vector_load %arg14[%swap3A, %swap3A_132] {strides = array<i32>} : memref<625x16xf32, #tpu.memory_space<vmem>>, vector<16xf32>,
      tpu.vector_store %arg14[%swap3A, %swap3A_132], %broadcast_in_dim3A_1 {strides = array<i32>} : memref<625x16xf32, #tpu.memory_space<vmem>>, vector<16xf32>,
    }
    %scan3A_5 = arith.constant 625 : i32
    %eq3A = arith.constant 0 : i32
    %eq3A_6 = arith.cmpi eq, %arg1, %eq3A : i32
    %convert_element_type3A = arith.extui %eq3A_6 : i1 to i32
    %cond3A = arith.constant 0 : i32
    %cond3A_7 = arith.cmpi ne, %convert_element_type3A, %cond3A : i32
    scf.if %cond3A_7 {
      "tpu.region"() ({
        %run_scoped3A = tpu.sem_alloc : memref<!tpu.dma_semaphore, #tpu.memory_space<semaphore_mem>>
        tpu.enqueue_dma source(%arg14 : memref<625x16xf32, #tpu.memory_space<vmem>>) target(%arg16 : memref<625x16xf32, #tpu.memory_space<vmem_shared>>) target_semaphore(%run_scoped3A : memref<!tpu.dma_semaphore, #tpu.memory_space<semaphore_mem>>)
        tpu.wait_dma2 semaphore(%run_scoped3A : memref<!tpu.dma_semaphore, #tpu.memory_space<semaphore_mem>>) src(%arg14 : memref<625x16xf32, #tpu.memory_space<vmem>>) dst(%arg16 : memref<625x16xf32, #tpu.memory_space<vmem_shared>>)
        tpu.yield
      }) : () -> ()
    } else {
    }
    %barrier3A = arith.constant 0 : index
    tpu.barrier barrier_id(%barrier3A)
    %get3A = arith.constant 0 : index
    %get3A_8 = tpu.vector_load %arg11[%get3A] {strides = array<i32>} : memref<10000xf32, #tpu.memory_space<vmem>>, vector<16xf32>,
    %scan3A_9 = arith.constant 1 : i32
    %scan3A_10 = arith.constant 624 : i32
    %scan3A_11 = arith.addi %scan3A_9, %scan3A_10 : i32
    %scan3A_12 = arith.constant 1 : i32
    %scan3A_13 = scf.for %scan3A_127 = %scan3A_9 to %scan3A_11 step %scan3A_12 iter_args(%scan3A_128 = %get3A_8) -> (vector<16xf32>)  : i32 {
      %mul3A_129 = arith.constant 16 : i32
      %mul3A_130 = arith.muli %scan3A_127, %mul3A_129 : i32
      %get3A_131 = arith.index_cast %mul3A_130 : i32 to index
      %get3A_132 = tpu.vector_load %arg11[%get3A_131] {strides = array<i32>} : memref<10000xf32, #tpu.memory_space<vmem>>, vector<16xf32>,
      %max3A = arith.maximumf %scan3A_128, %get3A_132 : vector<16xf32>
      scf.yield %max3A : vector<16xf32>
    }
    %scan3A_14 = arith.constant 624 : i32
    %reduce_max3A = arith.constant true
    %reduce_max3A_15 = vector.broadcast %reduce_max3A : i1 to vector<16xi1>
    %reduce_max3A_16 = tpu.scan <max>, %scan3A_13 masked %reduce_max3A_15 : vector<16xf32>, vector<16xi1> -> vector<16xf32>
    %reduce_max3A_17 = vector.extract %reduce_max3A_16[15] : f32 from vector<16xf32>
    %scan3A_18 = arith.constant 0 : i32
    %scan3A_19 = arith.constant 125 : i32
    %scan3A_20 = arith.addi %scan3A_18, %scan3A_19 : i32
    %scan3A_21 = arith.constant 1 : i32
    scf.for %scan3A_127 = %scan3A_18 to %scan3A_20 step %scan3A_21  : i32 {
      %mul3A_128 = arith.constant 1 : i32
      %mul3A_129 = arith.muli %scan3A_127, %mul3A_128 : i32
      %add3A_130 = arith.constant 0 : i32
      %add3A_131 = arith.addi %add3A_130, %mul3A_129 : i32
      %get3A_132 = arith.index_cast %add3A_131 : i32 to index
      %get3A_133 = arith.constant 0 : index
      %get3A_134 = tpu.vector_load %arg9[%get3A_132, %get3A_133] {strides = array<i32>} : memref<125x80xi32, #tpu.memory_space<vmem>>, vector<16xi32>,
      %get3A_135 = arith.index_cast %add3A_131 : i32 to index
      %get3A_136 = arith.constant 0 : index
      %get3A_137 = tpu.vector_load %arg10[%get3A_135, %get3A_136] {strides = array<i32>} : memref<125x80xi32, #tpu.memory_space<vmem>>, vector<16xi32>,
      %gather3A = tpu.vector_load_idx %arg11[%get3A_134] : memref<10000xf32, #tpu.memory_space<vmem>>[vector<16xi32>], vector<16xf32>,
      %gather3A_138 = tpu.vector_load_idx %arg12[%get3A_137] : memref<10000xf32, #tpu.memory_space<vmem>>[vector<16xi32>], vector<16xf32>,
      %add3A_139 = arith.addf %gather3A, %gather3A_138 : vector<16xf32>
      %ge3A = arith.constant 0.000000e+00 : f32
      %ge3A_140 = vector.broadcast %ge3A : f32 to vector<16xf32>
      %ge3A_141 = arith.cmpf oge, %add3A_139, %ge3A_140 : vector<16xf32>
      %mul3A_142 = arith.constant 2.000000e-01 : f32
      %mul3A_143 = vector.broadcast %mul3A_142 : f32 to vector<16xf32>
      %mul3A_144 = arith.mulf %mul3A_143, %add3A_139 : vector<16xf32>
      %select_n3A = arith.select %ge3A_141, %add3A_139, %mul3A_144 : vector<16xi1>, vector<16xf32>
      %add3A_145 = vector.broadcast %reduce_max3A_17 : f32 to vector<16xf32>
      %add3A_146 = arith.addf %add3A_145, %gather3A_138 : vector<16xf32>
      %ge3A_147 = arith.constant 0.000000e+00 : f32
      %ge3A_148 = vector.broadcast %ge3A_147 : f32 to vector<16xf32>
      %ge3A_149 = arith.cmpf oge, %add3A_146, %ge3A_148 : vector<16xf32>
      %mul3A_150 = arith.constant 2.000000e-01 : f32
      %mul3A_151 = vector.broadcast %mul3A_150 : f32 to vector<16xf32>
      %mul3A_152 = arith.mulf %mul3A_151, %add3A_146 : vector<16xf32>
      %select_n3A_153 = arith.select %ge3A_149, %add3A_146, %mul3A_152 : vector<16xi1>, vector<16xf32>
      %sub3A = arith.subf %select_n3A, %select_n3A_153 : vector<16xf32>
      %exp3A = math.exp %sub3A : vector<16xf32>
      %swap3A = arith.index_cast %add3A_131 : i32 to index
      %swap3A_154 = arith.constant 0 : index
      %swap3A_155 = tpu.vector_load %arg13[%swap3A, %swap3A_154] {strides = array<i32>} : memref<125x80xf32, #tpu.memory_space<vmem>>, vector<16xf32>,
      tpu.vector_store %arg13[%swap3A, %swap3A_154], %exp3A {strides = array<i32>} : memref<125x80xf32, #tpu.memory_space<vmem>>, vector<16xf32>,
      %shift_right_arithmetic3A = arith.constant 4 : i32
      %shift_right_arithmetic3A_156 = vector.broadcast %shift_right_arithmetic3A : i32 to vector<16xi32>
      %shift_right_arithmetic3A_157 = arith.shrsi %get3A_137, %shift_right_arithmetic3A_156 : vector<16xi32>
      %and3A = arith.constant 15 : i32
      %and3A_158 = vector.broadcast %and3A : i32 to vector<16xi32>
      %and3A_159 = arith.andi %get3A_137, %and3A_158 : vector<16xi32>
      tpu.vector_store_idx %arg14[%shift_right_arithmetic3A_157, %and3A_159], %exp3A {add = true} : memref<625x16xf32, #tpu.memory_space<vmem>>[vector<16xi32>, vector<16xi32>], vector<16xf32>,
      %get3A_160 = arith.index_cast %add3A_131 : i32 to index
      %get3A_161 = arith.constant 16 : index
      %get3A_162 = tpu.vector_load %arg9[%get3A_160, %get3A_161] {strides = array<i32>} : memref<125x80xi32, #tpu.memory_space<vmem>>, vector<16xi32>,
      %get3A_163 = arith.index_cast %add3A_131 : i32 to index
      %get3A_164 = arith.constant 16 : index
      %get3A_165 = tpu.vector_load %arg10[%get3A_163, %get3A_164] {strides = array<i32>} : memref<125x80xi32, #tpu.memory_space<vmem>>, vector<16xi32>,
      %gather3A_166 = tpu.vector_load_idx %arg11[%get3A_162] : memref<10000xf32, #tpu.memory_space<vmem>>[vector<16xi32>], vector<16xf32>,
      %gather3A_167 = tpu.vector_load_idx %arg12[%get3A_165] : memref<10000xf32, #tpu.memory_space<vmem>>[vector<16xi32>], vector<16xf32>,
      %add3A_168 = arith.addf %gather3A_166, %gather3A_167 : vector<16xf32>
      %ge3A_169 = arith.constant 0.000000e+00 : f32
      %ge3A_170 = vector.broadcast %ge3A_169 : f32 to vector<16xf32>
      %ge3A_171 = arith.cmpf oge, %add3A_168, %ge3A_170 : vector<16xf32>
      %mul3A_172 = arith.constant 2.000000e-01 : f32
      %mul3A_173 = vector.broadcast %mul3A_172 : f32 to vector<16xf32>
      %mul3A_174 = arith.mulf %mul3A_173, %add3A_168 : vector<16xf32>
      %select_n3A_175 = arith.select %ge3A_171, %add3A_168, %mul3A_174 : vector<16xi1>, vector<16xf32>
      %add3A_176 = vector.broadcast %reduce_max3A_17 : f32 to vector<16xf32>
      %add3A_177 = arith.addf %add3A_176, %gather3A_167 : vector<16xf32>
      %ge3A_178 = arith.constant 0.000000e+00 : f32
      %ge3A_179 = vector.broadcast %ge3A_178 : f32 to vector<16xf32>
      %ge3A_180 = arith.cmpf oge, %add3A_177, %ge3A_179 : vector<16xf32>
      %mul3A_181 = arith.constant 2.000000e-01 : f32
      %mul3A_182 = vector.broadcast %mul3A_181 : f32 to vector<16xf32>
      %mul3A_183 = arith.mulf %mul3A_182, %add3A_177 : vector<16xf32>
      %select_n3A_184 = arith.select %ge3A_180, %add3A_177, %mul3A_183 : vector<16xi1>, vector<16xf32>
      %sub3A_185 = arith.subf %select_n3A_175, %select_n3A_184 : vector<16xf32>
      %exp3A_186 = math.exp %sub3A_185 : vector<16xf32>
      %swap3A_187 = arith.index_cast %add3A_131 : i32 to index
      %swap3A_188 = arith.constant 16 : index
      %swap3A_189 = tpu.vector_load %arg13[%swap3A_187, %swap3A_188] {strides = array<i32>} : memref<125x80xf32, #tpu.memory_space<vmem>>, vector<16xf32>,
      tpu.vector_store %arg13[%swap3A_187, %swap3A_188], %exp3A_186 {strides = array<i32>} : memref<125x80xf32, #tpu.memory_space<vmem>>, vector<16xf32>,
      %shift_right_arithmetic3A_190 = arith.constant 4 : i32
      %shift_right_arithmetic3A_191 = vector.broadcast %shift_right_arithmetic3A_190 : i32 to vector<16xi32>
      %shift_right_arithmetic3A_192 = arith.shrsi %get3A_165, %shift_right_arithmetic3A_191 : vector<16xi32>
      %and3A_193 = arith.constant 15 : i32
      %and3A_194 = vector.broadcast %and3A_193 : i32 to vector<16xi32>
      %and3A_195 = arith.andi %get3A_165, %and3A_194 : vector<16xi32>
      tpu.vector_store_idx %arg14[%shift_right_arithmetic3A_192, %and3A_195], %exp3A_186 {add = true} : memref<625x16xf32, #tpu.memory_space<vmem>>[vector<16xi32>, vector<16xi32>], vector<16xf32>,
      %get3A_196 = arith.index_cast %add3A_131 : i32 to index
      %get3A_197 = arith.constant 32 : index
      %get3A_198 = tpu.vector_load %arg9[%get3A_196, %get3A_197] {strides = array<i32>} : memref<125x80xi32, #tpu.memory_space<vmem>>, vector<16xi32>,
      %get3A_199 = arith.index_cast %add3A_131 : i32 to index
      %get3A_200 = arith.constant 32 : index
      %get3A_201 = tpu.vector_load %arg10[%get3A_199, %get3A_200] {strides = array<i32>} : memref<125x80xi32, #tpu.memory_space<vmem>>, vector<16xi32>,
      %gather3A_202 = tpu.vector_load_idx %arg11[%get3A_198] : memref<10000xf32, #tpu.memory_space<vmem>>[vector<16xi32>], vector<16xf32>,
      %gather3A_203 = tpu.vector_load_idx %arg12[%get3A_201] : memref<10000xf32, #tpu.memory_space<vmem>>[vector<16xi32>], vector<16xf32>,
      %add3A_204 = arith.addf %gather3A_202, %gather3A_203 : vector<16xf32>
      %ge3A_205 = arith.constant 0.000000e+00 : f32
      %ge3A_206 = vector.broadcast %ge3A_205 : f32 to vector<16xf32>
      %ge3A_207 = arith.cmpf oge, %add3A_204, %ge3A_206 : vector<16xf32>
      %mul3A_208 = arith.constant 2.000000e-01 : f32
      %mul3A_209 = vector.broadcast %mul3A_208 : f32 to vector<16xf32>
      %mul3A_210 = arith.mulf %mul3A_209, %add3A_204 : vector<16xf32>
      %select_n3A_211 = arith.select %ge3A_207, %add3A_204, %mul3A_210 : vector<16xi1>, vector<16xf32>
      %add3A_212 = vector.broadcast %reduce_max3A_17 : f32 to vector<16xf32>
      %add3A_213 = arith.addf %add3A_212, %gather3A_203 : vector<16xf32>
      %ge3A_214 = arith.constant 0.000000e+00 : f32
      %ge3A_215 = vector.broadcast %ge3A_214 : f32 to vector<16xf32>
      %ge3A_216 = arith.cmpf oge, %add3A_213, %ge3A_215 : vector<16xf32>
      %mul3A_217 = arith.constant 2.000000e-01 : f32
      %mul3A_218 = vector.broadcast %mul3A_217 : f32 to vector<16xf32>
      %mul3A_219 = arith.mulf %mul3A_218, %add3A_213 : vector<16xf32>
      %select_n3A_220 = arith.select %ge3A_216, %add3A_213, %mul3A_219 : vector<16xi1>, vector<16xf32>
      %sub3A_221 = arith.subf %select_n3A_211, %select_n3A_220 : vector<16xf32>
      %exp3A_222 = math.exp %sub3A_221 : vector<16xf32>
      %swap3A_223 = arith.index_cast %add3A_131 : i32 to index
      %swap3A_224 = arith.constant 32 : index
      %swap3A_225 = tpu.vector_load %arg13[%swap3A_223, %swap3A_224] {strides = array<i32>} : memref<125x80xf32, #tpu.memory_space<vmem>>, vector<16xf32>,
      tpu.vector_store %arg13[%swap3A_223, %swap3A_224], %exp3A_222 {strides = array<i32>} : memref<125x80xf32, #tpu.memory_space<vmem>>, vector<16xf32>,
      %shift_right_arithmetic3A_226 = arith.constant 4 : i32
      %shift_right_arithmetic3A_227 = vector.broadcast %shift_right_arithmetic3A_226 : i32 to vector<16xi32>
      %shift_right_arithmetic3A_228 = arith.shrsi %get3A_201, %shift_right_arithmetic3A_227 : vector<16xi32>
      %and3A_229 = arith.constant 15 : i32
      %and3A_230 = vector.broadcast %and3A_229 : i32 to vector<16xi32>
      %and3A_231 = arith.andi %get3A_201, %and3A_230 : vector<16xi32>
      tpu.vector_store_idx %arg14[%shift_right_arithmetic3A_228, %and3A_231], %exp3A_222 {add = true} : memref<625x16xf32, #tpu.memory_space<vmem>>[vector<16xi32>, vector<16xi32>], vector<16xf32>,
      %get3A_232 = arith.index_cast %add3A_131 : i32 to index
      %get3A_233 = arith.constant 48 : index
      %get3A_234 = tpu.vector_load %arg9[%get3A_232, %get3A_233] {strides = array<i32>} : memref<125x80xi32, #tpu.memory_space<vmem>>, vector<16xi32>,
      %get3A_235 = arith.index_cast %add3A_131 : i32 to index
      %get3A_236 = arith.constant 48 : index
      %get3A_237 = tpu.vector_load %arg10[%get3A_235, %get3A_236] {strides = array<i32>} : memref<125x80xi32, #tpu.memory_space<vmem>>, vector<16xi32>,
      %gather3A_238 = tpu.vector_load_idx %arg11[%get3A_234] : memref<10000xf32, #tpu.memory_space<vmem>>[vector<16xi32>], vector<16xf32>,
      %gather3A_239 = tpu.vector_load_idx %arg12[%get3A_237] : memref<10000xf32, #tpu.memory_space<vmem>>[vector<16xi32>], vector<16xf32>,
      %add3A_240 = arith.addf %gather3A_238, %gather3A_239 : vector<16xf32>
      %ge3A_241 = arith.constant 0.000000e+00 : f32
      %ge3A_242 = vector.broadcast %ge3A_241 : f32 to vector<16xf32>
      %ge3A_243 = arith.cmpf oge, %add3A_240, %ge3A_242 : vector<16xf32>
      %mul3A_244 = arith.constant 2.000000e-01 : f32
      %mul3A_245 = vector.broadcast %mul3A_244 : f32 to vector<16xf32>
      %mul3A_246 = arith.mulf %mul3A_245, %add3A_240 : vector<16xf32>
      %select_n3A_247 = arith.select %ge3A_243, %add3A_240, %mul3A_246 : vector<16xi1>, vector<16xf32>
      %add3A_248 = vector.broadcast %reduce_max3A_17 : f32 to vector<16xf32>
      %add3A_249 = arith.addf %add3A_248, %gather3A_239 : vector<16xf32>
      %ge3A_250 = arith.constant 0.000000e+00 : f32
      %ge3A_251 = vector.broadcast %ge3A_250 : f32 to vector<16xf32>
      %ge3A_252 = arith.cmpf oge, %add3A_249, %ge3A_251 : vector<16xf32>
      %mul3A_253 = arith.constant 2.000000e-01 : f32
      %mul3A_254 = vector.broadcast %mul3A_253 : f32 to vector<16xf32>
      %mul3A_255 = arith.mulf %mul3A_254, %add3A_249 : vector<16xf32>
      %select_n3A_256 = arith.select %ge3A_252, %add3A_249, %mul3A_255 : vector<16xi1>, vector<16xf32>
      %sub3A_257 = arith.subf %select_n3A_247, %select_n3A_256 : vector<16xf32>
      %exp3A_258 = math.exp %sub3A_257 : vector<16xf32>
      %swap3A_259 = arith.index_cast %add3A_131 : i32 to index
      %swap3A_260 = arith.constant 48 : index
      %swap3A_261 = tpu.vector_load %arg13[%swap3A_259, %swap3A_260] {strides = array<i32>} : memref<125x80xf32, #tpu.memory_space<vmem>>, vector<16xf32>,
      tpu.vector_store %arg13[%swap3A_259, %swap3A_260], %exp3A_258 {strides = array<i32>} : memref<125x80xf32, #tpu.memory_space<vmem>>, vector<16xf32>,
      %shift_right_arithmetic3A_262 = arith.constant 4 : i32
      %shift_right_arithmetic3A_263 = vector.broadcast %shift_right_arithmetic3A_262 : i32 to vector<16xi32>
      %shift_right_arithmetic3A_264 = arith.shrsi %get3A_237, %shift_right_arithmetic3A_263 : vector<16xi32>
      %and3A_265 = arith.constant 15 : i32
      %and3A_266 = vector.broadcast %and3A_265 : i32 to vector<16xi32>
      %and3A_267 = arith.andi %get3A_237, %and3A_266 : vector<16xi32>
      tpu.vector_store_idx %arg14[%shift_right_arithmetic3A_264, %and3A_267], %exp3A_258 {add = true} : memref<625x16xf32, #tpu.memory_space<vmem>>[vector<16xi32>, vector<16xi32>], vector<16xf32>,
      %get3A_268 = arith.index_cast %add3A_131 : i32 to index
      %get3A_269 = arith.constant 64 : index
      %get3A_270 = tpu.vector_load %arg9[%get3A_268, %get3A_269] {strides = array<i32>} : memref<125x80xi32, #tpu.memory_space<vmem>>, vector<16xi32>,
      %get3A_271 = arith.index_cast %add3A_131 : i32 to index
      %get3A_272 = arith.constant 64 : index
      %get3A_273 = tpu.vector_load %arg10[%get3A_271, %get3A_272] {strides = array<i32>} : memref<125x80xi32, #tpu.memory_space<vmem>>, vector<16xi32>,
      %gather3A_274 = tpu.vector_load_idx %arg11[%get3A_270] : memref<10000xf32, #tpu.memory_space<vmem>>[vector<16xi32>], vector<16xf32>,
      %gather3A_275 = tpu.vector_load_idx %arg12[%get3A_273] : memref<10000xf32, #tpu.memory_space<vmem>>[vector<16xi32>], vector<16xf32>,
      %add3A_276 = arith.addf %gather3A_274, %gather3A_275 : vector<16xf32>
      %ge3A_277 = arith.constant 0.000000e+00 : f32
      %ge3A_278 = vector.broadcast %ge3A_277 : f32 to vector<16xf32>
      %ge3A_279 = arith.cmpf oge, %add3A_276, %ge3A_278 : vector<16xf32>
      %mul3A_280 = arith.constant 2.000000e-01 : f32
      %mul3A_281 = vector.broadcast %mul3A_280 : f32 to vector<16xf32>
      %mul3A_282 = arith.mulf %mul3A_281, %add3A_276 : vector<16xf32>
      %select_n3A_283 = arith.select %ge3A_279, %add3A_276, %mul3A_282 : vector<16xi1>, vector<16xf32>
      %add3A_284 = vector.broadcast %reduce_max3A_17 : f32 to vector<16xf32>
      %add3A_285 = arith.addf %add3A_284, %gather3A_275 : vector<16xf32>
      %ge3A_286 = arith.constant 0.000000e+00 : f32
      %ge3A_287 = vector.broadcast %ge3A_286 : f32 to vector<16xf32>
      %ge3A_288 = arith.cmpf oge, %add3A_285, %ge3A_287 : vector<16xf32>
      %mul3A_289 = arith.constant 2.000000e-01 : f32
      %mul3A_290 = vector.broadcast %mul3A_289 : f32 to vector<16xf32>
      %mul3A_291 = arith.mulf %mul3A_290, %add3A_285 : vector<16xf32>
      %select_n3A_292 = arith.select %ge3A_288, %add3A_285, %mul3A_291 : vector<16xi1>, vector<16xf32>
      %sub3A_293 = arith.subf %select_n3A_283, %select_n3A_292 : vector<16xf32>
      %exp3A_294 = math.exp %sub3A_293 : vector<16xf32>
      %swap3A_295 = arith.index_cast %add3A_131 : i32 to index
      %swap3A_296 = arith.constant 64 : index
      %swap3A_297 = tpu.vector_load %arg13[%swap3A_295, %swap3A_296] {strides = array<i32>} : memref<125x80xf32, #tpu.memory_space<vmem>>, vector<16xf32>,
      tpu.vector_store %arg13[%swap3A_295, %swap3A_296], %exp3A_294 {strides = array<i32>} : memref<125x80xf32, #tpu.memory_space<vmem>>, vector<16xf32>,
      %shift_right_arithmetic3A_298 = arith.constant 4 : i32
      %shift_right_arithmetic3A_299 = vector.broadcast %shift_right_arithmetic3A_298 : i32 to vector<16xi32>
      %shift_right_arithmetic3A_300 = arith.shrsi %get3A_273, %shift_right_arithmetic3A_299 : vector<16xi32>
      %and3A_301 = arith.constant 15 : i32
      %and3A_302 = vector.broadcast %and3A_301 : i32 to vector<16xi32>
      %and3A_303 = arith.andi %get3A_273, %and3A_302 : vector<16xi32>
      tpu.vector_store_idx %arg14[%shift_right_arithmetic3A_300, %and3A_303], %exp3A_294 {add = true} : memref<625x16xf32, #tpu.memory_space<vmem>>[vector<16xi32>, vector<16xi32>], vector<16xf32>,
    }
    %scan3A_22 = arith.constant 125 : i32
    "tpu.region"() ({
      %run_scoped3A = tpu.sem_alloc : memref<!tpu.dma_semaphore, #tpu.memory_space<semaphore_mem>>
      %dma_start3A_127 = arith.constant 0 : i32
      %dma_start3A_128 = arith.constant 0 : i32
      %dma_start3A_129 = tpu.memref_slice %arg7[%add3A, %dma_start3A_127, %dma_start3A_128] : memref<32x125x80xf32, #tpu.memory_space<hbm>> -> memref<1x125x80xf32, #tpu.memory_space<hbm>>
      %dma_start3A_130 = tpu.memref_squeeze %dma_start3A_129 : memref<1x125x80xf32, #tpu.memory_space<hbm>> -> memref<125x80xf32, #tpu.memory_space<hbm>>
      %dma_start3A_131 = arith.constant 0 : i32
      %dma_start3A_132 = arith.constant 0 : i32
      %dma_start3A_133 = tpu.memref_slice %arg7[%add3A, %dma_start3A_131, %dma_start3A_132] : memref<32x125x80xf32, #tpu.memory_space<hbm>> -> memref<1x125x80xf32, #tpu.memory_space<hbm>>
      %dma_start3A_134 = tpu.memref_squeeze %dma_start3A_133 : memref<1x125x80xf32, #tpu.memory_space<hbm>> -> memref<125x80xf32, #tpu.memory_space<hbm>>
      tpu.enqueue_dma source(%arg13 : memref<125x80xf32, #tpu.memory_space<vmem>>) target(%dma_start3A_134 : memref<125x80xf32, #tpu.memory_space<hbm>>) target_semaphore(%run_scoped3A : memref<!tpu.dma_semaphore, #tpu.memory_space<semaphore_mem>>)
      %dma_wait3A_135 = arith.constant 0 : i32
      %dma_wait3A_136 = arith.constant 0 : i32
      %dma_wait3A_137 = tpu.memref_slice %arg7[%add3A, %dma_wait3A_135, %dma_wait3A_136] : memref<32x125x80xf32, #tpu.memory_space<hbm>> -> memref<1x125x80xf32, #tpu.memory_space<hbm>>
      %dma_wait3A_138 = tpu.memref_squeeze %dma_wait3A_137 : memref<1x125x80xf32, #tpu.memory_space<hbm>> -> memref<125x80xf32, #tpu.memory_space<hbm>>
      %dma_wait3A_139 = arith.constant 0 : i32
      %dma_wait3A_140 = arith.constant 0 : i32
      %dma_wait3A_141 = tpu.memref_slice %arg7[%add3A, %dma_wait3A_139, %dma_wait3A_140] : memref<32x125x80xf32, #tpu.memory_space<hbm>> -> memref<1x125x80xf32, #tpu.memory_space<hbm>>
      %dma_wait3A_142 = tpu.memref_squeeze %dma_wait3A_141 : memref<1x125x80xf32, #tpu.memory_space<hbm>> -> memref<125x80xf32, #tpu.memory_space<hbm>>
      tpu.wait_dma2 semaphore(%run_scoped3A : memref<!tpu.dma_semaphore, #tpu.memory_space<semaphore_mem>>) src(%arg13 : memref<125x80xf32, #tpu.memory_space<vmem>>) dst(%dma_wait3A_142 : memref<125x80xf32, #tpu.memory_space<hbm>>)
      tpu.yield
    }) : () -> ()
    %dma_start3A = arith.constant 0 : i32
    %dma_start3A_23 = arith.constant 0 : i32
    %dma_start3A_24 = arith.constant 0 : i32
    %dma_start3A_25 = tpu.memref_slice %arg14[%dma_start3A_23, %dma_start3A_24] : memref<625x16xf32, #tpu.memory_space<vmem>> -> memref<125x16xf32, #tpu.memory_space<vmem>>
    %dma_start3A_26 = arith.constant 0 : i32
    %dma_start3A_27 = tpu.memref_slice %arg15[%dma_start3A, %dma_start3A_26] : memref<5x125xi32, #tpu.memory_space<vmem>> -> memref<1x125xi32, #tpu.memory_space<vmem>>
    %dma_start3A_28 = tpu.memref_squeeze %dma_start3A_27 : memref<1x125xi32, #tpu.memory_space<vmem>> -> memref<125xi32, #tpu.memory_space<vmem>>
    %dma_start3A_29 = arith.constant 0 : i32
    %dma_start3A_30 = arith.constant 0 : i32
    %dma_start3A_31 = tpu.memref_slice %arg16[%dma_start3A_29, %dma_start3A_30] : memref<625x16xf32, #tpu.memory_space<vmem_shared>> -> memref<625x16xf32, #tpu.memory_space<vmem_shared>>
    tpu.enqueue_indirect_dma source(%dma_start3A_25 : memref<125x16xf32, #tpu.memory_space<vmem>>) target(%dma_start3A_31 : memref<625x16xf32, #tpu.memory_space<vmem_shared>>) offsets(%dma_start3A_28 : memref<125xi32, #tpu.memory_space<vmem>>) semaphore(%arg17 : memref<!tpu.dma_semaphore, #tpu.memory_space<semaphore_mem>>) {add = true}
    %dma_wait3A = arith.constant 0 : i32
    %dma_wait3A_32 = arith.constant 0 : i32
    %dma_wait3A_33 = arith.constant 0 : i32
    %dma_wait3A_34 = tpu.memref_slice %arg14[%dma_wait3A_32, %dma_wait3A_33] : memref<625x16xf32, #tpu.memory_space<vmem>> -> memref<125x16xf32, #tpu.memory_space<vmem>>
    %dma_wait3A_35 = arith.constant 0 : i32
    %dma_wait3A_36 = tpu.memref_slice %arg15[%dma_wait3A, %dma_wait3A_35] : memref<5x125xi32, #tpu.memory_space<vmem>> -> memref<1x125xi32, #tpu.memory_space<vmem>>
    %dma_wait3A_37 = tpu.memref_squeeze %dma_wait3A_36 : memref<1x125xi32, #tpu.memory_space<vmem>> -> memref<125xi32, #tpu.memory_space<vmem>>
    %dma_wait3A_38 = arith.constant 0 : i32
    %dma_wait3A_39 = arith.constant 0 : i32
    %dma_wait3A_40 = tpu.memref_slice %arg16[%dma_wait3A_38, %dma_wait3A_39] : memref<625x16xf32, #tpu.memory_space<vmem_shared>> -> memref<625x16xf32, #tpu.memory_space<vmem_shared>>
    tpu.wait_indirect_dma semaphore(%arg17 : memref<!tpu.dma_semaphore, #tpu.memory_space<semaphore_mem>>) src(%dma_wait3A_34 : memref<125x16xf32, #tpu.memory_space<vmem>>) dst(%dma_wait3A_40 : memref<625x16xf32, #tpu.memory_space<vmem_shared>>)
    %dma_start3A_41 = arith.constant 1 : i32
    %dma_start3A_42 = arith.constant 125 : i32
    %dma_start3A_43 = arith.constant 0 : i32
    %dma_start3A_44 = tpu.memref_slice %arg14[%dma_start3A_42, %dma_start3A_43] : memref<625x16xf32, #tpu.memory_space<vmem>> -> memref<125x16xf32, #tpu.memory_space<vmem>>
    %dma_start3A_45 = arith.constant 0 : i32
    %dma_start3A_46 = tpu.memref_slice %arg15[%dma_start3A_41, %dma_start3A_45] : memref<5x125xi32, #tpu.memory_space<vmem>> -> memref<1x125xi32, #tpu.memory_space<vmem>>
    %dma_start3A_47 = tpu.memref_squeeze %dma_start3A_46 : memref<1x125xi32, #tpu.memory_space<vmem>> -> memref<125xi32, #tpu.memory_space<vmem>>
    %dma_start3A_48 = arith.constant 0 : i32
    %dma_start3A_49 = arith.constant 0 : i32
    %dma_start3A_50 = tpu.memref_slice %arg16[%dma_start3A_48, %dma_start3A_49] : memref<625x16xf32, #tpu.memory_space<vmem_shared>> -> memref<625x16xf32, #tpu.memory_space<vmem_shared>>
    tpu.enqueue_indirect_dma source(%dma_start3A_44 : memref<125x16xf32, #tpu.memory_space<vmem>>) target(%dma_start3A_50 : memref<625x16xf32, #tpu.memory_space<vmem_shared>>) offsets(%dma_start3A_47 : memref<125xi32, #tpu.memory_space<vmem>>) semaphore(%arg17 : memref<!tpu.dma_semaphore, #tpu.memory_space<semaphore_mem>>) {add = true}
    %dma_wait3A_51 = arith.constant 1 : i32
    %dma_wait3A_52 = arith.constant 125 : i32
    %dma_wait3A_53 = arith.constant 0 : i32
    %dma_wait3A_54 = tpu.memref_slice %arg14[%dma_wait3A_52, %dma_wait3A_53] : memref<625x16xf32, #tpu.memory_space<vmem>> -> memref<125x16xf32, #tpu.memory_space<vmem>>
    %dma_wait3A_55 = arith.constant 0 : i32
    %dma_wait3A_56 = tpu.memref_slice %arg15[%dma_wait3A_51, %dma_wait3A_55] : memref<5x125xi32, #tpu.memory_space<vmem>> -> memref<1x125xi32, #tpu.memory_space<vmem>>
    %dma_wait3A_57 = tpu.memref_squeeze %dma_wait3A_56 : memref<1x125xi32, #tpu.memory_space<vmem>> -> memref<125xi32, #tpu.memory_space<vmem>>
    %dma_wait3A_58 = arith.constant 0 : i32
    %dma_wait3A_59 = arith.constant 0 : i32
    %dma_wait3A_60 = tpu.memref_slice %arg16[%dma_wait3A_58, %dma_wait3A_59] : memref<625x16xf32, #tpu.memory_space<vmem_shared>> -> memref<625x16xf32, #tpu.memory_space<vmem_shared>>
    tpu.wait_indirect_dma semaphore(%arg17 : memref<!tpu.dma_semaphore, #tpu.memory_space<semaphore_mem>>) src(%dma_wait3A_54 : memref<125x16xf32, #tpu.memory_space<vmem>>) dst(%dma_wait3A_60 : memref<625x16xf32, #tpu.memory_space<vmem_shared>>)
    %dma_start3A_61 = arith.constant 2 : i32
    %dma_start3A_62 = arith.constant 250 : i32
    %dma_start3A_63 = arith.constant 0 : i32
    %dma_start3A_64 = tpu.memref_slice %arg14[%dma_start3A_62, %dma_start3A_63] : memref<625x16xf32, #tpu.memory_space<vmem>> -> memref<125x16xf32, #tpu.memory_space<vmem>>
    %dma_start3A_65 = arith.constant 0 : i32
    %dma_start3A_66 = tpu.memref_slice %arg15[%dma_start3A_61, %dma_start3A_65] : memref<5x125xi32, #tpu.memory_space<vmem>> -> memref<1x125xi32, #tpu.memory_space<vmem>>
    %dma_start3A_67 = tpu.memref_squeeze %dma_start3A_66 : memref<1x125xi32, #tpu.memory_space<vmem>> -> memref<125xi32, #tpu.memory_space<vmem>>
    %dma_start3A_68 = arith.constant 0 : i32
    %dma_start3A_69 = arith.constant 0 : i32
    %dma_start3A_70 = tpu.memref_slice %arg16[%dma_start3A_68, %dma_start3A_69] : memref<625x16xf32, #tpu.memory_space<vmem_shared>> -> memref<625x16xf32, #tpu.memory_space<vmem_shared>>
    tpu.enqueue_indirect_dma source(%dma_start3A_64 : memref<125x16xf32, #tpu.memory_space<vmem>>) target(%dma_start3A_70 : memref<625x16xf32, #tpu.memory_space<vmem_shared>>) offsets(%dma_start3A_67 : memref<125xi32, #tpu.memory_space<vmem>>) semaphore(%arg17 : memref<!tpu.dma_semaphore, #tpu.memory_space<semaphore_mem>>) {add = true}
    %dma_wait3A_71 = arith.constant 2 : i32
    %dma_wait3A_72 = arith.constant 250 : i32
    %dma_wait3A_73 = arith.constant 0 : i32
    %dma_wait3A_74 = tpu.memref_slice %arg14[%dma_wait3A_72, %dma_wait3A_73] : memref<625x16xf32, #tpu.memory_space<vmem>> -> memref<125x16xf32, #tpu.memory_space<vmem>>
    %dma_wait3A_75 = arith.constant 0 : i32
    %dma_wait3A_76 = tpu.memref_slice %arg15[%dma_wait3A_71, %dma_wait3A_75] : memref<5x125xi32, #tpu.memory_space<vmem>> -> memref<1x125xi32, #tpu.memory_space<vmem>>
    %dma_wait3A_77 = tpu.memref_squeeze %dma_wait3A_76 : memref<1x125xi32, #tpu.memory_space<vmem>> -> memref<125xi32, #tpu.memory_space<vmem>>
    %dma_wait3A_78 = arith.constant 0 : i32
    %dma_wait3A_79 = arith.constant 0 : i32
    %dma_wait3A_80 = tpu.memref_slice %arg16[%dma_wait3A_78, %dma_wait3A_79] : memref<625x16xf32, #tpu.memory_space<vmem_shared>> -> memref<625x16xf32, #tpu.memory_space<vmem_shared>>
    tpu.wait_indirect_dma semaphore(%arg17 : memref<!tpu.dma_semaphore, #tpu.memory_space<semaphore_mem>>) src(%dma_wait3A_74 : memref<125x16xf32, #tpu.memory_space<vmem>>) dst(%dma_wait3A_80 : memref<625x16xf32, #tpu.memory_space<vmem_shared>>)
    %dma_start3A_81 = arith.constant 3 : i32
    %dma_start3A_82 = arith.constant 375 : i32
    %dma_start3A_83 = arith.constant 0 : i32
    %dma_start3A_84 = tpu.memref_slice %arg14[%dma_start3A_82, %dma_start3A_83] : memref<625x16xf32, #tpu.memory_space<vmem>> -> memref<125x16xf32, #tpu.memory_space<vmem>>
    %dma_start3A_85 = arith.constant 0 : i32
    %dma_start3A_86 = tpu.memref_slice %arg15[%dma_start3A_81, %dma_start3A_85] : memref<5x125xi32, #tpu.memory_space<vmem>> -> memref<1x125xi32, #tpu.memory_space<vmem>>
    %dma_start3A_87 = tpu.memref_squeeze %dma_start3A_86 : memref<1x125xi32, #tpu.memory_space<vmem>> -> memref<125xi32, #tpu.memory_space<vmem>>
    %dma_start3A_88 = arith.constant 0 : i32
    %dma_start3A_89 = arith.constant 0 : i32
    %dma_start3A_90 = tpu.memref_slice %arg16[%dma_start3A_88, %dma_start3A_89] : memref<625x16xf32, #tpu.memory_space<vmem_shared>> -> memref<625x16xf32, #tpu.memory_space<vmem_shared>>
    tpu.enqueue_indirect_dma source(%dma_start3A_84 : memref<125x16xf32, #tpu.memory_space<vmem>>) target(%dma_start3A_90 : memref<625x16xf32, #tpu.memory_space<vmem_shared>>) offsets(%dma_start3A_87 : memref<125xi32, #tpu.memory_space<vmem>>) semaphore(%arg17 : memref<!tpu.dma_semaphore, #tpu.memory_space<semaphore_mem>>) {add = true}
    %dma_wait3A_91 = arith.constant 3 : i32
    %dma_wait3A_92 = arith.constant 375 : i32
    %dma_wait3A_93 = arith.constant 0 : i32
    %dma_wait3A_94 = tpu.memref_slice %arg14[%dma_wait3A_92, %dma_wait3A_93] : memref<625x16xf32, #tpu.memory_space<vmem>> -> memref<125x16xf32, #tpu.memory_space<vmem>>
    %dma_wait3A_95 = arith.constant 0 : i32
    %dma_wait3A_96 = tpu.memref_slice %arg15[%dma_wait3A_91, %dma_wait3A_95] : memref<5x125xi32, #tpu.memory_space<vmem>> -> memref<1x125xi32, #tpu.memory_space<vmem>>
    %dma_wait3A_97 = tpu.memref_squeeze %dma_wait3A_96 : memref<1x125xi32, #tpu.memory_space<vmem>> -> memref<125xi32, #tpu.memory_space<vmem>>
    %dma_wait3A_98 = arith.constant 0 : i32
    %dma_wait3A_99 = arith.constant 0 : i32
    %dma_wait3A_100 = tpu.memref_slice %arg16[%dma_wait3A_98, %dma_wait3A_99] : memref<625x16xf32, #tpu.memory_space<vmem_shared>> -> memref<625x16xf32, #tpu.memory_space<vmem_shared>>
    tpu.wait_indirect_dma semaphore(%arg17 : memref<!tpu.dma_semaphore, #tpu.memory_space<semaphore_mem>>) src(%dma_wait3A_94 : memref<125x16xf32, #tpu.memory_space<vmem>>) dst(%dma_wait3A_100 : memref<625x16xf32, #tpu.memory_space<vmem_shared>>)
    %dma_start3A_101 = arith.constant 4 : i32
    %dma_start3A_102 = arith.constant 500 : i32
    %dma_start3A_103 = arith.constant 0 : i32
    %dma_start3A_104 = tpu.memref_slice %arg14[%dma_start3A_102, %dma_start3A_103] : memref<625x16xf32, #tpu.memory_space<vmem>> -> memref<125x16xf32, #tpu.memory_space<vmem>>
    %dma_start3A_105 = arith.constant 0 : i32
    %dma_start3A_106 = tpu.memref_slice %arg15[%dma_start3A_101, %dma_start3A_105] : memref<5x125xi32, #tpu.memory_space<vmem>> -> memref<1x125xi32, #tpu.memory_space<vmem>>
    %dma_start3A_107 = tpu.memref_squeeze %dma_start3A_106 : memref<1x125xi32, #tpu.memory_space<vmem>> -> memref<125xi32, #tpu.memory_space<vmem>>
    %dma_start3A_108 = arith.constant 0 : i32
    %dma_start3A_109 = arith.constant 0 : i32
    %dma_start3A_110 = tpu.memref_slice %arg16[%dma_start3A_108, %dma_start3A_109] : memref<625x16xf32, #tpu.memory_space<vmem_shared>> -> memref<625x16xf32, #tpu.memory_space<vmem_shared>>
    tpu.enqueue_indirect_dma source(%dma_start3A_104 : memref<125x16xf32, #tpu.memory_space<vmem>>) target(%dma_start3A_110 : memref<625x16xf32, #tpu.memory_space<vmem_shared>>) offsets(%dma_start3A_107 : memref<125xi32, #tpu.memory_space<vmem>>) semaphore(%arg17 : memref<!tpu.dma_semaphore, #tpu.memory_space<semaphore_mem>>) {add = true}
    %dma_wait3A_111 = arith.constant 4 : i32
    %dma_wait3A_112 = arith.constant 500 : i32
    %dma_wait3A_113 = arith.constant 0 : i32
    %dma_wait3A_114 = tpu.memref_slice %arg14[%dma_wait3A_112, %dma_wait3A_113] : memref<625x16xf32, #tpu.memory_space<vmem>> -> memref<125x16xf32, #tpu.memory_space<vmem>>
    %dma_wait3A_115 = arith.constant 0 : i32
    %dma_wait3A_116 = tpu.memref_slice %arg15[%dma_wait3A_111, %dma_wait3A_115] : memref<5x125xi32, #tpu.memory_space<vmem>> -> memref<1x125xi32, #tpu.memory_space<vmem>>
    %dma_wait3A_117 = tpu.memref_squeeze %dma_wait3A_116 : memref<1x125xi32, #tpu.memory_space<vmem>> -> memref<125xi32, #tpu.memory_space<vmem>>
    %dma_wait3A_118 = arith.constant 0 : i32
    %dma_wait3A_119 = arith.constant 0 : i32
    %dma_wait3A_120 = tpu.memref_slice %arg16[%dma_wait3A_118, %dma_wait3A_119] : memref<625x16xf32, #tpu.memory_space<vmem_shared>> -> memref<625x16xf32, #tpu.memory_space<vmem_shared>>
    tpu.wait_indirect_dma semaphore(%arg17 : memref<!tpu.dma_semaphore, #tpu.memory_space<semaphore_mem>>) src(%dma_wait3A_114 : memref<125x16xf32, #tpu.memory_space<vmem>>) dst(%dma_wait3A_120 : memref<625x16xf32, #tpu.memory_space<vmem_shared>>)
    %barrier3A_121 = arith.constant 0 : index
    tpu.barrier barrier_id(%barrier3A_121)
    %eq3A_122 = arith.constant 0 : i32
    %eq3A_123 = arith.cmpi eq, %arg1, %eq3A_122 : i32
    %convert_element_type3A_124 = arith.extui %eq3A_123 : i1 to i32
    %cond3A_125 = arith.constant 0 : i32
    %cond3A_126 = arith.cmpi ne, %convert_element_type3A_124, %cond3A_125 : i32
    scf.if %cond3A_126 {
      "tpu.region"() ({
        %run_scoped3A = tpu.sem_alloc : memref<!tpu.dma_semaphore, #tpu.memory_space<semaphore_mem>>
        %dma_start3A_127 = arith.constant 0 : i32
        %dma_start3A_128 = arith.constant 0 : i32
        %dma_start3A_129 = tpu.memref_slice %arg8[%arg0, %dma_start3A_127, %dma_start3A_128] : memref<2x625x16xf32, #tpu.memory_space<hbm>> -> memref<1x625x16xf32, #tpu.memory_space<hbm>>
        %dma_start3A_130 = tpu.memref_squeeze %dma_start3A_129 : memref<1x625x16xf32, #tpu.memory_space<hbm>> -> memref<625x16xf32, #tpu.memory_space<hbm>>
        tpu.enqueue_dma source(%arg16 : memref<625x16xf32, #tpu.memory_space<vmem_shared>>) target(%dma_start3A_130 : memref<625x16xf32, #tpu.memory_space<hbm>>) target_semaphore(%run_scoped3A : memref<!tpu.dma_semaphore, #tpu.memory_space<semaphore_mem>>)
        %dma_wait3A_131 = arith.constant 0 : i32
        %dma_wait3A_132 = arith.constant 0 : i32
        %dma_wait3A_133 = tpu.memref_slice %arg8[%arg0, %dma_wait3A_131, %dma_wait3A_132] : memref<2x625x16xf32, #tpu.memory_space<hbm>> -> memref<1x625x16xf32, #tpu.memory_space<hbm>>
        %dma_wait3A_134 = tpu.memref_squeeze %dma_wait3A_133 : memref<1x625x16xf32, #tpu.memory_space<hbm>> -> memref<625x16xf32, #tpu.memory_space<hbm>>
        tpu.wait_dma2 semaphore(%run_scoped3A : memref<!tpu.dma_semaphore, #tpu.memory_space<semaphore_mem>>) src(%arg16 : memref<625x16xf32, #tpu.memory_space<vmem_shared>>) dst(%dma_wait3A_134 : memref<625x16xf32, #tpu.memory_space<hbm>>)
        tpu.yield
      }) : () -> ()
    } else {
    }
    return
  }
}

#map = affine_map<(d0, d1) -> (0, 0, 0)>
#map1 = affine_map<(d0, d1) -> (0, 0)>
module attributes {stable_mosaic.version = 14 : i64} {
  func.func @_pass2(%arg0: i32, %arg1: i32, %arg2: memref<32x125x80xi32, #tpu.memory_space<hbm>>, %arg3: memref<32x125x80xi32, #tpu.memory_space<hbm>>, %arg4: memref<32x125x80xf32, #tpu.memory_space<hbm>>, %arg5: memref<10000x128xf32, #tpu.memory_space<hbm>>, %arg6: memref<2x10000x128xf32, #tpu.memory_space<hbm>>, %arg7: memref<25x80xi32, #tpu.memory_space<vmem>>, %arg8: memref<25x80xi32, #tpu.memory_space<vmem>>, %arg9: memref<25x80xf32, #tpu.memory_space<vmem>>, %arg10: memref<4x80x128xf32, #tpu.memory_space<vmem>>, %arg11: memref<10000x128xf32, #tpu.memory_space<vmem_shared>>, %arg12: memref<!tpu.dma_semaphore, #tpu.memory_space<semaphore_mem>>, %arg13: memref<!tpu.dma_semaphore, #tpu.memory_space<semaphore_mem>>) attributes {dimension_semantics = [#tpu.dimension_semantics<core_parallel>, #tpu.dimension_semantics<subcore_parallel>], iteration_bounds = array<i64: 2, 16>, scalar_prefetch = 0 : i64, scratch_operands = 7 : i64, tpu.core_type = #tpu.core_type<sc_vector_subcore>, window_params = [{transform_indices = #map}, {transform_indices = #map}, {transform_indices = #map}, {transform_indices = #map1}, {transform_indices = #map}]} {
    %mul3A = arith.constant 16 : i32
    %mul3A_0 = arith.muli %arg0, %mul3A : i32
    %add3A = arith.addi %mul3A_0, %arg1 : i32
    %broadcast_in_dim3A = arith.constant 0.000000e+00 : f32
    %broadcast_in_dim3A_1 = vector.broadcast %broadcast_in_dim3A : f32 to vector<16xf32>
    %scan3A = arith.constant 0 : i32
    %scan3A_2 = arith.constant 80 : i32
    %scan3A_3 = arith.addi %scan3A, %scan3A_2 : i32
    %scan3A_4 = arith.constant 1 : i32
    scf.for %scan3A_330 = %scan3A to %scan3A_3 step %scan3A_4  : i32 {
      %mul3A_331 = arith.constant 1 : i32
      %mul3A_332 = arith.muli %scan3A_330, %mul3A_331 : i32
      %add3A_333 = arith.constant 0 : i32
      %add3A_334 = arith.addi %add3A_333, %mul3A_332 : i32
      %swap3A = arith.constant 0 : i32
      %swap3A_335 = arith.index_cast %swap3A : i32 to index
      %swap3A_336 = arith.index_cast %add3A_334 : i32 to index
      %swap3A_337 = arith.constant 0 : index
      %swap3A_338 = tpu.vector_load %arg10[%swap3A_335, %swap3A_336, %swap3A_337] {strides = array<i32>} : memref<4x80x128xf32, #tpu.memory_space<vmem>>, vector<16xf32>,
      tpu.vector_store %arg10[%swap3A_335, %swap3A_336, %swap3A_337], %broadcast_in_dim3A_1 {strides = array<i32>} : memref<4x80x128xf32, #tpu.memory_space<vmem>>, vector<16xf32>,
      %swap3A_339 = arith.constant 0 : i32
      %swap3A_340 = arith.index_cast %swap3A_339 : i32 to index
      %swap3A_341 = arith.index_cast %add3A_334 : i32 to index
      %swap3A_342 = arith.constant 16 : index
      %swap3A_343 = tpu.vector_load %arg10[%swap3A_340, %swap3A_341, %swap3A_342] {strides = array<i32>} : memref<4x80x128xf32, #tpu.memory_space<vmem>>, vector<16xf32>,
      tpu.vector_store %arg10[%swap3A_340, %swap3A_341, %swap3A_342], %broadcast_in_dim3A_1 {strides = array<i32>} : memref<4x80x128xf32, #tpu.memory_space<vmem>>, vector<16xf32>,
      %swap3A_344 = arith.constant 0 : i32
      %swap3A_345 = arith.index_cast %swap3A_344 : i32 to index
      %swap3A_346 = arith.index_cast %add3A_334 : i32 to index
      %swap3A_347 = arith.constant 32 : index
      %swap3A_348 = tpu.vector_load %arg10[%swap3A_345, %swap3A_346, %swap3A_347] {strides = array<i32>} : memref<4x80x128xf32, #tpu.memory_space<vmem>>, vector<16xf32>,
      tpu.vector_store %arg10[%swap3A_345, %swap3A_346, %swap3A_347], %broadcast_in_dim3A_1 {strides = array<i32>} : memref<4x80x128xf32, #tpu.memory_space<vmem>>, vector<16xf32>,
      %swap3A_349 = arith.constant 0 : i32
      %swap3A_350 = arith.index_cast %swap3A_349 : i32 to index
      %swap3A_351 = arith.index_cast %add3A_334 : i32 to index
      %swap3A_352 = arith.constant 48 : index
      %swap3A_353 = tpu.vector_load %arg10[%swap3A_350, %swap3A_351, %swap3A_352] {strides = array<i32>} : memref<4x80x128xf32, #tpu.memory_space<vmem>>, vector<16xf32>,
      tpu.vector_store %arg10[%swap3A_350, %swap3A_351, %swap3A_352], %broadcast_in_dim3A_1 {strides = array<i32>} : memref<4x80x128xf32, #tpu.memory_space<vmem>>, vector<16xf32>,
      %swap3A_354 = arith.constant 0 : i32
      %swap3A_355 = arith.index_cast %swap3A_354 : i32 to index
      %swap3A_356 = arith.index_cast %add3A_334 : i32 to index
      %swap3A_357 = arith.constant 64 : index
      %swap3A_358 = tpu.vector_load %arg10[%swap3A_355, %swap3A_356, %swap3A_357] {strides = array<i32>} : memref<4x80x128xf32, #tpu.memory_space<vmem>>, vector<16xf32>,
      tpu.vector_store %arg10[%swap3A_355, %swap3A_356, %swap3A_357], %broadcast_in_dim3A_1 {strides = array<i32>} : memref<4x80x128xf32, #tpu.memory_space<vmem>>, vector<16xf32>,
      %swap3A_359 = arith.constant 0 : i32
      %swap3A_360 = arith.index_cast %swap3A_359 : i32 to index
      %swap3A_361 = arith.index_cast %add3A_334 : i32 to index
      %swap3A_362 = arith.constant 80 : index
      %swap3A_363 = tpu.vector_load %arg10[%swap3A_360, %swap3A_361, %swap3A_362] {strides = array<i32>} : memref<4x80x128xf32, #tpu.memory_space<vmem>>, vector<16xf32>,
      tpu.vector_store %arg10[%swap3A_360, %swap3A_361, %swap3A_362], %broadcast_in_dim3A_1 {strides = array<i32>} : memref<4x80x128xf32, #tpu.memory_space<vmem>>, vector<16xf32>,
      %swap3A_364 = arith.constant 0 : i32
      %swap3A_365 = arith.index_cast %swap3A_364 : i32 to index
      %swap3A_366 = arith.index_cast %add3A_334 : i32 to index
      %swap3A_367 = arith.constant 96 : index
      %swap3A_368 = tpu.vector_load %arg10[%swap3A_365, %swap3A_366, %swap3A_367] {strides = array<i32>} : memref<4x80x128xf32, #tpu.memory_space<vmem>>, vector<16xf32>,
      tpu.vector_store %arg10[%swap3A_365, %swap3A_366, %swap3A_367], %broadcast_in_dim3A_1 {strides = array<i32>} : memref<4x80x128xf32, #tpu.memory_space<vmem>>, vector<16xf32>,
      %swap3A_369 = arith.constant 0 : i32
      %swap3A_370 = arith.index_cast %swap3A_369 : i32 to index
      %swap3A_371 = arith.index_cast %add3A_334 : i32 to index
      %swap3A_372 = arith.constant 112 : index
      %swap3A_373 = tpu.vector_load %arg10[%swap3A_370, %swap3A_371, %swap3A_372] {strides = array<i32>} : memref<4x80x128xf32, #tpu.memory_space<vmem>>, vector<16xf32>,
      tpu.vector_store %arg10[%swap3A_370, %swap3A_371, %swap3A_372], %broadcast_in_dim3A_1 {strides = array<i32>} : memref<4x80x128xf32, #tpu.memory_space<vmem>>, vector<16xf32>,
    }
    %scan3A_5 = arith.constant 80 : i32
    %scan3A_6 = arith.constant 0 : i32
    %scan3A_7 = arith.constant 80 : i32
    %scan3A_8 = arith.addi %scan3A_6, %scan3A_7 : i32
    %scan3A_9 = arith.constant 1 : i32
    scf.for %scan3A_330 = %scan3A_6 to %scan3A_8 step %scan3A_9  : i32 {
      %mul3A_331 = arith.constant 1 : i32
      %mul3A_332 = arith.muli %scan3A_330, %mul3A_331 : i32
      %add3A_333 = arith.constant 0 : i32
      %add3A_334 = arith.addi %add3A_333, %mul3A_332 : i32
      %swap3A = arith.constant 1 : i32
      %swap3A_335 = arith.index_cast %swap3A : i32 to index
      %swap3A_336 = arith.index_cast %add3A_334 : i32 to index
      %swap3A_337 = arith.constant 0 : index
      %swap3A_338 = tpu.vector_load %arg10[%swap3A_335, %swap3A_336, %swap3A_337] {strides = array<i32>} : memref<4x80x128xf32, #tpu.memory_space<vmem>>, vector<16xf32>,
      tpu.vector_store %arg10[%swap3A_335, %swap3A_336, %swap3A_337], %broadcast_in_dim3A_1 {strides = array<i32>} : memref<4x80x128xf32, #tpu.memory_space<vmem>>, vector<16xf32>,
      %swap3A_339 = arith.constant 1 : i32
      %swap3A_340 = arith.index_cast %swap3A_339 : i32 to index
      %swap3A_341 = arith.index_cast %add3A_334 : i32 to index
      %swap3A_342 = arith.constant 16 : index
      %swap3A_343 = tpu.vector_load %arg10[%swap3A_340, %swap3A_341, %swap3A_342] {strides = array<i32>} : memref<4x80x128xf32, #tpu.memory_space<vmem>>, vector<16xf32>,
      tpu.vector_store %arg10[%swap3A_340, %swap3A_341, %swap3A_342], %broadcast_in_dim3A_1 {strides = array<i32>} : memref<4x80x128xf32, #tpu.memory_space<vmem>>, vector<16xf32>,
      %swap3A_344 = arith.constant 1 : i32
      %swap3A_345 = arith.index_cast %swap3A_344 : i32 to index
      %swap3A_346 = arith.index_cast %add3A_334 : i32 to index
      %swap3A_347 = arith.constant 32 : index
      %swap3A_348 = tpu.vector_load %arg10[%swap3A_345, %swap3A_346, %swap3A_347] {strides = array<i32>} : memref<4x80x128xf32, #tpu.memory_space<vmem>>, vector<16xf32>,
      tpu.vector_store %arg10[%swap3A_345, %swap3A_346, %swap3A_347], %broadcast_in_dim3A_1 {strides = array<i32>} : memref<4x80x128xf32, #tpu.memory_space<vmem>>, vector<16xf32>,
      %swap3A_349 = arith.constant 1 : i32
      %swap3A_350 = arith.index_cast %swap3A_349 : i32 to index
      %swap3A_351 = arith.index_cast %add3A_334 : i32 to index
      %swap3A_352 = arith.constant 48 : index
      %swap3A_353 = tpu.vector_load %arg10[%swap3A_350, %swap3A_351, %swap3A_352] {strides = array<i32>} : memref<4x80x128xf32, #tpu.memory_space<vmem>>, vector<16xf32>,
      tpu.vector_store %arg10[%swap3A_350, %swap3A_351, %swap3A_352], %broadcast_in_dim3A_1 {strides = array<i32>} : memref<4x80x128xf32, #tpu.memory_space<vmem>>, vector<16xf32>,
      %swap3A_354 = arith.constant 1 : i32
      %swap3A_355 = arith.index_cast %swap3A_354 : i32 to index
      %swap3A_356 = arith.index_cast %add3A_334 : i32 to index
      %swap3A_357 = arith.constant 64 : index
      %swap3A_358 = tpu.vector_load %arg10[%swap3A_355, %swap3A_356, %swap3A_357] {strides = array<i32>} : memref<4x80x128xf32, #tpu.memory_space<vmem>>, vector<16xf32>,
      tpu.vector_store %arg10[%swap3A_355, %swap3A_356, %swap3A_357], %broadcast_in_dim3A_1 {strides = array<i32>} : memref<4x80x128xf32, #tpu.memory_space<vmem>>, vector<16xf32>,
      %swap3A_359 = arith.constant 1 : i32
      %swap3A_360 = arith.index_cast %swap3A_359 : i32 to index
      %swap3A_361 = arith.index_cast %add3A_334 : i32 to index
      %swap3A_362 = arith.constant 80 : index
      %swap3A_363 = tpu.vector_load %arg10[%swap3A_360, %swap3A_361, %swap3A_362] {strides = array<i32>} : memref<4x80x128xf32, #tpu.memory_space<vmem>>, vector<16xf32>,
      tpu.vector_store %arg10[%swap3A_360, %swap3A_361, %swap3A_362], %broadcast_in_dim3A_1 {strides = array<i32>} : memref<4x80x128xf32, #tpu.memory_space<vmem>>, vector<16xf32>,
      %swap3A_364 = arith.constant 1 : i32
      %swap3A_365 = arith.index_cast %swap3A_364 : i32 to index
      %swap3A_366 = arith.index_cast %add3A_334 : i32 to index
      %swap3A_367 = arith.constant 96 : index
      %swap3A_368 = tpu.vector_load %arg10[%swap3A_365, %swap3A_366, %swap3A_367] {strides = array<i32>} : memref<4x80x128xf32, #tpu.memory_space<vmem>>, vector<16xf32>,
      tpu.vector_store %arg10[%swap3A_365, %swap3A_366, %swap3A_367], %broadcast_in_dim3A_1 {strides = array<i32>} : memref<4x80x128xf32, #tpu.memory_space<vmem>>, vector<16xf32>,
      %swap3A_369 = arith.constant 1 : i32
      %swap3A_370 = arith.index_cast %swap3A_369 : i32 to index
      %swap3A_371 = arith.index_cast %add3A_334 : i32 to index
      %swap3A_372 = arith.constant 112 : index
      %swap3A_373 = tpu.vector_load %arg10[%swap3A_370, %swap3A_371, %swap3A_372] {strides = array<i32>} : memref<4x80x128xf32, #tpu.memory_space<vmem>>, vector<16xf32>,
      tpu.vector_store %arg10[%swap3A_370, %swap3A_371, %swap3A_372], %broadcast_in_dim3A_1 {strides = array<i32>} : memref<4x80x128xf32, #tpu.memory_space<vmem>>, vector<16xf32>,
    }
    %scan3A_10 = arith.constant 80 : i32
    %mul3A_11 = arith.constant 625 : i32
    %mul3A_12 = arith.muli %arg1, %mul3A_11 : i32
    %add3A_13 = arith.constant 0 : i32
    %add3A_14 = arith.addi %mul3A_12, %add3A_13 : i32
    %run_scoped3A = arith.constant 0 : i32
    "tpu.region"() ({
      %run_scoped3A_330 = tpu.sem_alloc : memref<!tpu.dma_semaphore, #tpu.memory_space<semaphore_mem>>
      %dma_start3A_331 = arith.constant 0 : i32
      %dma_start3A_332 = arith.constant 0 : i32
      %dma_start3A_333 = tpu.memref_slice %arg10[%run_scoped3A, %dma_start3A_331, %dma_start3A_332] : memref<4x80x128xf32, #tpu.memory_space<vmem>> -> memref<1x80x128xf32, #tpu.memory_space<vmem>>
      %dma_start3A_334 = tpu.memref_squeeze %dma_start3A_333 : memref<1x80x128xf32, #tpu.memory_space<vmem>> -> memref<80x128xf32, #tpu.memory_space<vmem>>
      %dma_start3A_335 = arith.constant 0 : i32
      %dma_start3A_336 = tpu.memref_slice %arg11[%add3A_14, %dma_start3A_335] : memref<10000x128xf32, #tpu.memory_space<vmem_shared>> -> memref<80x128xf32, #tpu.memory_space<vmem_shared>>
      %dma_start3A_337 = arith.constant 0 : i32
      %dma_start3A_338 = tpu.memref_slice %arg11[%add3A_14, %dma_start3A_337] : memref<10000x128xf32, #tpu.memory_space<vmem_shared>> -> memref<80x128xf32, #tpu.memory_space<vmem_shared>>
      %dma_start3A_339 = arith.constant 0 : i32
      %dma_start3A_340 = arith.constant 0 : i32
      %dma_start3A_341 = tpu.memref_slice %arg10[%run_scoped3A, %dma_start3A_339, %dma_start3A_340] : memref<4x80x128xf32, #tpu.memory_space<vmem>> -> memref<1x80x128xf32, #tpu.memory_space<vmem>>
      %dma_start3A_342 = tpu.memref_squeeze %dma_start3A_341 : memref<1x80x128xf32, #tpu.memory_space<vmem>> -> memref<80x128xf32, #tpu.memory_space<vmem>>
      tpu.enqueue_dma source(%dma_start3A_342 : memref<80x128xf32, #tpu.memory_space<vmem>>) target(%dma_start3A_338 : memref<80x128xf32, #tpu.memory_space<vmem_shared>>) target_semaphore(%run_scoped3A_330 : memref<!tpu.dma_semaphore, #tpu.memory_space<semaphore_mem>>)
      %dma_wait3A_343 = arith.constant 0 : i32
      %dma_wait3A_344 = arith.constant 0 : i32
      %dma_wait3A_345 = tpu.memref_slice %arg10[%run_scoped3A, %dma_wait3A_343, %dma_wait3A_344] : memref<4x80x128xf32, #tpu.memory_space<vmem>> -> memref<1x80x128xf32, #tpu.memory_space<vmem>>
      %dma_wait3A_346 = tpu.memref_squeeze %dma_wait3A_345 : memref<1x80x128xf32, #tpu.memory_space<vmem>> -> memref<80x128xf32, #tpu.memory_space<vmem>>
      %dma_wait3A_347 = arith.constant 0 : i32
      %dma_wait3A_348 = tpu.memref_slice %arg11[%add3A_14, %dma_wait3A_347] : memref<10000x128xf32, #tpu.memory_space<vmem_shared>> -> memref<80x128xf32, #tpu.memory_space<vmem_shared>>
      %dma_wait3A_349 = arith.constant 0 : i32
      %dma_wait3A_350 = tpu.memref_slice %arg11[%add3A_14, %dma_wait3A_349] : memref<10000x128xf32, #tpu.memory_space<vmem_shared>> -> memref<80x128xf32, #tpu.memory_space<vmem_shared>>
      %dma_wait3A_351 = arith.constant 0 : i32
      %dma_wait3A_352 = arith.constant 0 : i32
      %dma_wait3A_353 = tpu.memref_slice %arg10[%run_scoped3A, %dma_wait3A_351, %dma_wait3A_352] : memref<4x80x128xf32, #tpu.memory_space<vmem>> -> memref<1x80x128xf32, #tpu.memory_space<vmem>>
      %dma_wait3A_354 = tpu.memref_squeeze %dma_wait3A_353 : memref<1x80x128xf32, #tpu.memory_space<vmem>> -> memref<80x128xf32, #tpu.memory_space<vmem>>
      tpu.wait_dma2 semaphore(%run_scoped3A_330 : memref<!tpu.dma_semaphore, #tpu.memory_space<semaphore_mem>>) src(%dma_wait3A_354 : memref<80x128xf32, #tpu.memory_space<vmem>>) dst(%dma_wait3A_350 : memref<80x128xf32, #tpu.memory_space<vmem_shared>>)
      tpu.yield
    }) : () -> ()
    %add3A_15 = arith.constant 80 : i32
    %add3A_16 = arith.addi %mul3A_12, %add3A_15 : i32
    %run_scoped3A_17 = arith.constant 1 : i32
    "tpu.region"() ({
      %run_scoped3A_330 = tpu.sem_alloc : memref<!tpu.dma_semaphore, #tpu.memory_space<semaphore_mem>>
      %dma_start3A_331 = arith.constant 0 : i32
      %dma_start3A_332 = arith.constant 0 : i32
      %dma_start3A_333 = tpu.memref_slice %arg10[%run_scoped3A_17, %dma_start3A_331, %dma_start3A_332] : memref<4x80x128xf32, #tpu.memory_space<vmem>> -> memref<1x80x128xf32, #tpu.memory_space<vmem>>
      %dma_start3A_334 = tpu.memref_squeeze %dma_start3A_333 : memref<1x80x128xf32, #tpu.memory_space<vmem>> -> memref<80x128xf32, #tpu.memory_space<vmem>>
      %dma_start3A_335 = arith.constant 0 : i32
      %dma_start3A_336 = tpu.memref_slice %arg11[%add3A_16, %dma_start3A_335] : memref<10000x128xf32, #tpu.memory_space<vmem_shared>> -> memref<80x128xf32, #tpu.memory_space<vmem_shared>>
      %dma_start3A_337 = arith.constant 0 : i32
      %dma_start3A_338 = tpu.memref_slice %arg11[%add3A_16, %dma_start3A_337] : memref<10000x128xf32, #tpu.memory_space<vmem_shared>> -> memref<80x128xf32, #tpu.memory_space<vmem_shared>>
      %dma_start3A_339 = arith.constant 0 : i32
      %dma_start3A_340 = arith.constant 0 : i32
      %dma_start3A_341 = tpu.memref_slice %arg10[%run_scoped3A_17, %dma_start3A_339, %dma_start3A_340] : memref<4x80x128xf32, #tpu.memory_space<vmem>> -> memref<1x80x128xf32, #tpu.memory_space<vmem>>
      %dma_start3A_342 = tpu.memref_squeeze %dma_start3A_341 : memref<1x80x128xf32, #tpu.memory_space<vmem>> -> memref<80x128xf32, #tpu.memory_space<vmem>>
      tpu.enqueue_dma source(%dma_start3A_342 : memref<80x128xf32, #tpu.memory_space<vmem>>) target(%dma_start3A_338 : memref<80x128xf32, #tpu.memory_space<vmem_shared>>) target_semaphore(%run_scoped3A_330 : memref<!tpu.dma_semaphore, #tpu.memory_space<semaphore_mem>>)
      %dma_wait3A_343 = arith.constant 0 : i32
      %dma_wait3A_344 = arith.constant 0 : i32
      %dma_wait3A_345 = tpu.memref_slice %arg10[%run_scoped3A_17, %dma_wait3A_343, %dma_wait3A_344] : memref<4x80x128xf32, #tpu.memory_space<vmem>> -> memref<1x80x128xf32, #tpu.memory_space<vmem>>
      %dma_wait3A_346 = tpu.memref_squeeze %dma_wait3A_345 : memref<1x80x128xf32, #tpu.memory_space<vmem>> -> memref<80x128xf32, #tpu.memory_space<vmem>>
      %dma_wait3A_347 = arith.constant 0 : i32
      %dma_wait3A_348 = tpu.memref_slice %arg11[%add3A_16, %dma_wait3A_347] : memref<10000x128xf32, #tpu.memory_space<vmem_shared>> -> memref<80x128xf32, #tpu.memory_space<vmem_shared>>
      %dma_wait3A_349 = arith.constant 0 : i32
      %dma_wait3A_350 = tpu.memref_slice %arg11[%add3A_16, %dma_wait3A_349] : memref<10000x128xf32, #tpu.memory_space<vmem_shared>> -> memref<80x128xf32, #tpu.memory_space<vmem_shared>>
      %dma_wait3A_351 = arith.constant 0 : i32
      %dma_wait3A_352 = arith.constant 0 : i32
      %dma_wait3A_353 = tpu.memref_slice %arg10[%run_scoped3A_17, %dma_wait3A_351, %dma_wait3A_352] : memref<4x80x128xf32, #tpu.memory_space<vmem>> -> memref<1x80x128xf32, #tpu.memory_space<vmem>>
      %dma_wait3A_354 = tpu.memref_squeeze %dma_wait3A_353 : memref<1x80x128xf32, #tpu.memory_space<vmem>> -> memref<80x128xf32, #tpu.memory_space<vmem>>
      tpu.wait_dma2 semaphore(%run_scoped3A_330 : memref<!tpu.dma_semaphore, #tpu.memory_space<semaphore_mem>>) src(%dma_wait3A_354 : memref<80x128xf32, #tpu.memory_space<vmem>>) dst(%dma_wait3A_350 : memref<80x128xf32, #tpu.memory_space<vmem_shared>>)
      tpu.yield
    }) : () -> ()
    %add3A_18 = arith.constant 160 : i32
    %add3A_19 = arith.addi %mul3A_12, %add3A_18 : i32
    %run_scoped3A_20 = arith.constant 0 : i32
    "tpu.region"() ({
      %run_scoped3A_330 = tpu.sem_alloc : memref<!tpu.dma_semaphore, #tpu.memory_space<semaphore_mem>>
      %dma_start3A_331 = arith.constant 0 : i32
      %dma_start3A_332 = arith.constant 0 : i32
      %dma_start3A_333 = tpu.memref_slice %arg10[%run_scoped3A_20, %dma_start3A_331, %dma_start3A_332] : memref<4x80x128xf32, #tpu.memory_space<vmem>> -> memref<1x80x128xf32, #tpu.memory_space<vmem>>
      %dma_start3A_334 = tpu.memref_squeeze %dma_start3A_333 : memref<1x80x128xf32, #tpu.memory_space<vmem>> -> memref<80x128xf32, #tpu.memory_space<vmem>>
      %dma_start3A_335 = arith.constant 0 : i32
      %dma_start3A_336 = tpu.memref_slice %arg11[%add3A_19, %dma_start3A_335] : memref<10000x128xf32, #tpu.memory_space<vmem_shared>> -> memref<80x128xf32, #tpu.memory_space<vmem_shared>>
      %dma_start3A_337 = arith.constant 0 : i32
      %dma_start3A_338 = tpu.memref_slice %arg11[%add3A_19, %dma_start3A_337] : memref<10000x128xf32, #tpu.memory_space<vmem_shared>> -> memref<80x128xf32, #tpu.memory_space<vmem_shared>>
      %dma_start3A_339 = arith.constant 0 : i32
      %dma_start3A_340 = arith.constant 0 : i32
      %dma_start3A_341 = tpu.memref_slice %arg10[%run_scoped3A_20, %dma_start3A_339, %dma_start3A_340] : memref<4x80x128xf32, #tpu.memory_space<vmem>> -> memref<1x80x128xf32, #tpu.memory_space<vmem>>
      %dma_start3A_342 = tpu.memref_squeeze %dma_start3A_341 : memref<1x80x128xf32, #tpu.memory_space<vmem>> -> memref<80x128xf32, #tpu.memory_space<vmem>>
      tpu.enqueue_dma source(%dma_start3A_342 : memref<80x128xf32, #tpu.memory_space<vmem>>) target(%dma_start3A_338 : memref<80x128xf32, #tpu.memory_space<vmem_shared>>) target_semaphore(%run_scoped3A_330 : memref<!tpu.dma_semaphore, #tpu.memory_space<semaphore_mem>>)
      %dma_wait3A_343 = arith.constant 0 : i32
      %dma_wait3A_344 = arith.constant 0 : i32
      %dma_wait3A_345 = tpu.memref_slice %arg10[%run_scoped3A_20, %dma_wait3A_343, %dma_wait3A_344] : memref<4x80x128xf32, #tpu.memory_space<vmem>> -> memref<1x80x128xf32, #tpu.memory_space<vmem>>
      %dma_wait3A_346 = tpu.memref_squeeze %dma_wait3A_345 : memref<1x80x128xf32, #tpu.memory_space<vmem>> -> memref<80x128xf32, #tpu.memory_space<vmem>>
      %dma_wait3A_347 = arith.constant 0 : i32
      %dma_wait3A_348 = tpu.memref_slice %arg11[%add3A_19, %dma_wait3A_347] : memref<10000x128xf32, #tpu.memory_space<vmem_shared>> -> memref<80x128xf32, #tpu.memory_space<vmem_shared>>
      %dma_wait3A_349 = arith.constant 0 : i32
      %dma_wait3A_350 = tpu.memref_slice %arg11[%add3A_19, %dma_wait3A_349] : memref<10000x128xf32, #tpu.memory_space<vmem_shared>> -> memref<80x128xf32, #tpu.memory_space<vmem_shared>>
      %dma_wait3A_351 = arith.constant 0 : i32
      %dma_wait3A_352 = arith.constant 0 : i32
      %dma_wait3A_353 = tpu.memref_slice %arg10[%run_scoped3A_20, %dma_wait3A_351, %dma_wait3A_352] : memref<4x80x128xf32, #tpu.memory_space<vmem>> -> memref<1x80x128xf32, #tpu.memory_space<vmem>>
      %dma_wait3A_354 = tpu.memref_squeeze %dma_wait3A_353 : memref<1x80x128xf32, #tpu.memory_space<vmem>> -> memref<80x128xf32, #tpu.memory_space<vmem>>
      tpu.wait_dma2 semaphore(%run_scoped3A_330 : memref<!tpu.dma_semaphore, #tpu.memory_space<semaphore_mem>>) src(%dma_wait3A_354 : memref<80x128xf32, #tpu.memory_space<vmem>>) dst(%dma_wait3A_350 : memref<80x128xf32, #tpu.memory_space<vmem_shared>>)
      tpu.yield
    }) : () -> ()
    %add3A_21 = arith.constant 240 : i32
    %add3A_22 = arith.addi %mul3A_12, %add3A_21 : i32
    %run_scoped3A_23 = arith.constant 1 : i32
    "tpu.region"() ({
      %run_scoped3A_330 = tpu.sem_alloc : memref<!tpu.dma_semaphore, #tpu.memory_space<semaphore_mem>>
      %dma_start3A_331 = arith.constant 0 : i32
      %dma_start3A_332 = arith.constant 0 : i32
      %dma_start3A_333 = tpu.memref_slice %arg10[%run_scoped3A_23, %dma_start3A_331, %dma_start3A_332] : memref<4x80x128xf32, #tpu.memory_space<vmem>> -> memref<1x80x128xf32, #tpu.memory_space<vmem>>
      %dma_start3A_334 = tpu.memref_squeeze %dma_start3A_333 : memref<1x80x128xf32, #tpu.memory_space<vmem>> -> memref<80x128xf32, #tpu.memory_space<vmem>>
      %dma_start3A_335 = arith.constant 0 : i32
      %dma_start3A_336 = tpu.memref_slice %arg11[%add3A_22, %dma_start3A_335] : memref<10000x128xf32, #tpu.memory_space<vmem_shared>> -> memref<80x128xf32, #tpu.memory_space<vmem_shared>>
      %dma_start3A_337 = arith.constant 0 : i32
      %dma_start3A_338 = tpu.memref_slice %arg11[%add3A_22, %dma_start3A_337] : memref<10000x128xf32, #tpu.memory_space<vmem_shared>> -> memref<80x128xf32, #tpu.memory_space<vmem_shared>>
      %dma_start3A_339 = arith.constant 0 : i32
      %dma_start3A_340 = arith.constant 0 : i32
      %dma_start3A_341 = tpu.memref_slice %arg10[%run_scoped3A_23, %dma_start3A_339, %dma_start3A_340] : memref<4x80x128xf32, #tpu.memory_space<vmem>> -> memref<1x80x128xf32, #tpu.memory_space<vmem>>
      %dma_start3A_342 = tpu.memref_squeeze %dma_start3A_341 : memref<1x80x128xf32, #tpu.memory_space<vmem>> -> memref<80x128xf32, #tpu.memory_space<vmem>>
      tpu.enqueue_dma source(%dma_start3A_342 : memref<80x128xf32, #tpu.memory_space<vmem>>) target(%dma_start3A_338 : memref<80x128xf32, #tpu.memory_space<vmem_shared>>) target_semaphore(%run_scoped3A_330 : memref<!tpu.dma_semaphore, #tpu.memory_space<semaphore_mem>>)
      %dma_wait3A_343 = arith.constant 0 : i32
      %dma_wait3A_344 = arith.constant 0 : i32
      %dma_wait3A_345 = tpu.memref_slice %arg10[%run_scoped3A_23, %dma_wait3A_343, %dma_wait3A_344] : memref<4x80x128xf32, #tpu.memory_space<vmem>> -> memref<1x80x128xf32, #tpu.memory_space<vmem>>
      %dma_wait3A_346 = tpu.memref_squeeze %dma_wait3A_345 : memref<1x80x128xf32, #tpu.memory_space<vmem>> -> memref<80x128xf32, #tpu.memory_space<vmem>>
      %dma_wait3A_347 = arith.constant 0 : i32
      %dma_wait3A_348 = tpu.memref_slice %arg11[%add3A_22, %dma_wait3A_347] : memref<10000x128xf32, #tpu.memory_space<vmem_shared>> -> memref<80x128xf32, #tpu.memory_space<vmem_shared>>
      %dma_wait3A_349 = arith.constant 0 : i32
      %dma_wait3A_350 = tpu.memref_slice %arg11[%add3A_22, %dma_wait3A_349] : memref<10000x128xf32, #tpu.memory_space<vmem_shared>> -> memref<80x128xf32, #tpu.memory_space<vmem_shared>>
      %dma_wait3A_351 = arith.constant 0 : i32
      %dma_wait3A_352 = arith.constant 0 : i32
      %dma_wait3A_353 = tpu.memref_slice %arg10[%run_scoped3A_23, %dma_wait3A_351, %dma_wait3A_352] : memref<4x80x128xf32, #tpu.memory_space<vmem>> -> memref<1x80x128xf32, #tpu.memory_space<vmem>>
      %dma_wait3A_354 = tpu.memref_squeeze %dma_wait3A_353 : memref<1x80x128xf32, #tpu.memory_space<vmem>> -> memref<80x128xf32, #tpu.memory_space<vmem>>
      tpu.wait_dma2 semaphore(%run_scoped3A_330 : memref<!tpu.dma_semaphore, #tpu.memory_space<semaphore_mem>>) src(%dma_wait3A_354 : memref<80x128xf32, #tpu.memory_space<vmem>>) dst(%dma_wait3A_350 : memref<80x128xf32, #tpu.memory_space<vmem_shared>>)
      tpu.yield
    }) : () -> ()
    %add3A_24 = arith.constant 320 : i32
    %add3A_25 = arith.addi %mul3A_12, %add3A_24 : i32
    %run_scoped3A_26 = arith.constant 0 : i32
    "tpu.region"() ({
      %run_scoped3A_330 = tpu.sem_alloc : memref<!tpu.dma_semaphore, #tpu.memory_space<semaphore_mem>>
      %dma_start3A_331 = arith.constant 0 : i32
      %dma_start3A_332 = arith.constant 0 : i32
      %dma_start3A_333 = tpu.memref_slice %arg10[%run_scoped3A_26, %dma_start3A_331, %dma_start3A_332] : memref<4x80x128xf32, #tpu.memory_space<vmem>> -> memref<1x80x128xf32, #tpu.memory_space<vmem>>
      %dma_start3A_334 = tpu.memref_squeeze %dma_start3A_333 : memref<1x80x128xf32, #tpu.memory_space<vmem>> -> memref<80x128xf32, #tpu.memory_space<vmem>>
      %dma_start3A_335 = arith.constant 0 : i32
      %dma_start3A_336 = tpu.memref_slice %arg11[%add3A_25, %dma_start3A_335] : memref<10000x128xf32, #tpu.memory_space<vmem_shared>> -> memref<80x128xf32, #tpu.memory_space<vmem_shared>>
      %dma_start3A_337 = arith.constant 0 : i32
      %dma_start3A_338 = tpu.memref_slice %arg11[%add3A_25, %dma_start3A_337] : memref<10000x128xf32, #tpu.memory_space<vmem_shared>> -> memref<80x128xf32, #tpu.memory_space<vmem_shared>>
      %dma_start3A_339 = arith.constant 0 : i32
      %dma_start3A_340 = arith.constant 0 : i32
      %dma_start3A_341 = tpu.memref_slice %arg10[%run_scoped3A_26, %dma_start3A_339, %dma_start3A_340] : memref<4x80x128xf32, #tpu.memory_space<vmem>> -> memref<1x80x128xf32, #tpu.memory_space<vmem>>
      %dma_start3A_342 = tpu.memref_squeeze %dma_start3A_341 : memref<1x80x128xf32, #tpu.memory_space<vmem>> -> memref<80x128xf32, #tpu.memory_space<vmem>>
      tpu.enqueue_dma source(%dma_start3A_342 : memref<80x128xf32, #tpu.memory_space<vmem>>) target(%dma_start3A_338 : memref<80x128xf32, #tpu.memory_space<vmem_shared>>) target_semaphore(%run_scoped3A_330 : memref<!tpu.dma_semaphore, #tpu.memory_space<semaphore_mem>>)
      %dma_wait3A_343 = arith.constant 0 : i32
      %dma_wait3A_344 = arith.constant 0 : i32
      %dma_wait3A_345 = tpu.memref_slice %arg10[%run_scoped3A_26, %dma_wait3A_343, %dma_wait3A_344] : memref<4x80x128xf32, #tpu.memory_space<vmem>> -> memref<1x80x128xf32, #tpu.memory_space<vmem>>
      %dma_wait3A_346 = tpu.memref_squeeze %dma_wait3A_345 : memref<1x80x128xf32, #tpu.memory_space<vmem>> -> memref<80x128xf32, #tpu.memory_space<vmem>>
      %dma_wait3A_347 = arith.constant 0 : i32
      %dma_wait3A_348 = tpu.memref_slice %arg11[%add3A_25, %dma_wait3A_347] : memref<10000x128xf32, #tpu.memory_space<vmem_shared>> -> memref<80x128xf32, #tpu.memory_space<vmem_shared>>
      %dma_wait3A_349 = arith.constant 0 : i32
      %dma_wait3A_350 = tpu.memref_slice %arg11[%add3A_25, %dma_wait3A_349] : memref<10000x128xf32, #tpu.memory_space<vmem_shared>> -> memref<80x128xf32, #tpu.memory_space<vmem_shared>>
      %dma_wait3A_351 = arith.constant 0 : i32
      %dma_wait3A_352 = arith.constant 0 : i32
      %dma_wait3A_353 = tpu.memref_slice %arg10[%run_scoped3A_26, %dma_wait3A_351, %dma_wait3A_352] : memref<4x80x128xf32, #tpu.memory_space<vmem>> -> memref<1x80x128xf32, #tpu.memory_space<vmem>>
      %dma_wait3A_354 = tpu.memref_squeeze %dma_wait3A_353 : memref<1x80x128xf32, #tpu.memory_space<vmem>> -> memref<80x128xf32, #tpu.memory_space<vmem>>
      tpu.wait_dma2 semaphore(%run_scoped3A_330 : memref<!tpu.dma_semaphore, #tpu.memory_space<semaphore_mem>>) src(%dma_wait3A_354 : memref<80x128xf32, #tpu.memory_space<vmem>>) dst(%dma_wait3A_350 : memref<80x128xf32, #tpu.memory_space<vmem_shared>>)
      tpu.yield
    }) : () -> ()
    %add3A_27 = arith.constant 400 : i32
    %add3A_28 = arith.addi %mul3A_12, %add3A_27 : i32
    %run_scoped3A_29 = arith.constant 1 : i32
    "tpu.region"() ({
      %run_scoped3A_330 = tpu.sem_alloc : memref<!tpu.dma_semaphore, #tpu.memory_space<semaphore_mem>>
      %dma_start3A_331 = arith.constant 0 : i32
      %dma_start3A_332 = arith.constant 0 : i32
      %dma_start3A_333 = tpu.memref_slice %arg10[%run_scoped3A_29, %dma_start3A_331, %dma_start3A_332] : memref<4x80x128xf32, #tpu.memory_space<vmem>> -> memref<1x80x128xf32, #tpu.memory_space<vmem>>
      %dma_start3A_334 = tpu.memref_squeeze %dma_start3A_333 : memref<1x80x128xf32, #tpu.memory_space<vmem>> -> memref<80x128xf32, #tpu.memory_space<vmem>>
      %dma_start3A_335 = arith.constant 0 : i32
      %dma_start3A_336 = tpu.memref_slice %arg11[%add3A_28, %dma_start3A_335] : memref<10000x128xf32, #tpu.memory_space<vmem_shared>> -> memref<80x128xf32, #tpu.memory_space<vmem_shared>>
      %dma_start3A_337 = arith.constant 0 : i32
      %dma_start3A_338 = tpu.memref_slice %arg11[%add3A_28, %dma_start3A_337] : memref<10000x128xf32, #tpu.memory_space<vmem_shared>> -> memref<80x128xf32, #tpu.memory_space<vmem_shared>>
      %dma_start3A_339 = arith.constant 0 : i32
      %dma_start3A_340 = arith.constant 0 : i32
      %dma_start3A_341 = tpu.memref_slice %arg10[%run_scoped3A_29, %dma_start3A_339, %dma_start3A_340] : memref<4x80x128xf32, #tpu.memory_space<vmem>> -> memref<1x80x128xf32, #tpu.memory_space<vmem>>
      %dma_start3A_342 = tpu.memref_squeeze %dma_start3A_341 : memref<1x80x128xf32, #tpu.memory_space<vmem>> -> memref<80x128xf32, #tpu.memory_space<vmem>>
      tpu.enqueue_dma source(%dma_start3A_342 : memref<80x128xf32, #tpu.memory_space<vmem>>) target(%dma_start3A_338 : memref<80x128xf32, #tpu.memory_space<vmem_shared>>) target_semaphore(%run_scoped3A_330 : memref<!tpu.dma_semaphore, #tpu.memory_space<semaphore_mem>>)
      %dma_wait3A_343 = arith.constant 0 : i32
      %dma_wait3A_344 = arith.constant 0 : i32
      %dma_wait3A_345 = tpu.memref_slice %arg10[%run_scoped3A_29, %dma_wait3A_343, %dma_wait3A_344] : memref<4x80x128xf32, #tpu.memory_space<vmem>> -> memref<1x80x128xf32, #tpu.memory_space<vmem>>
      %dma_wait3A_346 = tpu.memref_squeeze %dma_wait3A_345 : memref<1x80x128xf32, #tpu.memory_space<vmem>> -> memref<80x128xf32, #tpu.memory_space<vmem>>
      %dma_wait3A_347 = arith.constant 0 : i32
      %dma_wait3A_348 = tpu.memref_slice %arg11[%add3A_28, %dma_wait3A_347] : memref<10000x128xf32, #tpu.memory_space<vmem_shared>> -> memref<80x128xf32, #tpu.memory_space<vmem_shared>>
      %dma_wait3A_349 = arith.constant 0 : i32
      %dma_wait3A_350 = tpu.memref_slice %arg11[%add3A_28, %dma_wait3A_349] : memref<10000x128xf32, #tpu.memory_space<vmem_shared>> -> memref<80x128xf32, #tpu.memory_space<vmem_shared>>
      %dma_wait3A_351 = arith.constant 0 : i32
      %dma_wait3A_352 = arith.constant 0 : i32
      %dma_wait3A_353 = tpu.memref_slice %arg10[%run_scoped3A_29, %dma_wait3A_351, %dma_wait3A_352] : memref<4x80x128xf32, #tpu.memory_space<vmem>> -> memref<1x80x128xf32, #tpu.memory_space<vmem>>
      %dma_wait3A_354 = tpu.memref_squeeze %dma_wait3A_353 : memref<1x80x128xf32, #tpu.memory_space<vmem>> -> memref<80x128xf32, #tpu.memory_space<vmem>>
      tpu.wait_dma2 semaphore(%run_scoped3A_330 : memref<!tpu.dma_semaphore, #tpu.memory_space<semaphore_mem>>) src(%dma_wait3A_354 : memref<80x128xf32, #tpu.memory_space<vmem>>) dst(%dma_wait3A_350 : memref<80x128xf32, #tpu.memory_space<vmem_shared>>)
      tpu.yield
    }) : () -> ()
    %add3A_30 = arith.constant 480 : i32
    %add3A_31 = arith.addi %mul3A_12, %add3A_30 : i32
    %run_scoped3A_32 = arith.constant 0 : i32
    "tpu.region"() ({
      %run_scoped3A_330 = tpu.sem_alloc : memref<!tpu.dma_semaphore, #tpu.memory_space<semaphore_mem>>
      %dma_start3A_331 = arith.constant 0 : i32
      %dma_start3A_332 = arith.constant 0 : i32
      %dma_start3A_333 = tpu.memref_slice %arg10[%run_scoped3A_32, %dma_start3A_331, %dma_start3A_332] : memref<4x80x128xf32, #tpu.memory_space<vmem>> -> memref<1x80x128xf32, #tpu.memory_space<vmem>>
      %dma_start3A_334 = tpu.memref_squeeze %dma_start3A_333 : memref<1x80x128xf32, #tpu.memory_space<vmem>> -> memref<80x128xf32, #tpu.memory_space<vmem>>
      %dma_start3A_335 = arith.constant 0 : i32
      %dma_start3A_336 = tpu.memref_slice %arg11[%add3A_31, %dma_start3A_335] : memref<10000x128xf32, #tpu.memory_space<vmem_shared>> -> memref<80x128xf32, #tpu.memory_space<vmem_shared>>
      %dma_start3A_337 = arith.constant 0 : i32
      %dma_start3A_338 = tpu.memref_slice %arg11[%add3A_31, %dma_start3A_337] : memref<10000x128xf32, #tpu.memory_space<vmem_shared>> -> memref<80x128xf32, #tpu.memory_space<vmem_shared>>
      %dma_start3A_339 = arith.constant 0 : i32
      %dma_start3A_340 = arith.constant 0 : i32
      %dma_start3A_341 = tpu.memref_slice %arg10[%run_scoped3A_32, %dma_start3A_339, %dma_start3A_340] : memref<4x80x128xf32, #tpu.memory_space<vmem>> -> memref<1x80x128xf32, #tpu.memory_space<vmem>>
      %dma_start3A_342 = tpu.memref_squeeze %dma_start3A_341 : memref<1x80x128xf32, #tpu.memory_space<vmem>> -> memref<80x128xf32, #tpu.memory_space<vmem>>
      tpu.enqueue_dma source(%dma_start3A_342 : memref<80x128xf32, #tpu.memory_space<vmem>>) target(%dma_start3A_338 : memref<80x128xf32, #tpu.memory_space<vmem_shared>>) target_semaphore(%run_scoped3A_330 : memref<!tpu.dma_semaphore, #tpu.memory_space<semaphore_mem>>)
      %dma_wait3A_343 = arith.constant 0 : i32
      %dma_wait3A_344 = arith.constant 0 : i32
      %dma_wait3A_345 = tpu.memref_slice %arg10[%run_scoped3A_32, %dma_wait3A_343, %dma_wait3A_344] : memref<4x80x128xf32, #tpu.memory_space<vmem>> -> memref<1x80x128xf32, #tpu.memory_space<vmem>>
      %dma_wait3A_346 = tpu.memref_squeeze %dma_wait3A_345 : memref<1x80x128xf32, #tpu.memory_space<vmem>> -> memref<80x128xf32, #tpu.memory_space<vmem>>
      %dma_wait3A_347 = arith.constant 0 : i32
      %dma_wait3A_348 = tpu.memref_slice %arg11[%add3A_31, %dma_wait3A_347] : memref<10000x128xf32, #tpu.memory_space<vmem_shared>> -> memref<80x128xf32, #tpu.memory_space<vmem_shared>>
      %dma_wait3A_349 = arith.constant 0 : i32
      %dma_wait3A_350 = tpu.memref_slice %arg11[%add3A_31, %dma_wait3A_349] : memref<10000x128xf32, #tpu.memory_space<vmem_shared>> -> memref<80x128xf32, #tpu.memory_space<vmem_shared>>
      %dma_wait3A_351 = arith.constant 0 : i32
      %dma_wait3A_352 = arith.constant 0 : i32
      %dma_wait3A_353 = tpu.memref_slice %arg10[%run_scoped3A_32, %dma_wait3A_351, %dma_wait3A_352] : memref<4x80x128xf32, #tpu.memory_space<vmem>> -> memref<1x80x128xf32, #tpu.memory_space<vmem>>
      %dma_wait3A_354 = tpu.memref_squeeze %dma_wait3A_353 : memref<1x80x128xf32, #tpu.memory_space<vmem>> -> memref<80x128xf32, #tpu.memory_space<vmem>>
      tpu.wait_dma2 semaphore(%run_scoped3A_330 : memref<!tpu.dma_semaphore, #tpu.memory_space<semaphore_mem>>) src(%dma_wait3A_354 : memref<80x128xf32, #tpu.memory_space<vmem>>) dst(%dma_wait3A_350 : memref<80x128xf32, #tpu.memory_space<vmem_shared>>)
      tpu.yield
    }) : () -> ()
    %add3A_33 = arith.constant 560 : i32
    %add3A_34 = arith.addi %mul3A_12, %add3A_33 : i32
    %run_scoped3A_35 = arith.constant 0 : i32
    "tpu.region"() ({
      %run_scoped3A_330 = tpu.sem_alloc : memref<!tpu.dma_semaphore, #tpu.memory_space<semaphore_mem>>
      %dma_start3A_331 = arith.constant 0 : i32
      %dma_start3A_332 = arith.constant 0 : i32
      %dma_start3A_333 = tpu.memref_slice %arg10[%run_scoped3A_35, %dma_start3A_331, %dma_start3A_332] : memref<4x80x128xf32, #tpu.memory_space<vmem>> -> memref<1x80x128xf32, #tpu.memory_space<vmem>>
      %dma_start3A_334 = tpu.memref_squeeze %dma_start3A_333 : memref<1x80x128xf32, #tpu.memory_space<vmem>> -> memref<80x128xf32, #tpu.memory_space<vmem>>
      %dma_start3A_335 = arith.constant 0 : i32
      %dma_start3A_336 = arith.constant 0 : i32
      %dma_start3A_337 = tpu.memref_slice %dma_start3A_334[%dma_start3A_335, %dma_start3A_336] : memref<80x128xf32, #tpu.memory_space<vmem>> -> memref<65x128xf32, #tpu.memory_space<vmem>>
      %dma_start3A_338 = arith.constant 0 : i32
      %dma_start3A_339 = tpu.memref_slice %arg11[%add3A_34, %dma_start3A_338] : memref<10000x128xf32, #tpu.memory_space<vmem_shared>> -> memref<65x128xf32, #tpu.memory_space<vmem_shared>>
      %dma_start3A_340 = arith.constant 0 : i32
      %dma_start3A_341 = tpu.memref_slice %arg11[%add3A_34, %dma_start3A_340] : memref<10000x128xf32, #tpu.memory_space<vmem_shared>> -> memref<65x128xf32, #tpu.memory_space<vmem_shared>>
      %dma_start3A_342 = arith.constant 0 : i32
      %dma_start3A_343 = arith.constant 0 : i32
      %dma_start3A_344 = tpu.memref_slice %arg10[%run_scoped3A_35, %dma_start3A_342, %dma_start3A_343] : memref<4x80x128xf32, #tpu.memory_space<vmem>> -> memref<1x80x128xf32, #tpu.memory_space<vmem>>
      %dma_start3A_345 = tpu.memref_squeeze %dma_start3A_344 : memref<1x80x128xf32, #tpu.memory_space<vmem>> -> memref<80x128xf32, #tpu.memory_space<vmem>>
      %dma_start3A_346 = arith.constant 0 : i32
      %dma_start3A_347 = arith.constant 0 : i32
      %dma_start3A_348 = tpu.memref_slice %dma_start3A_345[%dma_start3A_346, %dma_start3A_347] : memref<80x128xf32, #tpu.memory_space<vmem>> -> memref<65x128xf32, #tpu.memory_space<vmem>>
      tpu.enqueue_dma source(%dma_start3A_348 : memref<65x128xf32, #tpu.memory_space<vmem>>) target(%dma_start3A_341 : memref<65x128xf32, #tpu.memory_space<vmem_shared>>) target_semaphore(%run_scoped3A_330 : memref<!tpu.dma_semaphore, #tpu.memory_space<semaphore_mem>>)
      %dma_wait3A_349 = arith.constant 0 : i32
      %dma_wait3A_350 = arith.constant 0 : i32
      %dma_wait3A_351 = tpu.memref_slice %arg10[%run_scoped3A_35, %dma_wait3A_349, %dma_wait3A_350] : memref<4x80x128xf32, #tpu.memory_space<vmem>> -> memref<1x80x128xf32, #tpu.memory_space<vmem>>
      %dma_wait3A_352 = tpu.memref_squeeze %dma_wait3A_351 : memref<1x80x128xf32, #tpu.memory_space<vmem>> -> memref<80x128xf32, #tpu.memory_space<vmem>>
      %dma_wait3A_353 = arith.constant 0 : i32
      %dma_wait3A_354 = arith.constant 0 : i32
      %dma_wait3A_355 = tpu.memref_slice %dma_wait3A_352[%dma_wait3A_353, %dma_wait3A_354] : memref<80x128xf32, #tpu.memory_space<vmem>> -> memref<65x128xf32, #tpu.memory_space<vmem>>
      %dma_wait3A_356 = arith.constant 0 : i32
      %dma_wait3A_357 = tpu.memref_slice %arg11[%add3A_34, %dma_wait3A_356] : memref<10000x128xf32, #tpu.memory_space<vmem_shared>> -> memref<65x128xf32, #tpu.memory_space<vmem_shared>>
      %dma_wait3A_358 = arith.constant 0 : i32
      %dma_wait3A_359 = tpu.memref_slice %arg11[%add3A_34, %dma_wait3A_358] : memref<10000x128xf32, #tpu.memory_space<vmem_shared>> -> memref<65x128xf32, #tpu.memory_space<vmem_shared>>
      %dma_wait3A_360 = arith.constant 0 : i32
      %dma_wait3A_361 = arith.constant 0 : i32
      %dma_wait3A_362 = tpu.memref_slice %arg10[%run_scoped3A_35, %dma_wait3A_360, %dma_wait3A_361] : memref<4x80x128xf32, #tpu.memory_space<vmem>> -> memref<1x80x128xf32, #tpu.memory_space<vmem>>
      %dma_wait3A_363 = tpu.memref_squeeze %dma_wait3A_362 : memref<1x80x128xf32, #tpu.memory_space<vmem>> -> memref<80x128xf32, #tpu.memory_space<vmem>>
      %dma_wait3A_364 = arith.constant 0 : i32
      %dma_wait3A_365 = arith.constant 0 : i32
      %dma_wait3A_366 = tpu.memref_slice %dma_wait3A_363[%dma_wait3A_364, %dma_wait3A_365] : memref<80x128xf32, #tpu.memory_space<vmem>> -> memref<65x128xf32, #tpu.memory_space<vmem>>
      tpu.wait_dma2 semaphore(%run_scoped3A_330 : memref<!tpu.dma_semaphore, #tpu.memory_space<semaphore_mem>>) src(%dma_wait3A_366 : memref<65x128xf32, #tpu.memory_space<vmem>>) dst(%dma_wait3A_359 : memref<65x128xf32, #tpu.memory_space<vmem_shared>>)
      tpu.yield
    }) : () -> ()
    %barrier3A = arith.constant 0 : index
    tpu.barrier barrier_id(%barrier3A)
    "tpu.region"() ({
      %run_scoped3A_330 = tpu.sem_alloc : memref<!tpu.dma_semaphore, #tpu.memory_space<semaphore_mem>>
      %dma_start3A_331 = arith.constant 0 : i32
      %dma_start3A_332 = arith.constant 0 : i32
      %dma_start3A_333 = tpu.memref_slice %arg2[%add3A, %dma_start3A_331, %dma_start3A_332] : memref<32x125x80xi32, #tpu.memory_space<hbm>> -> memref<1x125x80xi32, #tpu.memory_space<hbm>>
      %dma_start3A_334 = tpu.memref_squeeze %dma_start3A_333 : memref<1x125x80xi32, #tpu.memory_space<hbm>> -> memref<125x80xi32, #tpu.memory_space<hbm>>
      %dma_start3A_335 = arith.constant 0 : i32
      %dma_start3A_336 = arith.constant 0 : i32
      %dma_start3A_337 = tpu.memref_slice %dma_start3A_334[%dma_start3A_335, %dma_start3A_336] : memref<125x80xi32, #tpu.memory_space<hbm>> -> memref<25x80xi32, #tpu.memory_space<hbm>>
      %dma_start3A_338 = arith.constant 0 : i32
      %dma_start3A_339 = arith.constant 0 : i32
      %dma_start3A_340 = tpu.memref_slice %arg2[%add3A, %dma_start3A_338, %dma_start3A_339] : memref<32x125x80xi32, #tpu.memory_space<hbm>> -> memref<1x125x80xi32, #tpu.memory_space<hbm>>
      %dma_start3A_341 = tpu.memref_squeeze %dma_start3A_340 : memref<1x125x80xi32, #tpu.memory_space<hbm>> -> memref<125x80xi32, #tpu.memory_space<hbm>>
      %dma_start3A_342 = arith.constant 0 : i32
      %dma_start3A_343 = arith.constant 0 : i32
      %dma_start3A_344 = tpu.memref_slice %dma_start3A_341[%dma_start3A_342, %dma_start3A_343] : memref<125x80xi32, #tpu.memory_space<hbm>> -> memref<25x80xi32, #tpu.memory_space<hbm>>
      tpu.enqueue_dma source(%dma_start3A_344 : memref<25x80xi32, #tpu.memory_space<hbm>>) target(%arg7 : memref<25x80xi32, #tpu.memory_space<vmem>>) target_semaphore(%run_scoped3A_330 : memref<!tpu.dma_semaphore, #tpu.memory_space<semaphore_mem>>)
      %dma_wait3A_345 = arith.constant 0 : i32
      %dma_wait3A_346 = arith.constant 0 : i32
      %dma_wait3A_347 = tpu.memref_slice %arg2[%add3A, %dma_wait3A_345, %dma_wait3A_346] : memref<32x125x80xi32, #tpu.memory_space<hbm>> -> memref<1x125x80xi32, #tpu.memory_space<hbm>>
      %dma_wait3A_348 = tpu.memref_squeeze %dma_wait3A_347 : memref<1x125x80xi32, #tpu.memory_space<hbm>> -> memref<125x80xi32, #tpu.memory_space<hbm>>
      %dma_wait3A_349 = arith.constant 0 : i32
      %dma_wait3A_350 = arith.constant 0 : i32
      %dma_wait3A_351 = tpu.memref_slice %dma_wait3A_348[%dma_wait3A_349, %dma_wait3A_350] : memref<125x80xi32, #tpu.memory_space<hbm>> -> memref<25x80xi32, #tpu.memory_space<hbm>>
      %dma_wait3A_352 = arith.constant 0 : i32
      %dma_wait3A_353 = arith.constant 0 : i32
      %dma_wait3A_354 = tpu.memref_slice %arg2[%add3A, %dma_wait3A_352, %dma_wait3A_353] : memref<32x125x80xi32, #tpu.memory_space<hbm>> -> memref<1x125x80xi32, #tpu.memory_space<hbm>>
      %dma_wait3A_355 = tpu.memref_squeeze %dma_wait3A_354 : memref<1x125x80xi32, #tpu.memory_space<hbm>> -> memref<125x80xi32, #tpu.memory_space<hbm>>
      %dma_wait3A_356 = arith.constant 0 : i32
      %dma_wait3A_357 = arith.constant 0 : i32
      %dma_wait3A_358 = tpu.memref_slice %dma_wait3A_355[%dma_wait3A_356, %dma_wait3A_357] : memref<125x80xi32, #tpu.memory_space<hbm>> -> memref<25x80xi32, #tpu.memory_space<hbm>>
      tpu.wait_dma2 semaphore(%run_scoped3A_330 : memref<!tpu.dma_semaphore, #tpu.memory_space<semaphore_mem>>) src(%dma_wait3A_358 : memref<25x80xi32, #tpu.memory_space<hbm>>) dst(%arg7 : memref<25x80xi32, #tpu.memory_space<vmem>>)
      tpu.yield
    }) : () -> ()
    "tpu.region"() ({
      %run_scoped3A_330 = tpu.sem_alloc : memref<!tpu.dma_semaphore, #tpu.memory_space<semaphore_mem>>
      %dma_start3A_331 = arith.constant 0 : i32
      %dma_start3A_332 = arith.constant 0 : i32
      %dma_start3A_333 = tpu.memref_slice %arg3[%add3A, %dma_start3A_331, %dma_start3A_332] : memref<32x125x80xi32, #tpu.memory_space<hbm>> -> memref<1x125x80xi32, #tpu.memory_space<hbm>>
      %dma_start3A_334 = tpu.memref_squeeze %dma_start3A_333 : memref<1x125x80xi32, #tpu.memory_space<hbm>> -> memref<125x80xi32, #tpu.memory_space<hbm>>
      %dma_start3A_335 = arith.constant 0 : i32
      %dma_start3A_336 = arith.constant 0 : i32
      %dma_start3A_337 = tpu.memref_slice %dma_start3A_334[%dma_start3A_335, %dma_start3A_336] : memref<125x80xi32, #tpu.memory_space<hbm>> -> memref<25x80xi32, #tpu.memory_space<hbm>>
      %dma_start3A_338 = arith.constant 0 : i32
      %dma_start3A_339 = arith.constant 0 : i32
      %dma_start3A_340 = tpu.memref_slice %arg3[%add3A, %dma_start3A_338, %dma_start3A_339] : memref<32x125x80xi32, #tpu.memory_space<hbm>> -> memref<1x125x80xi32, #tpu.memory_space<hbm>>
      %dma_start3A_341 = tpu.memref_squeeze %dma_start3A_340 : memref<1x125x80xi32, #tpu.memory_space<hbm>> -> memref<125x80xi32, #tpu.memory_space<hbm>>
      %dma_start3A_342 = arith.constant 0 : i32
      %dma_start3A_343 = arith.constant 0 : i32
      %dma_start3A_344 = tpu.memref_slice %dma_start3A_341[%dma_start3A_342, %dma_start3A_343] : memref<125x80xi32, #tpu.memory_space<hbm>> -> memref<25x80xi32, #tpu.memory_space<hbm>>
      tpu.enqueue_dma source(%dma_start3A_344 : memref<25x80xi32, #tpu.memory_space<hbm>>) target(%arg8 : memref<25x80xi32, #tpu.memory_space<vmem>>) target_semaphore(%run_scoped3A_330 : memref<!tpu.dma_semaphore, #tpu.memory_space<semaphore_mem>>)
      %dma_wait3A_345 = arith.constant 0 : i32
      %dma_wait3A_346 = arith.constant 0 : i32
      %dma_wait3A_347 = tpu.memref_slice %arg3[%add3A, %dma_wait3A_345, %dma_wait3A_346] : memref<32x125x80xi32, #tpu.memory_space<hbm>> -> memref<1x125x80xi32, #tpu.memory_space<hbm>>
      %dma_wait3A_348 = tpu.memref_squeeze %dma_wait3A_347 : memref<1x125x80xi32, #tpu.memory_space<hbm>> -> memref<125x80xi32, #tpu.memory_space<hbm>>
      %dma_wait3A_349 = arith.constant 0 : i32
      %dma_wait3A_350 = arith.constant 0 : i32
      %dma_wait3A_351 = tpu.memref_slice %dma_wait3A_348[%dma_wait3A_349, %dma_wait3A_350] : memref<125x80xi32, #tpu.memory_space<hbm>> -> memref<25x80xi32, #tpu.memory_space<hbm>>
      %dma_wait3A_352 = arith.constant 0 : i32
      %dma_wait3A_353 = arith.constant 0 : i32
      %dma_wait3A_354 = tpu.memref_slice %arg3[%add3A, %dma_wait3A_352, %dma_wait3A_353] : memref<32x125x80xi32, #tpu.memory_space<hbm>> -> memref<1x125x80xi32, #tpu.memory_space<hbm>>
      %dma_wait3A_355 = tpu.memref_squeeze %dma_wait3A_354 : memref<1x125x80xi32, #tpu.memory_space<hbm>> -> memref<125x80xi32, #tpu.memory_space<hbm>>
      %dma_wait3A_356 = arith.constant 0 : i32
      %dma_wait3A_357 = arith.constant 0 : i32
      %dma_wait3A_358 = tpu.memref_slice %dma_wait3A_355[%dma_wait3A_356, %dma_wait3A_357] : memref<125x80xi32, #tpu.memory_space<hbm>> -> memref<25x80xi32, #tpu.memory_space<hbm>>
      tpu.wait_dma2 semaphore(%run_scoped3A_330 : memref<!tpu.dma_semaphore, #tpu.memory_space<semaphore_mem>>) src(%dma_wait3A_358 : memref<25x80xi32, #tpu.memory_space<hbm>>) dst(%arg8 : memref<25x80xi32, #tpu.memory_space<vmem>>)
      tpu.yield
    }) : () -> ()
    "tpu.region"() ({
      %run_scoped3A_330 = tpu.sem_alloc : memref<!tpu.dma_semaphore, #tpu.memory_space<semaphore_mem>>
      %dma_start3A_331 = arith.constant 0 : i32
      %dma_start3A_332 = arith.constant 0 : i32
      %dma_start3A_333 = tpu.memref_slice %arg4[%add3A, %dma_start3A_331, %dma_start3A_332] : memref<32x125x80xf32, #tpu.memory_space<hbm>> -> memref<1x125x80xf32, #tpu.memory_space<hbm>>
      %dma_start3A_334 = tpu.memref_squeeze %dma_start3A_333 : memref<1x125x80xf32, #tpu.memory_space<hbm>> -> memref<125x80xf32, #tpu.memory_space<hbm>>
      %dma_start3A_335 = arith.constant 0 : i32
      %dma_start3A_336 = arith.constant 0 : i32
      %dma_start3A_337 = tpu.memref_slice %dma_start3A_334[%dma_start3A_335, %dma_start3A_336] : memref<125x80xf32, #tpu.memory_space<hbm>> -> memref<25x80xf32, #tpu.memory_space<hbm>>
      %dma_start3A_338 = arith.constant 0 : i32
      %dma_start3A_339 = arith.constant 0 : i32
      %dma_start3A_340 = tpu.memref_slice %arg4[%add3A, %dma_start3A_338, %dma_start3A_339] : memref<32x125x80xf32, #tpu.memory_space<hbm>> -> memref<1x125x80xf32, #tpu.memory_space<hbm>>
      %dma_start3A_341 = tpu.memref_squeeze %dma_start3A_340 : memref<1x125x80xf32, #tpu.memory_space<hbm>> -> memref<125x80xf32, #tpu.memory_space<hbm>>
      %dma_start3A_342 = arith.constant 0 : i32
      %dma_start3A_343 = arith.constant 0 : i32
      %dma_start3A_344 = tpu.memref_slice %dma_start3A_341[%dma_start3A_342, %dma_start3A_343] : memref<125x80xf32, #tpu.memory_space<hbm>> -> memref<25x80xf32, #tpu.memory_space<hbm>>
      tpu.enqueue_dma source(%dma_start3A_344 : memref<25x80xf32, #tpu.memory_space<hbm>>) target(%arg9 : memref<25x80xf32, #tpu.memory_space<vmem>>) target_semaphore(%run_scoped3A_330 : memref<!tpu.dma_semaphore, #tpu.memory_space<semaphore_mem>>)
      %dma_wait3A_345 = arith.constant 0 : i32
      %dma_wait3A_346 = arith.constant 0 : i32
      %dma_wait3A_347 = tpu.memref_slice %arg4[%add3A, %dma_wait3A_345, %dma_wait3A_346] : memref<32x125x80xf32, #tpu.memory_space<hbm>> -> memref<1x125x80xf32, #tpu.memory_space<hbm>>
      %dma_wait3A_348 = tpu.memref_squeeze %dma_wait3A_347 : memref<1x125x80xf32, #tpu.memory_space<hbm>> -> memref<125x80xf32, #tpu.memory_space<hbm>>
      %dma_wait3A_349 = arith.constant 0 : i32
      %dma_wait3A_350 = arith.constant 0 : i32
      %dma_wait3A_351 = tpu.memref_slice %dma_wait3A_348[%dma_wait3A_349, %dma_wait3A_350] : memref<125x80xf32, #tpu.memory_space<hbm>> -> memref<25x80xf32, #tpu.memory_space<hbm>>
      %dma_wait3A_352 = arith.constant 0 : i32
      %dma_wait3A_353 = arith.constant 0 : i32
      %dma_wait3A_354 = tpu.memref_slice %arg4[%add3A, %dma_wait3A_352, %dma_wait3A_353] : memref<32x125x80xf32, #tpu.memory_space<hbm>> -> memref<1x125x80xf32, #tpu.memory_space<hbm>>
      %dma_wait3A_355 = tpu.memref_squeeze %dma_wait3A_354 : memref<1x125x80xf32, #tpu.memory_space<hbm>> -> memref<125x80xf32, #tpu.memory_space<hbm>>
      %dma_wait3A_356 = arith.constant 0 : i32
      %dma_wait3A_357 = arith.constant 0 : i32
      %dma_wait3A_358 = tpu.memref_slice %dma_wait3A_355[%dma_wait3A_356, %dma_wait3A_357] : memref<125x80xf32, #tpu.memory_space<hbm>> -> memref<25x80xf32, #tpu.memory_space<hbm>>
      tpu.wait_dma2 semaphore(%run_scoped3A_330 : memref<!tpu.dma_semaphore, #tpu.memory_space<semaphore_mem>>) src(%dma_wait3A_358 : memref<25x80xf32, #tpu.memory_space<hbm>>) dst(%arg9 : memref<25x80xf32, #tpu.memory_space<vmem>>)
      tpu.yield
    }) : () -> ()
    %dma_start3A = arith.constant 0 : i32
    %dma_start3A_36 = arith.constant 0 : i32
    %dma_start3A_37 = arith.constant 0 : i32
    %dma_start3A_38 = arith.constant 0 : i32
    %dma_start3A_39 = tpu.memref_slice %arg10[%dma_start3A_36, %dma_start3A_37, %dma_start3A_38] : memref<4x80x128xf32, #tpu.memory_space<vmem>> -> memref<1x80x128xf32, #tpu.memory_space<vmem>>
    %dma_start3A_40 = tpu.memref_squeeze %dma_start3A_39 : memref<1x80x128xf32, #tpu.memory_space<vmem>> -> memref<80x128xf32, #tpu.memory_space<vmem>>
    %dma_start3A_41 = arith.constant 0 : i32
    %dma_start3A_42 = tpu.memref_slice %arg7[%dma_start3A, %dma_start3A_41] : memref<25x80xi32, #tpu.memory_space<vmem>> -> memref<1x80xi32, #tpu.memory_space<vmem>>
    %dma_start3A_43 = tpu.memref_squeeze %dma_start3A_42 : memref<1x80xi32, #tpu.memory_space<vmem>> -> memref<80xi32, #tpu.memory_space<vmem>>
    %dma_start3A_44 = arith.constant 0 : i32
    %dma_start3A_45 = arith.constant 0 : i32
    %dma_start3A_46 = tpu.memref_slice %arg5[%dma_start3A_44, %dma_start3A_45] : memref<10000x128xf32, #tpu.memory_space<hbm>> -> memref<10000x128xf32, #tpu.memory_space<hbm>>
    tpu.enqueue_indirect_dma source(%dma_start3A_46 : memref<10000x128xf32, #tpu.memory_space<hbm>>) target(%dma_start3A_40 : memref<80x128xf32, #tpu.memory_space<vmem>>) offsets(%dma_start3A_43 : memref<80xi32, #tpu.memory_space<vmem>>) semaphore(%arg12 : memref<!tpu.dma_semaphore, #tpu.memory_space<semaphore_mem>>)
    %dma_start3A_47 = arith.constant 1 : i32
    %dma_start3A_48 = arith.constant 1 : i32
    %dma_start3A_49 = arith.constant 0 : i32
    %dma_start3A_50 = arith.constant 0 : i32
    %dma_start3A_51 = tpu.memref_slice %arg10[%dma_start3A_48, %dma_start3A_49, %dma_start3A_50] : memref<4x80x128xf32, #tpu.memory_space<vmem>> -> memref<1x80x128xf32, #tpu.memory_space<vmem>>
    %dma_start3A_52 = tpu.memref_squeeze %dma_start3A_51 : memref<1x80x128xf32, #tpu.memory_space<vmem>> -> memref<80x128xf32, #tpu.memory_space<vmem>>
    %dma_start3A_53 = arith.constant 0 : i32
    %dma_start3A_54 = tpu.memref_slice %arg7[%dma_start3A_47, %dma_start3A_53] : memref<25x80xi32, #tpu.memory_space<vmem>> -> memref<1x80xi32, #tpu.memory_space<vmem>>
    %dma_start3A_55 = tpu.memref_squeeze %dma_start3A_54 : memref<1x80xi32, #tpu.memory_space<vmem>> -> memref<80xi32, #tpu.memory_space<vmem>>
    %dma_start3A_56 = arith.constant 0 : i32
    %dma_start3A_57 = arith.constant 0 : i32
    %dma_start3A_58 = tpu.memref_slice %arg5[%dma_start3A_56, %dma_start3A_57] : memref<10000x128xf32, #tpu.memory_space<hbm>> -> memref<10000x128xf32, #tpu.memory_space<hbm>>
    tpu.enqueue_indirect_dma source(%dma_start3A_58 : memref<10000x128xf32, #tpu.memory_space<hbm>>) target(%dma_start3A_52 : memref<80x128xf32, #tpu.memory_space<vmem>>) offsets(%dma_start3A_55 : memref<80xi32, #tpu.memory_space<vmem>>) semaphore(%arg12 : memref<!tpu.dma_semaphore, #tpu.memory_space<semaphore_mem>>)
    %scan3A_59 = arith.constant 0 : i32
    %scan3A_60 = arith.constant 25 : i32
    %scan3A_61 = arith.addi %scan3A_59, %scan3A_60 : i32
    %scan3A_62 = arith.constant 1 : i32
    scf.for %scan3A_330 = %scan3A_59 to %scan3A_61 step %scan3A_62  : i32 {
      %mul3A_331 = arith.constant 1 : i32
      %mul3A_332 = arith.muli %scan3A_330, %mul3A_331 : i32
      %add3A_333 = arith.constant 0 : i32
      %add3A_334 = arith.addi %add3A_333, %mul3A_332 : i32
      %and3A = arith.constant 3 : i32
      %and3A_335 = arith.andi %add3A_334, %and3A : i32
      %dma_wait3A_336 = arith.constant 0 : i32
      %dma_wait3A_337 = arith.constant 0 : i32
      %dma_wait3A_338 = arith.constant 0 : i32
      %dma_wait3A_339 = tpu.memref_slice %arg10[%dma_wait3A_336, %dma_wait3A_337, %dma_wait3A_338] : memref<4x80x128xf32, #tpu.memory_space<vmem>> -> memref<1x80x128xf32, #tpu.memory_space<vmem>>
      %dma_wait3A_340 = tpu.memref_squeeze %dma_wait3A_339 : memref<1x80x128xf32, #tpu.memory_space<vmem>> -> memref<80x128xf32, #tpu.memory_space<vmem>>
      %dma_wait3A_341 = arith.constant 0 : i32
      %dma_wait3A_342 = arith.constant 0 : i32
      %dma_wait3A_343 = tpu.memref_slice %arg5[%dma_wait3A_341, %dma_wait3A_342] : memref<10000x128xf32, #tpu.memory_space<hbm>> -> memref<80x128xf32, #tpu.memory_space<hbm>>
      %dma_wait3A_344 = arith.constant 0 : i32
      %dma_wait3A_345 = arith.constant 0 : i32
      %dma_wait3A_346 = tpu.memref_slice %arg10[%dma_wait3A_336, %dma_wait3A_344, %dma_wait3A_345] : memref<4x80x128xf32, #tpu.memory_space<vmem>> -> memref<1x80x128xf32, #tpu.memory_space<vmem>>
      %dma_wait3A_347 = tpu.memref_squeeze %dma_wait3A_346 : memref<1x80x128xf32, #tpu.memory_space<vmem>> -> memref<80x128xf32, #tpu.memory_space<vmem>>
      %dma_wait3A_348 = arith.constant 0 : i32
      %dma_wait3A_349 = arith.constant 0 : i32
      %dma_wait3A_350 = tpu.memref_slice %arg5[%dma_wait3A_348, %dma_wait3A_349] : memref<10000x128xf32, #tpu.memory_space<hbm>> -> memref<80x128xf32, #tpu.memory_space<hbm>>
      tpu.wait_dma2 semaphore(%arg12 : memref<!tpu.dma_semaphore, #tpu.memory_space<semaphore_mem>>) src(%dma_wait3A_350 : memref<80x128xf32, #tpu.memory_space<hbm>>) dst(%dma_wait3A_347 : memref<80x128xf32, #tpu.memory_space<vmem>>)
      %ge3A = arith.constant 2 : i32
      %ge3A_351 = arith.cmpi sge, %add3A_334, %ge3A : i32
      %convert_element_type3A = arith.extui %ge3A_351 : i1 to i32
      %cond3A = arith.constant 0 : i32
      %cond3A_352 = arith.cmpi ne, %convert_element_type3A, %cond3A : i32
      scf.if %cond3A_352 {
        %dma_wait3A_374 = arith.constant 0 : i32
        %dma_wait3A_375 = arith.constant 0 : i32
        %dma_wait3A_376 = arith.constant 0 : i32
        %dma_wait3A_377 = tpu.memref_slice %arg10[%dma_wait3A_374, %dma_wait3A_375, %dma_wait3A_376] : memref<4x80x128xf32, #tpu.memory_space<vmem>> -> memref<1x80x128xf32, #tpu.memory_space<vmem>>
        %dma_wait3A_378 = tpu.memref_squeeze %dma_wait3A_377 : memref<1x80x128xf32, #tpu.memory_space<vmem>> -> memref<80x128xf32, #tpu.memory_space<vmem>>
        %dma_wait3A_379 = arith.constant 0 : i32
        %dma_wait3A_380 = arith.constant 0 : i32
        %dma_wait3A_381 = tpu.memref_slice %arg5[%dma_wait3A_379, %dma_wait3A_380] : memref<10000x128xf32, #tpu.memory_space<hbm>> -> memref<80x128xf32, #tpu.memory_space<hbm>>
        %dma_wait3A_382 = arith.constant 0 : i32
        %dma_wait3A_383 = arith.constant 0 : i32
        %dma_wait3A_384 = tpu.memref_slice %arg10[%dma_wait3A_374, %dma_wait3A_382, %dma_wait3A_383] : memref<4x80x128xf32, #tpu.memory_space<vmem>> -> memref<1x80x128xf32, #tpu.memory_space<vmem>>
        %dma_wait3A_385 = tpu.memref_squeeze %dma_wait3A_384 : memref<1x80x128xf32, #tpu.memory_space<vmem>> -> memref<80x128xf32, #tpu.memory_space<vmem>>
        %dma_wait3A_386 = arith.constant 0 : i32
        %dma_wait3A_387 = arith.constant 0 : i32
        %dma_wait3A_388 = tpu.memref_slice %arg5[%dma_wait3A_386, %dma_wait3A_387] : memref<10000x128xf32, #tpu.memory_space<hbm>> -> memref<80x128xf32, #tpu.memory_space<hbm>>
        tpu.wait_dma2 semaphore(%arg13 : memref<!tpu.dma_semaphore, #tpu.memory_space<semaphore_mem>>) src(%dma_wait3A_388 : memref<80x128xf32, #tpu.memory_space<hbm>>) dst(%dma_wait3A_385 : memref<80x128xf32, #tpu.memory_space<vmem>>)
      } else {
      }
      %add3A_353 = arith.constant 2 : i32
      %add3A_354 = arith.addi %add3A_334, %add3A_353 : i32
      %lt3A = arith.constant 25 : i32
      %lt3A_355 = arith.cmpi slt, %add3A_354, %lt3A : i32
      %convert_element_type3A_356 = arith.extui %lt3A_355 : i1 to i32
      %cond3A_357 = arith.constant 0 : i32
      %cond3A_358 = arith.cmpi ne, %convert_element_type3A_356, %cond3A_357 : i32
      scf.if %cond3A_358 {
        %add3A_374 = arith.constant 2 : i32
        %add3A_375 = arith.addi %add3A_334, %add3A_374 : i32
        %add3A_376 = arith.constant 2 : i32
        %add3A_377 = arith.addi %add3A_334, %add3A_376 : i32
        %and3A_378 = arith.constant 3 : i32
        %and3A_379 = arith.andi %add3A_377, %and3A_378 : i32
        %dma_start3A_380 = arith.constant 0 : i32
        %dma_start3A_381 = arith.constant 0 : i32
        %dma_start3A_382 = tpu.memref_slice %arg10[%and3A_379, %dma_start3A_380, %dma_start3A_381] : memref<4x80x128xf32, #tpu.memory_space<vmem>> -> memref<1x80x128xf32, #tpu.memory_space<vmem>>
        %dma_start3A_383 = tpu.memref_squeeze %dma_start3A_382 : memref<1x80x128xf32, #tpu.memory_space<vmem>> -> memref<80x128xf32, #tpu.memory_space<vmem>>
        %dma_start3A_384 = arith.constant 0 : i32
        %dma_start3A_385 = tpu.memref_slice %arg7[%add3A_375, %dma_start3A_384] : memref<25x80xi32, #tpu.memory_space<vmem>> -> memref<1x80xi32, #tpu.memory_space<vmem>>
        %dma_start3A_386 = tpu.memref_squeeze %dma_start3A_385 : memref<1x80xi32, #tpu.memory_space<vmem>> -> memref<80xi32, #tpu.memory_space<vmem>>
        %dma_start3A_387 = arith.constant 0 : i32
        %dma_start3A_388 = arith.constant 0 : i32
        %dma_start3A_389 = tpu.memref_slice %arg5[%dma_start3A_387, %dma_start3A_388] : memref<10000x128xf32, #tpu.memory_space<hbm>> -> memref<10000x128xf32, #tpu.memory_space<hbm>>
        tpu.enqueue_indirect_dma source(%dma_start3A_389 : memref<10000x128xf32, #tpu.memory_space<hbm>>) target(%dma_start3A_383 : memref<80x128xf32, #tpu.memory_space<vmem>>) offsets(%dma_start3A_386 : memref<80xi32, #tpu.memory_space<vmem>>) semaphore(%arg12 : memref<!tpu.dma_semaphore, #tpu.memory_space<semaphore_mem>>)
      } else {
      }
      %scan3A_359 = arith.constant 0 : i32
      %scan3A_360 = arith.constant 80 : i32
      %scan3A_361 = arith.addi %scan3A_359, %scan3A_360 : i32
      %scan3A_362 = arith.constant 4 : i32
      scf.for %scan3A_374 = %scan3A_359 to %scan3A_361 step %scan3A_362  : i32 {
        %mul3A_375 = arith.constant 1 : i32
        %mul3A_376 = arith.muli %scan3A_374, %mul3A_375 : i32
        %add3A_377 = arith.constant 0 : i32
        %add3A_378 = arith.addi %add3A_377, %mul3A_376 : i32
        %broadcast_in_dim3A_379 = vector.broadcast %add3A_334 : i32 to vector<16xi32>
        %broadcast_in_dim3A_380 = vector.broadcast %add3A_378 : i32 to vector<16xi32>
        %gather3A = tpu.vector_load_idx %arg9[%broadcast_in_dim3A_379, %broadcast_in_dim3A_380] : memref<25x80xf32, #tpu.memory_space<vmem>>[vector<16xi32>, vector<16xi32>], vector<16xf32>,
        %get3A = arith.index_cast %and3A_335 : i32 to index
        %get3A_381 = arith.index_cast %add3A_378 : i32 to index
        %get3A_382 = arith.constant 0 : index
        %get3A_383 = tpu.vector_load %arg10[%get3A, %get3A_381, %get3A_382] {strides = array<i32>} : memref<4x80x128xf32, #tpu.memory_space<vmem>>, vector<16xf32>,
        %mul3A_384 = arith.mulf %get3A_383, %gather3A : vector<16xf32>
        %swap3A = arith.index_cast %and3A_335 : i32 to index
        %swap3A_385 = arith.index_cast %add3A_378 : i32 to index
        %swap3A_386 = arith.constant 0 : index
        %swap3A_387 = tpu.vector_load %arg10[%swap3A, %swap3A_385, %swap3A_386] {strides = array<i32>} : memref<4x80x128xf32, #tpu.memory_space<vmem>>, vector<16xf32>,
        tpu.vector_store %arg10[%swap3A, %swap3A_385, %swap3A_386], %mul3A_384 {strides = array<i32>} : memref<4x80x128xf32, #tpu.memory_space<vmem>>, vector<16xf32>,
        %get3A_388 = arith.index_cast %and3A_335 : i32 to index
        %get3A_389 = arith.index_cast %add3A_378 : i32 to index
        %get3A_390 = arith.constant 16 : index
        %get3A_391 = tpu.vector_load %arg10[%get3A_388, %get3A_389, %get3A_390] {strides = array<i32>} : memref<4x80x128xf32, #tpu.memory_space<vmem>>, vector<16xf32>,
        %mul3A_392 = arith.mulf %get3A_391, %gather3A : vector<16xf32>
        %swap3A_393 = arith.index_cast %and3A_335 : i32 to index
        %swap3A_394 = arith.index_cast %add3A_378 : i32 to index
        %swap3A_395 = arith.constant 16 : index
        %swap3A_396 = tpu.vector_load %arg10[%swap3A_393, %swap3A_394, %swap3A_395] {strides = array<i32>} : memref<4x80x128xf32, #tpu.memory_space<vmem>>, vector<16xf32>,
        tpu.vector_store %arg10[%swap3A_393, %swap3A_394, %swap3A_395], %mul3A_392 {strides = array<i32>} : memref<4x80x128xf32, #tpu.memory_space<vmem>>, vector<16xf32>,
        %get3A_397 = arith.index_cast %and3A_335 : i32 to index
        %get3A_398 = arith.index_cast %add3A_378 : i32 to index
        %get3A_399 = arith.constant 32 : index
        %get3A_400 = tpu.vector_load %arg10[%get3A_397, %get3A_398, %get3A_399] {strides = array<i32>} : memref<4x80x128xf32, #tpu.memory_space<vmem>>, vector<16xf32>,
        %mul3A_401 = arith.mulf %get3A_400, %gather3A : vector<16xf32>
        %swap3A_402 = arith.index_cast %and3A_335 : i32 to index
        %swap3A_403 = arith.index_cast %add3A_378 : i32 to index
        %swap3A_404 = arith.constant 32 : index
        %swap3A_405 = tpu.vector_load %arg10[%swap3A_402, %swap3A_403, %swap3A_404] {strides = array<i32>} : memref<4x80x128xf32, #tpu.memory_space<vmem>>, vector<16xf32>,
        tpu.vector_store %arg10[%swap3A_402, %swap3A_403, %swap3A_404], %mul3A_401 {strides = array<i32>} : memref<4x80x128xf32, #tpu.memory_space<vmem>>, vector<16xf32>,
        %get3A_406 = arith.index_cast %and3A_335 : i32 to index
        %get3A_407 = arith.index_cast %add3A_378 : i32 to index
        %get3A_408 = arith.constant 48 : index
        %get3A_409 = tpu.vector_load %arg10[%get3A_406, %get3A_407, %get3A_408] {strides = array<i32>} : memref<4x80x128xf32, #tpu.memory_space<vmem>>, vector<16xf32>,
        %mul3A_410 = arith.mulf %get3A_409, %gather3A : vector<16xf32>
        %swap3A_411 = arith.index_cast %and3A_335 : i32 to index
        %swap3A_412 = arith.index_cast %add3A_378 : i32 to index
        %swap3A_413 = arith.constant 48 : index
        %swap3A_414 = tpu.vector_load %arg10[%swap3A_411, %swap3A_412, %swap3A_413] {strides = array<i32>} : memref<4x80x128xf32, #tpu.memory_space<vmem>>, vector<16xf32>,
        tpu.vector_store %arg10[%swap3A_411, %swap3A_412, %swap3A_413], %mul3A_410 {strides = array<i32>} : memref<4x80x128xf32, #tpu.memory_space<vmem>>, vector<16xf32>,
        %get3A_415 = arith.index_cast %and3A_335 : i32 to index
        %get3A_416 = arith.index_cast %add3A_378 : i32 to index
        %get3A_417 = arith.constant 64 : index
        %get3A_418 = tpu.vector_load %arg10[%get3A_415, %get3A_416, %get3A_417] {strides = array<i32>} : memref<4x80x128xf32, #tpu.memory_space<vmem>>, vector<16xf32>,
        %mul3A_419 = arith.mulf %get3A_418, %gather3A : vector<16xf32>
        %swap3A_420 = arith.index_cast %and3A_335 : i32 to index
        %swap3A_421 = arith.index_cast %add3A_378 : i32 to index
        %swap3A_422 = arith.constant 64 : index
        %swap3A_423 = tpu.vector_load %arg10[%swap3A_420, %swap3A_421, %swap3A_422] {strides = array<i32>} : memref<4x80x128xf32, #tpu.memory_space<vmem>>, vector<16xf32>,
        tpu.vector_store %arg10[%swap3A_420, %swap3A_421, %swap3A_422], %mul3A_419 {strides = array<i32>} : memref<4x80x128xf32, #tpu.memory_space<vmem>>, vector<16xf32>,
        %get3A_424 = arith.index_cast %and3A_335 : i32 to index
        %get3A_425 = arith.index_cast %add3A_378 : i32 to index
        %get3A_426 = arith.constant 80 : index
        %get3A_427 = tpu.vector_load %arg10[%get3A_424, %get3A_425, %get3A_426] {strides = array<i32>} : memref<4x80x128xf32, #tpu.memory_space<vmem>>, vector<16xf32>,
        %mul3A_428 = arith.mulf %get3A_427, %gather3A : vector<16xf32>
        %swap3A_429 = arith.index_cast %and3A_335 : i32 to index
        %swap3A_430 = arith.index_cast %add3A_378 : i32 to index
        %swap3A_431 = arith.constant 80 : index
        %swap3A_432 = tpu.vector_load %arg10[%swap3A_429, %swap3A_430, %swap3A_431] {strides = array<i32>} : memref<4x80x128xf32, #tpu.memory_space<vmem>>, vector<16xf32>,
        tpu.vector_store %arg10[%swap3A_429, %swap3A_430, %swap3A_431], %mul3A_428 {strides = array<i32>} : memref<4x80x128xf32, #tpu.memory_space<vmem>>, vector<16xf32>,
        %get3A_433 = arith.index_cast %and3A_335 : i32 to index
        %get3A_434 = arith.index_cast %add3A_378 : i32 to index
        %get3A_435 = arith.constant 96 : index
        %get3A_436 = tpu.vector_load %arg10[%get3A_433, %get3A_434, %get3A_435] {strides = array<i32>} : memref<4x80x128xf32, #tpu.memory_space<vmem>>, vector<16xf32>,
        %mul3A_437 = arith.mulf %get3A_436, %gather3A : vector<16xf32>
        %swap3A_438 = arith.index_cast %and3A_335 : i32 to index
        %swap3A_439 = arith.index_cast %add3A_378 : i32 to index
        %swap3A_440 = arith.constant 96 : index
        %swap3A_441 = tpu.vector_load %arg10[%swap3A_438, %swap3A_439, %swap3A_440] {strides = array<i32>} : memref<4x80x128xf32, #tpu.memory_space<vmem>>, vector<16xf32>,
        tpu.vector_store %arg10[%swap3A_438, %swap3A_439, %swap3A_440], %mul3A_437 {strides = array<i32>} : memref<4x80x128xf32, #tpu.memory_space<vmem>>, vector<16xf32>,
        %get3A_442 = arith.index_cast %and3A_335 : i32 to index
        %get3A_443 = arith.index_cast %add3A_378 : i32 to index
        %get3A_444 = arith.constant 112 : index
        %get3A_445 = tpu.vector_load %arg10[%get3A_442, %get3A_443, %get3A_444] {strides = array<i32>} : memref<4x80x128xf32, #tpu.memory_space<vmem>>, vector<16xf32>,
        %mul3A_446 = arith.mulf %get3A_445, %gather3A : vector<16xf32>
        %swap3A_447 = arith.index_cast %and3A_335 : i32 to index
        %swap3A_448 = arith.index_cast %add3A_378 : i32 to index
        %swap3A_449 = arith.constant 112 : index
        %swap3A_450 = tpu.vector_load %arg10[%swap3A_447, %swap3A_448, %swap3A_449] {strides = array<i32>} : memref<4x80x128xf32, #tpu.memory_space<vmem>>, vector<16xf32>,
        tpu.vector_store %arg10[%swap3A_447, %swap3A_448, %swap3A_449], %mul3A_446 {strides = array<i32>} : memref<4x80x128xf32, #tpu.memory_space<vmem>>, vector<16xf32>,
        %scan3A_451 = arith.constant 1 : i32
        %scan3A_452 = arith.addi %scan3A_374, %scan3A_451 : i32
        %mul3A_453 = arith.constant 1 : i32
        %mul3A_454 = arith.muli %scan3A_452, %mul3A_453 : i32
        %add3A_455 = arith.constant 0 : i32
        %add3A_456 = arith.addi %add3A_455, %mul3A_454 : i32
        %broadcast_in_dim3A_457 = vector.broadcast %add3A_334 : i32 to vector<16xi32>
        %broadcast_in_dim3A_458 = vector.broadcast %add3A_456 : i32 to vector<16xi32>
        %gather3A_459 = tpu.vector_load_idx %arg9[%broadcast_in_dim3A_457, %broadcast_in_dim3A_458] : memref<25x80xf32, #tpu.memory_space<vmem>>[vector<16xi32>, vector<16xi32>], vector<16xf32>,
        %get3A_460 = arith.index_cast %and3A_335 : i32 to index
        %get3A_461 = arith.index_cast %add3A_456 : i32 to index
        %get3A_462 = arith.constant 0 : index
        %get3A_463 = tpu.vector_load %arg10[%get3A_460, %get3A_461, %get3A_462] {strides = array<i32>} : memref<4x80x128xf32, #tpu.memory_space<vmem>>, vector<16xf32>,
        %mul3A_464 = arith.mulf %get3A_463, %gather3A_459 : vector<16xf32>
        %swap3A_465 = arith.index_cast %and3A_335 : i32 to index
        %swap3A_466 = arith.index_cast %add3A_456 : i32 to index
        %swap3A_467 = arith.constant 0 : index
        %swap3A_468 = tpu.vector_load %arg10[%swap3A_465, %swap3A_466, %swap3A_467] {strides = array<i32>} : memref<4x80x128xf32, #tpu.memory_space<vmem>>, vector<16xf32>,
        tpu.vector_store %arg10[%swap3A_465, %swap3A_466, %swap3A_467], %mul3A_464 {strides = array<i32>} : memref<4x80x128xf32, #tpu.memory_space<vmem>>, vector<16xf32>,
        %get3A_469 = arith.index_cast %and3A_335 : i32 to index
        %get3A_470 = arith.index_cast %add3A_456 : i32 to index
        %get3A_471 = arith.constant 16 : index
        %get3A_472 = tpu.vector_load %arg10[%get3A_469, %get3A_470, %get3A_471] {strides = array<i32>} : memref<4x80x128xf32, #tpu.memory_space<vmem>>, vector<16xf32>,
        %mul3A_473 = arith.mulf %get3A_472, %gather3A_459 : vector<16xf32>
        %swap3A_474 = arith.index_cast %and3A_335 : i32 to index
        %swap3A_475 = arith.index_cast %add3A_456 : i32 to index
        %swap3A_476 = arith.constant 16 : index
        %swap3A_477 = tpu.vector_load %arg10[%swap3A_474, %swap3A_475, %swap3A_476] {strides = array<i32>} : memref<4x80x128xf32, #tpu.memory_space<vmem>>, vector<16xf32>,
        tpu.vector_store %arg10[%swap3A_474, %swap3A_475, %swap3A_476], %mul3A_473 {strides = array<i32>} : memref<4x80x128xf32, #tpu.memory_space<vmem>>, vector<16xf32>,
        %get3A_478 = arith.index_cast %and3A_335 : i32 to index
        %get3A_479 = arith.index_cast %add3A_456 : i32 to index
        %get3A_480 = arith.constant 32 : index
        %get3A_481 = tpu.vector_load %arg10[%get3A_478, %get3A_479, %get3A_480] {strides = array<i32>} : memref<4x80x128xf32, #tpu.memory_space<vmem>>, vector<16xf32>,
        %mul3A_482 = arith.mulf %get3A_481, %gather3A_459 : vector<16xf32>
        %swap3A_483 = arith.index_cast %and3A_335 : i32 to index
        %swap3A_484 = arith.index_cast %add3A_456 : i32 to index
        %swap3A_485 = arith.constant 32 : index
        %swap3A_486 = tpu.vector_load %arg10[%swap3A_483, %swap3A_484, %swap3A_485] {strides = array<i32>} : memref<4x80x128xf32, #tpu.memory_space<vmem>>, vector<16xf32>,
        tpu.vector_store %arg10[%swap3A_483, %swap3A_484, %swap3A_485], %mul3A_482 {strides = array<i32>} : memref<4x80x128xf32, #tpu.memory_space<vmem>>, vector<16xf32>,
        %get3A_487 = arith.index_cast %and3A_335 : i32 to index
        %get3A_488 = arith.index_cast %add3A_456 : i32 to index
        %get3A_489 = arith.constant 48 : index
        %get3A_490 = tpu.vector_load %arg10[%get3A_487, %get3A_488, %get3A_489] {strides = array<i32>} : memref<4x80x128xf32, #tpu.memory_space<vmem>>, vector<16xf32>,
        %mul3A_491 = arith.mulf %get3A_490, %gather3A_459 : vector<16xf32>
        %swap3A_492 = arith.index_cast %and3A_335 : i32 to index
        %swap3A_493 = arith.index_cast %add3A_456 : i32 to index
        %swap3A_494 = arith.constant 48 : index
        %swap3A_495 = tpu.vector_load %arg10[%swap3A_492, %swap3A_493, %swap3A_494] {strides = array<i32>} : memref<4x80x128xf32, #tpu.memory_space<vmem>>, vector<16xf32>,
        tpu.vector_store %arg10[%swap3A_492, %swap3A_493, %swap3A_494], %mul3A_491 {strides = array<i32>} : memref<4x80x128xf32, #tpu.memory_space<vmem>>, vector<16xf32>,
        %get3A_496 = arith.index_cast %and3A_335 : i32 to index
        %get3A_497 = arith.index_cast %add3A_456 : i32 to index
        %get3A_498 = arith.constant 64 : index
        %get3A_499 = tpu.vector_load %arg10[%get3A_496, %get3A_497, %get3A_498] {strides = array<i32>} : memref<4x80x128xf32, #tpu.memory_space<vmem>>, vector<16xf32>,
        %mul3A_500 = arith.mulf %get3A_499, %gather3A_459 : vector<16xf32>
        %swap3A_501 = arith.index_cast %and3A_335 : i32 to index
        %swap3A_502 = arith.index_cast %add3A_456 : i32 to index
        %swap3A_503 = arith.constant 64 : index
        %swap3A_504 = tpu.vector_load %arg10[%swap3A_501, %swap3A_502, %swap3A_503] {strides = array<i32>} : memref<4x80x128xf32, #tpu.memory_space<vmem>>, vector<16xf32>,
        tpu.vector_store %arg10[%swap3A_501, %swap3A_502, %swap3A_503], %mul3A_500 {strides = array<i32>} : memref<4x80x128xf32, #tpu.memory_space<vmem>>, vector<16xf32>,
        %get3A_505 = arith.index_cast %and3A_335 : i32 to index
        %get3A_506 = arith.index_cast %add3A_456 : i32 to index
        %get3A_507 = arith.constant 80 : index
        %get3A_508 = tpu.vector_load %arg10[%get3A_505, %get3A_506, %get3A_507] {strides = array<i32>} : memref<4x80x128xf32, #tpu.memory_space<vmem>>, vector<16xf32>,
        %mul3A_509 = arith.mulf %get3A_508, %gather3A_459 : vector<16xf32>
        %swap3A_510 = arith.index_cast %and3A_335 : i32 to index
        %swap3A_511 = arith.index_cast %add3A_456 : i32 to index
        %swap3A_512 = arith.constant 80 : index
        %swap3A_513 = tpu.vector_load %arg10[%swap3A_510, %swap3A_511, %swap3A_512] {strides = array<i32>} : memref<4x80x128xf32, #tpu.memory_space<vmem>>, vector<16xf32>,
        tpu.vector_store %arg10[%swap3A_510, %swap3A_511, %swap3A_512], %mul3A_509 {strides = array<i32>} : memref<4x80x128xf32, #tpu.memory_space<vmem>>, vector<16xf32>,
        %get3A_514 = arith.index_cast %and3A_335 : i32 to index
        %get3A_515 = arith.index_cast %add3A_456 : i32 to index
        %get3A_516 = arith.constant 96 : index
        %get3A_517 = tpu.vector_load %arg10[%get3A_514, %get3A_515, %get3A_516] {strides = array<i32>} : memref<4x80x128xf32, #tpu.memory_space<vmem>>, vector<16xf32>,
        %mul3A_518 = arith.mulf %get3A_517, %gather3A_459 : vector<16xf32>
        %swap3A_519 = arith.index_cast %and3A_335 : i32 to index
        %swap3A_520 = arith.index_cast %add3A_456 : i32 to index
        %swap3A_521 = arith.constant 96 : index
        %swap3A_522 = tpu.vector_load %arg10[%swap3A_519, %swap3A_520, %swap3A_521] {strides = array<i32>} : memref<4x80x128xf32, #tpu.memory_space<vmem>>, vector<16xf32>,
        tpu.vector_store %arg10[%swap3A_519, %swap3A_520, %swap3A_521], %mul3A_518 {strides = array<i32>} : memref<4x80x128xf32, #tpu.memory_space<vmem>>, vector<16xf32>,
        %get3A_523 = arith.index_cast %and3A_335 : i32 to index
        %get3A_524 = arith.index_cast %add3A_456 : i32 to index
        %get3A_525 = arith.constant 112 : index
        %get3A_526 = tpu.vector_load %arg10[%get3A_523, %get3A_524, %get3A_525] {strides = array<i32>} : memref<4x80x128xf32, #tpu.memory_space<vmem>>, vector<16xf32>,
        %mul3A_527 = arith.mulf %get3A_526, %gather3A_459 : vector<16xf32>
        %swap3A_528 = arith.index_cast %and3A_335 : i32 to index
        %swap3A_529 = arith.index_cast %add3A_456 : i32 to index
        %swap3A_530 = arith.constant 112 : index
        %swap3A_531 = tpu.vector_load %arg10[%swap3A_528, %swap3A_529, %swap3A_530] {strides = array<i32>} : memref<4x80x128xf32, #tpu.memory_space<vmem>>, vector<16xf32>,
        tpu.vector_store %arg10[%swap3A_528, %swap3A_529, %swap3A_530], %mul3A_527 {strides = array<i32>} : memref<4x80x128xf32, #tpu.memory_space<vmem>>, vector<16xf32>,
        %scan3A_532 = arith.constant 2 : i32
        %scan3A_533 = arith.addi %scan3A_374, %scan3A_532 : i32
        %mul3A_534 = arith.constant 1 : i32
        %mul3A_535 = arith.muli %scan3A_533, %mul3A_534 : i32
        %add3A_536 = arith.constant 0 : i32
        %add3A_537 = arith.addi %add3A_536, %mul3A_535 : i32
        %broadcast_in_dim3A_538 = vector.broadcast %add3A_334 : i32 to vector<16xi32>
        %broadcast_in_dim3A_539 = vector.broadcast %add3A_537 : i32 to vector<16xi32>
        %gather3A_540 = tpu.vector_load_idx %arg9[%broadcast_in_dim3A_538, %broadcast_in_dim3A_539] : memref<25x80xf32, #tpu.memory_space<vmem>>[vector<16xi32>, vector<16xi32>], vector<16xf32>,
        %get3A_541 = arith.index_cast %and3A_335 : i32 to index
        %get3A_542 = arith.index_cast %add3A_537 : i32 to index
        %get3A_543 = arith.constant 0 : index
        %get3A_544 = tpu.vector_load %arg10[%get3A_541, %get3A_542, %get3A_543] {strides = array<i32>} : memref<4x80x128xf32, #tpu.memory_space<vmem>>, vector<16xf32>,
        %mul3A_545 = arith.mulf %get3A_544, %gather3A_540 : vector<16xf32>
        %swap3A_546 = arith.index_cast %and3A_335 : i32 to index
        %swap3A_547 = arith.index_cast %add3A_537 : i32 to index
        %swap3A_548 = arith.constant 0 : index
        %swap3A_549 = tpu.vector_load %arg10[%swap3A_546, %swap3A_547, %swap3A_548] {strides = array<i32>} : memref<4x80x128xf32, #tpu.memory_space<vmem>>, vector<16xf32>,
        tpu.vector_store %arg10[%swap3A_546, %swap3A_547, %swap3A_548], %mul3A_545 {strides = array<i32>} : memref<4x80x128xf32, #tpu.memory_space<vmem>>, vector<16xf32>,
        %get3A_550 = arith.index_cast %and3A_335 : i32 to index
        %get3A_551 = arith.index_cast %add3A_537 : i32 to index
        %get3A_552 = arith.constant 16 : index
        %get3A_553 = tpu.vector_load %arg10[%get3A_550, %get3A_551, %get3A_552] {strides = array<i32>} : memref<4x80x128xf32, #tpu.memory_space<vmem>>, vector<16xf32>,
        %mul3A_554 = arith.mulf %get3A_553, %gather3A_540 : vector<16xf32>
        %swap3A_555 = arith.index_cast %and3A_335 : i32 to index
        %swap3A_556 = arith.index_cast %add3A_537 : i32 to index
        %swap3A_557 = arith.constant 16 : index
        %swap3A_558 = tpu.vector_load %arg10[%swap3A_555, %swap3A_556, %swap3A_557] {strides = array<i32>} : memref<4x80x128xf32, #tpu.memory_space<vmem>>, vector<16xf32>,
        tpu.vector_store %arg10[%swap3A_555, %swap3A_556, %swap3A_557], %mul3A_554 {strides = array<i32>} : memref<4x80x128xf32, #tpu.memory_space<vmem>>, vector<16xf32>,
        %get3A_559 = arith.index_cast %and3A_335 : i32 to index
        %get3A_560 = arith.index_cast %add3A_537 : i32 to index
        %get3A_561 = arith.constant 32 : index
        %get3A_562 = tpu.vector_load %arg10[%get3A_559, %get3A_560, %get3A_561] {strides = array<i32>} : memref<4x80x128xf32, #tpu.memory_space<vmem>>, vector<16xf32>,
        %mul3A_563 = arith.mulf %get3A_562, %gather3A_540 : vector<16xf32>
        %swap3A_564 = arith.index_cast %and3A_335 : i32 to index
        %swap3A_565 = arith.index_cast %add3A_537 : i32 to index
        %swap3A_566 = arith.constant 32 : index
        %swap3A_567 = tpu.vector_load %arg10[%swap3A_564, %swap3A_565, %swap3A_566] {strides = array<i32>} : memref<4x80x128xf32, #tpu.memory_space<vmem>>, vector<16xf32>,
        tpu.vector_store %arg10[%swap3A_564, %swap3A_565, %swap3A_566], %mul3A_563 {strides = array<i32>} : memref<4x80x128xf32, #tpu.memory_space<vmem>>, vector<16xf32>,
        %get3A_568 = arith.index_cast %and3A_335 : i32 to index
        %get3A_569 = arith.index_cast %add3A_537 : i32 to index
        %get3A_570 = arith.constant 48 : index
        %get3A_571 = tpu.vector_load %arg10[%get3A_568, %get3A_569, %get3A_570] {strides = array<i32>} : memref<4x80x128xf32, #tpu.memory_space<vmem>>, vector<16xf32>,
        %mul3A_572 = arith.mulf %get3A_571, %gather3A_540 : vector<16xf32>
        %swap3A_573 = arith.index_cast %and3A_335 : i32 to index
        %swap3A_574 = arith.index_cast %add3A_537 : i32 to index
        %swap3A_575 = arith.constant 48 : index
        %swap3A_576 = tpu.vector_load %arg10[%swap3A_573, %swap3A_574, %swap3A_575] {strides = array<i32>} : memref<4x80x128xf32, #tpu.memory_space<vmem>>, vector<16xf32>,
        tpu.vector_store %arg10[%swap3A_573, %swap3A_574, %swap3A_575], %mul3A_572 {strides = array<i32>} : memref<4x80x128xf32, #tpu.memory_space<vmem>>, vector<16xf32>,
        %get3A_577 = arith.index_cast %and3A_335 : i32 to index
        %get3A_578 = arith.index_cast %add3A_537 : i32 to index
        %get3A_579 = arith.constant 64 : index
        %get3A_580 = tpu.vector_load %arg10[%get3A_577, %get3A_578, %get3A_579] {strides = array<i32>} : memref<4x80x128xf32, #tpu.memory_space<vmem>>, vector<16xf32>,
        %mul3A_581 = arith.mulf %get3A_580, %gather3A_540 : vector<16xf32>
        %swap3A_582 = arith.index_cast %and3A_335 : i32 to index
        %swap3A_583 = arith.index_cast %add3A_537 : i32 to index
        %swap3A_584 = arith.constant 64 : index
        %swap3A_585 = tpu.vector_load %arg10[%swap3A_582, %swap3A_583, %swap3A_584] {strides = array<i32>} : memref<4x80x128xf32, #tpu.memory_space<vmem>>, vector<16xf32>,
        tpu.vector_store %arg10[%swap3A_582, %swap3A_583, %swap3A_584], %mul3A_581 {strides = array<i32>} : memref<4x80x128xf32, #tpu.memory_space<vmem>>, vector<16xf32>,
        %get3A_586 = arith.index_cast %and3A_335 : i32 to index
        %get3A_587 = arith.index_cast %add3A_537 : i32 to index
        %get3A_588 = arith.constant 80 : index
        %get3A_589 = tpu.vector_load %arg10[%get3A_586, %get3A_587, %get3A_588] {strides = array<i32>} : memref<4x80x128xf32, #tpu.memory_space<vmem>>, vector<16xf32>,
        %mul3A_590 = arith.mulf %get3A_589, %gather3A_540 : vector<16xf32>
        %swap3A_591 = arith.index_cast %and3A_335 : i32 to index
        %swap3A_592 = arith.index_cast %add3A_537 : i32 to index
        %swap3A_593 = arith.constant 80 : index
        %swap3A_594 = tpu.vector_load %arg10[%swap3A_591, %swap3A_592, %swap3A_593] {strides = array<i32>} : memref<4x80x128xf32, #tpu.memory_space<vmem>>, vector<16xf32>,
        tpu.vector_store %arg10[%swap3A_591, %swap3A_592, %swap3A_593], %mul3A_590 {strides = array<i32>} : memref<4x80x128xf32, #tpu.memory_space<vmem>>, vector<16xf32>,
        %get3A_595 = arith.index_cast %and3A_335 : i32 to index
        %get3A_596 = arith.index_cast %add3A_537 : i32 to index
        %get3A_597 = arith.constant 96 : index
        %get3A_598 = tpu.vector_load %arg10[%get3A_595, %get3A_596, %get3A_597] {strides = array<i32>} : memref<4x80x128xf32, #tpu.memory_space<vmem>>, vector<16xf32>,
        %mul3A_599 = arith.mulf %get3A_598, %gather3A_540 : vector<16xf32>
        %swap3A_600 = arith.index_cast %and3A_335 : i32 to index
        %swap3A_601 = arith.index_cast %add3A_537 : i32 to index
        %swap3A_602 = arith.constant 96 : index
        %swap3A_603 = tpu.vector_load %arg10[%swap3A_600, %swap3A_601, %swap3A_602] {strides = array<i32>} : memref<4x80x128xf32, #tpu.memory_space<vmem>>, vector<16xf32>,
        tpu.vector_store %arg10[%swap3A_600, %swap3A_601, %swap3A_602], %mul3A_599 {strides = array<i32>} : memref<4x80x128xf32, #tpu.memory_space<vmem>>, vector<16xf32>,
        %get3A_604 = arith.index_cast %and3A_335 : i32 to index
        %get3A_605 = arith.index_cast %add3A_537 : i32 to index
        %get3A_606 = arith.constant 112 : index
        %get3A_607 = tpu.vector_load %arg10[%get3A_604, %get3A_605, %get3A_606] {strides = array<i32>} : memref<4x80x128xf32, #tpu.memory_space<vmem>>, vector<16xf32>,
        %mul3A_608 = arith.mulf %get3A_607, %gather3A_540 : vector<16xf32>
        %swap3A_609 = arith.index_cast %and3A_335 : i32 to index
        %swap3A_610 = arith.index_cast %add3A_537 : i32 to index
        %swap3A_611 = arith.constant 112 : index
        %swap3A_612 = tpu.vector_load %arg10[%swap3A_609, %swap3A_610, %swap3A_611] {strides = array<i32>} : memref<4x80x128xf32, #tpu.memory_space<vmem>>, vector<16xf32>,
        tpu.vector_store %arg10[%swap3A_609, %swap3A_610, %swap3A_611], %mul3A_608 {strides = array<i32>} : memref<4x80x128xf32, #tpu.memory_space<vmem>>, vector<16xf32>,
        %scan3A_613 = arith.constant 3 : i32
        %scan3A_614 = arith.addi %scan3A_374, %scan3A_613 : i32
        %mul3A_615 = arith.constant 1 : i32
        %mul3A_616 = arith.muli %scan3A_614, %mul3A_615 : i32
        %add3A_617 = arith.constant 0 : i32
        %add3A_618 = arith.addi %add3A_617, %mul3A_616 : i32
        %broadcast_in_dim3A_619 = vector.broadcast %add3A_334 : i32 to vector<16xi32>
        %broadcast_in_dim3A_620 = vector.broadcast %add3A_618 : i32 to vector<16xi32>
        %gather3A_621 = tpu.vector_load_idx %arg9[%broadcast_in_dim3A_619, %broadcast_in_dim3A_620] : memref<25x80xf32, #tpu.memory_space<vmem>>[vector<16xi32>, vector<16xi32>], vector<16xf32>,
        %get3A_622 = arith.index_cast %and3A_335 : i32 to index
        %get3A_623 = arith.index_cast %add3A_618 : i32 to index
        %get3A_624 = arith.constant 0 : index
        %get3A_625 = tpu.vector_load %arg10[%get3A_622, %get3A_623, %get3A_624] {strides = array<i32>} : memref<4x80x128xf32, #tpu.memory_space<vmem>>, vector<16xf32>,
        %mul3A_626 = arith.mulf %get3A_625, %gather3A_621 : vector<16xf32>
        %swap3A_627 = arith.index_cast %and3A_335 : i32 to index
        %swap3A_628 = arith.index_cast %add3A_618 : i32 to index
        %swap3A_629 = arith.constant 0 : index
        %swap3A_630 = tpu.vector_load %arg10[%swap3A_627, %swap3A_628, %swap3A_629] {strides = array<i32>} : memref<4x80x128xf32, #tpu.memory_space<vmem>>, vector<16xf32>,
        tpu.vector_store %arg10[%swap3A_627, %swap3A_628, %swap3A_629], %mul3A_626 {strides = array<i32>} : memref<4x80x128xf32, #tpu.memory_space<vmem>>, vector<16xf32>,
        %get3A_631 = arith.index_cast %and3A_335 : i32 to index
        %get3A_632 = arith.index_cast %add3A_618 : i32 to index
        %get3A_633 = arith.constant 16 : index
        %get3A_634 = tpu.vector_load %arg10[%get3A_631, %get3A_632, %get3A_633] {strides = array<i32>} : memref<4x80x128xf32, #tpu.memory_space<vmem>>, vector<16xf32>,
        %mul3A_635 = arith.mulf %get3A_634, %gather3A_621 : vector<16xf32>
        %swap3A_636 = arith.index_cast %and3A_335 : i32 to index
        %swap3A_637 = arith.index_cast %add3A_618 : i32 to index
        %swap3A_638 = arith.constant 16 : index
        %swap3A_639 = tpu.vector_load %arg10[%swap3A_636, %swap3A_637, %swap3A_638] {strides = array<i32>} : memref<4x80x128xf32, #tpu.memory_space<vmem>>, vector<16xf32>,
        tpu.vector_store %arg10[%swap3A_636, %swap3A_637, %swap3A_638], %mul3A_635 {strides = array<i32>} : memref<4x80x128xf32, #tpu.memory_space<vmem>>, vector<16xf32>,
        %get3A_640 = arith.index_cast %and3A_335 : i32 to index
        %get3A_641 = arith.index_cast %add3A_618 : i32 to index
        %get3A_642 = arith.constant 32 : index
        %get3A_643 = tpu.vector_load %arg10[%get3A_640, %get3A_641, %get3A_642] {strides = array<i32>} : memref<4x80x128xf32, #tpu.memory_space<vmem>>, vector<16xf32>,
        %mul3A_644 = arith.mulf %get3A_643, %gather3A_621 : vector<16xf32>
        %swap3A_645 = arith.index_cast %and3A_335 : i32 to index
        %swap3A_646 = arith.index_cast %add3A_618 : i32 to index
        %swap3A_647 = arith.constant 32 : index
        %swap3A_648 = tpu.vector_load %arg10[%swap3A_645, %swap3A_646, %swap3A_647] {strides = array<i32>} : memref<4x80x128xf32, #tpu.memory_space<vmem>>, vector<16xf32>,
        tpu.vector_store %arg10[%swap3A_645, %swap3A_646, %swap3A_647], %mul3A_644 {strides = array<i32>} : memref<4x80x128xf32, #tpu.memory_space<vmem>>, vector<16xf32>,
        %get3A_649 = arith.index_cast %and3A_335 : i32 to index
        %get3A_650 = arith.index_cast %add3A_618 : i32 to index
        %get3A_651 = arith.constant 48 : index
        %get3A_652 = tpu.vector_load %arg10[%get3A_649, %get3A_650, %get3A_651] {strides = array<i32>} : memref<4x80x128xf32, #tpu.memory_space<vmem>>, vector<16xf32>,
        %mul3A_653 = arith.mulf %get3A_652, %gather3A_621 : vector<16xf32>
        %swap3A_654 = arith.index_cast %and3A_335 : i32 to index
        %swap3A_655 = arith.index_cast %add3A_618 : i32 to index
        %swap3A_656 = arith.constant 48 : index
        %swap3A_657 = tpu.vector_load %arg10[%swap3A_654, %swap3A_655, %swap3A_656] {strides = array<i32>} : memref<4x80x128xf32, #tpu.memory_space<vmem>>, vector<16xf32>,
        tpu.vector_store %arg10[%swap3A_654, %swap3A_655, %swap3A_656], %mul3A_653 {strides = array<i32>} : memref<4x80x128xf32, #tpu.memory_space<vmem>>, vector<16xf32>,
        %get3A_658 = arith.index_cast %and3A_335 : i32 to index
        %get3A_659 = arith.index_cast %add3A_618 : i32 to index
        %get3A_660 = arith.constant 64 : index
        %get3A_661 = tpu.vector_load %arg10[%get3A_658, %get3A_659, %get3A_660] {strides = array<i32>} : memref<4x80x128xf32, #tpu.memory_space<vmem>>, vector<16xf32>,
        %mul3A_662 = arith.mulf %get3A_661, %gather3A_621 : vector<16xf32>
        %swap3A_663 = arith.index_cast %and3A_335 : i32 to index
        %swap3A_664 = arith.index_cast %add3A_618 : i32 to index
        %swap3A_665 = arith.constant 64 : index
        %swap3A_666 = tpu.vector_load %arg10[%swap3A_663, %swap3A_664, %swap3A_665] {strides = array<i32>} : memref<4x80x128xf32, #tpu.memory_space<vmem>>, vector<16xf32>,
        tpu.vector_store %arg10[%swap3A_663, %swap3A_664, %swap3A_665], %mul3A_662 {strides = array<i32>} : memref<4x80x128xf32, #tpu.memory_space<vmem>>, vector<16xf32>,
        %get3A_667 = arith.index_cast %and3A_335 : i32 to index
        %get3A_668 = arith.index_cast %add3A_618 : i32 to index
        %get3A_669 = arith.constant 80 : index
        %get3A_670 = tpu.vector_load %arg10[%get3A_667, %get3A_668, %get3A_669] {strides = array<i32>} : memref<4x80x128xf32, #tpu.memory_space<vmem>>, vector<16xf32>,
        %mul3A_671 = arith.mulf %get3A_670, %gather3A_621 : vector<16xf32>
        %swap3A_672 = arith.index_cast %and3A_335 : i32 to index
        %swap3A_673 = arith.index_cast %add3A_618 : i32 to index
        %swap3A_674 = arith.constant 80 : index
        %swap3A_675 = tpu.vector_load %arg10[%swap3A_672, %swap3A_673, %swap3A_674] {strides = array<i32>} : memref<4x80x128xf32, #tpu.memory_space<vmem>>, vector<16xf32>,
        tpu.vector_store %arg10[%swap3A_672, %swap3A_673, %swap3A_674], %mul3A_671 {strides = array<i32>} : memref<4x80x128xf32, #tpu.memory_space<vmem>>, vector<16xf32>,
        %get3A_676 = arith.index_cast %and3A_335 : i32 to index
        %get3A_677 = arith.index_cast %add3A_618 : i32 to index
        %get3A_678 = arith.constant 96 : index
        %get3A_679 = tpu.vector_load %arg10[%get3A_676, %get3A_677, %get3A_678] {strides = array<i32>} : memref<4x80x128xf32, #tpu.memory_space<vmem>>, vector<16xf32>,
        %mul3A_680 = arith.mulf %get3A_679, %gather3A_621 : vector<16xf32>
        %swap3A_681 = arith.index_cast %and3A_335 : i32 to index
        %swap3A_682 = arith.index_cast %add3A_618 : i32 to index
        %swap3A_683 = arith.constant 96 : index
        %swap3A_684 = tpu.vector_load %arg10[%swap3A_681, %swap3A_682, %swap3A_683] {strides = array<i32>} : memref<4x80x128xf32, #tpu.memory_space<vmem>>, vector<16xf32>,
        tpu.vector_store %arg10[%swap3A_681, %swap3A_682, %swap3A_683], %mul3A_680 {strides = array<i32>} : memref<4x80x128xf32, #tpu.memory_space<vmem>>, vector<16xf32>,
        %get3A_685 = arith.index_cast %and3A_335 : i32 to index
        %get3A_686 = arith.index_cast %add3A_618 : i32 to index
        %get3A_687 = arith.constant 112 : index
        %get3A_688 = tpu.vector_load %arg10[%get3A_685, %get3A_686, %get3A_687] {strides = array<i32>} : memref<4x80x128xf32, #tpu.memory_space<vmem>>, vector<16xf32>,
        %mul3A_689 = arith.mulf %get3A_688, %gather3A_621 : vector<16xf32>
        %swap3A_690 = arith.index_cast %and3A_335 : i32 to index
        %swap3A_691 = arith.index_cast %add3A_618 : i32 to index
        %swap3A_692 = arith.constant 112 : index
        %swap3A_693 = tpu.vector_load %arg10[%swap3A_690, %swap3A_691, %swap3A_692] {strides = array<i32>} : memref<4x80x128xf32, #tpu.memory_space<vmem>>, vector<16xf32>,
        tpu.vector_store %arg10[%swap3A_690, %swap3A_691, %swap3A_692], %mul3A_689 {strides = array<i32>} : memref<4x80x128xf32, #tpu.memory_space<vmem>>, vector<16xf32>,
      }
      %scan3A_363 = arith.constant 80 : i32
      %dma_start3A_364 = arith.constant 0 : i32
      %dma_start3A_365 = arith.constant 0 : i32
      %dma_start3A_366 = tpu.memref_slice %arg10[%and3A_335, %dma_start3A_364, %dma_start3A_365] : memref<4x80x128xf32, #tpu.memory_space<vmem>> -> memref<1x80x128xf32, #tpu.memory_space<vmem>>
      %dma_start3A_367 = tpu.memref_squeeze %dma_start3A_366 : memref<1x80x128xf32, #tpu.memory_space<vmem>> -> memref<80x128xf32, #tpu.memory_space<vmem>>
      %dma_start3A_368 = arith.constant 0 : i32
      %dma_start3A_369 = tpu.memref_slice %arg8[%add3A_334, %dma_start3A_368] : memref<25x80xi32, #tpu.memory_space<vmem>> -> memref<1x80xi32, #tpu.memory_space<vmem>>
      %dma_start3A_370 = tpu.memref_squeeze %dma_start3A_369 : memref<1x80xi32, #tpu.memory_space<vmem>> -> memref<80xi32, #tpu.memory_space<vmem>>
      %dma_start3A_371 = arith.constant 0 : i32
      %dma_start3A_372 = arith.constant 0 : i32
      %dma_start3A_373 = tpu.memref_slice %arg11[%dma_start3A_371, %dma_start3A_372] : memref<10000x128xf32, #tpu.memory_space<vmem_shared>> -> memref<10000x128xf32, #tpu.memory_space<vmem_shared>>
      tpu.enqueue_indirect_dma source(%dma_start3A_367 : memref<80x128xf32, #tpu.memory_space<vmem>>) target(%dma_start3A_373 : memref<10000x128xf32, #tpu.memory_space<vmem_shared>>) offsets(%dma_start3A_370 : memref<80xi32, #tpu.memory_space<vmem>>) semaphore(%arg13 : memref<!tpu.dma_semaphore, #tpu.memory_space<semaphore_mem>>) {add = true}
    }
    %scan3A_63 = arith.constant 25 : i32
    %dma_wait3A = arith.constant 0 : i32
    %dma_wait3A_64 = arith.constant 0 : i32
    %dma_wait3A_65 = arith.constant 0 : i32
    %dma_wait3A_66 = tpu.memref_slice %arg10[%dma_wait3A, %dma_wait3A_64, %dma_wait3A_65] : memref<4x80x128xf32, #tpu.memory_space<vmem>> -> memref<1x80x128xf32, #tpu.memory_space<vmem>>
    %dma_wait3A_67 = tpu.memref_squeeze %dma_wait3A_66 : memref<1x80x128xf32, #tpu.memory_space<vmem>> -> memref<80x128xf32, #tpu.memory_space<vmem>>
    %dma_wait3A_68 = arith.constant 0 : i32
    %dma_wait3A_69 = arith.constant 0 : i32
    %dma_wait3A_70 = tpu.memref_slice %arg5[%dma_wait3A_68, %dma_wait3A_69] : memref<10000x128xf32, #tpu.memory_space<hbm>> -> memref<80x128xf32, #tpu.memory_space<hbm>>
    %dma_wait3A_71 = arith.constant 0 : i32
    %dma_wait3A_72 = arith.constant 0 : i32
    %dma_wait3A_73 = tpu.memref_slice %arg10[%dma_wait3A, %dma_wait3A_71, %dma_wait3A_72] : memref<4x80x128xf32, #tpu.memory_space<vmem>> -> memref<1x80x128xf32, #tpu.memory_space<vmem>>
    %dma_wait3A_74 = tpu.memref_squeeze %dma_wait3A_73 : memref<1x80x128xf32, #tpu.memory_space<vmem>> -> memref<80x128xf32, #tpu.memory_space<vmem>>
    %dma_wait3A_75 = arith.constant 0 : i32
    %dma_wait3A_76 = arith.constant 0 : i32
    %dma_wait3A_77 = tpu.memref_slice %arg5[%dma_wait3A_75, %dma_wait3A_76] : memref<10000x128xf32, #tpu.memory_space<hbm>> -> memref<80x128xf32, #tpu.memory_space<hbm>>
    tpu.wait_dma2 semaphore(%arg13 : memref<!tpu.dma_semaphore, #tpu.memory_space<semaphore_mem>>) src(%dma_wait3A_77 : memref<80x128xf32, #tpu.memory_space<hbm>>) dst(%dma_wait3A_74 : memref<80x128xf32, #tpu.memory_space<vmem>>)
    %dma_wait3A_78 = arith.constant 0 : i32
    %dma_wait3A_79 = arith.constant 0 : i32
    %dma_wait3A_80 = arith.constant 0 : i32
    %dma_wait3A_81 = tpu.memref_slice %arg10[%dma_wait3A_78, %dma_wait3A_79, %dma_wait3A_80] : memref<4x80x128xf32, #tpu.memory_space<vmem>> -> memref<1x80x128xf32, #tpu.memory_space<vmem>>
    %dma_wait3A_82 = tpu.memref_squeeze %dma_wait3A_81 : memref<1x80x128xf32, #tpu.memory_space<vmem>> -> memref<80x128xf32, #tpu.memory_space<vmem>>
    %dma_wait3A_83 = arith.constant 0 : i32
    %dma_wait3A_84 = arith.constant 0 : i32
    %dma_wait3A_85 = tpu.memref_slice %arg5[%dma_wait3A_83, %dma_wait3A_84] : memref<10000x128xf32, #tpu.memory_space<hbm>> -> memref<80x128xf32, #tpu.memory_space<hbm>>
    %dma_wait3A_86 = arith.constant 0 : i32
    %dma_wait3A_87 = arith.constant 0 : i32
    %dma_wait3A_88 = tpu.memref_slice %arg10[%dma_wait3A_78, %dma_wait3A_86, %dma_wait3A_87] : memref<4x80x128xf32, #tpu.memory_space<vmem>> -> memref<1x80x128xf32, #tpu.memory_space<vmem>>
    %dma_wait3A_89 = tpu.memref_squeeze %dma_wait3A_88 : memref<1x80x128xf32, #tpu.memory_space<vmem>> -> memref<80x128xf32, #tpu.memory_space<vmem>>
    %dma_wait3A_90 = arith.constant 0 : i32
    %dma_wait3A_91 = arith.constant 0 : i32
    %dma_wait3A_92 = tpu.memref_slice %arg5[%dma_wait3A_90, %dma_wait3A_91] : memref<10000x128xf32, #tpu.memory_space<hbm>> -> memref<80x128xf32, #tpu.memory_space<hbm>>
    tpu.wait_dma2 semaphore(%arg13 : memref<!tpu.dma_semaphore, #tpu.memory_space<semaphore_mem>>) src(%dma_wait3A_92 : memref<80x128xf32, #tpu.memory_space<hbm>>) dst(%dma_wait3A_89 : memref<80x128xf32, #tpu.memory_space<vmem>>)
    "tpu.region"() ({
      %run_scoped3A_330 = tpu.sem_alloc : memref<!tpu.dma_semaphore, #tpu.memory_space<semaphore_mem>>
      %dma_start3A_331 = arith.constant 0 : i32
      %dma_start3A_332 = arith.constant 0 : i32
      %dma_start3A_333 = tpu.memref_slice %arg2[%add3A, %dma_start3A_331, %dma_start3A_332] : memref<32x125x80xi32, #tpu.memory_space<hbm>> -> memref<1x125x80xi32, #tpu.memory_space<hbm>>
      %dma_start3A_334 = tpu.memref_squeeze %dma_start3A_333 : memref<1x125x80xi32, #tpu.memory_space<hbm>> -> memref<125x80xi32, #tpu.memory_space<hbm>>
      %dma_start3A_335 = arith.constant 25 : i32
      %dma_start3A_336 = arith.constant 0 : i32
      %dma_start3A_337 = tpu.memref_slice %dma_start3A_334[%dma_start3A_335, %dma_start3A_336] : memref<125x80xi32, #tpu.memory_space<hbm>> -> memref<25x80xi32, #tpu.memory_space<hbm>>
      %dma_start3A_338 = arith.constant 0 : i32
      %dma_start3A_339 = arith.constant 0 : i32
      %dma_start3A_340 = tpu.memref_slice %arg2[%add3A, %dma_start3A_338, %dma_start3A_339] : memref<32x125x80xi32, #tpu.memory_space<hbm>> -> memref<1x125x80xi32, #tpu.memory_space<hbm>>
      %dma_start3A_341 = tpu.memref_squeeze %dma_start3A_340 : memref<1x125x80xi32, #tpu.memory_space<hbm>> -> memref<125x80xi32, #tpu.memory_space<hbm>>
      %dma_start3A_342 = arith.constant 25 : i32
      %dma_start3A_343 = arith.constant 0 : i32
      %dma_start3A_344 = tpu.memref_slice %dma_start3A_341[%dma_start3A_342, %dma_start3A_343] : memref<125x80xi32, #tpu.memory_space<hbm>> -> memref<25x80xi32, #tpu.memory_space<hbm>>
      tpu.enqueue_dma source(%dma_start3A_344 : memref<25x80xi32, #tpu.memory_space<hbm>>) target(%arg7 : memref<25x80xi32, #tpu.memory_space<vmem>>) target_semaphore(%run_scoped3A_330 : memref<!tpu.dma_semaphore, #tpu.memory_space<semaphore_mem>>)
      %dma_wait3A_345 = arith.constant 0 : i32
      %dma_wait3A_346 = arith.constant 0 : i32
      %dma_wait3A_347 = tpu.memref_slice %arg2[%add3A, %dma_wait3A_345, %dma_wait3A_346] : memref<32x125x80xi32, #tpu.memory_space<hbm>> -> memref<1x125x80xi32, #tpu.memory_space<hbm>>
      %dma_wait3A_348 = tpu.memref_squeeze %dma_wait3A_347 : memref<1x125x80xi32, #tpu.memory_space<hbm>> -> memref<125x80xi32, #tpu.memory_space<hbm>>
      %dma_wait3A_349 = arith.constant 25 : i32
      %dma_wait3A_350 = arith.constant 0 : i32
      %dma_wait3A_351 = tpu.memref_slice %dma_wait3A_348[%dma_wait3A_349, %dma_wait3A_350] : memref<125x80xi32, #tpu.memory_space<hbm>> -> memref<25x80xi32, #tpu.memory_space<hbm>>
      %dma_wait3A_352 = arith.constant 0 : i32
      %dma_wait3A_353 = arith.constant 0 : i32
      %dma_wait3A_354 = tpu.memref_slice %arg2[%add3A, %dma_wait3A_352, %dma_wait3A_353] : memref<32x125x80xi32, #tpu.memory_space<hbm>> -> memref<1x125x80xi32, #tpu.memory_space<hbm>>
      %dma_wait3A_355 = tpu.memref_squeeze %dma_wait3A_354 : memref<1x125x80xi32, #tpu.memory_space<hbm>> -> memref<125x80xi32, #tpu.memory_space<hbm>>
      %dma_wait3A_356 = arith.constant 25 : i32
      %dma_wait3A_357 = arith.constant 0 : i32
      %dma_wait3A_358 = tpu.memref_slice %dma_wait3A_355[%dma_wait3A_356, %dma_wait3A_357] : memref<125x80xi32, #tpu.memory_space<hbm>> -> memref<25x80xi32, #tpu.memory_space<hbm>>
      tpu.wait_dma2 semaphore(%run_scoped3A_330 : memref<!tpu.dma_semaphore, #tpu.memory_space<semaphore_mem>>) src(%dma_wait3A_358 : memref<25x80xi32, #tpu.memory_space<hbm>>) dst(%arg7 : memref<25x80xi32, #tpu.memory_space<vmem>>)
      tpu.yield
    }) : () -> ()
    "tpu.region"() ({
      %run_scoped3A_330 = tpu.sem_alloc : memref<!tpu.dma_semaphore, #tpu.memory_space<semaphore_mem>>
      %dma_start3A_331 = arith.constant 0 : i32
      %dma_start3A_332 = arith.constant 0 : i32
      %dma_start3A_333 = tpu.memref_slice %arg3[%add3A, %dma_start3A_331, %dma_start3A_332] : memref<32x125x80xi32, #tpu.memory_space<hbm>> -> memref<1x125x80xi32, #tpu.memory_space<hbm>>
      %dma_start3A_334 = tpu.memref_squeeze %dma_start3A_333 : memref<1x125x80xi32, #tpu.memory_space<hbm>> -> memref<125x80xi32, #tpu.memory_space<hbm>>
      %dma_start3A_335 = arith.constant 25 : i32
      %dma_start3A_336 = arith.constant 0 : i32
      %dma_start3A_337 = tpu.memref_slice %dma_start3A_334[%dma_start3A_335, %dma_start3A_336] : memref<125x80xi32, #tpu.memory_space<hbm>> -> memref<25x80xi32, #tpu.memory_space<hbm>>
      %dma_start3A_338 = arith.constant 0 : i32
      %dma_start3A_339 = arith.constant 0 : i32
      %dma_start3A_340 = tpu.memref_slice %arg3[%add3A, %dma_start3A_338, %dma_start3A_339] : memref<32x125x80xi32, #tpu.memory_space<hbm>> -> memref<1x125x80xi32, #tpu.memory_space<hbm>>
      %dma_start3A_341 = tpu.memref_squeeze %dma_start3A_340 : memref<1x125x80xi32, #tpu.memory_space<hbm>> -> memref<125x80xi32, #tpu.memory_space<hbm>>
      %dma_start3A_342 = arith.constant 25 : i32
      %dma_start3A_343 = arith.constant 0 : i32
      %dma_start3A_344 = tpu.memref_slice %dma_start3A_341[%dma_start3A_342, %dma_start3A_343] : memref<125x80xi32, #tpu.memory_space<hbm>> -> memref<25x80xi32, #tpu.memory_space<hbm>>
      tpu.enqueue_dma source(%dma_start3A_344 : memref<25x80xi32, #tpu.memory_space<hbm>>) target(%arg8 : memref<25x80xi32, #tpu.memory_space<vmem>>) target_semaphore(%run_scoped3A_330 : memref<!tpu.dma_semaphore, #tpu.memory_space<semaphore_mem>>)
      %dma_wait3A_345 = arith.constant 0 : i32
      %dma_wait3A_346 = arith.constant 0 : i32
      %dma_wait3A_347 = tpu.memref_slice %arg3[%add3A, %dma_wait3A_345, %dma_wait3A_346] : memref<32x125x80xi32, #tpu.memory_space<hbm>> -> memref<1x125x80xi32, #tpu.memory_space<hbm>>
      %dma_wait3A_348 = tpu.memref_squeeze %dma_wait3A_347 : memref<1x125x80xi32, #tpu.memory_space<hbm>> -> memref<125x80xi32, #tpu.memory_space<hbm>>
      %dma_wait3A_349 = arith.constant 25 : i32
      %dma_wait3A_350 = arith.constant 0 : i32
      %dma_wait3A_351 = tpu.memref_slice %dma_wait3A_348[%dma_wait3A_349, %dma_wait3A_350] : memref<125x80xi32, #tpu.memory_space<hbm>> -> memref<25x80xi32, #tpu.memory_space<hbm>>
      %dma_wait3A_352 = arith.constant 0 : i32
      %dma_wait3A_353 = arith.constant 0 : i32
      %dma_wait3A_354 = tpu.memref_slice %arg3[%add3A, %dma_wait3A_352, %dma_wait3A_353] : memref<32x125x80xi32, #tpu.memory_space<hbm>> -> memref<1x125x80xi32, #tpu.memory_space<hbm>>
      %dma_wait3A_355 = tpu.memref_squeeze %dma_wait3A_354 : memref<1x125x80xi32, #tpu.memory_space<hbm>> -> memref<125x80xi32, #tpu.memory_space<hbm>>
      %dma_wait3A_356 = arith.constant 25 : i32
      %dma_wait3A_357 = arith.constant 0 : i32
      %dma_wait3A_358 = tpu.memref_slice %dma_wait3A_355[%dma_wait3A_356, %dma_wait3A_357] : memref<125x80xi32, #tpu.memory_space<hbm>> -> memref<25x80xi32, #tpu.memory_space<hbm>>
      tpu.wait_dma2 semaphore(%run_scoped3A_330 : memref<!tpu.dma_semaphore, #tpu.memory_space<semaphore_mem>>) src(%dma_wait3A_358 : memref<25x80xi32, #tpu.memory_space<hbm>>) dst(%arg8 : memref<25x80xi32, #tpu.memory_space<vmem>>)
      tpu.yield
    }) : () -> ()
    "tpu.region"() ({
      %run_scoped3A_330 = tpu.sem_alloc : memref<!tpu.dma_semaphore, #tpu.memory_space<semaphore_mem>>
      %dma_start3A_331 = arith.constant 0 : i32
      %dma_start3A_332 = arith.constant 0 : i32
      %dma_start3A_333 = tpu.memref_slice %arg4[%add3A, %dma_start3A_331, %dma_start3A_332] : memref<32x125x80xf32, #tpu.memory_space<hbm>> -> memref<1x125x80xf32, #tpu.memory_space<hbm>>
      %dma_start3A_334 = tpu.memref_squeeze %dma_start3A_333 : memref<1x125x80xf32, #tpu.memory_space<hbm>> -> memref<125x80xf32, #tpu.memory_space<hbm>>
      %dma_start3A_335 = arith.constant 25 : i32
      %dma_start3A_336 = arith.constant 0 : i32
      %dma_start3A_337 = tpu.memref_slice %dma_start3A_334[%dma_start3A_335, %dma_start3A_336] : memref<125x80xf32, #tpu.memory_space<hbm>> -> memref<25x80xf32, #tpu.memory_space<hbm>>
      %dma_start3A_338 = arith.constant 0 : i32
      %dma_start3A_339 = arith.constant 0 : i32
      %dma_start3A_340 = tpu.memref_slice %arg4[%add3A, %dma_start3A_338, %dma_start3A_339] : memref<32x125x80xf32, #tpu.memory_space<hbm>> -> memref<1x125x80xf32, #tpu.memory_space<hbm>>
      %dma_start3A_341 = tpu.memref_squeeze %dma_start3A_340 : memref<1x125x80xf32, #tpu.memory_space<hbm>> -> memref<125x80xf32, #tpu.memory_space<hbm>>
      %dma_start3A_342 = arith.constant 25 : i32
      %dma_start3A_343 = arith.constant 0 : i32
      %dma_start3A_344 = tpu.memref_slice %dma_start3A_341[%dma_start3A_342, %dma_start3A_343] : memref<125x80xf32, #tpu.memory_space<hbm>> -> memref<25x80xf32, #tpu.memory_space<hbm>>
      tpu.enqueue_dma source(%dma_start3A_344 : memref<25x80xf32, #tpu.memory_space<hbm>>) target(%arg9 : memref<25x80xf32, #tpu.memory_space<vmem>>) target_semaphore(%run_scoped3A_330 : memref<!tpu.dma_semaphore, #tpu.memory_space<semaphore_mem>>)
      %dma_wait3A_345 = arith.constant 0 : i32
      %dma_wait3A_346 = arith.constant 0 : i32
      %dma_wait3A_347 = tpu.memref_slice %arg4[%add3A, %dma_wait3A_345, %dma_wait3A_346] : memref<32x125x80xf32, #tpu.memory_space<hbm>> -> memref<1x125x80xf32, #tpu.memory_space<hbm>>
      %dma_wait3A_348 = tpu.memref_squeeze %dma_wait3A_347 : memref<1x125x80xf32, #tpu.memory_space<hbm>> -> memref<125x80xf32, #tpu.memory_space<hbm>>
      %dma_wait3A_349 = arith.constant 25 : i32
      %dma_wait3A_350 = arith.constant 0 : i32
      %dma_wait3A_351 = tpu.memref_slice %dma_wait3A_348[%dma_wait3A_349, %dma_wait3A_350] : memref<125x80xf32, #tpu.memory_space<hbm>> -> memref<25x80xf32, #tpu.memory_space<hbm>>
      %dma_wait3A_352 = arith.constant 0 : i32
      %dma_wait3A_353 = arith.constant 0 : i32
      %dma_wait3A_354 = tpu.memref_slice %arg4[%add3A, %dma_wait3A_352, %dma_wait3A_353] : memref<32x125x80xf32, #tpu.memory_space<hbm>> -> memref<1x125x80xf32, #tpu.memory_space<hbm>>
      %dma_wait3A_355 = tpu.memref_squeeze %dma_wait3A_354 : memref<1x125x80xf32, #tpu.memory_space<hbm>> -> memref<125x80xf32, #tpu.memory_space<hbm>>
      %dma_wait3A_356 = arith.constant 25 : i32
      %dma_wait3A_357 = arith.constant 0 : i32
      %dma_wait3A_358 = tpu.memref_slice %dma_wait3A_355[%dma_wait3A_356, %dma_wait3A_357] : memref<125x80xf32, #tpu.memory_space<hbm>> -> memref<25x80xf32, #tpu.memory_space<hbm>>
      tpu.wait_dma2 semaphore(%run_scoped3A_330 : memref<!tpu.dma_semaphore, #tpu.memory_space<semaphore_mem>>) src(%dma_wait3A_358 : memref<25x80xf32, #tpu.memory_space<hbm>>) dst(%arg9 : memref<25x80xf32, #tpu.memory_space<vmem>>)
      tpu.yield
    }) : () -> ()
    %dma_start3A_93 = arith.constant 0 : i32
    %dma_start3A_94 = arith.constant 0 : i32
    %dma_start3A_95 = arith.constant 0 : i32
    %dma_start3A_96 = arith.constant 0 : i32
    %dma_start3A_97 = tpu.memref_slice %arg10[%dma_start3A_94, %dma_start3A_95, %dma_start3A_96] : memref<4x80x128xf32, #tpu.memory_space<vmem>> -> memref<1x80x128xf32, #tpu.memory_space<vmem>>
    %dma_start3A_98 = tpu.memref_squeeze %dma_start3A_97 : memref<1x80x128xf32, #tpu.memory_space<vmem>> -> memref<80x128xf32, #tpu.memory_space<vmem>>
    %dma_start3A_99 = arith.constant 0 : i32
    %dma_start3A_100 = tpu.memref_slice %arg7[%dma_start3A_93, %dma_start3A_99] : memref<25x80xi32, #tpu.memory_space<vmem>> -> memref<1x80xi32, #tpu.memory_space<vmem>>
    %dma_start3A_101 = tpu.memref_squeeze %dma_start3A_100 : memref<1x80xi32, #tpu.memory_space<vmem>> -> memref<80xi32, #tpu.memory_space<vmem>>
    %dma_start3A_102 = arith.constant 0 : i32
    %dma_start3A_103 = arith.constant 0 : i32
    %dma_start3A_104 = tpu.memref_slice %arg5[%dma_start3A_102, %dma_start3A_103] : memref<10000x128xf32, #tpu.memory_space<hbm>> -> memref<10000x128xf32, #tpu.memory_space<hbm>>
    tpu.enqueue_indirect_dma source(%dma_start3A_104 : memref<10000x128xf32, #tpu.memory_space<hbm>>) target(%dma_start3A_98 : memref<80x128xf32, #tpu.memory_space<vmem>>) offsets(%dma_start3A_101 : memref<80xi32, #tpu.memory_space<vmem>>) semaphore(%arg12 : memref<!tpu.dma_semaphore, #tpu.memory_space<semaphore_mem>>)
    %dma_start3A_105 = arith.constant 1 : i32
    %dma_start3A_106 = arith.constant 1 : i32
    %dma_start3A_107 = arith.constant 0 : i32
    %dma_start3A_108 = arith.constant 0 : i32
    %dma_start3A_109 = tpu.memref_slice %arg10[%dma_start3A_106, %dma_start3A_107, %dma_start3A_108] : memref<4x80x128xf32, #tpu.memory_space<vmem>> -> memref<1x80x128xf32, #tpu.memory_space<vmem>>
    %dma_start3A_110 = tpu.memref_squeeze %dma_start3A_109 : memref<1x80x128xf32, #tpu.memory_space<vmem>> -> memref<80x128xf32, #tpu.memory_space<vmem>>
    %dma_start3A_111 = arith.constant 0 : i32
    %dma_start3A_112 = tpu.memref_slice %arg7[%dma_start3A_105, %dma_start3A_111] : memref<25x80xi32, #tpu.memory_space<vmem>> -> memref<1x80xi32, #tpu.memory_space<vmem>>
    %dma_start3A_113 = tpu.memref_squeeze %dma_start3A_112 : memref<1x80xi32, #tpu.memory_space<vmem>> -> memref<80xi32, #tpu.memory_space<vmem>>
    %dma_start3A_114 = arith.constant 0 : i32
    %dma_start3A_115 = arith.constant 0 : i32
    %dma_start3A_116 = tpu.memref_slice %arg5[%dma_start3A_114, %dma_start3A_115] : memref<10000x128xf32, #tpu.memory_space<hbm>> -> memref<10000x128xf32, #tpu.memory_space<hbm>>
    tpu.enqueue_indirect_dma source(%dma_start3A_116 : memref<10000x128xf32, #tpu.memory_space<hbm>>) target(%dma_start3A_110 : memref<80x128xf32, #tpu.memory_space<vmem>>) offsets(%dma_start3A_113 : memref<80xi32, #tpu.memory_space<vmem>>) semaphore(%arg12 : memref<!tpu.dma_semaphore, #tpu.memory_space<semaphore_mem>>)
    %scan3A_117 = arith.constant 0 : i32
    %scan3A_118 = arith.constant 25 : i32
    %scan3A_119 = arith.addi %scan3A_117, %scan3A_118 : i32
    %scan3A_120 = arith.constant 1 : i32
    scf.for %scan3A_330 = %scan3A_117 to %scan3A_119 step %scan3A_120  : i32 {
      %mul3A_331 = arith.constant 1 : i32
      %mul3A_332 = arith.muli %scan3A_330, %mul3A_331 : i32
      %add3A_333 = arith.constant 0 : i32
      %add3A_334 = arith.addi %add3A_333, %mul3A_332 : i32
      %and3A = arith.constant 3 : i32
      %and3A_335 = arith.andi %add3A_334, %and3A : i32
      %dma_wait3A_336 = arith.constant 0 : i32
      %dma_wait3A_337 = arith.constant 0 : i32
      %dma_wait3A_338 = arith.constant 0 : i32
      %dma_wait3A_339 = tpu.memref_slice %arg10[%dma_wait3A_336, %dma_wait3A_337, %dma_wait3A_338] : memref<4x80x128xf32, #tpu.memory_space<vmem>> -> memref<1x80x128xf32, #tpu.memory_space<vmem>>
      %dma_wait3A_340 = tpu.memref_squeeze %dma_wait3A_339 : memref<1x80x128xf32, #tpu.memory_space<vmem>> -> memref<80x128xf32, #tpu.memory_space<vmem>>
      %dma_wait3A_341 = arith.constant 0 : i32
      %dma_wait3A_342 = arith.constant 0 : i32
      %dma_wait3A_343 = tpu.memref_slice %arg5[%dma_wait3A_341, %dma_wait3A_342] : memref<10000x128xf32, #tpu.memory_space<hbm>> -> memref<80x128xf32, #tpu.memory_space<hbm>>
      %dma_wait3A_344 = arith.constant 0 : i32
      %dma_wait3A_345 = arith.constant 0 : i32
      %dma_wait3A_346 = tpu.memref_slice %arg10[%dma_wait3A_336, %dma_wait3A_344, %dma_wait3A_345] : memref<4x80x128xf32, #tpu.memory_space<vmem>> -> memref<1x80x128xf32, #tpu.memory_space<vmem>>
      %dma_wait3A_347 = tpu.memref_squeeze %dma_wait3A_346 : memref<1x80x128xf32, #tpu.memory_space<vmem>> -> memref<80x128xf32, #tpu.memory_space<vmem>>
      %dma_wait3A_348 = arith.constant 0 : i32
      %dma_wait3A_349 = arith.constant 0 : i32
      %dma_wait3A_350 = tpu.memref_slice %arg5[%dma_wait3A_348, %dma_wait3A_349] : memref<10000x128xf32, #tpu.memory_space<hbm>> -> memref<80x128xf32, #tpu.memory_space<hbm>>
      tpu.wait_dma2 semaphore(%arg12 : memref<!tpu.dma_semaphore, #tpu.memory_space<semaphore_mem>>) src(%dma_wait3A_350 : memref<80x128xf32, #tpu.memory_space<hbm>>) dst(%dma_wait3A_347 : memref<80x128xf32, #tpu.memory_space<vmem>>)
      %ge3A = arith.constant 2 : i32
      %ge3A_351 = arith.cmpi sge, %add3A_334, %ge3A : i32
      %convert_element_type3A = arith.extui %ge3A_351 : i1 to i32
      %cond3A = arith.constant 0 : i32
      %cond3A_352 = arith.cmpi ne, %convert_element_type3A, %cond3A : i32
      scf.if %cond3A_352 {
        %dma_wait3A_374 = arith.constant 0 : i32
        %dma_wait3A_375 = arith.constant 0 : i32
        %dma_wait3A_376 = arith.constant 0 : i32
        %dma_wait3A_377 = tpu.memref_slice %arg10[%dma_wait3A_374, %dma_wait3A_375, %dma_wait3A_376] : memref<4x80x128xf32, #tpu.memory_space<vmem>> -> memref<1x80x128xf32, #tpu.memory_space<vmem>>
        %dma_wait3A_378 = tpu.memref_squeeze %dma_wait3A_377 : memref<1x80x128xf32, #tpu.memory_space<vmem>> -> memref<80x128xf32, #tpu.memory_space<vmem>>
        %dma_wait3A_379 = arith.constant 0 : i32
        %dma_wait3A_380 = arith.constant 0 : i32
        %dma_wait3A_381 = tpu.memref_slice %arg5[%dma_wait3A_379, %dma_wait3A_380] : memref<10000x128xf32, #tpu.memory_space<hbm>> -> memref<80x128xf32, #tpu.memory_space<hbm>>
        %dma_wait3A_382 = arith.constant 0 : i32
        %dma_wait3A_383 = arith.constant 0 : i32
        %dma_wait3A_384 = tpu.memref_slice %arg10[%dma_wait3A_374, %dma_wait3A_382, %dma_wait3A_383] : memref<4x80x128xf32, #tpu.memory_space<vmem>> -> memref<1x80x128xf32, #tpu.memory_space<vmem>>
        %dma_wait3A_385 = tpu.memref_squeeze %dma_wait3A_384 : memref<1x80x128xf32, #tpu.memory_space<vmem>> -> memref<80x128xf32, #tpu.memory_space<vmem>>
        %dma_wait3A_386 = arith.constant 0 : i32
        %dma_wait3A_387 = arith.constant 0 : i32
        %dma_wait3A_388 = tpu.memref_slice %arg5[%dma_wait3A_386, %dma_wait3A_387] : memref<10000x128xf32, #tpu.memory_space<hbm>> -> memref<80x128xf32, #tpu.memory_space<hbm>>
        tpu.wait_dma2 semaphore(%arg13 : memref<!tpu.dma_semaphore, #tpu.memory_space<semaphore_mem>>) src(%dma_wait3A_388 : memref<80x128xf32, #tpu.memory_space<hbm>>) dst(%dma_wait3A_385 : memref<80x128xf32, #tpu.memory_space<vmem>>)
      } else {
      }
      %add3A_353 = arith.constant 2 : i32
      %add3A_354 = arith.addi %add3A_334, %add3A_353 : i32
      %lt3A = arith.constant 25 : i32
      %lt3A_355 = arith.cmpi slt, %add3A_354, %lt3A : i32
      %convert_element_type3A_356 = arith.extui %lt3A_355 : i1 to i32
      %cond3A_357 = arith.constant 0 : i32
      %cond3A_358 = arith.cmpi ne, %convert_element_type3A_356, %cond3A_357 : i32
      scf.if %cond3A_358 {
        %add3A_374 = arith.constant 2 : i32
        %add3A_375 = arith.addi %add3A_334, %add3A_374 : i32
        %add3A_376 = arith.constant 2 : i32
        %add3A_377 = arith.addi %add3A_334, %add3A_376 : i32
        %and3A_378 = arith.constant 3 : i32
        %and3A_379 = arith.andi %add3A_377, %and3A_378 : i32
        %dma_start3A_380 = arith.constant 0 : i32
        %dma_start3A_381 = arith.constant 0 : i32
        %dma_start3A_382 = tpu.memref_slice %arg10[%and3A_379, %dma_start3A_380, %dma_start3A_381] : memref<4x80x128xf32, #tpu.memory_space<vmem>> -> memref<1x80x128xf32, #tpu.memory_space<vmem>>
        %dma_start3A_383 = tpu.memref_squeeze %dma_start3A_382 : memref<1x80x128xf32, #tpu.memory_space<vmem>> -> memref<80x128xf32, #tpu.memory_space<vmem>>
        %dma_start3A_384 = arith.constant 0 : i32
        %dma_start3A_385 = tpu.memref_slice %arg7[%add3A_375, %dma_start3A_384] : memref<25x80xi32, #tpu.memory_space<vmem>> -> memref<1x80xi32, #tpu.memory_space<vmem>>
        %dma_start3A_386 = tpu.memref_squeeze %dma_start3A_385 : memref<1x80xi32, #tpu.memory_space<vmem>> -> memref<80xi32, #tpu.memory_space<vmem>>
        %dma_start3A_387 = arith.constant 0 : i32
        %dma_start3A_388 = arith.constant 0 : i32
        %dma_start3A_389 = tpu.memref_slice %arg5[%dma_start3A_387, %dma_start3A_388] : memref<10000x128xf32, #tpu.memory_space<hbm>> -> memref<10000x128xf32, #tpu.memory_space<hbm>>
        tpu.enqueue_indirect_dma source(%dma_start3A_389 : memref<10000x128xf32, #tpu.memory_space<hbm>>) target(%dma_start3A_383 : memref<80x128xf32, #tpu.memory_space<vmem>>) offsets(%dma_start3A_386 : memref<80xi32, #tpu.memory_space<vmem>>) semaphore(%arg12 : memref<!tpu.dma_semaphore, #tpu.memory_space<semaphore_mem>>)
      } else {
      }
      %scan3A_359 = arith.constant 0 : i32
      %scan3A_360 = arith.constant 80 : i32
      %scan3A_361 = arith.addi %scan3A_359, %scan3A_360 : i32
      %scan3A_362 = arith.constant 4 : i32
      scf.for %scan3A_374 = %scan3A_359 to %scan3A_361 step %scan3A_362  : i32 {
        %mul3A_375 = arith.constant 1 : i32
        %mul3A_376 = arith.muli %scan3A_374, %mul3A_375 : i32
        %add3A_377 = arith.constant 0 : i32
        %add3A_378 = arith.addi %add3A_377, %mul3A_376 : i32
        %broadcast_in_dim3A_379 = vector.broadcast %add3A_334 : i32 to vector<16xi32>
        %broadcast_in_dim3A_380 = vector.broadcast %add3A_378 : i32 to vector<16xi32>
        %gather3A = tpu.vector_load_idx %arg9[%broadcast_in_dim3A_379, %broadcast_in_dim3A_380] : memref<25x80xf32, #tpu.memory_space<vmem>>[vector<16xi32>, vector<16xi32>], vector<16xf32>,
        %get3A = arith.index_cast %and3A_335 : i32 to index
        %get3A_381 = arith.index_cast %add3A_378 : i32 to index
        %get3A_382 = arith.constant 0 : index
        %get3A_383 = tpu.vector_load %arg10[%get3A, %get3A_381, %get3A_382] {strides = array<i32>} : memref<4x80x128xf32, #tpu.memory_space<vmem>>, vector<16xf32>,
        %mul3A_384 = arith.mulf %get3A_383, %gather3A : vector<16xf32>
        %swap3A = arith.index_cast %and3A_335 : i32 to index
        %swap3A_385 = arith.index_cast %add3A_378 : i32 to index
        %swap3A_386 = arith.constant 0 : index
        %swap3A_387 = tpu.vector_load %arg10[%swap3A, %swap3A_385, %swap3A_386] {strides = array<i32>} : memref<4x80x128xf32, #tpu.memory_space<vmem>>, vector<16xf32>,
        tpu.vector_store %arg10[%swap3A, %swap3A_385, %swap3A_386], %mul3A_384 {strides = array<i32>} : memref<4x80x128xf32, #tpu.memory_space<vmem>>, vector<16xf32>,
        %get3A_388 = arith.index_cast %and3A_335 : i32 to index
        %get3A_389 = arith.index_cast %add3A_378 : i32 to index
        %get3A_390 = arith.constant 16 : index
        %get3A_391 = tpu.vector_load %arg10[%get3A_388, %get3A_389, %get3A_390] {strides = array<i32>} : memref<4x80x128xf32, #tpu.memory_space<vmem>>, vector<16xf32>,
        %mul3A_392 = arith.mulf %get3A_391, %gather3A : vector<16xf32>
        %swap3A_393 = arith.index_cast %and3A_335 : i32 to index
        %swap3A_394 = arith.index_cast %add3A_378 : i32 to index
        %swap3A_395 = arith.constant 16 : index
        %swap3A_396 = tpu.vector_load %arg10[%swap3A_393, %swap3A_394, %swap3A_395] {strides = array<i32>} : memref<4x80x128xf32, #tpu.memory_space<vmem>>, vector<16xf32>,
        tpu.vector_store %arg10[%swap3A_393, %swap3A_394, %swap3A_395], %mul3A_392 {strides = array<i32>} : memref<4x80x128xf32, #tpu.memory_space<vmem>>, vector<16xf32>,
        %get3A_397 = arith.index_cast %and3A_335 : i32 to index
        %get3A_398 = arith.index_cast %add3A_378 : i32 to index
        %get3A_399 = arith.constant 32 : index
        %get3A_400 = tpu.vector_load %arg10[%get3A_397, %get3A_398, %get3A_399] {strides = array<i32>} : memref<4x80x128xf32, #tpu.memory_space<vmem>>, vector<16xf32>,
        %mul3A_401 = arith.mulf %get3A_400, %gather3A : vector<16xf32>
        %swap3A_402 = arith.index_cast %and3A_335 : i32 to index
        %swap3A_403 = arith.index_cast %add3A_378 : i32 to index
        %swap3A_404 = arith.constant 32 : index
        %swap3A_405 = tpu.vector_load %arg10[%swap3A_402, %swap3A_403, %swap3A_404] {strides = array<i32>} : memref<4x80x128xf32, #tpu.memory_space<vmem>>, vector<16xf32>,
        tpu.vector_store %arg10[%swap3A_402, %swap3A_403, %swap3A_404], %mul3A_401 {strides = array<i32>} : memref<4x80x128xf32, #tpu.memory_space<vmem>>, vector<16xf32>,
        %get3A_406 = arith.index_cast %and3A_335 : i32 to index
        %get3A_407 = arith.index_cast %add3A_378 : i32 to index
        %get3A_408 = arith.constant 48 : index
        %get3A_409 = tpu.vector_load %arg10[%get3A_406, %get3A_407, %get3A_408] {strides = array<i32>} : memref<4x80x128xf32, #tpu.memory_space<vmem>>, vector<16xf32>,
        %mul3A_410 = arith.mulf %get3A_409, %gather3A : vector<16xf32>
        %swap3A_411 = arith.index_cast %and3A_335 : i32 to index
        %swap3A_412 = arith.index_cast %add3A_378 : i32 to index
        %swap3A_413 = arith.constant 48 : index
        %swap3A_414 = tpu.vector_load %arg10[%swap3A_411, %swap3A_412, %swap3A_413] {strides = array<i32>} : memref<4x80x128xf32, #tpu.memory_space<vmem>>, vector<16xf32>,
        tpu.vector_store %arg10[%swap3A_411, %swap3A_412, %swap3A_413], %mul3A_410 {strides = array<i32>} : memref<4x80x128xf32, #tpu.memory_space<vmem>>, vector<16xf32>,
        %get3A_415 = arith.index_cast %and3A_335 : i32 to index
        %get3A_416 = arith.index_cast %add3A_378 : i32 to index
        %get3A_417 = arith.constant 64 : index
        %get3A_418 = tpu.vector_load %arg10[%get3A_415, %get3A_416, %get3A_417] {strides = array<i32>} : memref<4x80x128xf32, #tpu.memory_space<vmem>>, vector<16xf32>,
        %mul3A_419 = arith.mulf %get3A_418, %gather3A : vector<16xf32>
        %swap3A_420 = arith.index_cast %and3A_335 : i32 to index
        %swap3A_421 = arith.index_cast %add3A_378 : i32 to index
        %swap3A_422 = arith.constant 64 : index
        %swap3A_423 = tpu.vector_load %arg10[%swap3A_420, %swap3A_421, %swap3A_422] {strides = array<i32>} : memref<4x80x128xf32, #tpu.memory_space<vmem>>, vector<16xf32>,
        tpu.vector_store %arg10[%swap3A_420, %swap3A_421, %swap3A_422], %mul3A_419 {strides = array<i32>} : memref<4x80x128xf32, #tpu.memory_space<vmem>>, vector<16xf32>,
        %get3A_424 = arith.index_cast %and3A_335 : i32 to index
        %get3A_425 = arith.index_cast %add3A_378 : i32 to index
        %get3A_426 = arith.constant 80 : index
        %get3A_427 = tpu.vector_load %arg10[%get3A_424, %get3A_425, %get3A_426] {strides = array<i32>} : memref<4x80x128xf32, #tpu.memory_space<vmem>>, vector<16xf32>,
        %mul3A_428 = arith.mulf %get3A_427, %gather3A : vector<16xf32>
        %swap3A_429 = arith.index_cast %and3A_335 : i32 to index
        %swap3A_430 = arith.index_cast %add3A_378 : i32 to index
        %swap3A_431 = arith.constant 80 : index
        %swap3A_432 = tpu.vector_load %arg10[%swap3A_429, %swap3A_430, %swap3A_431] {strides = array<i32>} : memref<4x80x128xf32, #tpu.memory_space<vmem>>, vector<16xf32>,
        tpu.vector_store %arg10[%swap3A_429, %swap3A_430, %swap3A_431], %mul3A_428 {strides = array<i32>} : memref<4x80x128xf32, #tpu.memory_space<vmem>>, vector<16xf32>,
        %get3A_433 = arith.index_cast %and3A_335 : i32 to index
        %get3A_434 = arith.index_cast %add3A_378 : i32 to index
        %get3A_435 = arith.constant 96 : index
        %get3A_436 = tpu.vector_load %arg10[%get3A_433, %get3A_434, %get3A_435] {strides = array<i32>} : memref<4x80x128xf32, #tpu.memory_space<vmem>>, vector<16xf32>,
        %mul3A_437 = arith.mulf %get3A_436, %gather3A : vector<16xf32>
        %swap3A_438 = arith.index_cast %and3A_335 : i32 to index
        %swap3A_439 = arith.index_cast %add3A_378 : i32 to index
        %swap3A_440 = arith.constant 96 : index
        %swap3A_441 = tpu.vector_load %arg10[%swap3A_438, %swap3A_439, %swap3A_440] {strides = array<i32>} : memref<4x80x128xf32, #tpu.memory_space<vmem>>, vector<16xf32>,
        tpu.vector_store %arg10[%swap3A_438, %swap3A_439, %swap3A_440], %mul3A_437 {strides = array<i32>} : memref<4x80x128xf32, #tpu.memory_space<vmem>>, vector<16xf32>,
        %get3A_442 = arith.index_cast %and3A_335 : i32 to index
        %get3A_443 = arith.index_cast %add3A_378 : i32 to index
        %get3A_444 = arith.constant 112 : index
        %get3A_445 = tpu.vector_load %arg10[%get3A_442, %get3A_443, %get3A_444] {strides = array<i32>} : memref<4x80x128xf32, #tpu.memory_space<vmem>>, vector<16xf32>,
        %mul3A_446 = arith.mulf %get3A_445, %gather3A : vector<16xf32>
        %swap3A_447 = arith.index_cast %and3A_335 : i32 to index
        %swap3A_448 = arith.index_cast %add3A_378 : i32 to index
        %swap3A_449 = arith.constant 112 : index
        %swap3A_450 = tpu.vector_load %arg10[%swap3A_447, %swap3A_448, %swap3A_449] {strides = array<i32>} : memref<4x80x128xf32, #tpu.memory_space<vmem>>, vector<16xf32>,
        tpu.vector_store %arg10[%swap3A_447, %swap3A_448, %swap3A_449], %mul3A_446 {strides = array<i32>} : memref<4x80x128xf32, #tpu.memory_space<vmem>>, vector<16xf32>,
        %scan3A_451 = arith.constant 1 : i32
        %scan3A_452 = arith.addi %scan3A_374, %scan3A_451 : i32
        %mul3A_453 = arith.constant 1 : i32
        %mul3A_454 = arith.muli %scan3A_452, %mul3A_453 : i32
        %add3A_455 = arith.constant 0 : i32
        %add3A_456 = arith.addi %add3A_455, %mul3A_454 : i32
        %broadcast_in_dim3A_457 = vector.broadcast %add3A_334 : i32 to vector<16xi32>
        %broadcast_in_dim3A_458 = vector.broadcast %add3A_456 : i32 to vector<16xi32>
        %gather3A_459 = tpu.vector_load_idx %arg9[%broadcast_in_dim3A_457, %broadcast_in_dim3A_458] : memref<25x80xf32, #tpu.memory_space<vmem>>[vector<16xi32>, vector<16xi32>], vector<16xf32>,
        %get3A_460 = arith.index_cast %and3A_335 : i32 to index
        %get3A_461 = arith.index_cast %add3A_456 : i32 to index
        %get3A_462 = arith.constant 0 : index
        %get3A_463 = tpu.vector_load %arg10[%get3A_460, %get3A_461, %get3A_462] {strides = array<i32>} : memref<4x80x128xf32, #tpu.memory_space<vmem>>, vector<16xf32>,
        %mul3A_464 = arith.mulf %get3A_463, %gather3A_459 : vector<16xf32>
        %swap3A_465 = arith.index_cast %and3A_335 : i32 to index
        %swap3A_466 = arith.index_cast %add3A_456 : i32 to index
        %swap3A_467 = arith.constant 0 : index
        %swap3A_468 = tpu.vector_load %arg10[%swap3A_465, %swap3A_466, %swap3A_467] {strides = array<i32>} : memref<4x80x128xf32, #tpu.memory_space<vmem>>, vector<16xf32>,
        tpu.vector_store %arg10[%swap3A_465, %swap3A_466, %swap3A_467], %mul3A_464 {strides = array<i32>} : memref<4x80x128xf32, #tpu.memory_space<vmem>>, vector<16xf32>,
        %get3A_469 = arith.index_cast %and3A_335 : i32 to index
        %get3A_470 = arith.index_cast %add3A_456 : i32 to index
        %get3A_471 = arith.constant 16 : index
        %get3A_472 = tpu.vector_load %arg10[%get3A_469, %get3A_470, %get3A_471] {strides = array<i32>} : memref<4x80x128xf32, #tpu.memory_space<vmem>>, vector<16xf32>,
        %mul3A_473 = arith.mulf %get3A_472, %gather3A_459 : vector<16xf32>
        %swap3A_474 = arith.index_cast %and3A_335 : i32 to index
        %swap3A_475 = arith.index_cast %add3A_456 : i32 to index
        %swap3A_476 = arith.constant 16 : index
        %swap3A_477 = tpu.vector_load %arg10[%swap3A_474, %swap3A_475, %swap3A_476] {strides = array<i32>} : memref<4x80x128xf32, #tpu.memory_space<vmem>>, vector<16xf32>,
        tpu.vector_store %arg10[%swap3A_474, %swap3A_475, %swap3A_476], %mul3A_473 {strides = array<i32>} : memref<4x80x128xf32, #tpu.memory_space<vmem>>, vector<16xf32>,
        %get3A_478 = arith.index_cast %and3A_335 : i32 to index
        %get3A_479 = arith.index_cast %add3A_456 : i32 to index
        %get3A_480 = arith.constant 32 : index
        %get3A_481 = tpu.vector_load %arg10[%get3A_478, %get3A_479, %get3A_480] {strides = array<i32>} : memref<4x80x128xf32, #tpu.memory_space<vmem>>, vector<16xf32>,
        %mul3A_482 = arith.mulf %get3A_481, %gather3A_459 : vector<16xf32>
        %swap3A_483 = arith.index_cast %and3A_335 : i32 to index
        %swap3A_484 = arith.index_cast %add3A_456 : i32 to index
        %swap3A_485 = arith.constant 32 : index
        %swap3A_486 = tpu.vector_load %arg10[%swap3A_483, %swap3A_484, %swap3A_485] {strides = array<i32>} : memref<4x80x128xf32, #tpu.memory_space<vmem>>, vector<16xf32>,
        tpu.vector_store %arg10[%swap3A_483, %swap3A_484, %swap3A_485], %mul3A_482 {strides = array<i32>} : memref<4x80x128xf32, #tpu.memory_space<vmem>>, vector<16xf32>,
        %get3A_487 = arith.index_cast %and3A_335 : i32 to index
        %get3A_488 = arith.index_cast %add3A_456 : i32 to index
        %get3A_489 = arith.constant 48 : index
        %get3A_490 = tpu.vector_load %arg10[%get3A_487, %get3A_488, %get3A_489] {strides = array<i32>} : memref<4x80x128xf32, #tpu.memory_space<vmem>>, vector<16xf32>,
        %mul3A_491 = arith.mulf %get3A_490, %gather3A_459 : vector<16xf32>
        %swap3A_492 = arith.index_cast %and3A_335 : i32 to index
        %swap3A_493 = arith.index_cast %add3A_456 : i32 to index
        %swap3A_494 = arith.constant 48 : index
        %swap3A_495 = tpu.vector_load %arg10[%swap3A_492, %swap3A_493, %swap3A_494] {strides = array<i32>} : memref<4x80x128xf32, #tpu.memory_space<vmem>>, vector<16xf32>,
        tpu.vector_store %arg10[%swap3A_492, %swap3A_493, %swap3A_494], %mul3A_491 {strides = array<i32>} : memref<4x80x128xf32, #tpu.memory_space<vmem>>, vector<16xf32>,
        %get3A_496 = arith.index_cast %and3A_335 : i32 to index
        %get3A_497 = arith.index_cast %add3A_456 : i32 to index
        %get3A_498 = arith.constant 64 : index
        %get3A_499 = tpu.vector_load %arg10[%get3A_496, %get3A_497, %get3A_498] {strides = array<i32>} : memref<4x80x128xf32, #tpu.memory_space<vmem>>, vector<16xf32>,
        %mul3A_500 = arith.mulf %get3A_499, %gather3A_459 : vector<16xf32>
        %swap3A_501 = arith.index_cast %and3A_335 : i32 to index
        %swap3A_502 = arith.index_cast %add3A_456 : i32 to index
        %swap3A_503 = arith.constant 64 : index
        %swap3A_504 = tpu.vector_load %arg10[%swap3A_501, %swap3A_502, %swap3A_503] {strides = array<i32>} : memref<4x80x128xf32, #tpu.memory_space<vmem>>, vector<16xf32>,
        tpu.vector_store %arg10[%swap3A_501, %swap3A_502, %swap3A_503], %mul3A_500 {strides = array<i32>} : memref<4x80x128xf32, #tpu.memory_space<vmem>>, vector<16xf32>,
        %get3A_505 = arith.index_cast %and3A_335 : i32 to index
        %get3A_506 = arith.index_cast %add3A_456 : i32 to index
        %get3A_507 = arith.constant 80 : index
        %get3A_508 = tpu.vector_load %arg10[%get3A_505, %get3A_506, %get3A_507] {strides = array<i32>} : memref<4x80x128xf32, #tpu.memory_space<vmem>>, vector<16xf32>,
        %mul3A_509 = arith.mulf %get3A_508, %gather3A_459 : vector<16xf32>
        %swap3A_510 = arith.index_cast %and3A_335 : i32 to index
        %swap3A_511 = arith.index_cast %add3A_456 : i32 to index
        %swap3A_512 = arith.constant 80 : index
        %swap3A_513 = tpu.vector_load %arg10[%swap3A_510, %swap3A_511, %swap3A_512] {strides = array<i32>} : memref<4x80x128xf32, #tpu.memory_space<vmem>>, vector<16xf32>,
        tpu.vector_store %arg10[%swap3A_510, %swap3A_511, %swap3A_512], %mul3A_509 {strides = array<i32>} : memref<4x80x128xf32, #tpu.memory_space<vmem>>, vector<16xf32>,
        %get3A_514 = arith.index_cast %and3A_335 : i32 to index
        %get3A_515 = arith.index_cast %add3A_456 : i32 to index
        %get3A_516 = arith.constant 96 : index
        %get3A_517 = tpu.vector_load %arg10[%get3A_514, %get3A_515, %get3A_516] {strides = array<i32>} : memref<4x80x128xf32, #tpu.memory_space<vmem>>, vector<16xf32>,
        %mul3A_518 = arith.mulf %get3A_517, %gather3A_459 : vector<16xf32>
        %swap3A_519 = arith.index_cast %and3A_335 : i32 to index
        %swap3A_520 = arith.index_cast %add3A_456 : i32 to index
        %swap3A_521 = arith.constant 96 : index
        %swap3A_522 = tpu.vector_load %arg10[%swap3A_519, %swap3A_520, %swap3A_521] {strides = array<i32>} : memref<4x80x128xf32, #tpu.memory_space<vmem>>, vector<16xf32>,
        tpu.vector_store %arg10[%swap3A_519, %swap3A_520, %swap3A_521], %mul3A_518 {strides = array<i32>} : memref<4x80x128xf32, #tpu.memory_space<vmem>>, vector<16xf32>,
        %get3A_523 = arith.index_cast %and3A_335 : i32 to index
        %get3A_524 = arith.index_cast %add3A_456 : i32 to index
        %get3A_525 = arith.constant 112 : index
        %get3A_526 = tpu.vector_load %arg10[%get3A_523, %get3A_524, %get3A_525] {strides = array<i32>} : memref<4x80x128xf32, #tpu.memory_space<vmem>>, vector<16xf32>,
        %mul3A_527 = arith.mulf %get3A_526, %gather3A_459 : vector<16xf32>
        %swap3A_528 = arith.index_cast %and3A_335 : i32 to index
        %swap3A_529 = arith.index_cast %add3A_456 : i32 to index
        %swap3A_530 = arith.constant 112 : index
        %swap3A_531 = tpu.vector_load %arg10[%swap3A_528, %swap3A_529, %swap3A_530] {strides = array<i32>} : memref<4x80x128xf32, #tpu.memory_space<vmem>>, vector<16xf32>,
        tpu.vector_store %arg10[%swap3A_528, %swap3A_529, %swap3A_530], %mul3A_527 {strides = array<i32>} : memref<4x80x128xf32, #tpu.memory_space<vmem>>, vector<16xf32>,
        %scan3A_532 = arith.constant 2 : i32
        %scan3A_533 = arith.addi %scan3A_374, %scan3A_532 : i32
        %mul3A_534 = arith.constant 1 : i32
        %mul3A_535 = arith.muli %scan3A_533, %mul3A_534 : i32
        %add3A_536 = arith.constant 0 : i32
        %add3A_537 = arith.addi %add3A_536, %mul3A_535 : i32
        %broadcast_in_dim3A_538 = vector.broadcast %add3A_334 : i32 to vector<16xi32>
        %broadcast_in_dim3A_539 = vector.broadcast %add3A_537 : i32 to vector<16xi32>
        %gather3A_540 = tpu.vector_load_idx %arg9[%broadcast_in_dim3A_538, %broadcast_in_dim3A_539] : memref<25x80xf32, #tpu.memory_space<vmem>>[vector<16xi32>, vector<16xi32>], vector<16xf32>,
        %get3A_541 = arith.index_cast %and3A_335 : i32 to index
        %get3A_542 = arith.index_cast %add3A_537 : i32 to index
        %get3A_543 = arith.constant 0 : index
        %get3A_544 = tpu.vector_load %arg10[%get3A_541, %get3A_542, %get3A_543] {strides = array<i32>} : memref<4x80x128xf32, #tpu.memory_space<vmem>>, vector<16xf32>,
        %mul3A_545 = arith.mulf %get3A_544, %gather3A_540 : vector<16xf32>
        %swap3A_546 = arith.index_cast %and3A_335 : i32 to index
        %swap3A_547 = arith.index_cast %add3A_537 : i32 to index
        %swap3A_548 = arith.constant 0 : index
        %swap3A_549 = tpu.vector_load %arg10[%swap3A_546, %swap3A_547, %swap3A_548] {strides = array<i32>} : memref<4x80x128xf32, #tpu.memory_space<vmem>>, vector<16xf32>,
        tpu.vector_store %arg10[%swap3A_546, %swap3A_547, %swap3A_548], %mul3A_545 {strides = array<i32>} : memref<4x80x128xf32, #tpu.memory_space<vmem>>, vector<16xf32>,
        %get3A_550 = arith.index_cast %and3A_335 : i32 to index
        %get3A_551 = arith.index_cast %add3A_537 : i32 to index
        %get3A_552 = arith.constant 16 : index
        %get3A_553 = tpu.vector_load %arg10[%get3A_550, %get3A_551, %get3A_552] {strides = array<i32>} : memref<4x80x128xf32, #tpu.memory_space<vmem>>, vector<16xf32>,
        %mul3A_554 = arith.mulf %get3A_553, %gather3A_540 : vector<16xf32>
        %swap3A_555 = arith.index_cast %and3A_335 : i32 to index
        %swap3A_556 = arith.index_cast %add3A_537 : i32 to index
        %swap3A_557 = arith.constant 16 : index
        %swap3A_558 = tpu.vector_load %arg10[%swap3A_555, %swap3A_556, %swap3A_557] {strides = array<i32>} : memref<4x80x128xf32, #tpu.memory_space<vmem>>, vector<16xf32>,
        tpu.vector_store %arg10[%swap3A_555, %swap3A_556, %swap3A_557], %mul3A_554 {strides = array<i32>} : memref<4x80x128xf32, #tpu.memory_space<vmem>>, vector<16xf32>,
        %get3A_559 = arith.index_cast %and3A_335 : i32 to index
        %get3A_560 = arith.index_cast %add3A_537 : i32 to index
        %get3A_561 = arith.constant 32 : index
        %get3A_562 = tpu.vector_load %arg10[%get3A_559, %get3A_560, %get3A_561] {strides = array<i32>} : memref<4x80x128xf32, #tpu.memory_space<vmem>>, vector<16xf32>,
        %mul3A_563 = arith.mulf %get3A_562, %gather3A_540 : vector<16xf32>
        %swap3A_564 = arith.index_cast %and3A_335 : i32 to index
        %swap3A_565 = arith.index_cast %add3A_537 : i32 to index
        %swap3A_566 = arith.constant 32 : index
        %swap3A_567 = tpu.vector_load %arg10[%swap3A_564, %swap3A_565, %swap3A_566] {strides = array<i32>} : memref<4x80x128xf32, #tpu.memory_space<vmem>>, vector<16xf32>,
        tpu.vector_store %arg10[%swap3A_564, %swap3A_565, %swap3A_566], %mul3A_563 {strides = array<i32>} : memref<4x80x128xf32, #tpu.memory_space<vmem>>, vector<16xf32>,
        %get3A_568 = arith.index_cast %and3A_335 : i32 to index
        %get3A_569 = arith.index_cast %add3A_537 : i32 to index
        %get3A_570 = arith.constant 48 : index
        %get3A_571 = tpu.vector_load %arg10[%get3A_568, %get3A_569, %get3A_570] {strides = array<i32>} : memref<4x80x128xf32, #tpu.memory_space<vmem>>, vector<16xf32>,
        %mul3A_572 = arith.mulf %get3A_571, %gather3A_540 : vector<16xf32>
        %swap3A_573 = arith.index_cast %and3A_335 : i32 to index
        %swap3A_574 = arith.index_cast %add3A_537 : i32 to index
        %swap3A_575 = arith.constant 48 : index
        %swap3A_576 = tpu.vector_load %arg10[%swap3A_573, %swap3A_574, %swap3A_575] {strides = array<i32>} : memref<4x80x128xf32, #tpu.memory_space<vmem>>, vector<16xf32>,
        tpu.vector_store %arg10[%swap3A_573, %swap3A_574, %swap3A_575], %mul3A_572 {strides = array<i32>} : memref<4x80x128xf32, #tpu.memory_space<vmem>>, vector<16xf32>,
        %get3A_577 = arith.index_cast %and3A_335 : i32 to index
        %get3A_578 = arith.index_cast %add3A_537 : i32 to index
        %get3A_579 = arith.constant 64 : index
        %get3A_580 = tpu.vector_load %arg10[%get3A_577, %get3A_578, %get3A_579] {strides = array<i32>} : memref<4x80x128xf32, #tpu.memory_space<vmem>>, vector<16xf32>,
        %mul3A_581 = arith.mulf %get3A_580, %gather3A_540 : vector<16xf32>
        %swap3A_582 = arith.index_cast %and3A_335 : i32 to index
        %swap3A_583 = arith.index_cast %add3A_537 : i32 to index
        %swap3A_584 = arith.constant 64 : index
        %swap3A_585 = tpu.vector_load %arg10[%swap3A_582, %swap3A_583, %swap3A_584] {strides = array<i32>} : memref<4x80x128xf32, #tpu.memory_space<vmem>>, vector<16xf32>,
        tpu.vector_store %arg10[%swap3A_582, %swap3A_583, %swap3A_584], %mul3A_581 {strides = array<i32>} : memref<4x80x128xf32, #tpu.memory_space<vmem>>, vector<16xf32>,
        %get3A_586 = arith.index_cast %and3A_335 : i32 to index
        %get3A_587 = arith.index_cast %add3A_537 : i32 to index
        %get3A_588 = arith.constant 80 : index
        %get3A_589 = tpu.vector_load %arg10[%get3A_586, %get3A_587, %get3A_588] {strides = array<i32>} : memref<4x80x128xf32, #tpu.memory_space<vmem>>, vector<16xf32>,
        %mul3A_590 = arith.mulf %get3A_589, %gather3A_540 : vector<16xf32>
        %swap3A_591 = arith.index_cast %and3A_335 : i32 to index
        %swap3A_592 = arith.index_cast %add3A_537 : i32 to index
        %swap3A_593 = arith.constant 80 : index
        %swap3A_594 = tpu.vector_load %arg10[%swap3A_591, %swap3A_592, %swap3A_593] {strides = array<i32>} : memref<4x80x128xf32, #tpu.memory_space<vmem>>, vector<16xf32>,
        tpu.vector_store %arg10[%swap3A_591, %swap3A_592, %swap3A_593], %mul3A_590 {strides = array<i32>} : memref<4x80x128xf32, #tpu.memory_space<vmem>>, vector<16xf32>,
        %get3A_595 = arith.index_cast %and3A_335 : i32 to index
        %get3A_596 = arith.index_cast %add3A_537 : i32 to index
        %get3A_597 = arith.constant 96 : index
        %get3A_598 = tpu.vector_load %arg10[%get3A_595, %get3A_596, %get3A_597] {strides = array<i32>} : memref<4x80x128xf32, #tpu.memory_space<vmem>>, vector<16xf32>,
        %mul3A_599 = arith.mulf %get3A_598, %gather3A_540 : vector<16xf32>
        %swap3A_600 = arith.index_cast %and3A_335 : i32 to index
        %swap3A_601 = arith.index_cast %add3A_537 : i32 to index
        %swap3A_602 = arith.constant 96 : index
        %swap3A_603 = tpu.vector_load %arg10[%swap3A_600, %swap3A_601, %swap3A_602] {strides = array<i32>} : memref<4x80x128xf32, #tpu.memory_space<vmem>>, vector<16xf32>,
        tpu.vector_store %arg10[%swap3A_600, %swap3A_601, %swap3A_602], %mul3A_599 {strides = array<i32>} : memref<4x80x128xf32, #tpu.memory_space<vmem>>, vector<16xf32>,
        %get3A_604 = arith.index_cast %and3A_335 : i32 to index
        %get3A_605 = arith.index_cast %add3A_537 : i32 to index
        %get3A_606 = arith.constant 112 : index
        %get3A_607 = tpu.vector_load %arg10[%get3A_604, %get3A_605, %get3A_606] {strides = array<i32>} : memref<4x80x128xf32, #tpu.memory_space<vmem>>, vector<16xf32>,
        %mul3A_608 = arith.mulf %get3A_607, %gather3A_540 : vector<16xf32>
        %swap3A_609 = arith.index_cast %and3A_335 : i32 to index
        %swap3A_610 = arith.index_cast %add3A_537 : i32 to index
        %swap3A_611 = arith.constant 112 : index
        %swap3A_612 = tpu.vector_load %arg10[%swap3A_609, %swap3A_610, %swap3A_611] {strides = array<i32>} : memref<4x80x128xf32, #tpu.memory_space<vmem>>, vector<16xf32>,
        tpu.vector_store %arg10[%swap3A_609, %swap3A_610, %swap3A_611], %mul3A_608 {strides = array<i32>} : memref<4x80x128xf32, #tpu.memory_space<vmem>>, vector<16xf32>,
        %scan3A_613 = arith.constant 3 : i32
        %scan3A_614 = arith.addi %scan3A_374, %scan3A_613 : i32
        %mul3A_615 = arith.constant 1 : i32
        %mul3A_616 = arith.muli %scan3A_614, %mul3A_615 : i32
        %add3A_617 = arith.constant 0 : i32
        %add3A_618 = arith.addi %add3A_617, %mul3A_616 : i32
        %broadcast_in_dim3A_619 = vector.broadcast %add3A_334 : i32 to vector<16xi32>
        %broadcast_in_dim3A_620 = vector.broadcast %add3A_618 : i32 to vector<16xi32>
        %gather3A_621 = tpu.vector_load_idx %arg9[%broadcast_in_dim3A_619, %broadcast_in_dim3A_620] : memref<25x80xf32, #tpu.memory_space<vmem>>[vector<16xi32>, vector<16xi32>], vector<16xf32>,
        %get3A_622 = arith.index_cast %and3A_335 : i32 to index
        %get3A_623 = arith.index_cast %add3A_618 : i32 to index
        %get3A_624 = arith.constant 0 : index
        %get3A_625 = tpu.vector_load %arg10[%get3A_622, %get3A_623, %get3A_624] {strides = array<i32>} : memref<4x80x128xf32, #tpu.memory_space<vmem>>, vector<16xf32>,
        %mul3A_626 = arith.mulf %get3A_625, %gather3A_621 : vector<16xf32>
        %swap3A_627 = arith.index_cast %and3A_335 : i32 to index
        %swap3A_628 = arith.index_cast %add3A_618 : i32 to index
        %swap3A_629 = arith.constant 0 : index
        %swap3A_630 = tpu.vector_load %arg10[%swap3A_627, %swap3A_628, %swap3A_629] {strides = array<i32>} : memref<4x80x128xf32, #tpu.memory_space<vmem>>, vector<16xf32>,
        tpu.vector_store %arg10[%swap3A_627, %swap3A_628, %swap3A_629], %mul3A_626 {strides = array<i32>} : memref<4x80x128xf32, #tpu.memory_space<vmem>>, vector<16xf32>,
        %get3A_631 = arith.index_cast %and3A_335 : i32 to index
        %get3A_632 = arith.index_cast %add3A_618 : i32 to index
        %get3A_633 = arith.constant 16 : index
        %get3A_634 = tpu.vector_load %arg10[%get3A_631, %get3A_632, %get3A_633] {strides = array<i32>} : memref<4x80x128xf32, #tpu.memory_space<vmem>>, vector<16xf32>,
        %mul3A_635 = arith.mulf %get3A_634, %gather3A_621 : vector<16xf32>
        %swap3A_636 = arith.index_cast %and3A_335 : i32 to index
        %swap3A_637 = arith.index_cast %add3A_618 : i32 to index
        %swap3A_638 = arith.constant 16 : index
        %swap3A_639 = tpu.vector_load %arg10[%swap3A_636, %swap3A_637, %swap3A_638] {strides = array<i32>} : memref<4x80x128xf32, #tpu.memory_space<vmem>>, vector<16xf32>,
        tpu.vector_store %arg10[%swap3A_636, %swap3A_637, %swap3A_638], %mul3A_635 {strides = array<i32>} : memref<4x80x128xf32, #tpu.memory_space<vmem>>, vector<16xf32>,
        %get3A_640 = arith.index_cast %and3A_335 : i32 to index
        %get3A_641 = arith.index_cast %add3A_618 : i32 to index
        %get3A_642 = arith.constant 32 : index
        %get3A_643 = tpu.vector_load %arg10[%get3A_640, %get3A_641, %get3A_642] {strides = array<i32>} : memref<4x80x128xf32, #tpu.memory_space<vmem>>, vector<16xf32>,
        %mul3A_644 = arith.mulf %get3A_643, %gather3A_621 : vector<16xf32>
        %swap3A_645 = arith.index_cast %and3A_335 : i32 to index
        %swap3A_646 = arith.index_cast %add3A_618 : i32 to index
        %swap3A_647 = arith.constant 32 : index
        %swap3A_648 = tpu.vector_load %arg10[%swap3A_645, %swap3A_646, %swap3A_647] {strides = array<i32>} : memref<4x80x128xf32, #tpu.memory_space<vmem>>, vector<16xf32>,
        tpu.vector_store %arg10[%swap3A_645, %swap3A_646, %swap3A_647], %mul3A_644 {strides = array<i32>} : memref<4x80x128xf32, #tpu.memory_space<vmem>>, vector<16xf32>,
        %get3A_649 = arith.index_cast %and3A_335 : i32 to index
        %get3A_650 = arith.index_cast %add3A_618 : i32 to index
        %get3A_651 = arith.constant 48 : index
        %get3A_652 = tpu.vector_load %arg10[%get3A_649, %get3A_650, %get3A_651] {strides = array<i32>} : memref<4x80x128xf32, #tpu.memory_space<vmem>>, vector<16xf32>,
        %mul3A_653 = arith.mulf %get3A_652, %gather3A_621 : vector<16xf32>
        %swap3A_654 = arith.index_cast %and3A_335 : i32 to index
        %swap3A_655 = arith.index_cast %add3A_618 : i32 to index
        %swap3A_656 = arith.constant 48 : index
        %swap3A_657 = tpu.vector_load %arg10[%swap3A_654, %swap3A_655, %swap3A_656] {strides = array<i32>} : memref<4x80x128xf32, #tpu.memory_space<vmem>>, vector<16xf32>,
        tpu.vector_store %arg10[%swap3A_654, %swap3A_655, %swap3A_656], %mul3A_653 {strides = array<i32>} : memref<4x80x128xf32, #tpu.memory_space<vmem>>, vector<16xf32>,
        %get3A_658 = arith.index_cast %and3A_335 : i32 to index
        %get3A_659 = arith.index_cast %add3A_618 : i32 to index
        %get3A_660 = arith.constant 64 : index
        %get3A_661 = tpu.vector_load %arg10[%get3A_658, %get3A_659, %get3A_660] {strides = array<i32>} : memref<4x80x128xf32, #tpu.memory_space<vmem>>, vector<16xf32>,
        %mul3A_662 = arith.mulf %get3A_661, %gather3A_621 : vector<16xf32>
        %swap3A_663 = arith.index_cast %and3A_335 : i32 to index
        %swap3A_664 = arith.index_cast %add3A_618 : i32 to index
        %swap3A_665 = arith.constant 64 : index
        %swap3A_666 = tpu.vector_load %arg10[%swap3A_663, %swap3A_664, %swap3A_665] {strides = array<i32>} : memref<4x80x128xf32, #tpu.memory_space<vmem>>, vector<16xf32>,
        tpu.vector_store %arg10[%swap3A_663, %swap3A_664, %swap3A_665], %mul3A_662 {strides = array<i32>} : memref<4x80x128xf32, #tpu.memory_space<vmem>>, vector<16xf32>,
        %get3A_667 = arith.index_cast %and3A_335 : i32 to index
        %get3A_668 = arith.index_cast %add3A_618 : i32 to index
        %get3A_669 = arith.constant 80 : index
        %get3A_670 = tpu.vector_load %arg10[%get3A_667, %get3A_668, %get3A_669] {strides = array<i32>} : memref<4x80x128xf32, #tpu.memory_space<vmem>>, vector<16xf32>,
        %mul3A_671 = arith.mulf %get3A_670, %gather3A_621 : vector<16xf32>
        %swap3A_672 = arith.index_cast %and3A_335 : i32 to index
        %swap3A_673 = arith.index_cast %add3A_618 : i32 to index
        %swap3A_674 = arith.constant 80 : index
        %swap3A_675 = tpu.vector_load %arg10[%swap3A_672, %swap3A_673, %swap3A_674] {strides = array<i32>} : memref<4x80x128xf32, #tpu.memory_space<vmem>>, vector<16xf32>,
        tpu.vector_store %arg10[%swap3A_672, %swap3A_673, %swap3A_674], %mul3A_671 {strides = array<i32>} : memref<4x80x128xf32, #tpu.memory_space<vmem>>, vector<16xf32>,
        %get3A_676 = arith.index_cast %and3A_335 : i32 to index
        %get3A_677 = arith.index_cast %add3A_618 : i32 to index
        %get3A_678 = arith.constant 96 : index
        %get3A_679 = tpu.vector_load %arg10[%get3A_676, %get3A_677, %get3A_678] {strides = array<i32>} : memref<4x80x128xf32, #tpu.memory_space<vmem>>, vector<16xf32>,
        %mul3A_680 = arith.mulf %get3A_679, %gather3A_621 : vector<16xf32>
        %swap3A_681 = arith.index_cast %and3A_335 : i32 to index
        %swap3A_682 = arith.index_cast %add3A_618 : i32 to index
        %swap3A_683 = arith.constant 96 : index
        %swap3A_684 = tpu.vector_load %arg10[%swap3A_681, %swap3A_682, %swap3A_683] {strides = array<i32>} : memref<4x80x128xf32, #tpu.memory_space<vmem>>, vector<16xf32>,
        tpu.vector_store %arg10[%swap3A_681, %swap3A_682, %swap3A_683], %mul3A_680 {strides = array<i32>} : memref<4x80x128xf32, #tpu.memory_space<vmem>>, vector<16xf32>,
        %get3A_685 = arith.index_cast %and3A_335 : i32 to index
        %get3A_686 = arith.index_cast %add3A_618 : i32 to index
        %get3A_687 = arith.constant 112 : index
        %get3A_688 = tpu.vector_load %arg10[%get3A_685, %get3A_686, %get3A_687] {strides = array<i32>} : memref<4x80x128xf32, #tpu.memory_space<vmem>>, vector<16xf32>,
        %mul3A_689 = arith.mulf %get3A_688, %gather3A_621 : vector<16xf32>
        %swap3A_690 = arith.index_cast %and3A_335 : i32 to index
        %swap3A_691 = arith.index_cast %add3A_618 : i32 to index
        %swap3A_692 = arith.constant 112 : index
        %swap3A_693 = tpu.vector_load %arg10[%swap3A_690, %swap3A_691, %swap3A_692] {strides = array<i32>} : memref<4x80x128xf32, #tpu.memory_space<vmem>>, vector<16xf32>,
        tpu.vector_store %arg10[%swap3A_690, %swap3A_691, %swap3A_692], %mul3A_689 {strides = array<i32>} : memref<4x80x128xf32, #tpu.memory_space<vmem>>, vector<16xf32>,
      }
      %scan3A_363 = arith.constant 80 : i32
      %dma_start3A_364 = arith.constant 0 : i32
      %dma_start3A_365 = arith.constant 0 : i32
      %dma_start3A_366 = tpu.memref_slice %arg10[%and3A_335, %dma_start3A_364, %dma_start3A_365] : memref<4x80x128xf32, #tpu.memory_space<vmem>> -> memref<1x80x128xf32, #tpu.memory_space<vmem>>
      %dma_start3A_367 = tpu.memref_squeeze %dma_start3A_366 : memref<1x80x128xf32, #tpu.memory_space<vmem>> -> memref<80x128xf32, #tpu.memory_space<vmem>>
      %dma_start3A_368 = arith.constant 0 : i32
      %dma_start3A_369 = tpu.memref_slice %arg8[%add3A_334, %dma_start3A_368] : memref<25x80xi32, #tpu.memory_space<vmem>> -> memref<1x80xi32, #tpu.memory_space<vmem>>
      %dma_start3A_370 = tpu.memref_squeeze %dma_start3A_369 : memref<1x80xi32, #tpu.memory_space<vmem>> -> memref<80xi32, #tpu.memory_space<vmem>>
      %dma_start3A_371 = arith.constant 0 : i32
      %dma_start3A_372 = arith.constant 0 : i32
      %dma_start3A_373 = tpu.memref_slice %arg11[%dma_start3A_371, %dma_start3A_372] : memref<10000x128xf32, #tpu.memory_space<vmem_shared>> -> memref<10000x128xf32, #tpu.memory_space<vmem_shared>>
      tpu.enqueue_indirect_dma source(%dma_start3A_367 : memref<80x128xf32, #tpu.memory_space<vmem>>) target(%dma_start3A_373 : memref<10000x128xf32, #tpu.memory_space<vmem_shared>>) offsets(%dma_start3A_370 : memref<80xi32, #tpu.memory_space<vmem>>) semaphore(%arg13 : memref<!tpu.dma_semaphore, #tpu.memory_space<semaphore_mem>>) {add = true}
    }
    %scan3A_121 = arith.constant 25 : i32
    %dma_wait3A_122 = arith.constant 0 : i32
    %dma_wait3A_123 = arith.constant 0 : i32
    %dma_wait3A_124 = arith.constant 0 : i32
    %dma_wait3A_125 = tpu.memref_slice %arg10[%dma_wait3A_122, %dma_wait3A_123, %dma_wait3A_124] : memref<4x80x128xf32, #tpu.memory_space<vmem>> -> memref<1x80x128xf32, #tpu.memory_space<vmem>>
    %dma_wait3A_126 = tpu.memref_squeeze %dma_wait3A_125 : memref<1x80x128xf32, #tpu.memory_space<vmem>> -> memref<80x128xf32, #tpu.memory_space<vmem>>
    %dma_wait3A_127 = arith.constant 0 : i32
    %dma_wait3A_128 = arith.constant 0 : i32
    %dma_wait3A_129 = tpu.memref_slice %arg5[%dma_wait3A_127, %dma_wait3A_128] : memref<10000x128xf32, #tpu.memory_space<hbm>> -> memref<80x128xf32, #tpu.memory_space<hbm>>
    %dma_wait3A_130 = arith.constant 0 : i32
    %dma_wait3A_131 = arith.constant 0 : i32
    %dma_wait3A_132 = tpu.memref_slice %arg10[%dma_wait3A_122, %dma_wait3A_130, %dma_wait3A_131] : memref<4x80x128xf32, #tpu.memory_space<vmem>> -> memref<1x80x128xf32, #tpu.memory_space<vmem>>
    %dma_wait3A_133 = tpu.memref_squeeze %dma_wait3A_132 : memref<1x80x128xf32, #tpu.memory_space<vmem>> -> memref<80x128xf32, #tpu.memory_space<vmem>>
    %dma_wait3A_134 = arith.constant 0 : i32
    %dma_wait3A_135 = arith.constant 0 : i32
    %dma_wait3A_136 = tpu.memref_slice %arg5[%dma_wait3A_134, %dma_wait3A_135] : memref<10000x128xf32, #tpu.memory_space<hbm>> -> memref<80x128xf32, #tpu.memory_space<hbm>>
    tpu.wait_dma2 semaphore(%arg13 : memref<!tpu.dma_semaphore, #tpu.memory_space<semaphore_mem>>) src(%dma_wait3A_136 : memref<80x128xf32, #tpu.memory_space<hbm>>) dst(%dma_wait3A_133 : memref<80x128xf32, #tpu.memory_space<vmem>>)
    %dma_wait3A_137 = arith.constant 0 : i32
    %dma_wait3A_138 = arith.constant 0 : i32
    %dma_wait3A_139 = arith.constant 0 : i32
    %dma_wait3A_140 = tpu.memref_slice %arg10[%dma_wait3A_137, %dma_wait3A_138, %dma_wait3A_139] : memref<4x80x128xf32, #tpu.memory_space<vmem>> -> memref<1x80x128xf32, #tpu.memory_space<vmem>>
    %dma_wait3A_141 = tpu.memref_squeeze %dma_wait3A_140 : memref<1x80x128xf32, #tpu.memory_space<vmem>> -> memref<80x128xf32, #tpu.memory_space<vmem>>
    %dma_wait3A_142 = arith.constant 0 : i32
    %dma_wait3A_143 = arith.constant 0 : i32
    %dma_wait3A_144 = tpu.memref_slice %arg5[%dma_wait3A_142, %dma_wait3A_143] : memref<10000x128xf32, #tpu.memory_space<hbm>> -> memref<80x128xf32, #tpu.memory_space<hbm>>
    %dma_wait3A_145 = arith.constant 0 : i32
    %dma_wait3A_146 = arith.constant 0 : i32
    %dma_wait3A_147 = tpu.memref_slice %arg10[%dma_wait3A_137, %dma_wait3A_145, %dma_wait3A_146] : memref<4x80x128xf32, #tpu.memory_space<vmem>> -> memref<1x80x128xf32, #tpu.memory_space<vmem>>
    %dma_wait3A_148 = tpu.memref_squeeze %dma_wait3A_147 : memref<1x80x128xf32, #tpu.memory_space<vmem>> -> memref<80x128xf32, #tpu.memory_space<vmem>>
    %dma_wait3A_149 = arith.constant 0 : i32
    %dma_wait3A_150 = arith.constant 0 : i32
    %dma_wait3A_151 = tpu.memref_slice %arg5[%dma_wait3A_149, %dma_wait3A_150] : memref<10000x128xf32, #tpu.memory_space<hbm>> -> memref<80x128xf32, #tpu.memory_space<hbm>>
    tpu.wait_dma2 semaphore(%arg13 : memref<!tpu.dma_semaphore, #tpu.memory_space<semaphore_mem>>) src(%dma_wait3A_151 : memref<80x128xf32, #tpu.memory_space<hbm>>) dst(%dma_wait3A_148 : memref<80x128xf32, #tpu.memory_space<vmem>>)
    "tpu.region"() ({
      %run_scoped3A_330 = tpu.sem_alloc : memref<!tpu.dma_semaphore, #tpu.memory_space<semaphore_mem>>
      %dma_start3A_331 = arith.constant 0 : i32
      %dma_start3A_332 = arith.constant 0 : i32
      %dma_start3A_333 = tpu.memref_slice %arg2[%add3A, %dma_start3A_331, %dma_start3A_332] : memref<32x125x80xi32, #tpu.memory_space<hbm>> -> memref<1x125x80xi32, #tpu.memory_space<hbm>>
      %dma_start3A_334 = tpu.memref_squeeze %dma_start3A_333 : memref<1x125x80xi32, #tpu.memory_space<hbm>> -> memref<125x80xi32, #tpu.memory_space<hbm>>
      %dma_start3A_335 = arith.constant 50 : i32
      %dma_start3A_336 = arith.constant 0 : i32
      %dma_start3A_337 = tpu.memref_slice %dma_start3A_334[%dma_start3A_335, %dma_start3A_336] : memref<125x80xi32, #tpu.memory_space<hbm>> -> memref<25x80xi32, #tpu.memory_space<hbm>>
      %dma_start3A_338 = arith.constant 0 : i32
      %dma_start3A_339 = arith.constant 0 : i32
      %dma_start3A_340 = tpu.memref_slice %arg2[%add3A, %dma_start3A_338, %dma_start3A_339] : memref<32x125x80xi32, #tpu.memory_space<hbm>> -> memref<1x125x80xi32, #tpu.memory_space<hbm>>
      %dma_start3A_341 = tpu.memref_squeeze %dma_start3A_340 : memref<1x125x80xi32, #tpu.memory_space<hbm>> -> memref<125x80xi32, #tpu.memory_space<hbm>>
      %dma_start3A_342 = arith.constant 50 : i32
      %dma_start3A_343 = arith.constant 0 : i32
      %dma_start3A_344 = tpu.memref_slice %dma_start3A_341[%dma_start3A_342, %dma_start3A_343] : memref<125x80xi32, #tpu.memory_space<hbm>> -> memref<25x80xi32, #tpu.memory_space<hbm>>
      tpu.enqueue_dma source(%dma_start3A_344 : memref<25x80xi32, #tpu.memory_space<hbm>>) target(%arg7 : memref<25x80xi32, #tpu.memory_space<vmem>>) target_semaphore(%run_scoped3A_330 : memref<!tpu.dma_semaphore, #tpu.memory_space<semaphore_mem>>)
      %dma_wait3A_345 = arith.constant 0 : i32
      %dma_wait3A_346 = arith.constant 0 : i32
      %dma_wait3A_347 = tpu.memref_slice %arg2[%add3A, %dma_wait3A_345, %dma_wait3A_346] : memref<32x125x80xi32, #tpu.memory_space<hbm>> -> memref<1x125x80xi32, #tpu.memory_space<hbm>>
      %dma_wait3A_348 = tpu.memref_squeeze %dma_wait3A_347 : memref<1x125x80xi32, #tpu.memory_space<hbm>> -> memref<125x80xi32, #tpu.memory_space<hbm>>
      %dma_wait3A_349 = arith.constant 50 : i32
      %dma_wait3A_350 = arith.constant 0 : i32
      %dma_wait3A_351 = tpu.memref_slice %dma_wait3A_348[%dma_wait3A_349, %dma_wait3A_350] : memref<125x80xi32, #tpu.memory_space<hbm>> -> memref<25x80xi32, #tpu.memory_space<hbm>>
      %dma_wait3A_352 = arith.constant 0 : i32
      %dma_wait3A_353 = arith.constant 0 : i32
      %dma_wait3A_354 = tpu.memref_slice %arg2[%add3A, %dma_wait3A_352, %dma_wait3A_353] : memref<32x125x80xi32, #tpu.memory_space<hbm>> -> memref<1x125x80xi32, #tpu.memory_space<hbm>>
      %dma_wait3A_355 = tpu.memref_squeeze %dma_wait3A_354 : memref<1x125x80xi32, #tpu.memory_space<hbm>> -> memref<125x80xi32, #tpu.memory_space<hbm>>
      %dma_wait3A_356 = arith.constant 50 : i32
      %dma_wait3A_357 = arith.constant 0 : i32
      %dma_wait3A_358 = tpu.memref_slice %dma_wait3A_355[%dma_wait3A_356, %dma_wait3A_357] : memref<125x80xi32, #tpu.memory_space<hbm>> -> memref<25x80xi32, #tpu.memory_space<hbm>>
      tpu.wait_dma2 semaphore(%run_scoped3A_330 : memref<!tpu.dma_semaphore, #tpu.memory_space<semaphore_mem>>) src(%dma_wait3A_358 : memref<25x80xi32, #tpu.memory_space<hbm>>) dst(%arg7 : memref<25x80xi32, #tpu.memory_space<vmem>>)
      tpu.yield
    }) : () -> ()
    "tpu.region"() ({
      %run_scoped3A_330 = tpu.sem_alloc : memref<!tpu.dma_semaphore, #tpu.memory_space<semaphore_mem>>
      %dma_start3A_331 = arith.constant 0 : i32
      %dma_start3A_332 = arith.constant 0 : i32
      %dma_start3A_333 = tpu.memref_slice %arg3[%add3A, %dma_start3A_331, %dma_start3A_332] : memref<32x125x80xi32, #tpu.memory_space<hbm>> -> memref<1x125x80xi32, #tpu.memory_space<hbm>>
      %dma_start3A_334 = tpu.memref_squeeze %dma_start3A_333 : memref<1x125x80xi32, #tpu.memory_space<hbm>> -> memref<125x80xi32, #tpu.memory_space<hbm>>
      %dma_start3A_335 = arith.constant 50 : i32
      %dma_start3A_336 = arith.constant 0 : i32
      %dma_start3A_337 = tpu.memref_slice %dma_start3A_334[%dma_start3A_335, %dma_start3A_336] : memref<125x80xi32, #tpu.memory_space<hbm>> -> memref<25x80xi32, #tpu.memory_space<hbm>>
      %dma_start3A_338 = arith.constant 0 : i32
      %dma_start3A_339 = arith.constant 0 : i32
      %dma_start3A_340 = tpu.memref_slice %arg3[%add3A, %dma_start3A_338, %dma_start3A_339] : memref<32x125x80xi32, #tpu.memory_space<hbm>> -> memref<1x125x80xi32, #tpu.memory_space<hbm>>
      %dma_start3A_341 = tpu.memref_squeeze %dma_start3A_340 : memref<1x125x80xi32, #tpu.memory_space<hbm>> -> memref<125x80xi32, #tpu.memory_space<hbm>>
      %dma_start3A_342 = arith.constant 50 : i32
      %dma_start3A_343 = arith.constant 0 : i32
      %dma_start3A_344 = tpu.memref_slice %dma_start3A_341[%dma_start3A_342, %dma_start3A_343] : memref<125x80xi32, #tpu.memory_space<hbm>> -> memref<25x80xi32, #tpu.memory_space<hbm>>
      tpu.enqueue_dma source(%dma_start3A_344 : memref<25x80xi32, #tpu.memory_space<hbm>>) target(%arg8 : memref<25x80xi32, #tpu.memory_space<vmem>>) target_semaphore(%run_scoped3A_330 : memref<!tpu.dma_semaphore, #tpu.memory_space<semaphore_mem>>)
      %dma_wait3A_345 = arith.constant 0 : i32
      %dma_wait3A_346 = arith.constant 0 : i32
      %dma_wait3A_347 = tpu.memref_slice %arg3[%add3A, %dma_wait3A_345, %dma_wait3A_346] : memref<32x125x80xi32, #tpu.memory_space<hbm>> -> memref<1x125x80xi32, #tpu.memory_space<hbm>>
      %dma_wait3A_348 = tpu.memref_squeeze %dma_wait3A_347 : memref<1x125x80xi32, #tpu.memory_space<hbm>> -> memref<125x80xi32, #tpu.memory_space<hbm>>
      %dma_wait3A_349 = arith.constant 50 : i32
      %dma_wait3A_350 = arith.constant 0 : i32
      %dma_wait3A_351 = tpu.memref_slice %dma_wait3A_348[%dma_wait3A_349, %dma_wait3A_350] : memref<125x80xi32, #tpu.memory_space<hbm>> -> memref<25x80xi32, #tpu.memory_space<hbm>>
      %dma_wait3A_352 = arith.constant 0 : i32
      %dma_wait3A_353 = arith.constant 0 : i32
      %dma_wait3A_354 = tpu.memref_slice %arg3[%add3A, %dma_wait3A_352, %dma_wait3A_353] : memref<32x125x80xi32, #tpu.memory_space<hbm>> -> memref<1x125x80xi32, #tpu.memory_space<hbm>>
      %dma_wait3A_355 = tpu.memref_squeeze %dma_wait3A_354 : memref<1x125x80xi32, #tpu.memory_space<hbm>> -> memref<125x80xi32, #tpu.memory_space<hbm>>
      %dma_wait3A_356 = arith.constant 50 : i32
      %dma_wait3A_357 = arith.constant 0 : i32
      %dma_wait3A_358 = tpu.memref_slice %dma_wait3A_355[%dma_wait3A_356, %dma_wait3A_357] : memref<125x80xi32, #tpu.memory_space<hbm>> -> memref<25x80xi32, #tpu.memory_space<hbm>>
      tpu.wait_dma2 semaphore(%run_scoped3A_330 : memref<!tpu.dma_semaphore, #tpu.memory_space<semaphore_mem>>) src(%dma_wait3A_358 : memref<25x80xi32, #tpu.memory_space<hbm>>) dst(%arg8 : memref<25x80xi32, #tpu.memory_space<vmem>>)
      tpu.yield
    }) : () -> ()
    "tpu.region"() ({
      %run_scoped3A_330 = tpu.sem_alloc : memref<!tpu.dma_semaphore, #tpu.memory_space<semaphore_mem>>
      %dma_start3A_331 = arith.constant 0 : i32
      %dma_start3A_332 = arith.constant 0 : i32
      %dma_start3A_333 = tpu.memref_slice %arg4[%add3A, %dma_start3A_331, %dma_start3A_332] : memref<32x125x80xf32, #tpu.memory_space<hbm>> -> memref<1x125x80xf32, #tpu.memory_space<hbm>>
      %dma_start3A_334 = tpu.memref_squeeze %dma_start3A_333 : memref<1x125x80xf32, #tpu.memory_space<hbm>> -> memref<125x80xf32, #tpu.memory_space<hbm>>
      %dma_start3A_335 = arith.constant 50 : i32
      %dma_start3A_336 = arith.constant 0 : i32
      %dma_start3A_337 = tpu.memref_slice %dma_start3A_334[%dma_start3A_335, %dma_start3A_336] : memref<125x80xf32, #tpu.memory_space<hbm>> -> memref<25x80xf32, #tpu.memory_space<hbm>>
      %dma_start3A_338 = arith.constant 0 : i32
      %dma_start3A_339 = arith.constant 0 : i32
      %dma_start3A_340 = tpu.memref_slice %arg4[%add3A, %dma_start3A_338, %dma_start3A_339] : memref<32x125x80xf32, #tpu.memory_space<hbm>> -> memref<1x125x80xf32, #tpu.memory_space<hbm>>
      %dma_start3A_341 = tpu.memref_squeeze %dma_start3A_340 : memref<1x125x80xf32, #tpu.memory_space<hbm>> -> memref<125x80xf32, #tpu.memory_space<hbm>>
      %dma_start3A_342 = arith.constant 50 : i32
      %dma_start3A_343 = arith.constant 0 : i32
      %dma_start3A_344 = tpu.memref_slice %dma_start3A_341[%dma_start3A_342, %dma_start3A_343] : memref<125x80xf32, #tpu.memory_space<hbm>> -> memref<25x80xf32, #tpu.memory_space<hbm>>
      tpu.enqueue_dma source(%dma_start3A_344 : memref<25x80xf32, #tpu.memory_space<hbm>>) target(%arg9 : memref<25x80xf32, #tpu.memory_space<vmem>>) target_semaphore(%run_scoped3A_330 : memref<!tpu.dma_semaphore, #tpu.memory_space<semaphore_mem>>)
      %dma_wait3A_345 = arith.constant 0 : i32
      %dma_wait3A_346 = arith.constant 0 : i32
      %dma_wait3A_347 = tpu.memref_slice %arg4[%add3A, %dma_wait3A_345, %dma_wait3A_346] : memref<32x125x80xf32, #tpu.memory_space<hbm>> -> memref<1x125x80xf32, #tpu.memory_space<hbm>>
      %dma_wait3A_348 = tpu.memref_squeeze %dma_wait3A_347 : memref<1x125x80xf32, #tpu.memory_space<hbm>> -> memref<125x80xf32, #tpu.memory_space<hbm>>
      %dma_wait3A_349 = arith.constant 50 : i32
      %dma_wait3A_350 = arith.constant 0 : i32
      %dma_wait3A_351 = tpu.memref_slice %dma_wait3A_348[%dma_wait3A_349, %dma_wait3A_350] : memref<125x80xf32, #tpu.memory_space<hbm>> -> memref<25x80xf32, #tpu.memory_space<hbm>>
      %dma_wait3A_352 = arith.constant 0 : i32
      %dma_wait3A_353 = arith.constant 0 : i32
      %dma_wait3A_354 = tpu.memref_slice %arg4[%add3A, %dma_wait3A_352, %dma_wait3A_353] : memref<32x125x80xf32, #tpu.memory_space<hbm>> -> memref<1x125x80xf32, #tpu.memory_space<hbm>>
      %dma_wait3A_355 = tpu.memref_squeeze %dma_wait3A_354 : memref<1x125x80xf32, #tpu.memory_space<hbm>> -> memref<125x80xf32, #tpu.memory_space<hbm>>
      %dma_wait3A_356 = arith.constant 50 : i32
      %dma_wait3A_357 = arith.constant 0 : i32
      %dma_wait3A_358 = tpu.memref_slice %dma_wait3A_355[%dma_wait3A_356, %dma_wait3A_357] : memref<125x80xf32, #tpu.memory_space<hbm>> -> memref<25x80xf32, #tpu.memory_space<hbm>>
      tpu.wait_dma2 semaphore(%run_scoped3A_330 : memref<!tpu.dma_semaphore, #tpu.memory_space<semaphore_mem>>) src(%dma_wait3A_358 : memref<25x80xf32, #tpu.memory_space<hbm>>) dst(%arg9 : memref<25x80xf32, #tpu.memory_space<vmem>>)
      tpu.yield
    }) : () -> ()
    %dma_start3A_152 = arith.constant 0 : i32
    %dma_start3A_153 = arith.constant 0 : i32
    %dma_start3A_154 = arith.constant 0 : i32
    %dma_start3A_155 = arith.constant 0 : i32
    %dma_start3A_156 = tpu.memref_slice %arg10[%dma_start3A_153, %dma_start3A_154, %dma_start3A_155] : memref<4x80x128xf32, #tpu.memory_space<vmem>> -> memref<1x80x128xf32, #tpu.memory_space<vmem>>
    %dma_start3A_157 = tpu.memref_squeeze %dma_start3A_156 : memref<1x80x128xf32, #tpu.memory_space<vmem>> -> memref<80x128xf32, #tpu.memory_space<vmem>>
    %dma_start3A_158 = arith.constant 0 : i32
    %dma_start3A_159 = tpu.memref_slice %arg7[%dma_start3A_152, %dma_start3A_158] : memref<25x80xi32, #tpu.memory_space<vmem>> -> memref<1x80xi32, #tpu.memory_space<vmem>>
    %dma_start3A_160 = tpu.memref_squeeze %dma_start3A_159 : memref<1x80xi32, #tpu.memory_space<vmem>> -> memref<80xi32, #tpu.memory_space<vmem>>
    %dma_start3A_161 = arith.constant 0 : i32
    %dma_start3A_162 = arith.constant 0 : i32
    %dma_start3A_163 = tpu.memref_slice %arg5[%dma_start3A_161, %dma_start3A_162] : memref<10000x128xf32, #tpu.memory_space<hbm>> -> memref<10000x128xf32, #tpu.memory_space<hbm>>
    tpu.enqueue_indirect_dma source(%dma_start3A_163 : memref<10000x128xf32, #tpu.memory_space<hbm>>) target(%dma_start3A_157 : memref<80x128xf32, #tpu.memory_space<vmem>>) offsets(%dma_start3A_160 : memref<80xi32, #tpu.memory_space<vmem>>) semaphore(%arg12 : memref<!tpu.dma_semaphore, #tpu.memory_space<semaphore_mem>>)
    %dma_start3A_164 = arith.constant 1 : i32
    %dma_start3A_165 = arith.constant 1 : i32
    %dma_start3A_166 = arith.constant 0 : i32
    %dma_start3A_167 = arith.constant 0 : i32
    %dma_start3A_168 = tpu.memref_slice %arg10[%dma_start3A_165, %dma_start3A_166, %dma_start3A_167] : memref<4x80x128xf32, #tpu.memory_space<vmem>> -> memref<1x80x128xf32, #tpu.memory_space<vmem>>
    %dma_start3A_169 = tpu.memref_squeeze %dma_start3A_168 : memref<1x80x128xf32, #tpu.memory_space<vmem>> -> memref<80x128xf32, #tpu.memory_space<vmem>>
    %dma_start3A_170 = arith.constant 0 : i32
    %dma_start3A_171 = tpu.memref_slice %arg7[%dma_start3A_164, %dma_start3A_170] : memref<25x80xi32, #tpu.memory_space<vmem>> -> memref<1x80xi32, #tpu.memory_space<vmem>>
    %dma_start3A_172 = tpu.memref_squeeze %dma_start3A_171 : memref<1x80xi32, #tpu.memory_space<vmem>> -> memref<80xi32, #tpu.memory_space<vmem>>
    %dma_start3A_173 = arith.constant 0 : i32
    %dma_start3A_174 = arith.constant 0 : i32
    %dma_start3A_175 = tpu.memref_slice %arg5[%dma_start3A_173, %dma_start3A_174] : memref<10000x128xf32, #tpu.memory_space<hbm>> -> memref<10000x128xf32, #tpu.memory_space<hbm>>
    tpu.enqueue_indirect_dma source(%dma_start3A_175 : memref<10000x128xf32, #tpu.memory_space<hbm>>) target(%dma_start3A_169 : memref<80x128xf32, #tpu.memory_space<vmem>>) offsets(%dma_start3A_172 : memref<80xi32, #tpu.memory_space<vmem>>) semaphore(%arg12 : memref<!tpu.dma_semaphore, #tpu.memory_space<semaphore_mem>>)
    %scan3A_176 = arith.constant 0 : i32
    %scan3A_177 = arith.constant 25 : i32
    %scan3A_178 = arith.addi %scan3A_176, %scan3A_177 : i32
    %scan3A_179 = arith.constant 1 : i32
    scf.for %scan3A_330 = %scan3A_176 to %scan3A_178 step %scan3A_179  : i32 {
      %mul3A_331 = arith.constant 1 : i32
      %mul3A_332 = arith.muli %scan3A_330, %mul3A_331 : i32
      %add3A_333 = arith.constant 0 : i32
      %add3A_334 = arith.addi %add3A_333, %mul3A_332 : i32
      %and3A = arith.constant 3 : i32
      %and3A_335 = arith.andi %add3A_334, %and3A : i32
      %dma_wait3A_336 = arith.constant 0 : i32
      %dma_wait3A_337 = arith.constant 0 : i32
      %dma_wait3A_338 = arith.constant 0 : i32
      %dma_wait3A_339 = tpu.memref_slice %arg10[%dma_wait3A_336, %dma_wait3A_337, %dma_wait3A_338] : memref<4x80x128xf32, #tpu.memory_space<vmem>> -> memref<1x80x128xf32, #tpu.memory_space<vmem>>
      %dma_wait3A_340 = tpu.memref_squeeze %dma_wait3A_339 : memref<1x80x128xf32, #tpu.memory_space<vmem>> -> memref<80x128xf32, #tpu.memory_space<vmem>>
      %dma_wait3A_341 = arith.constant 0 : i32
      %dma_wait3A_342 = arith.constant 0 : i32
      %dma_wait3A_343 = tpu.memref_slice %arg5[%dma_wait3A_341, %dma_wait3A_342] : memref<10000x128xf32, #tpu.memory_space<hbm>> -> memref<80x128xf32, #tpu.memory_space<hbm>>
      %dma_wait3A_344 = arith.constant 0 : i32
      %dma_wait3A_345 = arith.constant 0 : i32
      %dma_wait3A_346 = tpu.memref_slice %arg10[%dma_wait3A_336, %dma_wait3A_344, %dma_wait3A_345] : memref<4x80x128xf32, #tpu.memory_space<vmem>> -> memref<1x80x128xf32, #tpu.memory_space<vmem>>
      %dma_wait3A_347 = tpu.memref_squeeze %dma_wait3A_346 : memref<1x80x128xf32, #tpu.memory_space<vmem>> -> memref<80x128xf32, #tpu.memory_space<vmem>>
      %dma_wait3A_348 = arith.constant 0 : i32
      %dma_wait3A_349 = arith.constant 0 : i32
      %dma_wait3A_350 = tpu.memref_slice %arg5[%dma_wait3A_348, %dma_wait3A_349] : memref<10000x128xf32, #tpu.memory_space<hbm>> -> memref<80x128xf32, #tpu.memory_space<hbm>>
      tpu.wait_dma2 semaphore(%arg12 : memref<!tpu.dma_semaphore, #tpu.memory_space<semaphore_mem>>) src(%dma_wait3A_350 : memref<80x128xf32, #tpu.memory_space<hbm>>) dst(%dma_wait3A_347 : memref<80x128xf32, #tpu.memory_space<vmem>>)
      %ge3A = arith.constant 2 : i32
      %ge3A_351 = arith.cmpi sge, %add3A_334, %ge3A : i32
      %convert_element_type3A = arith.extui %ge3A_351 : i1 to i32
      %cond3A = arith.constant 0 : i32
      %cond3A_352 = arith.cmpi ne, %convert_element_type3A, %cond3A : i32
      scf.if %cond3A_352 {
        %dma_wait3A_374 = arith.constant 0 : i32
        %dma_wait3A_375 = arith.constant 0 : i32
        %dma_wait3A_376 = arith.constant 0 : i32
        %dma_wait3A_377 = tpu.memref_slice %arg10[%dma_wait3A_374, %dma_wait3A_375, %dma_wait3A_376] : memref<4x80x128xf32, #tpu.memory_space<vmem>> -> memref<1x80x128xf32, #tpu.memory_space<vmem>>
        %dma_wait3A_378 = tpu.memref_squeeze %dma_wait3A_377 : memref<1x80x128xf32, #tpu.memory_space<vmem>> -> memref<80x128xf32, #tpu.memory_space<vmem>>
        %dma_wait3A_379 = arith.constant 0 : i32
        %dma_wait3A_380 = arith.constant 0 : i32
        %dma_wait3A_381 = tpu.memref_slice %arg5[%dma_wait3A_379, %dma_wait3A_380] : memref<10000x128xf32, #tpu.memory_space<hbm>> -> memref<80x128xf32, #tpu.memory_space<hbm>>
        %dma_wait3A_382 = arith.constant 0 : i32
        %dma_wait3A_383 = arith.constant 0 : i32
        %dma_wait3A_384 = tpu.memref_slice %arg10[%dma_wait3A_374, %dma_wait3A_382, %dma_wait3A_383] : memref<4x80x128xf32, #tpu.memory_space<vmem>> -> memref<1x80x128xf32, #tpu.memory_space<vmem>>
        %dma_wait3A_385 = tpu.memref_squeeze %dma_wait3A_384 : memref<1x80x128xf32, #tpu.memory_space<vmem>> -> memref<80x128xf32, #tpu.memory_space<vmem>>
        %dma_wait3A_386 = arith.constant 0 : i32
        %dma_wait3A_387 = arith.constant 0 : i32
        %dma_wait3A_388 = tpu.memref_slice %arg5[%dma_wait3A_386, %dma_wait3A_387] : memref<10000x128xf32, #tpu.memory_space<hbm>> -> memref<80x128xf32, #tpu.memory_space<hbm>>
        tpu.wait_dma2 semaphore(%arg13 : memref<!tpu.dma_semaphore, #tpu.memory_space<semaphore_mem>>) src(%dma_wait3A_388 : memref<80x128xf32, #tpu.memory_space<hbm>>) dst(%dma_wait3A_385 : memref<80x128xf32, #tpu.memory_space<vmem>>)
      } else {
      }
      %add3A_353 = arith.constant 2 : i32
      %add3A_354 = arith.addi %add3A_334, %add3A_353 : i32
      %lt3A = arith.constant 25 : i32
      %lt3A_355 = arith.cmpi slt, %add3A_354, %lt3A : i32
      %convert_element_type3A_356 = arith.extui %lt3A_355 : i1 to i32
      %cond3A_357 = arith.constant 0 : i32
      %cond3A_358 = arith.cmpi ne, %convert_element_type3A_356, %cond3A_357 : i32
      scf.if %cond3A_358 {
        %add3A_374 = arith.constant 2 : i32
        %add3A_375 = arith.addi %add3A_334, %add3A_374 : i32
        %add3A_376 = arith.constant 2 : i32
        %add3A_377 = arith.addi %add3A_334, %add3A_376 : i32
        %and3A_378 = arith.constant 3 : i32
        %and3A_379 = arith.andi %add3A_377, %and3A_378 : i32
        %dma_start3A_380 = arith.constant 0 : i32
        %dma_start3A_381 = arith.constant 0 : i32
        %dma_start3A_382 = tpu.memref_slice %arg10[%and3A_379, %dma_start3A_380, %dma_start3A_381] : memref<4x80x128xf32, #tpu.memory_space<vmem>> -> memref<1x80x128xf32, #tpu.memory_space<vmem>>
        %dma_start3A_383 = tpu.memref_squeeze %dma_start3A_382 : memref<1x80x128xf32, #tpu.memory_space<vmem>> -> memref<80x128xf32, #tpu.memory_space<vmem>>
        %dma_start3A_384 = arith.constant 0 : i32
        %dma_start3A_385 = tpu.memref_slice %arg7[%add3A_375, %dma_start3A_384] : memref<25x80xi32, #tpu.memory_space<vmem>> -> memref<1x80xi32, #tpu.memory_space<vmem>>
        %dma_start3A_386 = tpu.memref_squeeze %dma_start3A_385 : memref<1x80xi32, #tpu.memory_space<vmem>> -> memref<80xi32, #tpu.memory_space<vmem>>
        %dma_start3A_387 = arith.constant 0 : i32
        %dma_start3A_388 = arith.constant 0 : i32
        %dma_start3A_389 = tpu.memref_slice %arg5[%dma_start3A_387, %dma_start3A_388] : memref<10000x128xf32, #tpu.memory_space<hbm>> -> memref<10000x128xf32, #tpu.memory_space<hbm>>
        tpu.enqueue_indirect_dma source(%dma_start3A_389 : memref<10000x128xf32, #tpu.memory_space<hbm>>) target(%dma_start3A_383 : memref<80x128xf32, #tpu.memory_space<vmem>>) offsets(%dma_start3A_386 : memref<80xi32, #tpu.memory_space<vmem>>) semaphore(%arg12 : memref<!tpu.dma_semaphore, #tpu.memory_space<semaphore_mem>>)
      } else {
      }
      %scan3A_359 = arith.constant 0 : i32
      %scan3A_360 = arith.constant 80 : i32
      %scan3A_361 = arith.addi %scan3A_359, %scan3A_360 : i32
      %scan3A_362 = arith.constant 4 : i32
      scf.for %scan3A_374 = %scan3A_359 to %scan3A_361 step %scan3A_362  : i32 {
        %mul3A_375 = arith.constant 1 : i32
        %mul3A_376 = arith.muli %scan3A_374, %mul3A_375 : i32
        %add3A_377 = arith.constant 0 : i32
        %add3A_378 = arith.addi %add3A_377, %mul3A_376 : i32
        %broadcast_in_dim3A_379 = vector.broadcast %add3A_334 : i32 to vector<16xi32>
        %broadcast_in_dim3A_380 = vector.broadcast %add3A_378 : i32 to vector<16xi32>
        %gather3A = tpu.vector_load_idx %arg9[%broadcast_in_dim3A_379, %broadcast_in_dim3A_380] : memref<25x80xf32, #tpu.memory_space<vmem>>[vector<16xi32>, vector<16xi32>], vector<16xf32>,
        %get3A = arith.index_cast %and3A_335 : i32 to index
        %get3A_381 = arith.index_cast %add3A_378 : i32 to index
        %get3A_382 = arith.constant 0 : index
        %get3A_383 = tpu.vector_load %arg10[%get3A, %get3A_381, %get3A_382] {strides = array<i32>} : memref<4x80x128xf32, #tpu.memory_space<vmem>>, vector<16xf32>,
        %mul3A_384 = arith.mulf %get3A_383, %gather3A : vector<16xf32>
        %swap3A = arith.index_cast %and3A_335 : i32 to index
        %swap3A_385 = arith.index_cast %add3A_378 : i32 to index
        %swap3A_386 = arith.constant 0 : index
        %swap3A_387 = tpu.vector_load %arg10[%swap3A, %swap3A_385, %swap3A_386] {strides = array<i32>} : memref<4x80x128xf32, #tpu.memory_space<vmem>>, vector<16xf32>,
        tpu.vector_store %arg10[%swap3A, %swap3A_385, %swap3A_386], %mul3A_384 {strides = array<i32>} : memref<4x80x128xf32, #tpu.memory_space<vmem>>, vector<16xf32>,
        %get3A_388 = arith.index_cast %and3A_335 : i32 to index
        %get3A_389 = arith.index_cast %add3A_378 : i32 to index
        %get3A_390 = arith.constant 16 : index
        %get3A_391 = tpu.vector_load %arg10[%get3A_388, %get3A_389, %get3A_390] {strides = array<i32>} : memref<4x80x128xf32, #tpu.memory_space<vmem>>, vector<16xf32>,
        %mul3A_392 = arith.mulf %get3A_391, %gather3A : vector<16xf32>
        %swap3A_393 = arith.index_cast %and3A_335 : i32 to index
        %swap3A_394 = arith.index_cast %add3A_378 : i32 to index
        %swap3A_395 = arith.constant 16 : index
        %swap3A_396 = tpu.vector_load %arg10[%swap3A_393, %swap3A_394, %swap3A_395] {strides = array<i32>} : memref<4x80x128xf32, #tpu.memory_space<vmem>>, vector<16xf32>,
        tpu.vector_store %arg10[%swap3A_393, %swap3A_394, %swap3A_395], %mul3A_392 {strides = array<i32>} : memref<4x80x128xf32, #tpu.memory_space<vmem>>, vector<16xf32>,
        %get3A_397 = arith.index_cast %and3A_335 : i32 to index
        %get3A_398 = arith.index_cast %add3A_378 : i32 to index
        %get3A_399 = arith.constant 32 : index
        %get3A_400 = tpu.vector_load %arg10[%get3A_397, %get3A_398, %get3A_399] {strides = array<i32>} : memref<4x80x128xf32, #tpu.memory_space<vmem>>, vector<16xf32>,
        %mul3A_401 = arith.mulf %get3A_400, %gather3A : vector<16xf32>
        %swap3A_402 = arith.index_cast %and3A_335 : i32 to index
        %swap3A_403 = arith.index_cast %add3A_378 : i32 to index
        %swap3A_404 = arith.constant 32 : index
        %swap3A_405 = tpu.vector_load %arg10[%swap3A_402, %swap3A_403, %swap3A_404] {strides = array<i32>} : memref<4x80x128xf32, #tpu.memory_space<vmem>>, vector<16xf32>,
        tpu.vector_store %arg10[%swap3A_402, %swap3A_403, %swap3A_404], %mul3A_401 {strides = array<i32>} : memref<4x80x128xf32, #tpu.memory_space<vmem>>, vector<16xf32>,
        %get3A_406 = arith.index_cast %and3A_335 : i32 to index
        %get3A_407 = arith.index_cast %add3A_378 : i32 to index
        %get3A_408 = arith.constant 48 : index
        %get3A_409 = tpu.vector_load %arg10[%get3A_406, %get3A_407, %get3A_408] {strides = array<i32>} : memref<4x80x128xf32, #tpu.memory_space<vmem>>, vector<16xf32>,
        %mul3A_410 = arith.mulf %get3A_409, %gather3A : vector<16xf32>
        %swap3A_411 = arith.index_cast %and3A_335 : i32 to index
        %swap3A_412 = arith.index_cast %add3A_378 : i32 to index
        %swap3A_413 = arith.constant 48 : index
        %swap3A_414 = tpu.vector_load %arg10[%swap3A_411, %swap3A_412, %swap3A_413] {strides = array<i32>} : memref<4x80x128xf32, #tpu.memory_space<vmem>>, vector<16xf32>,
        tpu.vector_store %arg10[%swap3A_411, %swap3A_412, %swap3A_413], %mul3A_410 {strides = array<i32>} : memref<4x80x128xf32, #tpu.memory_space<vmem>>, vector<16xf32>,
        %get3A_415 = arith.index_cast %and3A_335 : i32 to index
        %get3A_416 = arith.index_cast %add3A_378 : i32 to index
        %get3A_417 = arith.constant 64 : index
        %get3A_418 = tpu.vector_load %arg10[%get3A_415, %get3A_416, %get3A_417] {strides = array<i32>} : memref<4x80x128xf32, #tpu.memory_space<vmem>>, vector<16xf32>,
        %mul3A_419 = arith.mulf %get3A_418, %gather3A : vector<16xf32>
        %swap3A_420 = arith.index_cast %and3A_335 : i32 to index
        %swap3A_421 = arith.index_cast %add3A_378 : i32 to index
        %swap3A_422 = arith.constant 64 : index
        %swap3A_423 = tpu.vector_load %arg10[%swap3A_420, %swap3A_421, %swap3A_422] {strides = array<i32>} : memref<4x80x128xf32, #tpu.memory_space<vmem>>, vector<16xf32>,
        tpu.vector_store %arg10[%swap3A_420, %swap3A_421, %swap3A_422], %mul3A_419 {strides = array<i32>} : memref<4x80x128xf32, #tpu.memory_space<vmem>>, vector<16xf32>,
        %get3A_424 = arith.index_cast %and3A_335 : i32 to index
        %get3A_425 = arith.index_cast %add3A_378 : i32 to index
        %get3A_426 = arith.constant 80 : index
        %get3A_427 = tpu.vector_load %arg10[%get3A_424, %get3A_425, %get3A_426] {strides = array<i32>} : memref<4x80x128xf32, #tpu.memory_space<vmem>>, vector<16xf32>,
        %mul3A_428 = arith.mulf %get3A_427, %gather3A : vector<16xf32>
        %swap3A_429 = arith.index_cast %and3A_335 : i32 to index
        %swap3A_430 = arith.index_cast %add3A_378 : i32 to index
        %swap3A_431 = arith.constant 80 : index
        %swap3A_432 = tpu.vector_load %arg10[%swap3A_429, %swap3A_430, %swap3A_431] {strides = array<i32>} : memref<4x80x128xf32, #tpu.memory_space<vmem>>, vector<16xf32>,
        tpu.vector_store %arg10[%swap3A_429, %swap3A_430, %swap3A_431], %mul3A_428 {strides = array<i32>} : memref<4x80x128xf32, #tpu.memory_space<vmem>>, vector<16xf32>,
        %get3A_433 = arith.index_cast %and3A_335 : i32 to index
        %get3A_434 = arith.index_cast %add3A_378 : i32 to index
        %get3A_435 = arith.constant 96 : index
        %get3A_436 = tpu.vector_load %arg10[%get3A_433, %get3A_434, %get3A_435] {strides = array<i32>} : memref<4x80x128xf32, #tpu.memory_space<vmem>>, vector<16xf32>,
        %mul3A_437 = arith.mulf %get3A_436, %gather3A : vector<16xf32>
        %swap3A_438 = arith.index_cast %and3A_335 : i32 to index
        %swap3A_439 = arith.index_cast %add3A_378 : i32 to index
        %swap3A_440 = arith.constant 96 : index
        %swap3A_441 = tpu.vector_load %arg10[%swap3A_438, %swap3A_439, %swap3A_440] {strides = array<i32>} : memref<4x80x128xf32, #tpu.memory_space<vmem>>, vector<16xf32>,
        tpu.vector_store %arg10[%swap3A_438, %swap3A_439, %swap3A_440], %mul3A_437 {strides = array<i32>} : memref<4x80x128xf32, #tpu.memory_space<vmem>>, vector<16xf32>,
        %get3A_442 = arith.index_cast %and3A_335 : i32 to index
        %get3A_443 = arith.index_cast %add3A_378 : i32 to index
        %get3A_444 = arith.constant 112 : index
        %get3A_445 = tpu.vector_load %arg10[%get3A_442, %get3A_443, %get3A_444] {strides = array<i32>} : memref<4x80x128xf32, #tpu.memory_space<vmem>>, vector<16xf32>,
        %mul3A_446 = arith.mulf %get3A_445, %gather3A : vector<16xf32>
        %swap3A_447 = arith.index_cast %and3A_335 : i32 to index
        %swap3A_448 = arith.index_cast %add3A_378 : i32 to index
        %swap3A_449 = arith.constant 112 : index
        %swap3A_450 = tpu.vector_load %arg10[%swap3A_447, %swap3A_448, %swap3A_449] {strides = array<i32>} : memref<4x80x128xf32, #tpu.memory_space<vmem>>, vector<16xf32>,
        tpu.vector_store %arg10[%swap3A_447, %swap3A_448, %swap3A_449], %mul3A_446 {strides = array<i32>} : memref<4x80x128xf32, #tpu.memory_space<vmem>>, vector<16xf32>,
        %scan3A_451 = arith.constant 1 : i32
        %scan3A_452 = arith.addi %scan3A_374, %scan3A_451 : i32
        %mul3A_453 = arith.constant 1 : i32
        %mul3A_454 = arith.muli %scan3A_452, %mul3A_453 : i32
        %add3A_455 = arith.constant 0 : i32
        %add3A_456 = arith.addi %add3A_455, %mul3A_454 : i32
        %broadcast_in_dim3A_457 = vector.broadcast %add3A_334 : i32 to vector<16xi32>
        %broadcast_in_dim3A_458 = vector.broadcast %add3A_456 : i32 to vector<16xi32>
        %gather3A_459 = tpu.vector_load_idx %arg9[%broadcast_in_dim3A_457, %broadcast_in_dim3A_458] : memref<25x80xf32, #tpu.memory_space<vmem>>[vector<16xi32>, vector<16xi32>], vector<16xf32>,
        %get3A_460 = arith.index_cast %and3A_335 : i32 to index
        %get3A_461 = arith.index_cast %add3A_456 : i32 to index
        %get3A_462 = arith.constant 0 : index
        %get3A_463 = tpu.vector_load %arg10[%get3A_460, %get3A_461, %get3A_462] {strides = array<i32>} : memref<4x80x128xf32, #tpu.memory_space<vmem>>, vector<16xf32>,
        %mul3A_464 = arith.mulf %get3A_463, %gather3A_459 : vector<16xf32>
        %swap3A_465 = arith.index_cast %and3A_335 : i32 to index
        %swap3A_466 = arith.index_cast %add3A_456 : i32 to index
        %swap3A_467 = arith.constant 0 : index
        %swap3A_468 = tpu.vector_load %arg10[%swap3A_465, %swap3A_466, %swap3A_467] {strides = array<i32>} : memref<4x80x128xf32, #tpu.memory_space<vmem>>, vector<16xf32>,
        tpu.vector_store %arg10[%swap3A_465, %swap3A_466, %swap3A_467], %mul3A_464 {strides = array<i32>} : memref<4x80x128xf32, #tpu.memory_space<vmem>>, vector<16xf32>,
        %get3A_469 = arith.index_cast %and3A_335 : i32 to index
        %get3A_470 = arith.index_cast %add3A_456 : i32 to index
        %get3A_471 = arith.constant 16 : index
        %get3A_472 = tpu.vector_load %arg10[%get3A_469, %get3A_470, %get3A_471] {strides = array<i32>} : memref<4x80x128xf32, #tpu.memory_space<vmem>>, vector<16xf32>,
        %mul3A_473 = arith.mulf %get3A_472, %gather3A_459 : vector<16xf32>
        %swap3A_474 = arith.index_cast %and3A_335 : i32 to index
        %swap3A_475 = arith.index_cast %add3A_456 : i32 to index
        %swap3A_476 = arith.constant 16 : index
        %swap3A_477 = tpu.vector_load %arg10[%swap3A_474, %swap3A_475, %swap3A_476] {strides = array<i32>} : memref<4x80x128xf32, #tpu.memory_space<vmem>>, vector<16xf32>,
        tpu.vector_store %arg10[%swap3A_474, %swap3A_475, %swap3A_476], %mul3A_473 {strides = array<i32>} : memref<4x80x128xf32, #tpu.memory_space<vmem>>, vector<16xf32>,
        %get3A_478 = arith.index_cast %and3A_335 : i32 to index
        %get3A_479 = arith.index_cast %add3A_456 : i32 to index
        %get3A_480 = arith.constant 32 : index
        %get3A_481 = tpu.vector_load %arg10[%get3A_478, %get3A_479, %get3A_480] {strides = array<i32>} : memref<4x80x128xf32, #tpu.memory_space<vmem>>, vector<16xf32>,
        %mul3A_482 = arith.mulf %get3A_481, %gather3A_459 : vector<16xf32>
        %swap3A_483 = arith.index_cast %and3A_335 : i32 to index
        %swap3A_484 = arith.index_cast %add3A_456 : i32 to index
        %swap3A_485 = arith.constant 32 : index
        %swap3A_486 = tpu.vector_load %arg10[%swap3A_483, %swap3A_484, %swap3A_485] {strides = array<i32>} : memref<4x80x128xf32, #tpu.memory_space<vmem>>, vector<16xf32>,
        tpu.vector_store %arg10[%swap3A_483, %swap3A_484, %swap3A_485], %mul3A_482 {strides = array<i32>} : memref<4x80x128xf32, #tpu.memory_space<vmem>>, vector<16xf32>,
        %get3A_487 = arith.index_cast %and3A_335 : i32 to index
        %get3A_488 = arith.index_cast %add3A_456 : i32 to index
        %get3A_489 = arith.constant 48 : index
        %get3A_490 = tpu.vector_load %arg10[%get3A_487, %get3A_488, %get3A_489] {strides = array<i32>} : memref<4x80x128xf32, #tpu.memory_space<vmem>>, vector<16xf32>,
        %mul3A_491 = arith.mulf %get3A_490, %gather3A_459 : vector<16xf32>
        %swap3A_492 = arith.index_cast %and3A_335 : i32 to index
        %swap3A_493 = arith.index_cast %add3A_456 : i32 to index
        %swap3A_494 = arith.constant 48 : index
        %swap3A_495 = tpu.vector_load %arg10[%swap3A_492, %swap3A_493, %swap3A_494] {strides = array<i32>} : memref<4x80x128xf32, #tpu.memory_space<vmem>>, vector<16xf32>,
        tpu.vector_store %arg10[%swap3A_492, %swap3A_493, %swap3A_494], %mul3A_491 {strides = array<i32>} : memref<4x80x128xf32, #tpu.memory_space<vmem>>, vector<16xf32>,
        %get3A_496 = arith.index_cast %and3A_335 : i32 to index
        %get3A_497 = arith.index_cast %add3A_456 : i32 to index
        %get3A_498 = arith.constant 64 : index
        %get3A_499 = tpu.vector_load %arg10[%get3A_496, %get3A_497, %get3A_498] {strides = array<i32>} : memref<4x80x128xf32, #tpu.memory_space<vmem>>, vector<16xf32>,
        %mul3A_500 = arith.mulf %get3A_499, %gather3A_459 : vector<16xf32>
        %swap3A_501 = arith.index_cast %and3A_335 : i32 to index
        %swap3A_502 = arith.index_cast %add3A_456 : i32 to index
        %swap3A_503 = arith.constant 64 : index
        %swap3A_504 = tpu.vector_load %arg10[%swap3A_501, %swap3A_502, %swap3A_503] {strides = array<i32>} : memref<4x80x128xf32, #tpu.memory_space<vmem>>, vector<16xf32>,
        tpu.vector_store %arg10[%swap3A_501, %swap3A_502, %swap3A_503], %mul3A_500 {strides = array<i32>} : memref<4x80x128xf32, #tpu.memory_space<vmem>>, vector<16xf32>,
        %get3A_505 = arith.index_cast %and3A_335 : i32 to index
        %get3A_506 = arith.index_cast %add3A_456 : i32 to index
        %get3A_507 = arith.constant 80 : index
        %get3A_508 = tpu.vector_load %arg10[%get3A_505, %get3A_506, %get3A_507] {strides = array<i32>} : memref<4x80x128xf32, #tpu.memory_space<vmem>>, vector<16xf32>,
        %mul3A_509 = arith.mulf %get3A_508, %gather3A_459 : vector<16xf32>
        %swap3A_510 = arith.index_cast %and3A_335 : i32 to index
        %swap3A_511 = arith.index_cast %add3A_456 : i32 to index
        %swap3A_512 = arith.constant 80 : index
        %swap3A_513 = tpu.vector_load %arg10[%swap3A_510, %swap3A_511, %swap3A_512] {strides = array<i32>} : memref<4x80x128xf32, #tpu.memory_space<vmem>>, vector<16xf32>,
        tpu.vector_store %arg10[%swap3A_510, %swap3A_511, %swap3A_512], %mul3A_509 {strides = array<i32>} : memref<4x80x128xf32, #tpu.memory_space<vmem>>, vector<16xf32>,
        %get3A_514 = arith.index_cast %and3A_335 : i32 to index
        %get3A_515 = arith.index_cast %add3A_456 : i32 to index
        %get3A_516 = arith.constant 96 : index
        %get3A_517 = tpu.vector_load %arg10[%get3A_514, %get3A_515, %get3A_516] {strides = array<i32>} : memref<4x80x128xf32, #tpu.memory_space<vmem>>, vector<16xf32>,
        %mul3A_518 = arith.mulf %get3A_517, %gather3A_459 : vector<16xf32>
        %swap3A_519 = arith.index_cast %and3A_335 : i32 to index
        %swap3A_520 = arith.index_cast %add3A_456 : i32 to index
        %swap3A_521 = arith.constant 96 : index
        %swap3A_522 = tpu.vector_load %arg10[%swap3A_519, %swap3A_520, %swap3A_521] {strides = array<i32>} : memref<4x80x128xf32, #tpu.memory_space<vmem>>, vector<16xf32>,
        tpu.vector_store %arg10[%swap3A_519, %swap3A_520, %swap3A_521], %mul3A_518 {strides = array<i32>} : memref<4x80x128xf32, #tpu.memory_space<vmem>>, vector<16xf32>,
        %get3A_523 = arith.index_cast %and3A_335 : i32 to index
        %get3A_524 = arith.index_cast %add3A_456 : i32 to index
        %get3A_525 = arith.constant 112 : index
        %get3A_526 = tpu.vector_load %arg10[%get3A_523, %get3A_524, %get3A_525] {strides = array<i32>} : memref<4x80x128xf32, #tpu.memory_space<vmem>>, vector<16xf32>,
        %mul3A_527 = arith.mulf %get3A_526, %gather3A_459 : vector<16xf32>
        %swap3A_528 = arith.index_cast %and3A_335 : i32 to index
        %swap3A_529 = arith.index_cast %add3A_456 : i32 to index
        %swap3A_530 = arith.constant 112 : index
        %swap3A_531 = tpu.vector_load %arg10[%swap3A_528, %swap3A_529, %swap3A_530] {strides = array<i32>} : memref<4x80x128xf32, #tpu.memory_space<vmem>>, vector<16xf32>,
        tpu.vector_store %arg10[%swap3A_528, %swap3A_529, %swap3A_530], %mul3A_527 {strides = array<i32>} : memref<4x80x128xf32, #tpu.memory_space<vmem>>, vector<16xf32>,
        %scan3A_532 = arith.constant 2 : i32
        %scan3A_533 = arith.addi %scan3A_374, %scan3A_532 : i32
        %mul3A_534 = arith.constant 1 : i32
        %mul3A_535 = arith.muli %scan3A_533, %mul3A_534 : i32
        %add3A_536 = arith.constant 0 : i32
        %add3A_537 = arith.addi %add3A_536, %mul3A_535 : i32
        %broadcast_in_dim3A_538 = vector.broadcast %add3A_334 : i32 to vector<16xi32>
        %broadcast_in_dim3A_539 = vector.broadcast %add3A_537 : i32 to vector<16xi32>
        %gather3A_540 = tpu.vector_load_idx %arg9[%broadcast_in_dim3A_538, %broadcast_in_dim3A_539] : memref<25x80xf32, #tpu.memory_space<vmem>>[vector<16xi32>, vector<16xi32>], vector<16xf32>,
        %get3A_541 = arith.index_cast %and3A_335 : i32 to index
        %get3A_542 = arith.index_cast %add3A_537 : i32 to index
        %get3A_543 = arith.constant 0 : index
        %get3A_544 = tpu.vector_load %arg10[%get3A_541, %get3A_542, %get3A_543] {strides = array<i32>} : memref<4x80x128xf32, #tpu.memory_space<vmem>>, vector<16xf32>,
        %mul3A_545 = arith.mulf %get3A_544, %gather3A_540 : vector<16xf32>
        %swap3A_546 = arith.index_cast %and3A_335 : i32 to index
        %swap3A_547 = arith.index_cast %add3A_537 : i32 to index
        %swap3A_548 = arith.constant 0 : index
        %swap3A_549 = tpu.vector_load %arg10[%swap3A_546, %swap3A_547, %swap3A_548] {strides = array<i32>} : memref<4x80x128xf32, #tpu.memory_space<vmem>>, vector<16xf32>,
        tpu.vector_store %arg10[%swap3A_546, %swap3A_547, %swap3A_548], %mul3A_545 {strides = array<i32>} : memref<4x80x128xf32, #tpu.memory_space<vmem>>, vector<16xf32>,
        %get3A_550 = arith.index_cast %and3A_335 : i32 to index
        %get3A_551 = arith.index_cast %add3A_537 : i32 to index
        %get3A_552 = arith.constant 16 : index
        %get3A_553 = tpu.vector_load %arg10[%get3A_550, %get3A_551, %get3A_552] {strides = array<i32>} : memref<4x80x128xf32, #tpu.memory_space<vmem>>, vector<16xf32>,
        %mul3A_554 = arith.mulf %get3A_553, %gather3A_540 : vector<16xf32>
        %swap3A_555 = arith.index_cast %and3A_335 : i32 to index
        %swap3A_556 = arith.index_cast %add3A_537 : i32 to index
        %swap3A_557 = arith.constant 16 : index
        %swap3A_558 = tpu.vector_load %arg10[%swap3A_555, %swap3A_556, %swap3A_557] {strides = array<i32>} : memref<4x80x128xf32, #tpu.memory_space<vmem>>, vector<16xf32>,
        tpu.vector_store %arg10[%swap3A_555, %swap3A_556, %swap3A_557], %mul3A_554 {strides = array<i32>} : memref<4x80x128xf32, #tpu.memory_space<vmem>>, vector<16xf32>,
        %get3A_559 = arith.index_cast %and3A_335 : i32 to index
        %get3A_560 = arith.index_cast %add3A_537 : i32 to index
        %get3A_561 = arith.constant 32 : index
        %get3A_562 = tpu.vector_load %arg10[%get3A_559, %get3A_560, %get3A_561] {strides = array<i32>} : memref<4x80x128xf32, #tpu.memory_space<vmem>>, vector<16xf32>,
        %mul3A_563 = arith.mulf %get3A_562, %gather3A_540 : vector<16xf32>
        %swap3A_564 = arith.index_cast %and3A_335 : i32 to index
        %swap3A_565 = arith.index_cast %add3A_537 : i32 to index
        %swap3A_566 = arith.constant 32 : index
        %swap3A_567 = tpu.vector_load %arg10[%swap3A_564, %swap3A_565, %swap3A_566] {strides = array<i32>} : memref<4x80x128xf32, #tpu.memory_space<vmem>>, vector<16xf32>,
        tpu.vector_store %arg10[%swap3A_564, %swap3A_565, %swap3A_566], %mul3A_563 {strides = array<i32>} : memref<4x80x128xf32, #tpu.memory_space<vmem>>, vector<16xf32>,
        %get3A_568 = arith.index_cast %and3A_335 : i32 to index
        %get3A_569 = arith.index_cast %add3A_537 : i32 to index
        %get3A_570 = arith.constant 48 : index
        %get3A_571 = tpu.vector_load %arg10[%get3A_568, %get3A_569, %get3A_570] {strides = array<i32>} : memref<4x80x128xf32, #tpu.memory_space<vmem>>, vector<16xf32>,
        %mul3A_572 = arith.mulf %get3A_571, %gather3A_540 : vector<16xf32>
        %swap3A_573 = arith.index_cast %and3A_335 : i32 to index
        %swap3A_574 = arith.index_cast %add3A_537 : i32 to index
        %swap3A_575 = arith.constant 48 : index
        %swap3A_576 = tpu.vector_load %arg10[%swap3A_573, %swap3A_574, %swap3A_575] {strides = array<i32>} : memref<4x80x128xf32, #tpu.memory_space<vmem>>, vector<16xf32>,
        tpu.vector_store %arg10[%swap3A_573, %swap3A_574, %swap3A_575], %mul3A_572 {strides = array<i32>} : memref<4x80x128xf32, #tpu.memory_space<vmem>>, vector<16xf32>,
        %get3A_577 = arith.index_cast %and3A_335 : i32 to index
        %get3A_578 = arith.index_cast %add3A_537 : i32 to index
        %get3A_579 = arith.constant 64 : index
        %get3A_580 = tpu.vector_load %arg10[%get3A_577, %get3A_578, %get3A_579] {strides = array<i32>} : memref<4x80x128xf32, #tpu.memory_space<vmem>>, vector<16xf32>,
        %mul3A_581 = arith.mulf %get3A_580, %gather3A_540 : vector<16xf32>
        %swap3A_582 = arith.index_cast %and3A_335 : i32 to index
        %swap3A_583 = arith.index_cast %add3A_537 : i32 to index
        %swap3A_584 = arith.constant 64 : index
        %swap3A_585 = tpu.vector_load %arg10[%swap3A_582, %swap3A_583, %swap3A_584] {strides = array<i32>} : memref<4x80x128xf32, #tpu.memory_space<vmem>>, vector<16xf32>,
        tpu.vector_store %arg10[%swap3A_582, %swap3A_583, %swap3A_584], %mul3A_581 {strides = array<i32>} : memref<4x80x128xf32, #tpu.memory_space<vmem>>, vector<16xf32>,
        %get3A_586 = arith.index_cast %and3A_335 : i32 to index
        %get3A_587 = arith.index_cast %add3A_537 : i32 to index
        %get3A_588 = arith.constant 80 : index
        %get3A_589 = tpu.vector_load %arg10[%get3A_586, %get3A_587, %get3A_588] {strides = array<i32>} : memref<4x80x128xf32, #tpu.memory_space<vmem>>, vector<16xf32>,
        %mul3A_590 = arith.mulf %get3A_589, %gather3A_540 : vector<16xf32>
        %swap3A_591 = arith.index_cast %and3A_335 : i32 to index
        %swap3A_592 = arith.index_cast %add3A_537 : i32 to index
        %swap3A_593 = arith.constant 80 : index
        %swap3A_594 = tpu.vector_load %arg10[%swap3A_591, %swap3A_592, %swap3A_593] {strides = array<i32>} : memref<4x80x128xf32, #tpu.memory_space<vmem>>, vector<16xf32>,
        tpu.vector_store %arg10[%swap3A_591, %swap3A_592, %swap3A_593], %mul3A_590 {strides = array<i32>} : memref<4x80x128xf32, #tpu.memory_space<vmem>>, vector<16xf32>,
        %get3A_595 = arith.index_cast %and3A_335 : i32 to index
        %get3A_596 = arith.index_cast %add3A_537 : i32 to index
        %get3A_597 = arith.constant 96 : index
        %get3A_598 = tpu.vector_load %arg10[%get3A_595, %get3A_596, %get3A_597] {strides = array<i32>} : memref<4x80x128xf32, #tpu.memory_space<vmem>>, vector<16xf32>,
        %mul3A_599 = arith.mulf %get3A_598, %gather3A_540 : vector<16xf32>
        %swap3A_600 = arith.index_cast %and3A_335 : i32 to index
        %swap3A_601 = arith.index_cast %add3A_537 : i32 to index
        %swap3A_602 = arith.constant 96 : index
        %swap3A_603 = tpu.vector_load %arg10[%swap3A_600, %swap3A_601, %swap3A_602] {strides = array<i32>} : memref<4x80x128xf32, #tpu.memory_space<vmem>>, vector<16xf32>,
        tpu.vector_store %arg10[%swap3A_600, %swap3A_601, %swap3A_602], %mul3A_599 {strides = array<i32>} : memref<4x80x128xf32, #tpu.memory_space<vmem>>, vector<16xf32>,
        %get3A_604 = arith.index_cast %and3A_335 : i32 to index
        %get3A_605 = arith.index_cast %add3A_537 : i32 to index
        %get3A_606 = arith.constant 112 : index
        %get3A_607 = tpu.vector_load %arg10[%get3A_604, %get3A_605, %get3A_606] {strides = array<i32>} : memref<4x80x128xf32, #tpu.memory_space<vmem>>, vector<16xf32>,
        %mul3A_608 = arith.mulf %get3A_607, %gather3A_540 : vector<16xf32>
        %swap3A_609 = arith.index_cast %and3A_335 : i32 to index
        %swap3A_610 = arith.index_cast %add3A_537 : i32 to index
        %swap3A_611 = arith.constant 112 : index
        %swap3A_612 = tpu.vector_load %arg10[%swap3A_609, %swap3A_610, %swap3A_611] {strides = array<i32>} : memref<4x80x128xf32, #tpu.memory_space<vmem>>, vector<16xf32>,
        tpu.vector_store %arg10[%swap3A_609, %swap3A_610, %swap3A_611], %mul3A_608 {strides = array<i32>} : memref<4x80x128xf32, #tpu.memory_space<vmem>>, vector<16xf32>,
        %scan3A_613 = arith.constant 3 : i32
        %scan3A_614 = arith.addi %scan3A_374, %scan3A_613 : i32
        %mul3A_615 = arith.constant 1 : i32
        %mul3A_616 = arith.muli %scan3A_614, %mul3A_615 : i32
        %add3A_617 = arith.constant 0 : i32
        %add3A_618 = arith.addi %add3A_617, %mul3A_616 : i32
        %broadcast_in_dim3A_619 = vector.broadcast %add3A_334 : i32 to vector<16xi32>
        %broadcast_in_dim3A_620 = vector.broadcast %add3A_618 : i32 to vector<16xi32>
        %gather3A_621 = tpu.vector_load_idx %arg9[%broadcast_in_dim3A_619, %broadcast_in_dim3A_620] : memref<25x80xf32, #tpu.memory_space<vmem>>[vector<16xi32>, vector<16xi32>], vector<16xf32>,
        %get3A_622 = arith.index_cast %and3A_335 : i32 to index
        %get3A_623 = arith.index_cast %add3A_618 : i32 to index
        %get3A_624 = arith.constant 0 : index
        %get3A_625 = tpu.vector_load %arg10[%get3A_622, %get3A_623, %get3A_624] {strides = array<i32>} : memref<4x80x128xf32, #tpu.memory_space<vmem>>, vector<16xf32>,
        %mul3A_626 = arith.mulf %get3A_625, %gather3A_621 : vector<16xf32>
        %swap3A_627 = arith.index_cast %and3A_335 : i32 to index
        %swap3A_628 = arith.index_cast %add3A_618 : i32 to index
        %swap3A_629 = arith.constant 0 : index
        %swap3A_630 = tpu.vector_load %arg10[%swap3A_627, %swap3A_628, %swap3A_629] {strides = array<i32>} : memref<4x80x128xf32, #tpu.memory_space<vmem>>, vector<16xf32>,
        tpu.vector_store %arg10[%swap3A_627, %swap3A_628, %swap3A_629], %mul3A_626 {strides = array<i32>} : memref<4x80x128xf32, #tpu.memory_space<vmem>>, vector<16xf32>,
        %get3A_631 = arith.index_cast %and3A_335 : i32 to index
        %get3A_632 = arith.index_cast %add3A_618 : i32 to index
        %get3A_633 = arith.constant 16 : index
        %get3A_634 = tpu.vector_load %arg10[%get3A_631, %get3A_632, %get3A_633] {strides = array<i32>} : memref<4x80x128xf32, #tpu.memory_space<vmem>>, vector<16xf32>,
        %mul3A_635 = arith.mulf %get3A_634, %gather3A_621 : vector<16xf32>
        %swap3A_636 = arith.index_cast %and3A_335 : i32 to index
        %swap3A_637 = arith.index_cast %add3A_618 : i32 to index
        %swap3A_638 = arith.constant 16 : index
        %swap3A_639 = tpu.vector_load %arg10[%swap3A_636, %swap3A_637, %swap3A_638] {strides = array<i32>} : memref<4x80x128xf32, #tpu.memory_space<vmem>>, vector<16xf32>,
        tpu.vector_store %arg10[%swap3A_636, %swap3A_637, %swap3A_638], %mul3A_635 {strides = array<i32>} : memref<4x80x128xf32, #tpu.memory_space<vmem>>, vector<16xf32>,
        %get3A_640 = arith.index_cast %and3A_335 : i32 to index
        %get3A_641 = arith.index_cast %add3A_618 : i32 to index
        %get3A_642 = arith.constant 32 : index
        %get3A_643 = tpu.vector_load %arg10[%get3A_640, %get3A_641, %get3A_642] {strides = array<i32>} : memref<4x80x128xf32, #tpu.memory_space<vmem>>, vector<16xf32>,
        %mul3A_644 = arith.mulf %get3A_643, %gather3A_621 : vector<16xf32>
        %swap3A_645 = arith.index_cast %and3A_335 : i32 to index
        %swap3A_646 = arith.index_cast %add3A_618 : i32 to index
        %swap3A_647 = arith.constant 32 : index
        %swap3A_648 = tpu.vector_load %arg10[%swap3A_645, %swap3A_646, %swap3A_647] {strides = array<i32>} : memref<4x80x128xf32, #tpu.memory_space<vmem>>, vector<16xf32>,
        tpu.vector_store %arg10[%swap3A_645, %swap3A_646, %swap3A_647], %mul3A_644 {strides = array<i32>} : memref<4x80x128xf32, #tpu.memory_space<vmem>>, vector<16xf32>,
        %get3A_649 = arith.index_cast %and3A_335 : i32 to index
        %get3A_650 = arith.index_cast %add3A_618 : i32 to index
        %get3A_651 = arith.constant 48 : index
        %get3A_652 = tpu.vector_load %arg10[%get3A_649, %get3A_650, %get3A_651] {strides = array<i32>} : memref<4x80x128xf32, #tpu.memory_space<vmem>>, vector<16xf32>,
        %mul3A_653 = arith.mulf %get3A_652, %gather3A_621 : vector<16xf32>
        %swap3A_654 = arith.index_cast %and3A_335 : i32 to index
        %swap3A_655 = arith.index_cast %add3A_618 : i32 to index
        %swap3A_656 = arith.constant 48 : index
        %swap3A_657 = tpu.vector_load %arg10[%swap3A_654, %swap3A_655, %swap3A_656] {strides = array<i32>} : memref<4x80x128xf32, #tpu.memory_space<vmem>>, vector<16xf32>,
        tpu.vector_store %arg10[%swap3A_654, %swap3A_655, %swap3A_656], %mul3A_653 {strides = array<i32>} : memref<4x80x128xf32, #tpu.memory_space<vmem>>, vector<16xf32>,
        %get3A_658 = arith.index_cast %and3A_335 : i32 to index
        %get3A_659 = arith.index_cast %add3A_618 : i32 to index
        %get3A_660 = arith.constant 64 : index
        %get3A_661 = tpu.vector_load %arg10[%get3A_658, %get3A_659, %get3A_660] {strides = array<i32>} : memref<4x80x128xf32, #tpu.memory_space<vmem>>, vector<16xf32>,
        %mul3A_662 = arith.mulf %get3A_661, %gather3A_621 : vector<16xf32>
        %swap3A_663 = arith.index_cast %and3A_335 : i32 to index
        %swap3A_664 = arith.index_cast %add3A_618 : i32 to index
        %swap3A_665 = arith.constant 64 : index
        %swap3A_666 = tpu.vector_load %arg10[%swap3A_663, %swap3A_664, %swap3A_665] {strides = array<i32>} : memref<4x80x128xf32, #tpu.memory_space<vmem>>, vector<16xf32>,
        tpu.vector_store %arg10[%swap3A_663, %swap3A_664, %swap3A_665], %mul3A_662 {strides = array<i32>} : memref<4x80x128xf32, #tpu.memory_space<vmem>>, vector<16xf32>,
        %get3A_667 = arith.index_cast %and3A_335 : i32 to index
        %get3A_668 = arith.index_cast %add3A_618 : i32 to index
        %get3A_669 = arith.constant 80 : index
        %get3A_670 = tpu.vector_load %arg10[%get3A_667, %get3A_668, %get3A_669] {strides = array<i32>} : memref<4x80x128xf32, #tpu.memory_space<vmem>>, vector<16xf32>,
        %mul3A_671 = arith.mulf %get3A_670, %gather3A_621 : vector<16xf32>
        %swap3A_672 = arith.index_cast %and3A_335 : i32 to index
        %swap3A_673 = arith.index_cast %add3A_618 : i32 to index
        %swap3A_674 = arith.constant 80 : index
        %swap3A_675 = tpu.vector_load %arg10[%swap3A_672, %swap3A_673, %swap3A_674] {strides = array<i32>} : memref<4x80x128xf32, #tpu.memory_space<vmem>>, vector<16xf32>,
        tpu.vector_store %arg10[%swap3A_672, %swap3A_673, %swap3A_674], %mul3A_671 {strides = array<i32>} : memref<4x80x128xf32, #tpu.memory_space<vmem>>, vector<16xf32>,
        %get3A_676 = arith.index_cast %and3A_335 : i32 to index
        %get3A_677 = arith.index_cast %add3A_618 : i32 to index
        %get3A_678 = arith.constant 96 : index
        %get3A_679 = tpu.vector_load %arg10[%get3A_676, %get3A_677, %get3A_678] {strides = array<i32>} : memref<4x80x128xf32, #tpu.memory_space<vmem>>, vector<16xf32>,
        %mul3A_680 = arith.mulf %get3A_679, %gather3A_621 : vector<16xf32>
        %swap3A_681 = arith.index_cast %and3A_335 : i32 to index
        %swap3A_682 = arith.index_cast %add3A_618 : i32 to index
        %swap3A_683 = arith.constant 96 : index
        %swap3A_684 = tpu.vector_load %arg10[%swap3A_681, %swap3A_682, %swap3A_683] {strides = array<i32>} : memref<4x80x128xf32, #tpu.memory_space<vmem>>, vector<16xf32>,
        tpu.vector_store %arg10[%swap3A_681, %swap3A_682, %swap3A_683], %mul3A_680 {strides = array<i32>} : memref<4x80x128xf32, #tpu.memory_space<vmem>>, vector<16xf32>,
        %get3A_685 = arith.index_cast %and3A_335 : i32 to index
        %get3A_686 = arith.index_cast %add3A_618 : i32 to index
        %get3A_687 = arith.constant 112 : index
        %get3A_688 = tpu.vector_load %arg10[%get3A_685, %get3A_686, %get3A_687] {strides = array<i32>} : memref<4x80x128xf32, #tpu.memory_space<vmem>>, vector<16xf32>,
        %mul3A_689 = arith.mulf %get3A_688, %gather3A_621 : vector<16xf32>
        %swap3A_690 = arith.index_cast %and3A_335 : i32 to index
        %swap3A_691 = arith.index_cast %add3A_618 : i32 to index
        %swap3A_692 = arith.constant 112 : index
        %swap3A_693 = tpu.vector_load %arg10[%swap3A_690, %swap3A_691, %swap3A_692] {strides = array<i32>} : memref<4x80x128xf32, #tpu.memory_space<vmem>>, vector<16xf32>,
        tpu.vector_store %arg10[%swap3A_690, %swap3A_691, %swap3A_692], %mul3A_689 {strides = array<i32>} : memref<4x80x128xf32, #tpu.memory_space<vmem>>, vector<16xf32>,
      }
      %scan3A_363 = arith.constant 80 : i32
      %dma_start3A_364 = arith.constant 0 : i32
      %dma_start3A_365 = arith.constant 0 : i32
      %dma_start3A_366 = tpu.memref_slice %arg10[%and3A_335, %dma_start3A_364, %dma_start3A_365] : memref<4x80x128xf32, #tpu.memory_space<vmem>> -> memref<1x80x128xf32, #tpu.memory_space<vmem>>
      %dma_start3A_367 = tpu.memref_squeeze %dma_start3A_366 : memref<1x80x128xf32, #tpu.memory_space<vmem>> -> memref<80x128xf32, #tpu.memory_space<vmem>>
      %dma_start3A_368 = arith.constant 0 : i32
      %dma_start3A_369 = tpu.memref_slice %arg8[%add3A_334, %dma_start3A_368] : memref<25x80xi32, #tpu.memory_space<vmem>> -> memref<1x80xi32, #tpu.memory_space<vmem>>
      %dma_start3A_370 = tpu.memref_squeeze %dma_start3A_369 : memref<1x80xi32, #tpu.memory_space<vmem>> -> memref<80xi32, #tpu.memory_space<vmem>>
      %dma_start3A_371 = arith.constant 0 : i32
      %dma_start3A_372 = arith.constant 0 : i32
      %dma_start3A_373 = tpu.memref_slice %arg11[%dma_start3A_371, %dma_start3A_372] : memref<10000x128xf32, #tpu.memory_space<vmem_shared>> -> memref<10000x128xf32, #tpu.memory_space<vmem_shared>>
      tpu.enqueue_indirect_dma source(%dma_start3A_367 : memref<80x128xf32, #tpu.memory_space<vmem>>) target(%dma_start3A_373 : memref<10000x128xf32, #tpu.memory_space<vmem_shared>>) offsets(%dma_start3A_370 : memref<80xi32, #tpu.memory_space<vmem>>) semaphore(%arg13 : memref<!tpu.dma_semaphore, #tpu.memory_space<semaphore_mem>>) {add = true}
    }
    %scan3A_180 = arith.constant 25 : i32
    %dma_wait3A_181 = arith.constant 0 : i32
    %dma_wait3A_182 = arith.constant 0 : i32
    %dma_wait3A_183 = arith.constant 0 : i32
    %dma_wait3A_184 = tpu.memref_slice %arg10[%dma_wait3A_181, %dma_wait3A_182, %dma_wait3A_183] : memref<4x80x128xf32, #tpu.memory_space<vmem>> -> memref<1x80x128xf32, #tpu.memory_space<vmem>>
    %dma_wait3A_185 = tpu.memref_squeeze %dma_wait3A_184 : memref<1x80x128xf32, #tpu.memory_space<vmem>> -> memref<80x128xf32, #tpu.memory_space<vmem>>
    %dma_wait3A_186 = arith.constant 0 : i32
    %dma_wait3A_187 = arith.constant 0 : i32
    %dma_wait3A_188 = tpu.memref_slice %arg5[%dma_wait3A_186, %dma_wait3A_187] : memref<10000x128xf32, #tpu.memory_space<hbm>> -> memref<80x128xf32, #tpu.memory_space<hbm>>
    %dma_wait3A_189 = arith.constant 0 : i32
    %dma_wait3A_190 = arith.constant 0 : i32
    %dma_wait3A_191 = tpu.memref_slice %arg10[%dma_wait3A_181, %dma_wait3A_189, %dma_wait3A_190] : memref<4x80x128xf32, #tpu.memory_space<vmem>> -> memref<1x80x128xf32, #tpu.memory_space<vmem>>
    %dma_wait3A_192 = tpu.memref_squeeze %dma_wait3A_191 : memref<1x80x128xf32, #tpu.memory_space<vmem>> -> memref<80x128xf32, #tpu.memory_space<vmem>>
    %dma_wait3A_193 = arith.constant 0 : i32
    %dma_wait3A_194 = arith.constant 0 : i32
    %dma_wait3A_195 = tpu.memref_slice %arg5[%dma_wait3A_193, %dma_wait3A_194] : memref<10000x128xf32, #tpu.memory_space<hbm>> -> memref<80x128xf32, #tpu.memory_space<hbm>>
    tpu.wait_dma2 semaphore(%arg13 : memref<!tpu.dma_semaphore, #tpu.memory_space<semaphore_mem>>) src(%dma_wait3A_195 : memref<80x128xf32, #tpu.memory_space<hbm>>) dst(%dma_wait3A_192 : memref<80x128xf32, #tpu.memory_space<vmem>>)
    %dma_wait3A_196 = arith.constant 0 : i32
    %dma_wait3A_197 = arith.constant 0 : i32
    %dma_wait3A_198 = arith.constant 0 : i32
    %dma_wait3A_199 = tpu.memref_slice %arg10[%dma_wait3A_196, %dma_wait3A_197, %dma_wait3A_198] : memref<4x80x128xf32, #tpu.memory_space<vmem>> -> memref<1x80x128xf32, #tpu.memory_space<vmem>>
    %dma_wait3A_200 = tpu.memref_squeeze %dma_wait3A_199 : memref<1x80x128xf32, #tpu.memory_space<vmem>> -> memref<80x128xf32, #tpu.memory_space<vmem>>
    %dma_wait3A_201 = arith.constant 0 : i32
    %dma_wait3A_202 = arith.constant 0 : i32
    %dma_wait3A_203 = tpu.memref_slice %arg5[%dma_wait3A_201, %dma_wait3A_202] : memref<10000x128xf32, #tpu.memory_space<hbm>> -> memref<80x128xf32, #tpu.memory_space<hbm>>
    %dma_wait3A_204 = arith.constant 0 : i32
    %dma_wait3A_205 = arith.constant 0 : i32
    %dma_wait3A_206 = tpu.memref_slice %arg10[%dma_wait3A_196, %dma_wait3A_204, %dma_wait3A_205] : memref<4x80x128xf32, #tpu.memory_space<vmem>> -> memref<1x80x128xf32, #tpu.memory_space<vmem>>
    %dma_wait3A_207 = tpu.memref_squeeze %dma_wait3A_206 : memref<1x80x128xf32, #tpu.memory_space<vmem>> -> memref<80x128xf32, #tpu.memory_space<vmem>>
    %dma_wait3A_208 = arith.constant 0 : i32
    %dma_wait3A_209 = arith.constant 0 : i32
    %dma_wait3A_210 = tpu.memref_slice %arg5[%dma_wait3A_208, %dma_wait3A_209] : memref<10000x128xf32, #tpu.memory_space<hbm>> -> memref<80x128xf32, #tpu.memory_space<hbm>>
    tpu.wait_dma2 semaphore(%arg13 : memref<!tpu.dma_semaphore, #tpu.memory_space<semaphore_mem>>) src(%dma_wait3A_210 : memref<80x128xf32, #tpu.memory_space<hbm>>) dst(%dma_wait3A_207 : memref<80x128xf32, #tpu.memory_space<vmem>>)
    "tpu.region"() ({
      %run_scoped3A_330 = tpu.sem_alloc : memref<!tpu.dma_semaphore, #tpu.memory_space<semaphore_mem>>
      %dma_start3A_331 = arith.constant 0 : i32
      %dma_start3A_332 = arith.constant 0 : i32
      %dma_start3A_333 = tpu.memref_slice %arg2[%add3A, %dma_start3A_331, %dma_start3A_332] : memref<32x125x80xi32, #tpu.memory_space<hbm>> -> memref<1x125x80xi32, #tpu.memory_space<hbm>>
      %dma_start3A_334 = tpu.memref_squeeze %dma_start3A_333 : memref<1x125x80xi32, #tpu.memory_space<hbm>> -> memref<125x80xi32, #tpu.memory_space<hbm>>
      %dma_start3A_335 = arith.constant 75 : i32
      %dma_start3A_336 = arith.constant 0 : i32
      %dma_start3A_337 = tpu.memref_slice %dma_start3A_334[%dma_start3A_335, %dma_start3A_336] : memref<125x80xi32, #tpu.memory_space<hbm>> -> memref<25x80xi32, #tpu.memory_space<hbm>>
      %dma_start3A_338 = arith.constant 0 : i32
      %dma_start3A_339 = arith.constant 0 : i32
      %dma_start3A_340 = tpu.memref_slice %arg2[%add3A, %dma_start3A_338, %dma_start3A_339] : memref<32x125x80xi32, #tpu.memory_space<hbm>> -> memref<1x125x80xi32, #tpu.memory_space<hbm>>
      %dma_start3A_341 = tpu.memref_squeeze %dma_start3A_340 : memref<1x125x80xi32, #tpu.memory_space<hbm>> -> memref<125x80xi32, #tpu.memory_space<hbm>>
      %dma_start3A_342 = arith.constant 75 : i32
      %dma_start3A_343 = arith.constant 0 : i32
      %dma_start3A_344 = tpu.memref_slice %dma_start3A_341[%dma_start3A_342, %dma_start3A_343] : memref<125x80xi32, #tpu.memory_space<hbm>> -> memref<25x80xi32, #tpu.memory_space<hbm>>
      tpu.enqueue_dma source(%dma_start3A_344 : memref<25x80xi32, #tpu.memory_space<hbm>>) target(%arg7 : memref<25x80xi32, #tpu.memory_space<vmem>>) target_semaphore(%run_scoped3A_330 : memref<!tpu.dma_semaphore, #tpu.memory_space<semaphore_mem>>)
      %dma_wait3A_345 = arith.constant 0 : i32
      %dma_wait3A_346 = arith.constant 0 : i32
      %dma_wait3A_347 = tpu.memref_slice %arg2[%add3A, %dma_wait3A_345, %dma_wait3A_346] : memref<32x125x80xi32, #tpu.memory_space<hbm>> -> memref<1x125x80xi32, #tpu.memory_space<hbm>>
      %dma_wait3A_348 = tpu.memref_squeeze %dma_wait3A_347 : memref<1x125x80xi32, #tpu.memory_space<hbm>> -> memref<125x80xi32, #tpu.memory_space<hbm>>
      %dma_wait3A_349 = arith.constant 75 : i32
      %dma_wait3A_350 = arith.constant 0 : i32
      %dma_wait3A_351 = tpu.memref_slice %dma_wait3A_348[%dma_wait3A_349, %dma_wait3A_350] : memref<125x80xi32, #tpu.memory_space<hbm>> -> memref<25x80xi32, #tpu.memory_space<hbm>>
      %dma_wait3A_352 = arith.constant 0 : i32
      %dma_wait3A_353 = arith.constant 0 : i32
      %dma_wait3A_354 = tpu.memref_slice %arg2[%add3A, %dma_wait3A_352, %dma_wait3A_353] : memref<32x125x80xi32, #tpu.memory_space<hbm>> -> memref<1x125x80xi32, #tpu.memory_space<hbm>>
      %dma_wait3A_355 = tpu.memref_squeeze %dma_wait3A_354 : memref<1x125x80xi32, #tpu.memory_space<hbm>> -> memref<125x80xi32, #tpu.memory_space<hbm>>
      %dma_wait3A_356 = arith.constant 75 : i32
      %dma_wait3A_357 = arith.constant 0 : i32
      %dma_wait3A_358 = tpu.memref_slice %dma_wait3A_355[%dma_wait3A_356, %dma_wait3A_357] : memref<125x80xi32, #tpu.memory_space<hbm>> -> memref<25x80xi32, #tpu.memory_space<hbm>>
      tpu.wait_dma2 semaphore(%run_scoped3A_330 : memref<!tpu.dma_semaphore, #tpu.memory_space<semaphore_mem>>) src(%dma_wait3A_358 : memref<25x80xi32, #tpu.memory_space<hbm>>) dst(%arg7 : memref<25x80xi32, #tpu.memory_space<vmem>>)
      tpu.yield
    }) : () -> ()
    "tpu.region"() ({
      %run_scoped3A_330 = tpu.sem_alloc : memref<!tpu.dma_semaphore, #tpu.memory_space<semaphore_mem>>
      %dma_start3A_331 = arith.constant 0 : i32
      %dma_start3A_332 = arith.constant 0 : i32
      %dma_start3A_333 = tpu.memref_slice %arg3[%add3A, %dma_start3A_331, %dma_start3A_332] : memref<32x125x80xi32, #tpu.memory_space<hbm>> -> memref<1x125x80xi32, #tpu.memory_space<hbm>>
      %dma_start3A_334 = tpu.memref_squeeze %dma_start3A_333 : memref<1x125x80xi32, #tpu.memory_space<hbm>> -> memref<125x80xi32, #tpu.memory_space<hbm>>
      %dma_start3A_335 = arith.constant 75 : i32
      %dma_start3A_336 = arith.constant 0 : i32
      %dma_start3A_337 = tpu.memref_slice %dma_start3A_334[%dma_start3A_335, %dma_start3A_336] : memref<125x80xi32, #tpu.memory_space<hbm>> -> memref<25x80xi32, #tpu.memory_space<hbm>>
      %dma_start3A_338 = arith.constant 0 : i32
      %dma_start3A_339 = arith.constant 0 : i32
      %dma_start3A_340 = tpu.memref_slice %arg3[%add3A, %dma_start3A_338, %dma_start3A_339] : memref<32x125x80xi32, #tpu.memory_space<hbm>> -> memref<1x125x80xi32, #tpu.memory_space<hbm>>
      %dma_start3A_341 = tpu.memref_squeeze %dma_start3A_340 : memref<1x125x80xi32, #tpu.memory_space<hbm>> -> memref<125x80xi32, #tpu.memory_space<hbm>>
      %dma_start3A_342 = arith.constant 75 : i32
      %dma_start3A_343 = arith.constant 0 : i32
      %dma_start3A_344 = tpu.memref_slice %dma_start3A_341[%dma_start3A_342, %dma_start3A_343] : memref<125x80xi32, #tpu.memory_space<hbm>> -> memref<25x80xi32, #tpu.memory_space<hbm>>
      tpu.enqueue_dma source(%dma_start3A_344 : memref<25x80xi32, #tpu.memory_space<hbm>>) target(%arg8 : memref<25x80xi32, #tpu.memory_space<vmem>>) target_semaphore(%run_scoped3A_330 : memref<!tpu.dma_semaphore, #tpu.memory_space<semaphore_mem>>)
      %dma_wait3A_345 = arith.constant 0 : i32
      %dma_wait3A_346 = arith.constant 0 : i32
      %dma_wait3A_347 = tpu.memref_slice %arg3[%add3A, %dma_wait3A_345, %dma_wait3A_346] : memref<32x125x80xi32, #tpu.memory_space<hbm>> -> memref<1x125x80xi32, #tpu.memory_space<hbm>>
      %dma_wait3A_348 = tpu.memref_squeeze %dma_wait3A_347 : memref<1x125x80xi32, #tpu.memory_space<hbm>> -> memref<125x80xi32, #tpu.memory_space<hbm>>
      %dma_wait3A_349 = arith.constant 75 : i32
      %dma_wait3A_350 = arith.constant 0 : i32
      %dma_wait3A_351 = tpu.memref_slice %dma_wait3A_348[%dma_wait3A_349, %dma_wait3A_350] : memref<125x80xi32, #tpu.memory_space<hbm>> -> memref<25x80xi32, #tpu.memory_space<hbm>>
      %dma_wait3A_352 = arith.constant 0 : i32
      %dma_wait3A_353 = arith.constant 0 : i32
      %dma_wait3A_354 = tpu.memref_slice %arg3[%add3A, %dma_wait3A_352, %dma_wait3A_353] : memref<32x125x80xi32, #tpu.memory_space<hbm>> -> memref<1x125x80xi32, #tpu.memory_space<hbm>>
      %dma_wait3A_355 = tpu.memref_squeeze %dma_wait3A_354 : memref<1x125x80xi32, #tpu.memory_space<hbm>> -> memref<125x80xi32, #tpu.memory_space<hbm>>
      %dma_wait3A_356 = arith.constant 75 : i32
      %dma_wait3A_357 = arith.constant 0 : i32
      %dma_wait3A_358 = tpu.memref_slice %dma_wait3A_355[%dma_wait3A_356, %dma_wait3A_357] : memref<125x80xi32, #tpu.memory_space<hbm>> -> memref<25x80xi32, #tpu.memory_space<hbm>>
      tpu.wait_dma2 semaphore(%run_scoped3A_330 : memref<!tpu.dma_semaphore, #tpu.memory_space<semaphore_mem>>) src(%dma_wait3A_358 : memref<25x80xi32, #tpu.memory_space<hbm>>) dst(%arg8 : memref<25x80xi32, #tpu.memory_space<vmem>>)
      tpu.yield
    }) : () -> ()
    "tpu.region"() ({
      %run_scoped3A_330 = tpu.sem_alloc : memref<!tpu.dma_semaphore, #tpu.memory_space<semaphore_mem>>
      %dma_start3A_331 = arith.constant 0 : i32
      %dma_start3A_332 = arith.constant 0 : i32
      %dma_start3A_333 = tpu.memref_slice %arg4[%add3A, %dma_start3A_331, %dma_start3A_332] : memref<32x125x80xf32, #tpu.memory_space<hbm>> -> memref<1x125x80xf32, #tpu.memory_space<hbm>>
      %dma_start3A_334 = tpu.memref_squeeze %dma_start3A_333 : memref<1x125x80xf32, #tpu.memory_space<hbm>> -> memref<125x80xf32, #tpu.memory_space<hbm>>
      %dma_start3A_335 = arith.constant 75 : i32
      %dma_start3A_336 = arith.constant 0 : i32
      %dma_start3A_337 = tpu.memref_slice %dma_start3A_334[%dma_start3A_335, %dma_start3A_336] : memref<125x80xf32, #tpu.memory_space<hbm>> -> memref<25x80xf32, #tpu.memory_space<hbm>>
      %dma_start3A_338 = arith.constant 0 : i32
      %dma_start3A_339 = arith.constant 0 : i32
      %dma_start3A_340 = tpu.memref_slice %arg4[%add3A, %dma_start3A_338, %dma_start3A_339] : memref<32x125x80xf32, #tpu.memory_space<hbm>> -> memref<1x125x80xf32, #tpu.memory_space<hbm>>
      %dma_start3A_341 = tpu.memref_squeeze %dma_start3A_340 : memref<1x125x80xf32, #tpu.memory_space<hbm>> -> memref<125x80xf32, #tpu.memory_space<hbm>>
      %dma_start3A_342 = arith.constant 75 : i32
      %dma_start3A_343 = arith.constant 0 : i32
      %dma_start3A_344 = tpu.memref_slice %dma_start3A_341[%dma_start3A_342, %dma_start3A_343] : memref<125x80xf32, #tpu.memory_space<hbm>> -> memref<25x80xf32, #tpu.memory_space<hbm>>
      tpu.enqueue_dma source(%dma_start3A_344 : memref<25x80xf32, #tpu.memory_space<hbm>>) target(%arg9 : memref<25x80xf32, #tpu.memory_space<vmem>>) target_semaphore(%run_scoped3A_330 : memref<!tpu.dma_semaphore, #tpu.memory_space<semaphore_mem>>)
      %dma_wait3A_345 = arith.constant 0 : i32
      %dma_wait3A_346 = arith.constant 0 : i32
      %dma_wait3A_347 = tpu.memref_slice %arg4[%add3A, %dma_wait3A_345, %dma_wait3A_346] : memref<32x125x80xf32, #tpu.memory_space<hbm>> -> memref<1x125x80xf32, #tpu.memory_space<hbm>>
      %dma_wait3A_348 = tpu.memref_squeeze %dma_wait3A_347 : memref<1x125x80xf32, #tpu.memory_space<hbm>> -> memref<125x80xf32, #tpu.memory_space<hbm>>
      %dma_wait3A_349 = arith.constant 75 : i32
      %dma_wait3A_350 = arith.constant 0 : i32
      %dma_wait3A_351 = tpu.memref_slice %dma_wait3A_348[%dma_wait3A_349, %dma_wait3A_350] : memref<125x80xf32, #tpu.memory_space<hbm>> -> memref<25x80xf32, #tpu.memory_space<hbm>>
      %dma_wait3A_352 = arith.constant 0 : i32
      %dma_wait3A_353 = arith.constant 0 : i32
      %dma_wait3A_354 = tpu.memref_slice %arg4[%add3A, %dma_wait3A_352, %dma_wait3A_353] : memref<32x125x80xf32, #tpu.memory_space<hbm>> -> memref<1x125x80xf32, #tpu.memory_space<hbm>>
      %dma_wait3A_355 = tpu.memref_squeeze %dma_wait3A_354 : memref<1x125x80xf32, #tpu.memory_space<hbm>> -> memref<125x80xf32, #tpu.memory_space<hbm>>
      %dma_wait3A_356 = arith.constant 75 : i32
      %dma_wait3A_357 = arith.constant 0 : i32
      %dma_wait3A_358 = tpu.memref_slice %dma_wait3A_355[%dma_wait3A_356, %dma_wait3A_357] : memref<125x80xf32, #tpu.memory_space<hbm>> -> memref<25x80xf32, #tpu.memory_space<hbm>>
      tpu.wait_dma2 semaphore(%run_scoped3A_330 : memref<!tpu.dma_semaphore, #tpu.memory_space<semaphore_mem>>) src(%dma_wait3A_358 : memref<25x80xf32, #tpu.memory_space<hbm>>) dst(%arg9 : memref<25x80xf32, #tpu.memory_space<vmem>>)
      tpu.yield
    }) : () -> ()
    %dma_start3A_211 = arith.constant 0 : i32
    %dma_start3A_212 = arith.constant 0 : i32
    %dma_start3A_213 = arith.constant 0 : i32
    %dma_start3A_214 = arith.constant 0 : i32
    %dma_start3A_215 = tpu.memref_slice %arg10[%dma_start3A_212, %dma_start3A_213, %dma_start3A_214] : memref<4x80x128xf32, #tpu.memory_space<vmem>> -> memref<1x80x128xf32, #tpu.memory_space<vmem>>
    %dma_start3A_216 = tpu.memref_squeeze %dma_start3A_215 : memref<1x80x128xf32, #tpu.memory_space<vmem>> -> memref<80x128xf32, #tpu.memory_space<vmem>>
    %dma_start3A_217 = arith.constant 0 : i32
    %dma_start3A_218 = tpu.memref_slice %arg7[%dma_start3A_211, %dma_start3A_217] : memref<25x80xi32, #tpu.memory_space<vmem>> -> memref<1x80xi32, #tpu.memory_space<vmem>>
    %dma_start3A_219 = tpu.memref_squeeze %dma_start3A_218 : memref<1x80xi32, #tpu.memory_space<vmem>> -> memref<80xi32, #tpu.memory_space<vmem>>
    %dma_start3A_220 = arith.constant 0 : i32
    %dma_start3A_221 = arith.constant 0 : i32
    %dma_start3A_222 = tpu.memref_slice %arg5[%dma_start3A_220, %dma_start3A_221] : memref<10000x128xf32, #tpu.memory_space<hbm>> -> memref<10000x128xf32, #tpu.memory_space<hbm>>
    tpu.enqueue_indirect_dma source(%dma_start3A_222 : memref<10000x128xf32, #tpu.memory_space<hbm>>) target(%dma_start3A_216 : memref<80x128xf32, #tpu.memory_space<vmem>>) offsets(%dma_start3A_219 : memref<80xi32, #tpu.memory_space<vmem>>) semaphore(%arg12 : memref<!tpu.dma_semaphore, #tpu.memory_space<semaphore_mem>>)
    %dma_start3A_223 = arith.constant 1 : i32
    %dma_start3A_224 = arith.constant 1 : i32
    %dma_start3A_225 = arith.constant 0 : i32
    %dma_start3A_226 = arith.constant 0 : i32
    %dma_start3A_227 = tpu.memref_slice %arg10[%dma_start3A_224, %dma_start3A_225, %dma_start3A_226] : memref<4x80x128xf32, #tpu.memory_space<vmem>> -> memref<1x80x128xf32, #tpu.memory_space<vmem>>
    %dma_start3A_228 = tpu.memref_squeeze %dma_start3A_227 : memref<1x80x128xf32, #tpu.memory_space<vmem>> -> memref<80x128xf32, #tpu.memory_space<vmem>>
    %dma_start3A_229 = arith.constant 0 : i32
    %dma_start3A_230 = tpu.memref_slice %arg7[%dma_start3A_223, %dma_start3A_229] : memref<25x80xi32, #tpu.memory_space<vmem>> -> memref<1x80xi32, #tpu.memory_space<vmem>>
    %dma_start3A_231 = tpu.memref_squeeze %dma_start3A_230 : memref<1x80xi32, #tpu.memory_space<vmem>> -> memref<80xi32, #tpu.memory_space<vmem>>
    %dma_start3A_232 = arith.constant 0 : i32
    %dma_start3A_233 = arith.constant 0 : i32
    %dma_start3A_234 = tpu.memref_slice %arg5[%dma_start3A_232, %dma_start3A_233] : memref<10000x128xf32, #tpu.memory_space<hbm>> -> memref<10000x128xf32, #tpu.memory_space<hbm>>
    tpu.enqueue_indirect_dma source(%dma_start3A_234 : memref<10000x128xf32, #tpu.memory_space<hbm>>) target(%dma_start3A_228 : memref<80x128xf32, #tpu.memory_space<vmem>>) offsets(%dma_start3A_231 : memref<80xi32, #tpu.memory_space<vmem>>) semaphore(%arg12 : memref<!tpu.dma_semaphore, #tpu.memory_space<semaphore_mem>>)
    %scan3A_235 = arith.constant 0 : i32
    %scan3A_236 = arith.constant 25 : i32
    %scan3A_237 = arith.addi %scan3A_235, %scan3A_236 : i32
    %scan3A_238 = arith.constant 1 : i32
    scf.for %scan3A_330 = %scan3A_235 to %scan3A_237 step %scan3A_238  : i32 {
      %mul3A_331 = arith.constant 1 : i32
      %mul3A_332 = arith.muli %scan3A_330, %mul3A_331 : i32
      %add3A_333 = arith.constant 0 : i32
      %add3A_334 = arith.addi %add3A_333, %mul3A_332 : i32
      %and3A = arith.constant 3 : i32
      %and3A_335 = arith.andi %add3A_334, %and3A : i32
      %dma_wait3A_336 = arith.constant 0 : i32
      %dma_wait3A_337 = arith.constant 0 : i32
      %dma_wait3A_338 = arith.constant 0 : i32
      %dma_wait3A_339 = tpu.memref_slice %arg10[%dma_wait3A_336, %dma_wait3A_337, %dma_wait3A_338] : memref<4x80x128xf32, #tpu.memory_space<vmem>> -> memref<1x80x128xf32, #tpu.memory_space<vmem>>
      %dma_wait3A_340 = tpu.memref_squeeze %dma_wait3A_339 : memref<1x80x128xf32, #tpu.memory_space<vmem>> -> memref<80x128xf32, #tpu.memory_space<vmem>>
      %dma_wait3A_341 = arith.constant 0 : i32
      %dma_wait3A_342 = arith.constant 0 : i32
      %dma_wait3A_343 = tpu.memref_slice %arg5[%dma_wait3A_341, %dma_wait3A_342] : memref<10000x128xf32, #tpu.memory_space<hbm>> -> memref<80x128xf32, #tpu.memory_space<hbm>>
      %dma_wait3A_344 = arith.constant 0 : i32
      %dma_wait3A_345 = arith.constant 0 : i32
      %dma_wait3A_346 = tpu.memref_slice %arg10[%dma_wait3A_336, %dma_wait3A_344, %dma_wait3A_345] : memref<4x80x128xf32, #tpu.memory_space<vmem>> -> memref<1x80x128xf32, #tpu.memory_space<vmem>>
      %dma_wait3A_347 = tpu.memref_squeeze %dma_wait3A_346 : memref<1x80x128xf32, #tpu.memory_space<vmem>> -> memref<80x128xf32, #tpu.memory_space<vmem>>
      %dma_wait3A_348 = arith.constant 0 : i32
      %dma_wait3A_349 = arith.constant 0 : i32
      %dma_wait3A_350 = tpu.memref_slice %arg5[%dma_wait3A_348, %dma_wait3A_349] : memref<10000x128xf32, #tpu.memory_space<hbm>> -> memref<80x128xf32, #tpu.memory_space<hbm>>
      tpu.wait_dma2 semaphore(%arg12 : memref<!tpu.dma_semaphore, #tpu.memory_space<semaphore_mem>>) src(%dma_wait3A_350 : memref<80x128xf32, #tpu.memory_space<hbm>>) dst(%dma_wait3A_347 : memref<80x128xf32, #tpu.memory_space<vmem>>)
      %ge3A = arith.constant 2 : i32
      %ge3A_351 = arith.cmpi sge, %add3A_334, %ge3A : i32
      %convert_element_type3A = arith.extui %ge3A_351 : i1 to i32
      %cond3A = arith.constant 0 : i32
      %cond3A_352 = arith.cmpi ne, %convert_element_type3A, %cond3A : i32
      scf.if %cond3A_352 {
        %dma_wait3A_374 = arith.constant 0 : i32
        %dma_wait3A_375 = arith.constant 0 : i32
        %dma_wait3A_376 = arith.constant 0 : i32
        %dma_wait3A_377 = tpu.memref_slice %arg10[%dma_wait3A_374, %dma_wait3A_375, %dma_wait3A_376] : memref<4x80x128xf32, #tpu.memory_space<vmem>> -> memref<1x80x128xf32, #tpu.memory_space<vmem>>
        %dma_wait3A_378 = tpu.memref_squeeze %dma_wait3A_377 : memref<1x80x128xf32, #tpu.memory_space<vmem>> -> memref<80x128xf32, #tpu.memory_space<vmem>>
        %dma_wait3A_379 = arith.constant 0 : i32
        %dma_wait3A_380 = arith.constant 0 : i32
        %dma_wait3A_381 = tpu.memref_slice %arg5[%dma_wait3A_379, %dma_wait3A_380] : memref<10000x128xf32, #tpu.memory_space<hbm>> -> memref<80x128xf32, #tpu.memory_space<hbm>>
        %dma_wait3A_382 = arith.constant 0 : i32
        %dma_wait3A_383 = arith.constant 0 : i32
        %dma_wait3A_384 = tpu.memref_slice %arg10[%dma_wait3A_374, %dma_wait3A_382, %dma_wait3A_383] : memref<4x80x128xf32, #tpu.memory_space<vmem>> -> memref<1x80x128xf32, #tpu.memory_space<vmem>>
        %dma_wait3A_385 = tpu.memref_squeeze %dma_wait3A_384 : memref<1x80x128xf32, #tpu.memory_space<vmem>> -> memref<80x128xf32, #tpu.memory_space<vmem>>
        %dma_wait3A_386 = arith.constant 0 : i32
        %dma_wait3A_387 = arith.constant 0 : i32
        %dma_wait3A_388 = tpu.memref_slice %arg5[%dma_wait3A_386, %dma_wait3A_387] : memref<10000x128xf32, #tpu.memory_space<hbm>> -> memref<80x128xf32, #tpu.memory_space<hbm>>
        tpu.wait_dma2 semaphore(%arg13 : memref<!tpu.dma_semaphore, #tpu.memory_space<semaphore_mem>>) src(%dma_wait3A_388 : memref<80x128xf32, #tpu.memory_space<hbm>>) dst(%dma_wait3A_385 : memref<80x128xf32, #tpu.memory_space<vmem>>)
      } else {
      }
      %add3A_353 = arith.constant 2 : i32
      %add3A_354 = arith.addi %add3A_334, %add3A_353 : i32
      %lt3A = arith.constant 25 : i32
      %lt3A_355 = arith.cmpi slt, %add3A_354, %lt3A : i32
      %convert_element_type3A_356 = arith.extui %lt3A_355 : i1 to i32
      %cond3A_357 = arith.constant 0 : i32
      %cond3A_358 = arith.cmpi ne, %convert_element_type3A_356, %cond3A_357 : i32
      scf.if %cond3A_358 {
        %add3A_374 = arith.constant 2 : i32
        %add3A_375 = arith.addi %add3A_334, %add3A_374 : i32
        %add3A_376 = arith.constant 2 : i32
        %add3A_377 = arith.addi %add3A_334, %add3A_376 : i32
        %and3A_378 = arith.constant 3 : i32
        %and3A_379 = arith.andi %add3A_377, %and3A_378 : i32
        %dma_start3A_380 = arith.constant 0 : i32
        %dma_start3A_381 = arith.constant 0 : i32
        %dma_start3A_382 = tpu.memref_slice %arg10[%and3A_379, %dma_start3A_380, %dma_start3A_381] : memref<4x80x128xf32, #tpu.memory_space<vmem>> -> memref<1x80x128xf32, #tpu.memory_space<vmem>>
        %dma_start3A_383 = tpu.memref_squeeze %dma_start3A_382 : memref<1x80x128xf32, #tpu.memory_space<vmem>> -> memref<80x128xf32, #tpu.memory_space<vmem>>
        %dma_start3A_384 = arith.constant 0 : i32
        %dma_start3A_385 = tpu.memref_slice %arg7[%add3A_375, %dma_start3A_384] : memref<25x80xi32, #tpu.memory_space<vmem>> -> memref<1x80xi32, #tpu.memory_space<vmem>>
        %dma_start3A_386 = tpu.memref_squeeze %dma_start3A_385 : memref<1x80xi32, #tpu.memory_space<vmem>> -> memref<80xi32, #tpu.memory_space<vmem>>
        %dma_start3A_387 = arith.constant 0 : i32
        %dma_start3A_388 = arith.constant 0 : i32
        %dma_start3A_389 = tpu.memref_slice %arg5[%dma_start3A_387, %dma_start3A_388] : memref<10000x128xf32, #tpu.memory_space<hbm>> -> memref<10000x128xf32, #tpu.memory_space<hbm>>
        tpu.enqueue_indirect_dma source(%dma_start3A_389 : memref<10000x128xf32, #tpu.memory_space<hbm>>) target(%dma_start3A_383 : memref<80x128xf32, #tpu.memory_space<vmem>>) offsets(%dma_start3A_386 : memref<80xi32, #tpu.memory_space<vmem>>) semaphore(%arg12 : memref<!tpu.dma_semaphore, #tpu.memory_space<semaphore_mem>>)
      } else {
      }
      %scan3A_359 = arith.constant 0 : i32
      %scan3A_360 = arith.constant 80 : i32
      %scan3A_361 = arith.addi %scan3A_359, %scan3A_360 : i32
      %scan3A_362 = arith.constant 4 : i32
      scf.for %scan3A_374 = %scan3A_359 to %scan3A_361 step %scan3A_362  : i32 {
        %mul3A_375 = arith.constant 1 : i32
        %mul3A_376 = arith.muli %scan3A_374, %mul3A_375 : i32
        %add3A_377 = arith.constant 0 : i32
        %add3A_378 = arith.addi %add3A_377, %mul3A_376 : i32
        %broadcast_in_dim3A_379 = vector.broadcast %add3A_334 : i32 to vector<16xi32>
        %broadcast_in_dim3A_380 = vector.broadcast %add3A_378 : i32 to vector<16xi32>
        %gather3A = tpu.vector_load_idx %arg9[%broadcast_in_dim3A_379, %broadcast_in_dim3A_380] : memref<25x80xf32, #tpu.memory_space<vmem>>[vector<16xi32>, vector<16xi32>], vector<16xf32>,
        %get3A = arith.index_cast %and3A_335 : i32 to index
        %get3A_381 = arith.index_cast %add3A_378 : i32 to index
        %get3A_382 = arith.constant 0 : index
        %get3A_383 = tpu.vector_load %arg10[%get3A, %get3A_381, %get3A_382] {strides = array<i32>} : memref<4x80x128xf32, #tpu.memory_space<vmem>>, vector<16xf32>,
        %mul3A_384 = arith.mulf %get3A_383, %gather3A : vector<16xf32>
        %swap3A = arith.index_cast %and3A_335 : i32 to index
        %swap3A_385 = arith.index_cast %add3A_378 : i32 to index
        %swap3A_386 = arith.constant 0 : index
        %swap3A_387 = tpu.vector_load %arg10[%swap3A, %swap3A_385, %swap3A_386] {strides = array<i32>} : memref<4x80x128xf32, #tpu.memory_space<vmem>>, vector<16xf32>,
        tpu.vector_store %arg10[%swap3A, %swap3A_385, %swap3A_386], %mul3A_384 {strides = array<i32>} : memref<4x80x128xf32, #tpu.memory_space<vmem>>, vector<16xf32>,
        %get3A_388 = arith.index_cast %and3A_335 : i32 to index
        %get3A_389 = arith.index_cast %add3A_378 : i32 to index
        %get3A_390 = arith.constant 16 : index
        %get3A_391 = tpu.vector_load %arg10[%get3A_388, %get3A_389, %get3A_390] {strides = array<i32>} : memref<4x80x128xf32, #tpu.memory_space<vmem>>, vector<16xf32>,
        %mul3A_392 = arith.mulf %get3A_391, %gather3A : vector<16xf32>
        %swap3A_393 = arith.index_cast %and3A_335 : i32 to index
        %swap3A_394 = arith.index_cast %add3A_378 : i32 to index
        %swap3A_395 = arith.constant 16 : index
        %swap3A_396 = tpu.vector_load %arg10[%swap3A_393, %swap3A_394, %swap3A_395] {strides = array<i32>} : memref<4x80x128xf32, #tpu.memory_space<vmem>>, vector<16xf32>,
        tpu.vector_store %arg10[%swap3A_393, %swap3A_394, %swap3A_395], %mul3A_392 {strides = array<i32>} : memref<4x80x128xf32, #tpu.memory_space<vmem>>, vector<16xf32>,
        %get3A_397 = arith.index_cast %and3A_335 : i32 to index
        %get3A_398 = arith.index_cast %add3A_378 : i32 to index
        %get3A_399 = arith.constant 32 : index
        %get3A_400 = tpu.vector_load %arg10[%get3A_397, %get3A_398, %get3A_399] {strides = array<i32>} : memref<4x80x128xf32, #tpu.memory_space<vmem>>, vector<16xf32>,
        %mul3A_401 = arith.mulf %get3A_400, %gather3A : vector<16xf32>
        %swap3A_402 = arith.index_cast %and3A_335 : i32 to index
        %swap3A_403 = arith.index_cast %add3A_378 : i32 to index
        %swap3A_404 = arith.constant 32 : index
        %swap3A_405 = tpu.vector_load %arg10[%swap3A_402, %swap3A_403, %swap3A_404] {strides = array<i32>} : memref<4x80x128xf32, #tpu.memory_space<vmem>>, vector<16xf32>,
        tpu.vector_store %arg10[%swap3A_402, %swap3A_403, %swap3A_404], %mul3A_401 {strides = array<i32>} : memref<4x80x128xf32, #tpu.memory_space<vmem>>, vector<16xf32>,
        %get3A_406 = arith.index_cast %and3A_335 : i32 to index
        %get3A_407 = arith.index_cast %add3A_378 : i32 to index
        %get3A_408 = arith.constant 48 : index
        %get3A_409 = tpu.vector_load %arg10[%get3A_406, %get3A_407, %get3A_408] {strides = array<i32>} : memref<4x80x128xf32, #tpu.memory_space<vmem>>, vector<16xf32>,
        %mul3A_410 = arith.mulf %get3A_409, %gather3A : vector<16xf32>
        %swap3A_411 = arith.index_cast %and3A_335 : i32 to index
        %swap3A_412 = arith.index_cast %add3A_378 : i32 to index
        %swap3A_413 = arith.constant 48 : index
        %swap3A_414 = tpu.vector_load %arg10[%swap3A_411, %swap3A_412, %swap3A_413] {strides = array<i32>} : memref<4x80x128xf32, #tpu.memory_space<vmem>>, vector<16xf32>,
        tpu.vector_store %arg10[%swap3A_411, %swap3A_412, %swap3A_413], %mul3A_410 {strides = array<i32>} : memref<4x80x128xf32, #tpu.memory_space<vmem>>, vector<16xf32>,
        %get3A_415 = arith.index_cast %and3A_335 : i32 to index
        %get3A_416 = arith.index_cast %add3A_378 : i32 to index
        %get3A_417 = arith.constant 64 : index
        %get3A_418 = tpu.vector_load %arg10[%get3A_415, %get3A_416, %get3A_417] {strides = array<i32>} : memref<4x80x128xf32, #tpu.memory_space<vmem>>, vector<16xf32>,
        %mul3A_419 = arith.mulf %get3A_418, %gather3A : vector<16xf32>
        %swap3A_420 = arith.index_cast %and3A_335 : i32 to index
        %swap3A_421 = arith.index_cast %add3A_378 : i32 to index
        %swap3A_422 = arith.constant 64 : index
        %swap3A_423 = tpu.vector_load %arg10[%swap3A_420, %swap3A_421, %swap3A_422] {strides = array<i32>} : memref<4x80x128xf32, #tpu.memory_space<vmem>>, vector<16xf32>,
        tpu.vector_store %arg10[%swap3A_420, %swap3A_421, %swap3A_422], %mul3A_419 {strides = array<i32>} : memref<4x80x128xf32, #tpu.memory_space<vmem>>, vector<16xf32>,
        %get3A_424 = arith.index_cast %and3A_335 : i32 to index
        %get3A_425 = arith.index_cast %add3A_378 : i32 to index
        %get3A_426 = arith.constant 80 : index
        %get3A_427 = tpu.vector_load %arg10[%get3A_424, %get3A_425, %get3A_426] {strides = array<i32>} : memref<4x80x128xf32, #tpu.memory_space<vmem>>, vector<16xf32>,
        %mul3A_428 = arith.mulf %get3A_427, %gather3A : vector<16xf32>
        %swap3A_429 = arith.index_cast %and3A_335 : i32 to index
        %swap3A_430 = arith.index_cast %add3A_378 : i32 to index
        %swap3A_431 = arith.constant 80 : index
        %swap3A_432 = tpu.vector_load %arg10[%swap3A_429, %swap3A_430, %swap3A_431] {strides = array<i32>} : memref<4x80x128xf32, #tpu.memory_space<vmem>>, vector<16xf32>,
        tpu.vector_store %arg10[%swap3A_429, %swap3A_430, %swap3A_431], %mul3A_428 {strides = array<i32>} : memref<4x80x128xf32, #tpu.memory_space<vmem>>, vector<16xf32>,
        %get3A_433 = arith.index_cast %and3A_335 : i32 to index
        %get3A_434 = arith.index_cast %add3A_378 : i32 to index
        %get3A_435 = arith.constant 96 : index
        %get3A_436 = tpu.vector_load %arg10[%get3A_433, %get3A_434, %get3A_435] {strides = array<i32>} : memref<4x80x128xf32, #tpu.memory_space<vmem>>, vector<16xf32>,
        %mul3A_437 = arith.mulf %get3A_436, %gather3A : vector<16xf32>
        %swap3A_438 = arith.index_cast %and3A_335 : i32 to index
        %swap3A_439 = arith.index_cast %add3A_378 : i32 to index
        %swap3A_440 = arith.constant 96 : index
        %swap3A_441 = tpu.vector_load %arg10[%swap3A_438, %swap3A_439, %swap3A_440] {strides = array<i32>} : memref<4x80x128xf32, #tpu.memory_space<vmem>>, vector<16xf32>,
        tpu.vector_store %arg10[%swap3A_438, %swap3A_439, %swap3A_440], %mul3A_437 {strides = array<i32>} : memref<4x80x128xf32, #tpu.memory_space<vmem>>, vector<16xf32>,
        %get3A_442 = arith.index_cast %and3A_335 : i32 to index
        %get3A_443 = arith.index_cast %add3A_378 : i32 to index
        %get3A_444 = arith.constant 112 : index
        %get3A_445 = tpu.vector_load %arg10[%get3A_442, %get3A_443, %get3A_444] {strides = array<i32>} : memref<4x80x128xf32, #tpu.memory_space<vmem>>, vector<16xf32>,
        %mul3A_446 = arith.mulf %get3A_445, %gather3A : vector<16xf32>
        %swap3A_447 = arith.index_cast %and3A_335 : i32 to index
        %swap3A_448 = arith.index_cast %add3A_378 : i32 to index
        %swap3A_449 = arith.constant 112 : index
        %swap3A_450 = tpu.vector_load %arg10[%swap3A_447, %swap3A_448, %swap3A_449] {strides = array<i32>} : memref<4x80x128xf32, #tpu.memory_space<vmem>>, vector<16xf32>,
        tpu.vector_store %arg10[%swap3A_447, %swap3A_448, %swap3A_449], %mul3A_446 {strides = array<i32>} : memref<4x80x128xf32, #tpu.memory_space<vmem>>, vector<16xf32>,
        %scan3A_451 = arith.constant 1 : i32
        %scan3A_452 = arith.addi %scan3A_374, %scan3A_451 : i32
        %mul3A_453 = arith.constant 1 : i32
        %mul3A_454 = arith.muli %scan3A_452, %mul3A_453 : i32
        %add3A_455 = arith.constant 0 : i32
        %add3A_456 = arith.addi %add3A_455, %mul3A_454 : i32
        %broadcast_in_dim3A_457 = vector.broadcast %add3A_334 : i32 to vector<16xi32>
        %broadcast_in_dim3A_458 = vector.broadcast %add3A_456 : i32 to vector<16xi32>
        %gather3A_459 = tpu.vector_load_idx %arg9[%broadcast_in_dim3A_457, %broadcast_in_dim3A_458] : memref<25x80xf32, #tpu.memory_space<vmem>>[vector<16xi32>, vector<16xi32>], vector<16xf32>,
        %get3A_460 = arith.index_cast %and3A_335 : i32 to index
        %get3A_461 = arith.index_cast %add3A_456 : i32 to index
        %get3A_462 = arith.constant 0 : index
        %get3A_463 = tpu.vector_load %arg10[%get3A_460, %get3A_461, %get3A_462] {strides = array<i32>} : memref<4x80x128xf32, #tpu.memory_space<vmem>>, vector<16xf32>,
        %mul3A_464 = arith.mulf %get3A_463, %gather3A_459 : vector<16xf32>
        %swap3A_465 = arith.index_cast %and3A_335 : i32 to index
        %swap3A_466 = arith.index_cast %add3A_456 : i32 to index
        %swap3A_467 = arith.constant 0 : index
        %swap3A_468 = tpu.vector_load %arg10[%swap3A_465, %swap3A_466, %swap3A_467] {strides = array<i32>} : memref<4x80x128xf32, #tpu.memory_space<vmem>>, vector<16xf32>,
        tpu.vector_store %arg10[%swap3A_465, %swap3A_466, %swap3A_467], %mul3A_464 {strides = array<i32>} : memref<4x80x128xf32, #tpu.memory_space<vmem>>, vector<16xf32>,
        %get3A_469 = arith.index_cast %and3A_335 : i32 to index
        %get3A_470 = arith.index_cast %add3A_456 : i32 to index
        %get3A_471 = arith.constant 16 : index
        %get3A_472 = tpu.vector_load %arg10[%get3A_469, %get3A_470, %get3A_471] {strides = array<i32>} : memref<4x80x128xf32, #tpu.memory_space<vmem>>, vector<16xf32>,
        %mul3A_473 = arith.mulf %get3A_472, %gather3A_459 : vector<16xf32>
        %swap3A_474 = arith.index_cast %and3A_335 : i32 to index
        %swap3A_475 = arith.index_cast %add3A_456 : i32 to index
        %swap3A_476 = arith.constant 16 : index
        %swap3A_477 = tpu.vector_load %arg10[%swap3A_474, %swap3A_475, %swap3A_476] {strides = array<i32>} : memref<4x80x128xf32, #tpu.memory_space<vmem>>, vector<16xf32>,
        tpu.vector_store %arg10[%swap3A_474, %swap3A_475, %swap3A_476], %mul3A_473 {strides = array<i32>} : memref<4x80x128xf32, #tpu.memory_space<vmem>>, vector<16xf32>,
        %get3A_478 = arith.index_cast %and3A_335 : i32 to index
        %get3A_479 = arith.index_cast %add3A_456 : i32 to index
        %get3A_480 = arith.constant 32 : index
        %get3A_481 = tpu.vector_load %arg10[%get3A_478, %get3A_479, %get3A_480] {strides = array<i32>} : memref<4x80x128xf32, #tpu.memory_space<vmem>>, vector<16xf32>,
        %mul3A_482 = arith.mulf %get3A_481, %gather3A_459 : vector<16xf32>
        %swap3A_483 = arith.index_cast %and3A_335 : i32 to index
        %swap3A_484 = arith.index_cast %add3A_456 : i32 to index
        %swap3A_485 = arith.constant 32 : index
        %swap3A_486 = tpu.vector_load %arg10[%swap3A_483, %swap3A_484, %swap3A_485] {strides = array<i32>} : memref<4x80x128xf32, #tpu.memory_space<vmem>>, vector<16xf32>,
        tpu.vector_store %arg10[%swap3A_483, %swap3A_484, %swap3A_485], %mul3A_482 {strides = array<i32>} : memref<4x80x128xf32, #tpu.memory_space<vmem>>, vector<16xf32>,
        %get3A_487 = arith.index_cast %and3A_335 : i32 to index
        %get3A_488 = arith.index_cast %add3A_456 : i32 to index
        %get3A_489 = arith.constant 48 : index
        %get3A_490 = tpu.vector_load %arg10[%get3A_487, %get3A_488, %get3A_489] {strides = array<i32>} : memref<4x80x128xf32, #tpu.memory_space<vmem>>, vector<16xf32>,
        %mul3A_491 = arith.mulf %get3A_490, %gather3A_459 : vector<16xf32>
        %swap3A_492 = arith.index_cast %and3A_335 : i32 to index
        %swap3A_493 = arith.index_cast %add3A_456 : i32 to index
        %swap3A_494 = arith.constant 48 : index
        %swap3A_495 = tpu.vector_load %arg10[%swap3A_492, %swap3A_493, %swap3A_494] {strides = array<i32>} : memref<4x80x128xf32, #tpu.memory_space<vmem>>, vector<16xf32>,
        tpu.vector_store %arg10[%swap3A_492, %swap3A_493, %swap3A_494], %mul3A_491 {strides = array<i32>} : memref<4x80x128xf32, #tpu.memory_space<vmem>>, vector<16xf32>,
        %get3A_496 = arith.index_cast %and3A_335 : i32 to index
        %get3A_497 = arith.index_cast %add3A_456 : i32 to index
        %get3A_498 = arith.constant 64 : index
        %get3A_499 = tpu.vector_load %arg10[%get3A_496, %get3A_497, %get3A_498] {strides = array<i32>} : memref<4x80x128xf32, #tpu.memory_space<vmem>>, vector<16xf32>,
        %mul3A_500 = arith.mulf %get3A_499, %gather3A_459 : vector<16xf32>
        %swap3A_501 = arith.index_cast %and3A_335 : i32 to index
        %swap3A_502 = arith.index_cast %add3A_456 : i32 to index
        %swap3A_503 = arith.constant 64 : index
        %swap3A_504 = tpu.vector_load %arg10[%swap3A_501, %swap3A_502, %swap3A_503] {strides = array<i32>} : memref<4x80x128xf32, #tpu.memory_space<vmem>>, vector<16xf32>,
        tpu.vector_store %arg10[%swap3A_501, %swap3A_502, %swap3A_503], %mul3A_500 {strides = array<i32>} : memref<4x80x128xf32, #tpu.memory_space<vmem>>, vector<16xf32>,
        %get3A_505 = arith.index_cast %and3A_335 : i32 to index
        %get3A_506 = arith.index_cast %add3A_456 : i32 to index
        %get3A_507 = arith.constant 80 : index
        %get3A_508 = tpu.vector_load %arg10[%get3A_505, %get3A_506, %get3A_507] {strides = array<i32>} : memref<4x80x128xf32, #tpu.memory_space<vmem>>, vector<16xf32>,
        %mul3A_509 = arith.mulf %get3A_508, %gather3A_459 : vector<16xf32>
        %swap3A_510 = arith.index_cast %and3A_335 : i32 to index
        %swap3A_511 = arith.index_cast %add3A_456 : i32 to index
        %swap3A_512 = arith.constant 80 : index
        %swap3A_513 = tpu.vector_load %arg10[%swap3A_510, %swap3A_511, %swap3A_512] {strides = array<i32>} : memref<4x80x128xf32, #tpu.memory_space<vmem>>, vector<16xf32>,
        tpu.vector_store %arg10[%swap3A_510, %swap3A_511, %swap3A_512], %mul3A_509 {strides = array<i32>} : memref<4x80x128xf32, #tpu.memory_space<vmem>>, vector<16xf32>,
        %get3A_514 = arith.index_cast %and3A_335 : i32 to index
        %get3A_515 = arith.index_cast %add3A_456 : i32 to index
        %get3A_516 = arith.constant 96 : index
        %get3A_517 = tpu.vector_load %arg10[%get3A_514, %get3A_515, %get3A_516] {strides = array<i32>} : memref<4x80x128xf32, #tpu.memory_space<vmem>>, vector<16xf32>,
        %mul3A_518 = arith.mulf %get3A_517, %gather3A_459 : vector<16xf32>
        %swap3A_519 = arith.index_cast %and3A_335 : i32 to index
        %swap3A_520 = arith.index_cast %add3A_456 : i32 to index
        %swap3A_521 = arith.constant 96 : index
        %swap3A_522 = tpu.vector_load %arg10[%swap3A_519, %swap3A_520, %swap3A_521] {strides = array<i32>} : memref<4x80x128xf32, #tpu.memory_space<vmem>>, vector<16xf32>,
        tpu.vector_store %arg10[%swap3A_519, %swap3A_520, %swap3A_521], %mul3A_518 {strides = array<i32>} : memref<4x80x128xf32, #tpu.memory_space<vmem>>, vector<16xf32>,
        %get3A_523 = arith.index_cast %and3A_335 : i32 to index
        %get3A_524 = arith.index_cast %add3A_456 : i32 to index
        %get3A_525 = arith.constant 112 : index
        %get3A_526 = tpu.vector_load %arg10[%get3A_523, %get3A_524, %get3A_525] {strides = array<i32>} : memref<4x80x128xf32, #tpu.memory_space<vmem>>, vector<16xf32>,
        %mul3A_527 = arith.mulf %get3A_526, %gather3A_459 : vector<16xf32>
        %swap3A_528 = arith.index_cast %and3A_335 : i32 to index
        %swap3A_529 = arith.index_cast %add3A_456 : i32 to index
        %swap3A_530 = arith.constant 112 : index
        %swap3A_531 = tpu.vector_load %arg10[%swap3A_528, %swap3A_529, %swap3A_530] {strides = array<i32>} : memref<4x80x128xf32, #tpu.memory_space<vmem>>, vector<16xf32>,
        tpu.vector_store %arg10[%swap3A_528, %swap3A_529, %swap3A_530], %mul3A_527 {strides = array<i32>} : memref<4x80x128xf32, #tpu.memory_space<vmem>>, vector<16xf32>,
        %scan3A_532 = arith.constant 2 : i32
        %scan3A_533 = arith.addi %scan3A_374, %scan3A_532 : i32
        %mul3A_534 = arith.constant 1 : i32
        %mul3A_535 = arith.muli %scan3A_533, %mul3A_534 : i32
        %add3A_536 = arith.constant 0 : i32
        %add3A_537 = arith.addi %add3A_536, %mul3A_535 : i32
        %broadcast_in_dim3A_538 = vector.broadcast %add3A_334 : i32 to vector<16xi32>
        %broadcast_in_dim3A_539 = vector.broadcast %add3A_537 : i32 to vector<16xi32>
        %gather3A_540 = tpu.vector_load_idx %arg9[%broadcast_in_dim3A_538, %broadcast_in_dim3A_539] : memref<25x80xf32, #tpu.memory_space<vmem>>[vector<16xi32>, vector<16xi32>], vector<16xf32>,
        %get3A_541 = arith.index_cast %and3A_335 : i32 to index
        %get3A_542 = arith.index_cast %add3A_537 : i32 to index
        %get3A_543 = arith.constant 0 : index
        %get3A_544 = tpu.vector_load %arg10[%get3A_541, %get3A_542, %get3A_543] {strides = array<i32>} : memref<4x80x128xf32, #tpu.memory_space<vmem>>, vector<16xf32>,
        %mul3A_545 = arith.mulf %get3A_544, %gather3A_540 : vector<16xf32>
        %swap3A_546 = arith.index_cast %and3A_335 : i32 to index
        %swap3A_547 = arith.index_cast %add3A_537 : i32 to index
        %swap3A_548 = arith.constant 0 : index
        %swap3A_549 = tpu.vector_load %arg10[%swap3A_546, %swap3A_547, %swap3A_548] {strides = array<i32>} : memref<4x80x128xf32, #tpu.memory_space<vmem>>, vector<16xf32>,
        tpu.vector_store %arg10[%swap3A_546, %swap3A_547, %swap3A_548], %mul3A_545 {strides = array<i32>} : memref<4x80x128xf32, #tpu.memory_space<vmem>>, vector<16xf32>,
        %get3A_550 = arith.index_cast %and3A_335 : i32 to index
        %get3A_551 = arith.index_cast %add3A_537 : i32 to index
        %get3A_552 = arith.constant 16 : index
        %get3A_553 = tpu.vector_load %arg10[%get3A_550, %get3A_551, %get3A_552] {strides = array<i32>} : memref<4x80x128xf32, #tpu.memory_space<vmem>>, vector<16xf32>,
        %mul3A_554 = arith.mulf %get3A_553, %gather3A_540 : vector<16xf32>
        %swap3A_555 = arith.index_cast %and3A_335 : i32 to index
        %swap3A_556 = arith.index_cast %add3A_537 : i32 to index
        %swap3A_557 = arith.constant 16 : index
        %swap3A_558 = tpu.vector_load %arg10[%swap3A_555, %swap3A_556, %swap3A_557] {strides = array<i32>} : memref<4x80x128xf32, #tpu.memory_space<vmem>>, vector<16xf32>,
        tpu.vector_store %arg10[%swap3A_555, %swap3A_556, %swap3A_557], %mul3A_554 {strides = array<i32>} : memref<4x80x128xf32, #tpu.memory_space<vmem>>, vector<16xf32>,
        %get3A_559 = arith.index_cast %and3A_335 : i32 to index
        %get3A_560 = arith.index_cast %add3A_537 : i32 to index
        %get3A_561 = arith.constant 32 : index
        %get3A_562 = tpu.vector_load %arg10[%get3A_559, %get3A_560, %get3A_561] {strides = array<i32>} : memref<4x80x128xf32, #tpu.memory_space<vmem>>, vector<16xf32>,
        %mul3A_563 = arith.mulf %get3A_562, %gather3A_540 : vector<16xf32>
        %swap3A_564 = arith.index_cast %and3A_335 : i32 to index
        %swap3A_565 = arith.index_cast %add3A_537 : i32 to index
        %swap3A_566 = arith.constant 32 : index
        %swap3A_567 = tpu.vector_load %arg10[%swap3A_564, %swap3A_565, %swap3A_566] {strides = array<i32>} : memref<4x80x128xf32, #tpu.memory_space<vmem>>, vector<16xf32>,
        tpu.vector_store %arg10[%swap3A_564, %swap3A_565, %swap3A_566], %mul3A_563 {strides = array<i32>} : memref<4x80x128xf32, #tpu.memory_space<vmem>>, vector<16xf32>,
        %get3A_568 = arith.index_cast %and3A_335 : i32 to index
        %get3A_569 = arith.index_cast %add3A_537 : i32 to index
        %get3A_570 = arith.constant 48 : index
        %get3A_571 = tpu.vector_load %arg10[%get3A_568, %get3A_569, %get3A_570] {strides = array<i32>} : memref<4x80x128xf32, #tpu.memory_space<vmem>>, vector<16xf32>,
        %mul3A_572 = arith.mulf %get3A_571, %gather3A_540 : vector<16xf32>
        %swap3A_573 = arith.index_cast %and3A_335 : i32 to index
        %swap3A_574 = arith.index_cast %add3A_537 : i32 to index
        %swap3A_575 = arith.constant 48 : index
        %swap3A_576 = tpu.vector_load %arg10[%swap3A_573, %swap3A_574, %swap3A_575] {strides = array<i32>} : memref<4x80x128xf32, #tpu.memory_space<vmem>>, vector<16xf32>,
        tpu.vector_store %arg10[%swap3A_573, %swap3A_574, %swap3A_575], %mul3A_572 {strides = array<i32>} : memref<4x80x128xf32, #tpu.memory_space<vmem>>, vector<16xf32>,
        %get3A_577 = arith.index_cast %and3A_335 : i32 to index
        %get3A_578 = arith.index_cast %add3A_537 : i32 to index
        %get3A_579 = arith.constant 64 : index
        %get3A_580 = tpu.vector_load %arg10[%get3A_577, %get3A_578, %get3A_579] {strides = array<i32>} : memref<4x80x128xf32, #tpu.memory_space<vmem>>, vector<16xf32>,
        %mul3A_581 = arith.mulf %get3A_580, %gather3A_540 : vector<16xf32>
        %swap3A_582 = arith.index_cast %and3A_335 : i32 to index
        %swap3A_583 = arith.index_cast %add3A_537 : i32 to index
        %swap3A_584 = arith.constant 64 : index
        %swap3A_585 = tpu.vector_load %arg10[%swap3A_582, %swap3A_583, %swap3A_584] {strides = array<i32>} : memref<4x80x128xf32, #tpu.memory_space<vmem>>, vector<16xf32>,
        tpu.vector_store %arg10[%swap3A_582, %swap3A_583, %swap3A_584], %mul3A_581 {strides = array<i32>} : memref<4x80x128xf32, #tpu.memory_space<vmem>>, vector<16xf32>,
        %get3A_586 = arith.index_cast %and3A_335 : i32 to index
        %get3A_587 = arith.index_cast %add3A_537 : i32 to index
        %get3A_588 = arith.constant 80 : index
        %get3A_589 = tpu.vector_load %arg10[%get3A_586, %get3A_587, %get3A_588] {strides = array<i32>} : memref<4x80x128xf32, #tpu.memory_space<vmem>>, vector<16xf32>,
        %mul3A_590 = arith.mulf %get3A_589, %gather3A_540 : vector<16xf32>
        %swap3A_591 = arith.index_cast %and3A_335 : i32 to index
        %swap3A_592 = arith.index_cast %add3A_537 : i32 to index
        %swap3A_593 = arith.constant 80 : index
        %swap3A_594 = tpu.vector_load %arg10[%swap3A_591, %swap3A_592, %swap3A_593] {strides = array<i32>} : memref<4x80x128xf32, #tpu.memory_space<vmem>>, vector<16xf32>,
        tpu.vector_store %arg10[%swap3A_591, %swap3A_592, %swap3A_593], %mul3A_590 {strides = array<i32>} : memref<4x80x128xf32, #tpu.memory_space<vmem>>, vector<16xf32>,
        %get3A_595 = arith.index_cast %and3A_335 : i32 to index
        %get3A_596 = arith.index_cast %add3A_537 : i32 to index
        %get3A_597 = arith.constant 96 : index
        %get3A_598 = tpu.vector_load %arg10[%get3A_595, %get3A_596, %get3A_597] {strides = array<i32>} : memref<4x80x128xf32, #tpu.memory_space<vmem>>, vector<16xf32>,
        %mul3A_599 = arith.mulf %get3A_598, %gather3A_540 : vector<16xf32>
        %swap3A_600 = arith.index_cast %and3A_335 : i32 to index
        %swap3A_601 = arith.index_cast %add3A_537 : i32 to index
        %swap3A_602 = arith.constant 96 : index
        %swap3A_603 = tpu.vector_load %arg10[%swap3A_600, %swap3A_601, %swap3A_602] {strides = array<i32>} : memref<4x80x128xf32, #tpu.memory_space<vmem>>, vector<16xf32>,
        tpu.vector_store %arg10[%swap3A_600, %swap3A_601, %swap3A_602], %mul3A_599 {strides = array<i32>} : memref<4x80x128xf32, #tpu.memory_space<vmem>>, vector<16xf32>,
        %get3A_604 = arith.index_cast %and3A_335 : i32 to index
        %get3A_605 = arith.index_cast %add3A_537 : i32 to index
        %get3A_606 = arith.constant 112 : index
        %get3A_607 = tpu.vector_load %arg10[%get3A_604, %get3A_605, %get3A_606] {strides = array<i32>} : memref<4x80x128xf32, #tpu.memory_space<vmem>>, vector<16xf32>,
        %mul3A_608 = arith.mulf %get3A_607, %gather3A_540 : vector<16xf32>
        %swap3A_609 = arith.index_cast %and3A_335 : i32 to index
        %swap3A_610 = arith.index_cast %add3A_537 : i32 to index
        %swap3A_611 = arith.constant 112 : index
        %swap3A_612 = tpu.vector_load %arg10[%swap3A_609, %swap3A_610, %swap3A_611] {strides = array<i32>} : memref<4x80x128xf32, #tpu.memory_space<vmem>>, vector<16xf32>,
        tpu.vector_store %arg10[%swap3A_609, %swap3A_610, %swap3A_611], %mul3A_608 {strides = array<i32>} : memref<4x80x128xf32, #tpu.memory_space<vmem>>, vector<16xf32>,
        %scan3A_613 = arith.constant 3 : i32
        %scan3A_614 = arith.addi %scan3A_374, %scan3A_613 : i32
        %mul3A_615 = arith.constant 1 : i32
        %mul3A_616 = arith.muli %scan3A_614, %mul3A_615 : i32
        %add3A_617 = arith.constant 0 : i32
        %add3A_618 = arith.addi %add3A_617, %mul3A_616 : i32
        %broadcast_in_dim3A_619 = vector.broadcast %add3A_334 : i32 to vector<16xi32>
        %broadcast_in_dim3A_620 = vector.broadcast %add3A_618 : i32 to vector<16xi32>
        %gather3A_621 = tpu.vector_load_idx %arg9[%broadcast_in_dim3A_619, %broadcast_in_dim3A_620] : memref<25x80xf32, #tpu.memory_space<vmem>>[vector<16xi32>, vector<16xi32>], vector<16xf32>,
        %get3A_622 = arith.index_cast %and3A_335 : i32 to index
        %get3A_623 = arith.index_cast %add3A_618 : i32 to index
        %get3A_624 = arith.constant 0 : index
        %get3A_625 = tpu.vector_load %arg10[%get3A_622, %get3A_623, %get3A_624] {strides = array<i32>} : memref<4x80x128xf32, #tpu.memory_space<vmem>>, vector<16xf32>,
        %mul3A_626 = arith.mulf %get3A_625, %gather3A_621 : vector<16xf32>
        %swap3A_627 = arith.index_cast %and3A_335 : i32 to index
        %swap3A_628 = arith.index_cast %add3A_618 : i32 to index
        %swap3A_629 = arith.constant 0 : index
        %swap3A_630 = tpu.vector_load %arg10[%swap3A_627, %swap3A_628, %swap3A_629] {strides = array<i32>} : memref<4x80x128xf32, #tpu.memory_space<vmem>>, vector<16xf32>,
        tpu.vector_store %arg10[%swap3A_627, %swap3A_628, %swap3A_629], %mul3A_626 {strides = array<i32>} : memref<4x80x128xf32, #tpu.memory_space<vmem>>, vector<16xf32>,
        %get3A_631 = arith.index_cast %and3A_335 : i32 to index
        %get3A_632 = arith.index_cast %add3A_618 : i32 to index
        %get3A_633 = arith.constant 16 : index
        %get3A_634 = tpu.vector_load %arg10[%get3A_631, %get3A_632, %get3A_633] {strides = array<i32>} : memref<4x80x128xf32, #tpu.memory_space<vmem>>, vector<16xf32>,
        %mul3A_635 = arith.mulf %get3A_634, %gather3A_621 : vector<16xf32>
        %swap3A_636 = arith.index_cast %and3A_335 : i32 to index
        %swap3A_637 = arith.index_cast %add3A_618 : i32 to index
        %swap3A_638 = arith.constant 16 : index
        %swap3A_639 = tpu.vector_load %arg10[%swap3A_636, %swap3A_637, %swap3A_638] {strides = array<i32>} : memref<4x80x128xf32, #tpu.memory_space<vmem>>, vector<16xf32>,
        tpu.vector_store %arg10[%swap3A_636, %swap3A_637, %swap3A_638], %mul3A_635 {strides = array<i32>} : memref<4x80x128xf32, #tpu.memory_space<vmem>>, vector<16xf32>,
        %get3A_640 = arith.index_cast %and3A_335 : i32 to index
        %get3A_641 = arith.index_cast %add3A_618 : i32 to index
        %get3A_642 = arith.constant 32 : index
        %get3A_643 = tpu.vector_load %arg10[%get3A_640, %get3A_641, %get3A_642] {strides = array<i32>} : memref<4x80x128xf32, #tpu.memory_space<vmem>>, vector<16xf32>,
        %mul3A_644 = arith.mulf %get3A_643, %gather3A_621 : vector<16xf32>
        %swap3A_645 = arith.index_cast %and3A_335 : i32 to index
        %swap3A_646 = arith.index_cast %add3A_618 : i32 to index
        %swap3A_647 = arith.constant 32 : index
        %swap3A_648 = tpu.vector_load %arg10[%swap3A_645, %swap3A_646, %swap3A_647] {strides = array<i32>} : memref<4x80x128xf32, #tpu.memory_space<vmem>>, vector<16xf32>,
        tpu.vector_store %arg10[%swap3A_645, %swap3A_646, %swap3A_647], %mul3A_644 {strides = array<i32>} : memref<4x80x128xf32, #tpu.memory_space<vmem>>, vector<16xf32>,
        %get3A_649 = arith.index_cast %and3A_335 : i32 to index
        %get3A_650 = arith.index_cast %add3A_618 : i32 to index
        %get3A_651 = arith.constant 48 : index
        %get3A_652 = tpu.vector_load %arg10[%get3A_649, %get3A_650, %get3A_651] {strides = array<i32>} : memref<4x80x128xf32, #tpu.memory_space<vmem>>, vector<16xf32>,
        %mul3A_653 = arith.mulf %get3A_652, %gather3A_621 : vector<16xf32>
        %swap3A_654 = arith.index_cast %and3A_335 : i32 to index
        %swap3A_655 = arith.index_cast %add3A_618 : i32 to index
        %swap3A_656 = arith.constant 48 : index
        %swap3A_657 = tpu.vector_load %arg10[%swap3A_654, %swap3A_655, %swap3A_656] {strides = array<i32>} : memref<4x80x128xf32, #tpu.memory_space<vmem>>, vector<16xf32>,
        tpu.vector_store %arg10[%swap3A_654, %swap3A_655, %swap3A_656], %mul3A_653 {strides = array<i32>} : memref<4x80x128xf32, #tpu.memory_space<vmem>>, vector<16xf32>,
        %get3A_658 = arith.index_cast %and3A_335 : i32 to index
        %get3A_659 = arith.index_cast %add3A_618 : i32 to index
        %get3A_660 = arith.constant 64 : index
        %get3A_661 = tpu.vector_load %arg10[%get3A_658, %get3A_659, %get3A_660] {strides = array<i32>} : memref<4x80x128xf32, #tpu.memory_space<vmem>>, vector<16xf32>,
        %mul3A_662 = arith.mulf %get3A_661, %gather3A_621 : vector<16xf32>
        %swap3A_663 = arith.index_cast %and3A_335 : i32 to index
        %swap3A_664 = arith.index_cast %add3A_618 : i32 to index
        %swap3A_665 = arith.constant 64 : index
        %swap3A_666 = tpu.vector_load %arg10[%swap3A_663, %swap3A_664, %swap3A_665] {strides = array<i32>} : memref<4x80x128xf32, #tpu.memory_space<vmem>>, vector<16xf32>,
        tpu.vector_store %arg10[%swap3A_663, %swap3A_664, %swap3A_665], %mul3A_662 {strides = array<i32>} : memref<4x80x128xf32, #tpu.memory_space<vmem>>, vector<16xf32>,
        %get3A_667 = arith.index_cast %and3A_335 : i32 to index
        %get3A_668 = arith.index_cast %add3A_618 : i32 to index
        %get3A_669 = arith.constant 80 : index
        %get3A_670 = tpu.vector_load %arg10[%get3A_667, %get3A_668, %get3A_669] {strides = array<i32>} : memref<4x80x128xf32, #tpu.memory_space<vmem>>, vector<16xf32>,
        %mul3A_671 = arith.mulf %get3A_670, %gather3A_621 : vector<16xf32>
        %swap3A_672 = arith.index_cast %and3A_335 : i32 to index
        %swap3A_673 = arith.index_cast %add3A_618 : i32 to index
        %swap3A_674 = arith.constant 80 : index
        %swap3A_675 = tpu.vector_load %arg10[%swap3A_672, %swap3A_673, %swap3A_674] {strides = array<i32>} : memref<4x80x128xf32, #tpu.memory_space<vmem>>, vector<16xf32>,
        tpu.vector_store %arg10[%swap3A_672, %swap3A_673, %swap3A_674], %mul3A_671 {strides = array<i32>} : memref<4x80x128xf32, #tpu.memory_space<vmem>>, vector<16xf32>,
        %get3A_676 = arith.index_cast %and3A_335 : i32 to index
        %get3A_677 = arith.index_cast %add3A_618 : i32 to index
        %get3A_678 = arith.constant 96 : index
        %get3A_679 = tpu.vector_load %arg10[%get3A_676, %get3A_677, %get3A_678] {strides = array<i32>} : memref<4x80x128xf32, #tpu.memory_space<vmem>>, vector<16xf32>,
        %mul3A_680 = arith.mulf %get3A_679, %gather3A_621 : vector<16xf32>
        %swap3A_681 = arith.index_cast %and3A_335 : i32 to index
        %swap3A_682 = arith.index_cast %add3A_618 : i32 to index
        %swap3A_683 = arith.constant 96 : index
        %swap3A_684 = tpu.vector_load %arg10[%swap3A_681, %swap3A_682, %swap3A_683] {strides = array<i32>} : memref<4x80x128xf32, #tpu.memory_space<vmem>>, vector<16xf32>,
        tpu.vector_store %arg10[%swap3A_681, %swap3A_682, %swap3A_683], %mul3A_680 {strides = array<i32>} : memref<4x80x128xf32, #tpu.memory_space<vmem>>, vector<16xf32>,
        %get3A_685 = arith.index_cast %and3A_335 : i32 to index
        %get3A_686 = arith.index_cast %add3A_618 : i32 to index
        %get3A_687 = arith.constant 112 : index
        %get3A_688 = tpu.vector_load %arg10[%get3A_685, %get3A_686, %get3A_687] {strides = array<i32>} : memref<4x80x128xf32, #tpu.memory_space<vmem>>, vector<16xf32>,
        %mul3A_689 = arith.mulf %get3A_688, %gather3A_621 : vector<16xf32>
        %swap3A_690 = arith.index_cast %and3A_335 : i32 to index
        %swap3A_691 = arith.index_cast %add3A_618 : i32 to index
        %swap3A_692 = arith.constant 112 : index
        %swap3A_693 = tpu.vector_load %arg10[%swap3A_690, %swap3A_691, %swap3A_692] {strides = array<i32>} : memref<4x80x128xf32, #tpu.memory_space<vmem>>, vector<16xf32>,
        tpu.vector_store %arg10[%swap3A_690, %swap3A_691, %swap3A_692], %mul3A_689 {strides = array<i32>} : memref<4x80x128xf32, #tpu.memory_space<vmem>>, vector<16xf32>,
      }
      %scan3A_363 = arith.constant 80 : i32
      %dma_start3A_364 = arith.constant 0 : i32
      %dma_start3A_365 = arith.constant 0 : i32
      %dma_start3A_366 = tpu.memref_slice %arg10[%and3A_335, %dma_start3A_364, %dma_start3A_365] : memref<4x80x128xf32, #tpu.memory_space<vmem>> -> memref<1x80x128xf32, #tpu.memory_space<vmem>>
      %dma_start3A_367 = tpu.memref_squeeze %dma_start3A_366 : memref<1x80x128xf32, #tpu.memory_space<vmem>> -> memref<80x128xf32, #tpu.memory_space<vmem>>
      %dma_start3A_368 = arith.constant 0 : i32
      %dma_start3A_369 = tpu.memref_slice %arg8[%add3A_334, %dma_start3A_368] : memref<25x80xi32, #tpu.memory_space<vmem>> -> memref<1x80xi32, #tpu.memory_space<vmem>>
      %dma_start3A_370 = tpu.memref_squeeze %dma_start3A_369 : memref<1x80xi32, #tpu.memory_space<vmem>> -> memref<80xi32, #tpu.memory_space<vmem>>
      %dma_start3A_371 = arith.constant 0 : i32
      %dma_start3A_372 = arith.constant 0 : i32
      %dma_start3A_373 = tpu.memref_slice %arg11[%dma_start3A_371, %dma_start3A_372] : memref<10000x128xf32, #tpu.memory_space<vmem_shared>> -> memref<10000x128xf32, #tpu.memory_space<vmem_shared>>
      tpu.enqueue_indirect_dma source(%dma_start3A_367 : memref<80x128xf32, #tpu.memory_space<vmem>>) target(%dma_start3A_373 : memref<10000x128xf32, #tpu.memory_space<vmem_shared>>) offsets(%dma_start3A_370 : memref<80xi32, #tpu.memory_space<vmem>>) semaphore(%arg13 : memref<!tpu.dma_semaphore, #tpu.memory_space<semaphore_mem>>) {add = true}
    }
    %scan3A_239 = arith.constant 25 : i32
    %dma_wait3A_240 = arith.constant 0 : i32
    %dma_wait3A_241 = arith.constant 0 : i32
    %dma_wait3A_242 = arith.constant 0 : i32
    %dma_wait3A_243 = tpu.memref_slice %arg10[%dma_wait3A_240, %dma_wait3A_241, %dma_wait3A_242] : memref<4x80x128xf32, #tpu.memory_space<vmem>> -> memref<1x80x128xf32, #tpu.memory_space<vmem>>
    %dma_wait3A_244 = tpu.memref_squeeze %dma_wait3A_243 : memref<1x80x128xf32, #tpu.memory_space<vmem>> -> memref<80x128xf32, #tpu.memory_space<vmem>>
    %dma_wait3A_245 = arith.constant 0 : i32
    %dma_wait3A_246 = arith.constant 0 : i32
    %dma_wait3A_247 = tpu.memref_slice %arg5[%dma_wait3A_245, %dma_wait3A_246] : memref<10000x128xf32, #tpu.memory_space<hbm>> -> memref<80x128xf32, #tpu.memory_space<hbm>>
    %dma_wait3A_248 = arith.constant 0 : i32
    %dma_wait3A_249 = arith.constant 0 : i32
    %dma_wait3A_250 = tpu.memref_slice %arg10[%dma_wait3A_240, %dma_wait3A_248, %dma_wait3A_249] : memref<4x80x128xf32, #tpu.memory_space<vmem>> -> memref<1x80x128xf32, #tpu.memory_space<vmem>>
    %dma_wait3A_251 = tpu.memref_squeeze %dma_wait3A_250 : memref<1x80x128xf32, #tpu.memory_space<vmem>> -> memref<80x128xf32, #tpu.memory_space<vmem>>
    %dma_wait3A_252 = arith.constant 0 : i32
    %dma_wait3A_253 = arith.constant 0 : i32
    %dma_wait3A_254 = tpu.memref_slice %arg5[%dma_wait3A_252, %dma_wait3A_253] : memref<10000x128xf32, #tpu.memory_space<hbm>> -> memref<80x128xf32, #tpu.memory_space<hbm>>
    tpu.wait_dma2 semaphore(%arg13 : memref<!tpu.dma_semaphore, #tpu.memory_space<semaphore_mem>>) src(%dma_wait3A_254 : memref<80x128xf32, #tpu.memory_space<hbm>>) dst(%dma_wait3A_251 : memref<80x128xf32, #tpu.memory_space<vmem>>)
    %dma_wait3A_255 = arith.constant 0 : i32
    %dma_wait3A_256 = arith.constant 0 : i32
    %dma_wait3A_257 = arith.constant 0 : i32
    %dma_wait3A_258 = tpu.memref_slice %arg10[%dma_wait3A_255, %dma_wait3A_256, %dma_wait3A_257] : memref<4x80x128xf32, #tpu.memory_space<vmem>> -> memref<1x80x128xf32, #tpu.memory_space<vmem>>
    %dma_wait3A_259 = tpu.memref_squeeze %dma_wait3A_258 : memref<1x80x128xf32, #tpu.memory_space<vmem>> -> memref<80x128xf32, #tpu.memory_space<vmem>>
    %dma_wait3A_260 = arith.constant 0 : i32
    %dma_wait3A_261 = arith.constant 0 : i32
    %dma_wait3A_262 = tpu.memref_slice %arg5[%dma_wait3A_260, %dma_wait3A_261] : memref<10000x128xf32, #tpu.memory_space<hbm>> -> memref<80x128xf32, #tpu.memory_space<hbm>>
    %dma_wait3A_263 = arith.constant 0 : i32
    %dma_wait3A_264 = arith.constant 0 : i32
    %dma_wait3A_265 = tpu.memref_slice %arg10[%dma_wait3A_255, %dma_wait3A_263, %dma_wait3A_264] : memref<4x80x128xf32, #tpu.memory_space<vmem>> -> memref<1x80x128xf32, #tpu.memory_space<vmem>>
    %dma_wait3A_266 = tpu.memref_squeeze %dma_wait3A_265 : memref<1x80x128xf32, #tpu.memory_space<vmem>> -> memref<80x128xf32, #tpu.memory_space<vmem>>
    %dma_wait3A_267 = arith.constant 0 : i32
    %dma_wait3A_268 = arith.constant 0 : i32
    %dma_wait3A_269 = tpu.memref_slice %arg5[%dma_wait3A_267, %dma_wait3A_268] : memref<10000x128xf32, #tpu.memory_space<hbm>> -> memref<80x128xf32, #tpu.memory_space<hbm>>
    tpu.wait_dma2 semaphore(%arg13 : memref<!tpu.dma_semaphore, #tpu.memory_space<semaphore_mem>>) src(%dma_wait3A_269 : memref<80x128xf32, #tpu.memory_space<hbm>>) dst(%dma_wait3A_266 : memref<80x128xf32, #tpu.memory_space<vmem>>)
    "tpu.region"() ({
      %run_scoped3A_330 = tpu.sem_alloc : memref<!tpu.dma_semaphore, #tpu.memory_space<semaphore_mem>>
      %dma_start3A_331 = arith.constant 0 : i32
      %dma_start3A_332 = arith.constant 0 : i32
      %dma_start3A_333 = tpu.memref_slice %arg2[%add3A, %dma_start3A_331, %dma_start3A_332] : memref<32x125x80xi32, #tpu.memory_space<hbm>> -> memref<1x125x80xi32, #tpu.memory_space<hbm>>
      %dma_start3A_334 = tpu.memref_squeeze %dma_start3A_333 : memref<1x125x80xi32, #tpu.memory_space<hbm>> -> memref<125x80xi32, #tpu.memory_space<hbm>>
      %dma_start3A_335 = arith.constant 100 : i32
      %dma_start3A_336 = arith.constant 0 : i32
      %dma_start3A_337 = tpu.memref_slice %dma_start3A_334[%dma_start3A_335, %dma_start3A_336] : memref<125x80xi32, #tpu.memory_space<hbm>> -> memref<25x80xi32, #tpu.memory_space<hbm>>
      %dma_start3A_338 = arith.constant 0 : i32
      %dma_start3A_339 = arith.constant 0 : i32
      %dma_start3A_340 = tpu.memref_slice %arg2[%add3A, %dma_start3A_338, %dma_start3A_339] : memref<32x125x80xi32, #tpu.memory_space<hbm>> -> memref<1x125x80xi32, #tpu.memory_space<hbm>>
      %dma_start3A_341 = tpu.memref_squeeze %dma_start3A_340 : memref<1x125x80xi32, #tpu.memory_space<hbm>> -> memref<125x80xi32, #tpu.memory_space<hbm>>
      %dma_start3A_342 = arith.constant 100 : i32
      %dma_start3A_343 = arith.constant 0 : i32
      %dma_start3A_344 = tpu.memref_slice %dma_start3A_341[%dma_start3A_342, %dma_start3A_343] : memref<125x80xi32, #tpu.memory_space<hbm>> -> memref<25x80xi32, #tpu.memory_space<hbm>>
      tpu.enqueue_dma source(%dma_start3A_344 : memref<25x80xi32, #tpu.memory_space<hbm>>) target(%arg7 : memref<25x80xi32, #tpu.memory_space<vmem>>) target_semaphore(%run_scoped3A_330 : memref<!tpu.dma_semaphore, #tpu.memory_space<semaphore_mem>>)
      %dma_wait3A_345 = arith.constant 0 : i32
      %dma_wait3A_346 = arith.constant 0 : i32
      %dma_wait3A_347 = tpu.memref_slice %arg2[%add3A, %dma_wait3A_345, %dma_wait3A_346] : memref<32x125x80xi32, #tpu.memory_space<hbm>> -> memref<1x125x80xi32, #tpu.memory_space<hbm>>
      %dma_wait3A_348 = tpu.memref_squeeze %dma_wait3A_347 : memref<1x125x80xi32, #tpu.memory_space<hbm>> -> memref<125x80xi32, #tpu.memory_space<hbm>>
      %dma_wait3A_349 = arith.constant 100 : i32
      %dma_wait3A_350 = arith.constant 0 : i32
      %dma_wait3A_351 = tpu.memref_slice %dma_wait3A_348[%dma_wait3A_349, %dma_wait3A_350] : memref<125x80xi32, #tpu.memory_space<hbm>> -> memref<25x80xi32, #tpu.memory_space<hbm>>
      %dma_wait3A_352 = arith.constant 0 : i32
      %dma_wait3A_353 = arith.constant 0 : i32
      %dma_wait3A_354 = tpu.memref_slice %arg2[%add3A, %dma_wait3A_352, %dma_wait3A_353] : memref<32x125x80xi32, #tpu.memory_space<hbm>> -> memref<1x125x80xi32, #tpu.memory_space<hbm>>
      %dma_wait3A_355 = tpu.memref_squeeze %dma_wait3A_354 : memref<1x125x80xi32, #tpu.memory_space<hbm>> -> memref<125x80xi32, #tpu.memory_space<hbm>>
      %dma_wait3A_356 = arith.constant 100 : i32
      %dma_wait3A_357 = arith.constant 0 : i32
      %dma_wait3A_358 = tpu.memref_slice %dma_wait3A_355[%dma_wait3A_356, %dma_wait3A_357] : memref<125x80xi32, #tpu.memory_space<hbm>> -> memref<25x80xi32, #tpu.memory_space<hbm>>
      tpu.wait_dma2 semaphore(%run_scoped3A_330 : memref<!tpu.dma_semaphore, #tpu.memory_space<semaphore_mem>>) src(%dma_wait3A_358 : memref<25x80xi32, #tpu.memory_space<hbm>>) dst(%arg7 : memref<25x80xi32, #tpu.memory_space<vmem>>)
      tpu.yield
    }) : () -> ()
    "tpu.region"() ({
      %run_scoped3A_330 = tpu.sem_alloc : memref<!tpu.dma_semaphore, #tpu.memory_space<semaphore_mem>>
      %dma_start3A_331 = arith.constant 0 : i32
      %dma_start3A_332 = arith.constant 0 : i32
      %dma_start3A_333 = tpu.memref_slice %arg3[%add3A, %dma_start3A_331, %dma_start3A_332] : memref<32x125x80xi32, #tpu.memory_space<hbm>> -> memref<1x125x80xi32, #tpu.memory_space<hbm>>
      %dma_start3A_334 = tpu.memref_squeeze %dma_start3A_333 : memref<1x125x80xi32, #tpu.memory_space<hbm>> -> memref<125x80xi32, #tpu.memory_space<hbm>>
      %dma_start3A_335 = arith.constant 100 : i32
      %dma_start3A_336 = arith.constant 0 : i32
      %dma_start3A_337 = tpu.memref_slice %dma_start3A_334[%dma_start3A_335, %dma_start3A_336] : memref<125x80xi32, #tpu.memory_space<hbm>> -> memref<25x80xi32, #tpu.memory_space<hbm>>
      %dma_start3A_338 = arith.constant 0 : i32
      %dma_start3A_339 = arith.constant 0 : i32
      %dma_start3A_340 = tpu.memref_slice %arg3[%add3A, %dma_start3A_338, %dma_start3A_339] : memref<32x125x80xi32, #tpu.memory_space<hbm>> -> memref<1x125x80xi32, #tpu.memory_space<hbm>>
      %dma_start3A_341 = tpu.memref_squeeze %dma_start3A_340 : memref<1x125x80xi32, #tpu.memory_space<hbm>> -> memref<125x80xi32, #tpu.memory_space<hbm>>
      %dma_start3A_342 = arith.constant 100 : i32
      %dma_start3A_343 = arith.constant 0 : i32
      %dma_start3A_344 = tpu.memref_slice %dma_start3A_341[%dma_start3A_342, %dma_start3A_343] : memref<125x80xi32, #tpu.memory_space<hbm>> -> memref<25x80xi32, #tpu.memory_space<hbm>>
      tpu.enqueue_dma source(%dma_start3A_344 : memref<25x80xi32, #tpu.memory_space<hbm>>) target(%arg8 : memref<25x80xi32, #tpu.memory_space<vmem>>) target_semaphore(%run_scoped3A_330 : memref<!tpu.dma_semaphore, #tpu.memory_space<semaphore_mem>>)
      %dma_wait3A_345 = arith.constant 0 : i32
      %dma_wait3A_346 = arith.constant 0 : i32
      %dma_wait3A_347 = tpu.memref_slice %arg3[%add3A, %dma_wait3A_345, %dma_wait3A_346] : memref<32x125x80xi32, #tpu.memory_space<hbm>> -> memref<1x125x80xi32, #tpu.memory_space<hbm>>
      %dma_wait3A_348 = tpu.memref_squeeze %dma_wait3A_347 : memref<1x125x80xi32, #tpu.memory_space<hbm>> -> memref<125x80xi32, #tpu.memory_space<hbm>>
      %dma_wait3A_349 = arith.constant 100 : i32
      %dma_wait3A_350 = arith.constant 0 : i32
      %dma_wait3A_351 = tpu.memref_slice %dma_wait3A_348[%dma_wait3A_349, %dma_wait3A_350] : memref<125x80xi32, #tpu.memory_space<hbm>> -> memref<25x80xi32, #tpu.memory_space<hbm>>
      %dma_wait3A_352 = arith.constant 0 : i32
      %dma_wait3A_353 = arith.constant 0 : i32
      %dma_wait3A_354 = tpu.memref_slice %arg3[%add3A, %dma_wait3A_352, %dma_wait3A_353] : memref<32x125x80xi32, #tpu.memory_space<hbm>> -> memref<1x125x80xi32, #tpu.memory_space<hbm>>
      %dma_wait3A_355 = tpu.memref_squeeze %dma_wait3A_354 : memref<1x125x80xi32, #tpu.memory_space<hbm>> -> memref<125x80xi32, #tpu.memory_space<hbm>>
      %dma_wait3A_356 = arith.constant 100 : i32
      %dma_wait3A_357 = arith.constant 0 : i32
      %dma_wait3A_358 = tpu.memref_slice %dma_wait3A_355[%dma_wait3A_356, %dma_wait3A_357] : memref<125x80xi32, #tpu.memory_space<hbm>> -> memref<25x80xi32, #tpu.memory_space<hbm>>
      tpu.wait_dma2 semaphore(%run_scoped3A_330 : memref<!tpu.dma_semaphore, #tpu.memory_space<semaphore_mem>>) src(%dma_wait3A_358 : memref<25x80xi32, #tpu.memory_space<hbm>>) dst(%arg8 : memref<25x80xi32, #tpu.memory_space<vmem>>)
      tpu.yield
    }) : () -> ()
    "tpu.region"() ({
      %run_scoped3A_330 = tpu.sem_alloc : memref<!tpu.dma_semaphore, #tpu.memory_space<semaphore_mem>>
      %dma_start3A_331 = arith.constant 0 : i32
      %dma_start3A_332 = arith.constant 0 : i32
      %dma_start3A_333 = tpu.memref_slice %arg4[%add3A, %dma_start3A_331, %dma_start3A_332] : memref<32x125x80xf32, #tpu.memory_space<hbm>> -> memref<1x125x80xf32, #tpu.memory_space<hbm>>
      %dma_start3A_334 = tpu.memref_squeeze %dma_start3A_333 : memref<1x125x80xf32, #tpu.memory_space<hbm>> -> memref<125x80xf32, #tpu.memory_space<hbm>>
      %dma_start3A_335 = arith.constant 100 : i32
      %dma_start3A_336 = arith.constant 0 : i32
      %dma_start3A_337 = tpu.memref_slice %dma_start3A_334[%dma_start3A_335, %dma_start3A_336] : memref<125x80xf32, #tpu.memory_space<hbm>> -> memref<25x80xf32, #tpu.memory_space<hbm>>
      %dma_start3A_338 = arith.constant 0 : i32
      %dma_start3A_339 = arith.constant 0 : i32
      %dma_start3A_340 = tpu.memref_slice %arg4[%add3A, %dma_start3A_338, %dma_start3A_339] : memref<32x125x80xf32, #tpu.memory_space<hbm>> -> memref<1x125x80xf32, #tpu.memory_space<hbm>>
      %dma_start3A_341 = tpu.memref_squeeze %dma_start3A_340 : memref<1x125x80xf32, #tpu.memory_space<hbm>> -> memref<125x80xf32, #tpu.memory_space<hbm>>
      %dma_start3A_342 = arith.constant 100 : i32
      %dma_start3A_343 = arith.constant 0 : i32
      %dma_start3A_344 = tpu.memref_slice %dma_start3A_341[%dma_start3A_342, %dma_start3A_343] : memref<125x80xf32, #tpu.memory_space<hbm>> -> memref<25x80xf32, #tpu.memory_space<hbm>>
      tpu.enqueue_dma source(%dma_start3A_344 : memref<25x80xf32, #tpu.memory_space<hbm>>) target(%arg9 : memref<25x80xf32, #tpu.memory_space<vmem>>) target_semaphore(%run_scoped3A_330 : memref<!tpu.dma_semaphore, #tpu.memory_space<semaphore_mem>>)
      %dma_wait3A_345 = arith.constant 0 : i32
      %dma_wait3A_346 = arith.constant 0 : i32
      %dma_wait3A_347 = tpu.memref_slice %arg4[%add3A, %dma_wait3A_345, %dma_wait3A_346] : memref<32x125x80xf32, #tpu.memory_space<hbm>> -> memref<1x125x80xf32, #tpu.memory_space<hbm>>
      %dma_wait3A_348 = tpu.memref_squeeze %dma_wait3A_347 : memref<1x125x80xf32, #tpu.memory_space<hbm>> -> memref<125x80xf32, #tpu.memory_space<hbm>>
      %dma_wait3A_349 = arith.constant 100 : i32
      %dma_wait3A_350 = arith.constant 0 : i32
      %dma_wait3A_351 = tpu.memref_slice %dma_wait3A_348[%dma_wait3A_349, %dma_wait3A_350] : memref<125x80xf32, #tpu.memory_space<hbm>> -> memref<25x80xf32, #tpu.memory_space<hbm>>
      %dma_wait3A_352 = arith.constant 0 : i32
      %dma_wait3A_353 = arith.constant 0 : i32
      %dma_wait3A_354 = tpu.memref_slice %arg4[%add3A, %dma_wait3A_352, %dma_wait3A_353] : memref<32x125x80xf32, #tpu.memory_space<hbm>> -> memref<1x125x80xf32, #tpu.memory_space<hbm>>
      %dma_wait3A_355 = tpu.memref_squeeze %dma_wait3A_354 : memref<1x125x80xf32, #tpu.memory_space<hbm>> -> memref<125x80xf32, #tpu.memory_space<hbm>>
      %dma_wait3A_356 = arith.constant 100 : i32
      %dma_wait3A_357 = arith.constant 0 : i32
      %dma_wait3A_358 = tpu.memref_slice %dma_wait3A_355[%dma_wait3A_356, %dma_wait3A_357] : memref<125x80xf32, #tpu.memory_space<hbm>> -> memref<25x80xf32, #tpu.memory_space<hbm>>
      tpu.wait_dma2 semaphore(%run_scoped3A_330 : memref<!tpu.dma_semaphore, #tpu.memory_space<semaphore_mem>>) src(%dma_wait3A_358 : memref<25x80xf32, #tpu.memory_space<hbm>>) dst(%arg9 : memref<25x80xf32, #tpu.memory_space<vmem>>)
      tpu.yield
    }) : () -> ()
    %dma_start3A_270 = arith.constant 0 : i32
    %dma_start3A_271 = arith.constant 0 : i32
    %dma_start3A_272 = arith.constant 0 : i32
    %dma_start3A_273 = arith.constant 0 : i32
    %dma_start3A_274 = tpu.memref_slice %arg10[%dma_start3A_271, %dma_start3A_272, %dma_start3A_273] : memref<4x80x128xf32, #tpu.memory_space<vmem>> -> memref<1x80x128xf32, #tpu.memory_space<vmem>>
    %dma_start3A_275 = tpu.memref_squeeze %dma_start3A_274 : memref<1x80x128xf32, #tpu.memory_space<vmem>> -> memref<80x128xf32, #tpu.memory_space<vmem>>
    %dma_start3A_276 = arith.constant 0 : i32
    %dma_start3A_277 = tpu.memref_slice %arg7[%dma_start3A_270, %dma_start3A_276] : memref<25x80xi32, #tpu.memory_space<vmem>> -> memref<1x80xi32, #tpu.memory_space<vmem>>
    %dma_start3A_278 = tpu.memref_squeeze %dma_start3A_277 : memref<1x80xi32, #tpu.memory_space<vmem>> -> memref<80xi32, #tpu.memory_space<vmem>>
    %dma_start3A_279 = arith.constant 0 : i32
    %dma_start3A_280 = arith.constant 0 : i32
    %dma_start3A_281 = tpu.memref_slice %arg5[%dma_start3A_279, %dma_start3A_280] : memref<10000x128xf32, #tpu.memory_space<hbm>> -> memref<10000x128xf32, #tpu.memory_space<hbm>>
    tpu.enqueue_indirect_dma source(%dma_start3A_281 : memref<10000x128xf32, #tpu.memory_space<hbm>>) target(%dma_start3A_275 : memref<80x128xf32, #tpu.memory_space<vmem>>) offsets(%dma_start3A_278 : memref<80xi32, #tpu.memory_space<vmem>>) semaphore(%arg12 : memref<!tpu.dma_semaphore, #tpu.memory_space<semaphore_mem>>)
    %dma_start3A_282 = arith.constant 1 : i32
    %dma_start3A_283 = arith.constant 1 : i32
    %dma_start3A_284 = arith.constant 0 : i32
    %dma_start3A_285 = arith.constant 0 : i32
    %dma_start3A_286 = tpu.memref_slice %arg10[%dma_start3A_283, %dma_start3A_284, %dma_start3A_285] : memref<4x80x128xf32, #tpu.memory_space<vmem>> -> memref<1x80x128xf32, #tpu.memory_space<vmem>>
    %dma_start3A_287 = tpu.memref_squeeze %dma_start3A_286 : memref<1x80x128xf32, #tpu.memory_space<vmem>> -> memref<80x128xf32, #tpu.memory_space<vmem>>
    %dma_start3A_288 = arith.constant 0 : i32
    %dma_start3A_289 = tpu.memref_slice %arg7[%dma_start3A_282, %dma_start3A_288] : memref<25x80xi32, #tpu.memory_space<vmem>> -> memref<1x80xi32, #tpu.memory_space<vmem>>
    %dma_start3A_290 = tpu.memref_squeeze %dma_start3A_289 : memref<1x80xi32, #tpu.memory_space<vmem>> -> memref<80xi32, #tpu.memory_space<vmem>>
    %dma_start3A_291 = arith.constant 0 : i32
    %dma_start3A_292 = arith.constant 0 : i32
    %dma_start3A_293 = tpu.memref_slice %arg5[%dma_start3A_291, %dma_start3A_292] : memref<10000x128xf32, #tpu.memory_space<hbm>> -> memref<10000x128xf32, #tpu.memory_space<hbm>>
    tpu.enqueue_indirect_dma source(%dma_start3A_293 : memref<10000x128xf32, #tpu.memory_space<hbm>>) target(%dma_start3A_287 : memref<80x128xf32, #tpu.memory_space<vmem>>) offsets(%dma_start3A_290 : memref<80xi32, #tpu.memory_space<vmem>>) semaphore(%arg12 : memref<!tpu.dma_semaphore, #tpu.memory_space<semaphore_mem>>)
    %scan3A_294 = arith.constant 0 : i32
    %scan3A_295 = arith.constant 25 : i32
    %scan3A_296 = arith.addi %scan3A_294, %scan3A_295 : i32
    %scan3A_297 = arith.constant 1 : i32
    scf.for %scan3A_330 = %scan3A_294 to %scan3A_296 step %scan3A_297  : i32 {
      %mul3A_331 = arith.constant 1 : i32
      %mul3A_332 = arith.muli %scan3A_330, %mul3A_331 : i32
      %add3A_333 = arith.constant 0 : i32
      %add3A_334 = arith.addi %add3A_333, %mul3A_332 : i32
      %and3A = arith.constant 3 : i32
      %and3A_335 = arith.andi %add3A_334, %and3A : i32
      %dma_wait3A_336 = arith.constant 0 : i32
      %dma_wait3A_337 = arith.constant 0 : i32
      %dma_wait3A_338 = arith.constant 0 : i32
      %dma_wait3A_339 = tpu.memref_slice %arg10[%dma_wait3A_336, %dma_wait3A_337, %dma_wait3A_338] : memref<4x80x128xf32, #tpu.memory_space<vmem>> -> memref<1x80x128xf32, #tpu.memory_space<vmem>>
      %dma_wait3A_340 = tpu.memref_squeeze %dma_wait3A_339 : memref<1x80x128xf32, #tpu.memory_space<vmem>> -> memref<80x128xf32, #tpu.memory_space<vmem>>
      %dma_wait3A_341 = arith.constant 0 : i32
      %dma_wait3A_342 = arith.constant 0 : i32
      %dma_wait3A_343 = tpu.memref_slice %arg5[%dma_wait3A_341, %dma_wait3A_342] : memref<10000x128xf32, #tpu.memory_space<hbm>> -> memref<80x128xf32, #tpu.memory_space<hbm>>
      %dma_wait3A_344 = arith.constant 0 : i32
      %dma_wait3A_345 = arith.constant 0 : i32
      %dma_wait3A_346 = tpu.memref_slice %arg10[%dma_wait3A_336, %dma_wait3A_344, %dma_wait3A_345] : memref<4x80x128xf32, #tpu.memory_space<vmem>> -> memref<1x80x128xf32, #tpu.memory_space<vmem>>
      %dma_wait3A_347 = tpu.memref_squeeze %dma_wait3A_346 : memref<1x80x128xf32, #tpu.memory_space<vmem>> -> memref<80x128xf32, #tpu.memory_space<vmem>>
      %dma_wait3A_348 = arith.constant 0 : i32
      %dma_wait3A_349 = arith.constant 0 : i32
      %dma_wait3A_350 = tpu.memref_slice %arg5[%dma_wait3A_348, %dma_wait3A_349] : memref<10000x128xf32, #tpu.memory_space<hbm>> -> memref<80x128xf32, #tpu.memory_space<hbm>>
      tpu.wait_dma2 semaphore(%arg12 : memref<!tpu.dma_semaphore, #tpu.memory_space<semaphore_mem>>) src(%dma_wait3A_350 : memref<80x128xf32, #tpu.memory_space<hbm>>) dst(%dma_wait3A_347 : memref<80x128xf32, #tpu.memory_space<vmem>>)
      %ge3A = arith.constant 2 : i32
      %ge3A_351 = arith.cmpi sge, %add3A_334, %ge3A : i32
      %convert_element_type3A = arith.extui %ge3A_351 : i1 to i32
      %cond3A = arith.constant 0 : i32
      %cond3A_352 = arith.cmpi ne, %convert_element_type3A, %cond3A : i32
      scf.if %cond3A_352 {
        %dma_wait3A_374 = arith.constant 0 : i32
        %dma_wait3A_375 = arith.constant 0 : i32
        %dma_wait3A_376 = arith.constant 0 : i32
        %dma_wait3A_377 = tpu.memref_slice %arg10[%dma_wait3A_374, %dma_wait3A_375, %dma_wait3A_376] : memref<4x80x128xf32, #tpu.memory_space<vmem>> -> memref<1x80x128xf32, #tpu.memory_space<vmem>>
        %dma_wait3A_378 = tpu.memref_squeeze %dma_wait3A_377 : memref<1x80x128xf32, #tpu.memory_space<vmem>> -> memref<80x128xf32, #tpu.memory_space<vmem>>
        %dma_wait3A_379 = arith.constant 0 : i32
        %dma_wait3A_380 = arith.constant 0 : i32
        %dma_wait3A_381 = tpu.memref_slice %arg5[%dma_wait3A_379, %dma_wait3A_380] : memref<10000x128xf32, #tpu.memory_space<hbm>> -> memref<80x128xf32, #tpu.memory_space<hbm>>
        %dma_wait3A_382 = arith.constant 0 : i32
        %dma_wait3A_383 = arith.constant 0 : i32
        %dma_wait3A_384 = tpu.memref_slice %arg10[%dma_wait3A_374, %dma_wait3A_382, %dma_wait3A_383] : memref<4x80x128xf32, #tpu.memory_space<vmem>> -> memref<1x80x128xf32, #tpu.memory_space<vmem>>
        %dma_wait3A_385 = tpu.memref_squeeze %dma_wait3A_384 : memref<1x80x128xf32, #tpu.memory_space<vmem>> -> memref<80x128xf32, #tpu.memory_space<vmem>>
        %dma_wait3A_386 = arith.constant 0 : i32
        %dma_wait3A_387 = arith.constant 0 : i32
        %dma_wait3A_388 = tpu.memref_slice %arg5[%dma_wait3A_386, %dma_wait3A_387] : memref<10000x128xf32, #tpu.memory_space<hbm>> -> memref<80x128xf32, #tpu.memory_space<hbm>>
        tpu.wait_dma2 semaphore(%arg13 : memref<!tpu.dma_semaphore, #tpu.memory_space<semaphore_mem>>) src(%dma_wait3A_388 : memref<80x128xf32, #tpu.memory_space<hbm>>) dst(%dma_wait3A_385 : memref<80x128xf32, #tpu.memory_space<vmem>>)
      } else {
      }
      %add3A_353 = arith.constant 2 : i32
      %add3A_354 = arith.addi %add3A_334, %add3A_353 : i32
      %lt3A = arith.constant 25 : i32
      %lt3A_355 = arith.cmpi slt, %add3A_354, %lt3A : i32
      %convert_element_type3A_356 = arith.extui %lt3A_355 : i1 to i32
      %cond3A_357 = arith.constant 0 : i32
      %cond3A_358 = arith.cmpi ne, %convert_element_type3A_356, %cond3A_357 : i32
      scf.if %cond3A_358 {
        %add3A_374 = arith.constant 2 : i32
        %add3A_375 = arith.addi %add3A_334, %add3A_374 : i32
        %add3A_376 = arith.constant 2 : i32
        %add3A_377 = arith.addi %add3A_334, %add3A_376 : i32
        %and3A_378 = arith.constant 3 : i32
        %and3A_379 = arith.andi %add3A_377, %and3A_378 : i32
        %dma_start3A_380 = arith.constant 0 : i32
        %dma_start3A_381 = arith.constant 0 : i32
        %dma_start3A_382 = tpu.memref_slice %arg10[%and3A_379, %dma_start3A_380, %dma_start3A_381] : memref<4x80x128xf32, #tpu.memory_space<vmem>> -> memref<1x80x128xf32, #tpu.memory_space<vmem>>
        %dma_start3A_383 = tpu.memref_squeeze %dma_start3A_382 : memref<1x80x128xf32, #tpu.memory_space<vmem>> -> memref<80x128xf32, #tpu.memory_space<vmem>>
        %dma_start3A_384 = arith.constant 0 : i32
        %dma_start3A_385 = tpu.memref_slice %arg7[%add3A_375, %dma_start3A_384] : memref<25x80xi32, #tpu.memory_space<vmem>> -> memref<1x80xi32, #tpu.memory_space<vmem>>
        %dma_start3A_386 = tpu.memref_squeeze %dma_start3A_385 : memref<1x80xi32, #tpu.memory_space<vmem>> -> memref<80xi32, #tpu.memory_space<vmem>>
        %dma_start3A_387 = arith.constant 0 : i32
        %dma_start3A_388 = arith.constant 0 : i32
        %dma_start3A_389 = tpu.memref_slice %arg5[%dma_start3A_387, %dma_start3A_388] : memref<10000x128xf32, #tpu.memory_space<hbm>> -> memref<10000x128xf32, #tpu.memory_space<hbm>>
        tpu.enqueue_indirect_dma source(%dma_start3A_389 : memref<10000x128xf32, #tpu.memory_space<hbm>>) target(%dma_start3A_383 : memref<80x128xf32, #tpu.memory_space<vmem>>) offsets(%dma_start3A_386 : memref<80xi32, #tpu.memory_space<vmem>>) semaphore(%arg12 : memref<!tpu.dma_semaphore, #tpu.memory_space<semaphore_mem>>)
      } else {
      }
      %scan3A_359 = arith.constant 0 : i32
      %scan3A_360 = arith.constant 80 : i32
      %scan3A_361 = arith.addi %scan3A_359, %scan3A_360 : i32
      %scan3A_362 = arith.constant 4 : i32
      scf.for %scan3A_374 = %scan3A_359 to %scan3A_361 step %scan3A_362  : i32 {
        %mul3A_375 = arith.constant 1 : i32
        %mul3A_376 = arith.muli %scan3A_374, %mul3A_375 : i32
        %add3A_377 = arith.constant 0 : i32
        %add3A_378 = arith.addi %add3A_377, %mul3A_376 : i32
        %broadcast_in_dim3A_379 = vector.broadcast %add3A_334 : i32 to vector<16xi32>
        %broadcast_in_dim3A_380 = vector.broadcast %add3A_378 : i32 to vector<16xi32>
        %gather3A = tpu.vector_load_idx %arg9[%broadcast_in_dim3A_379, %broadcast_in_dim3A_380] : memref<25x80xf32, #tpu.memory_space<vmem>>[vector<16xi32>, vector<16xi32>], vector<16xf32>,
        %get3A = arith.index_cast %and3A_335 : i32 to index
        %get3A_381 = arith.index_cast %add3A_378 : i32 to index
        %get3A_382 = arith.constant 0 : index
        %get3A_383 = tpu.vector_load %arg10[%get3A, %get3A_381, %get3A_382] {strides = array<i32>} : memref<4x80x128xf32, #tpu.memory_space<vmem>>, vector<16xf32>,
        %mul3A_384 = arith.mulf %get3A_383, %gather3A : vector<16xf32>
        %swap3A = arith.index_cast %and3A_335 : i32 to index
        %swap3A_385 = arith.index_cast %add3A_378 : i32 to index
        %swap3A_386 = arith.constant 0 : index
        %swap3A_387 = tpu.vector_load %arg10[%swap3A, %swap3A_385, %swap3A_386] {strides = array<i32>} : memref<4x80x128xf32, #tpu.memory_space<vmem>>, vector<16xf32>,
        tpu.vector_store %arg10[%swap3A, %swap3A_385, %swap3A_386], %mul3A_384 {strides = array<i32>} : memref<4x80x128xf32, #tpu.memory_space<vmem>>, vector<16xf32>,
        %get3A_388 = arith.index_cast %and3A_335 : i32 to index
        %get3A_389 = arith.index_cast %add3A_378 : i32 to index
        %get3A_390 = arith.constant 16 : index
        %get3A_391 = tpu.vector_load %arg10[%get3A_388, %get3A_389, %get3A_390] {strides = array<i32>} : memref<4x80x128xf32, #tpu.memory_space<vmem>>, vector<16xf32>,
        %mul3A_392 = arith.mulf %get3A_391, %gather3A : vector<16xf32>
        %swap3A_393 = arith.index_cast %and3A_335 : i32 to index
        %swap3A_394 = arith.index_cast %add3A_378 : i32 to index
        %swap3A_395 = arith.constant 16 : index
        %swap3A_396 = tpu.vector_load %arg10[%swap3A_393, %swap3A_394, %swap3A_395] {strides = array<i32>} : memref<4x80x128xf32, #tpu.memory_space<vmem>>, vector<16xf32>,
        tpu.vector_store %arg10[%swap3A_393, %swap3A_394, %swap3A_395], %mul3A_392 {strides = array<i32>} : memref<4x80x128xf32, #tpu.memory_space<vmem>>, vector<16xf32>,
        %get3A_397 = arith.index_cast %and3A_335 : i32 to index
        %get3A_398 = arith.index_cast %add3A_378 : i32 to index
        %get3A_399 = arith.constant 32 : index
        %get3A_400 = tpu.vector_load %arg10[%get3A_397, %get3A_398, %get3A_399] {strides = array<i32>} : memref<4x80x128xf32, #tpu.memory_space<vmem>>, vector<16xf32>,
        %mul3A_401 = arith.mulf %get3A_400, %gather3A : vector<16xf32>
        %swap3A_402 = arith.index_cast %and3A_335 : i32 to index
        %swap3A_403 = arith.index_cast %add3A_378 : i32 to index
        %swap3A_404 = arith.constant 32 : index
        %swap3A_405 = tpu.vector_load %arg10[%swap3A_402, %swap3A_403, %swap3A_404] {strides = array<i32>} : memref<4x80x128xf32, #tpu.memory_space<vmem>>, vector<16xf32>,
        tpu.vector_store %arg10[%swap3A_402, %swap3A_403, %swap3A_404], %mul3A_401 {strides = array<i32>} : memref<4x80x128xf32, #tpu.memory_space<vmem>>, vector<16xf32>,
        %get3A_406 = arith.index_cast %and3A_335 : i32 to index
        %get3A_407 = arith.index_cast %add3A_378 : i32 to index
        %get3A_408 = arith.constant 48 : index
        %get3A_409 = tpu.vector_load %arg10[%get3A_406, %get3A_407, %get3A_408] {strides = array<i32>} : memref<4x80x128xf32, #tpu.memory_space<vmem>>, vector<16xf32>,
        %mul3A_410 = arith.mulf %get3A_409, %gather3A : vector<16xf32>
        %swap3A_411 = arith.index_cast %and3A_335 : i32 to index
        %swap3A_412 = arith.index_cast %add3A_378 : i32 to index
        %swap3A_413 = arith.constant 48 : index
        %swap3A_414 = tpu.vector_load %arg10[%swap3A_411, %swap3A_412, %swap3A_413] {strides = array<i32>} : memref<4x80x128xf32, #tpu.memory_space<vmem>>, vector<16xf32>,
        tpu.vector_store %arg10[%swap3A_411, %swap3A_412, %swap3A_413], %mul3A_410 {strides = array<i32>} : memref<4x80x128xf32, #tpu.memory_space<vmem>>, vector<16xf32>,
        %get3A_415 = arith.index_cast %and3A_335 : i32 to index
        %get3A_416 = arith.index_cast %add3A_378 : i32 to index
        %get3A_417 = arith.constant 64 : index
        %get3A_418 = tpu.vector_load %arg10[%get3A_415, %get3A_416, %get3A_417] {strides = array<i32>} : memref<4x80x128xf32, #tpu.memory_space<vmem>>, vector<16xf32>,
        %mul3A_419 = arith.mulf %get3A_418, %gather3A : vector<16xf32>
        %swap3A_420 = arith.index_cast %and3A_335 : i32 to index
        %swap3A_421 = arith.index_cast %add3A_378 : i32 to index
        %swap3A_422 = arith.constant 64 : index
        %swap3A_423 = tpu.vector_load %arg10[%swap3A_420, %swap3A_421, %swap3A_422] {strides = array<i32>} : memref<4x80x128xf32, #tpu.memory_space<vmem>>, vector<16xf32>,
        tpu.vector_store %arg10[%swap3A_420, %swap3A_421, %swap3A_422], %mul3A_419 {strides = array<i32>} : memref<4x80x128xf32, #tpu.memory_space<vmem>>, vector<16xf32>,
        %get3A_424 = arith.index_cast %and3A_335 : i32 to index
        %get3A_425 = arith.index_cast %add3A_378 : i32 to index
        %get3A_426 = arith.constant 80 : index
        %get3A_427 = tpu.vector_load %arg10[%get3A_424, %get3A_425, %get3A_426] {strides = array<i32>} : memref<4x80x128xf32, #tpu.memory_space<vmem>>, vector<16xf32>,
        %mul3A_428 = arith.mulf %get3A_427, %gather3A : vector<16xf32>
        %swap3A_429 = arith.index_cast %and3A_335 : i32 to index
        %swap3A_430 = arith.index_cast %add3A_378 : i32 to index
        %swap3A_431 = arith.constant 80 : index
        %swap3A_432 = tpu.vector_load %arg10[%swap3A_429, %swap3A_430, %swap3A_431] {strides = array<i32>} : memref<4x80x128xf32, #tpu.memory_space<vmem>>, vector<16xf32>,
        tpu.vector_store %arg10[%swap3A_429, %swap3A_430, %swap3A_431], %mul3A_428 {strides = array<i32>} : memref<4x80x128xf32, #tpu.memory_space<vmem>>, vector<16xf32>,
        %get3A_433 = arith.index_cast %and3A_335 : i32 to index
        %get3A_434 = arith.index_cast %add3A_378 : i32 to index
        %get3A_435 = arith.constant 96 : index
        %get3A_436 = tpu.vector_load %arg10[%get3A_433, %get3A_434, %get3A_435] {strides = array<i32>} : memref<4x80x128xf32, #tpu.memory_space<vmem>>, vector<16xf32>,
        %mul3A_437 = arith.mulf %get3A_436, %gather3A : vector<16xf32>
        %swap3A_438 = arith.index_cast %and3A_335 : i32 to index
        %swap3A_439 = arith.index_cast %add3A_378 : i32 to index
        %swap3A_440 = arith.constant 96 : index
        %swap3A_441 = tpu.vector_load %arg10[%swap3A_438, %swap3A_439, %swap3A_440] {strides = array<i32>} : memref<4x80x128xf32, #tpu.memory_space<vmem>>, vector<16xf32>,
        tpu.vector_store %arg10[%swap3A_438, %swap3A_439, %swap3A_440], %mul3A_437 {strides = array<i32>} : memref<4x80x128xf32, #tpu.memory_space<vmem>>, vector<16xf32>,
        %get3A_442 = arith.index_cast %and3A_335 : i32 to index
        %get3A_443 = arith.index_cast %add3A_378 : i32 to index
        %get3A_444 = arith.constant 112 : index
        %get3A_445 = tpu.vector_load %arg10[%get3A_442, %get3A_443, %get3A_444] {strides = array<i32>} : memref<4x80x128xf32, #tpu.memory_space<vmem>>, vector<16xf32>,
        %mul3A_446 = arith.mulf %get3A_445, %gather3A : vector<16xf32>
        %swap3A_447 = arith.index_cast %and3A_335 : i32 to index
        %swap3A_448 = arith.index_cast %add3A_378 : i32 to index
        %swap3A_449 = arith.constant 112 : index
        %swap3A_450 = tpu.vector_load %arg10[%swap3A_447, %swap3A_448, %swap3A_449] {strides = array<i32>} : memref<4x80x128xf32, #tpu.memory_space<vmem>>, vector<16xf32>,
        tpu.vector_store %arg10[%swap3A_447, %swap3A_448, %swap3A_449], %mul3A_446 {strides = array<i32>} : memref<4x80x128xf32, #tpu.memory_space<vmem>>, vector<16xf32>,
        %scan3A_451 = arith.constant 1 : i32
        %scan3A_452 = arith.addi %scan3A_374, %scan3A_451 : i32
        %mul3A_453 = arith.constant 1 : i32
        %mul3A_454 = arith.muli %scan3A_452, %mul3A_453 : i32
        %add3A_455 = arith.constant 0 : i32
        %add3A_456 = arith.addi %add3A_455, %mul3A_454 : i32
        %broadcast_in_dim3A_457 = vector.broadcast %add3A_334 : i32 to vector<16xi32>
        %broadcast_in_dim3A_458 = vector.broadcast %add3A_456 : i32 to vector<16xi32>
        %gather3A_459 = tpu.vector_load_idx %arg9[%broadcast_in_dim3A_457, %broadcast_in_dim3A_458] : memref<25x80xf32, #tpu.memory_space<vmem>>[vector<16xi32>, vector<16xi32>], vector<16xf32>,
        %get3A_460 = arith.index_cast %and3A_335 : i32 to index
        %get3A_461 = arith.index_cast %add3A_456 : i32 to index
        %get3A_462 = arith.constant 0 : index
        %get3A_463 = tpu.vector_load %arg10[%get3A_460, %get3A_461, %get3A_462] {strides = array<i32>} : memref<4x80x128xf32, #tpu.memory_space<vmem>>, vector<16xf32>,
        %mul3A_464 = arith.mulf %get3A_463, %gather3A_459 : vector<16xf32>
        %swap3A_465 = arith.index_cast %and3A_335 : i32 to index
        %swap3A_466 = arith.index_cast %add3A_456 : i32 to index
        %swap3A_467 = arith.constant 0 : index
        %swap3A_468 = tpu.vector_load %arg10[%swap3A_465, %swap3A_466, %swap3A_467] {strides = array<i32>} : memref<4x80x128xf32, #tpu.memory_space<vmem>>, vector<16xf32>,
        tpu.vector_store %arg10[%swap3A_465, %swap3A_466, %swap3A_467], %mul3A_464 {strides = array<i32>} : memref<4x80x128xf32, #tpu.memory_space<vmem>>, vector<16xf32>,
        %get3A_469 = arith.index_cast %and3A_335 : i32 to index
        %get3A_470 = arith.index_cast %add3A_456 : i32 to index
        %get3A_471 = arith.constant 16 : index
        %get3A_472 = tpu.vector_load %arg10[%get3A_469, %get3A_470, %get3A_471] {strides = array<i32>} : memref<4x80x128xf32, #tpu.memory_space<vmem>>, vector<16xf32>,
        %mul3A_473 = arith.mulf %get3A_472, %gather3A_459 : vector<16xf32>
        %swap3A_474 = arith.index_cast %and3A_335 : i32 to index
        %swap3A_475 = arith.index_cast %add3A_456 : i32 to index
        %swap3A_476 = arith.constant 16 : index
        %swap3A_477 = tpu.vector_load %arg10[%swap3A_474, %swap3A_475, %swap3A_476] {strides = array<i32>} : memref<4x80x128xf32, #tpu.memory_space<vmem>>, vector<16xf32>,
        tpu.vector_store %arg10[%swap3A_474, %swap3A_475, %swap3A_476], %mul3A_473 {strides = array<i32>} : memref<4x80x128xf32, #tpu.memory_space<vmem>>, vector<16xf32>,
        %get3A_478 = arith.index_cast %and3A_335 : i32 to index
        %get3A_479 = arith.index_cast %add3A_456 : i32 to index
        %get3A_480 = arith.constant 32 : index
        %get3A_481 = tpu.vector_load %arg10[%get3A_478, %get3A_479, %get3A_480] {strides = array<i32>} : memref<4x80x128xf32, #tpu.memory_space<vmem>>, vector<16xf32>,
        %mul3A_482 = arith.mulf %get3A_481, %gather3A_459 : vector<16xf32>
        %swap3A_483 = arith.index_cast %and3A_335 : i32 to index
        %swap3A_484 = arith.index_cast %add3A_456 : i32 to index
        %swap3A_485 = arith.constant 32 : index
        %swap3A_486 = tpu.vector_load %arg10[%swap3A_483, %swap3A_484, %swap3A_485] {strides = array<i32>} : memref<4x80x128xf32, #tpu.memory_space<vmem>>, vector<16xf32>,
        tpu.vector_store %arg10[%swap3A_483, %swap3A_484, %swap3A_485], %mul3A_482 {strides = array<i32>} : memref<4x80x128xf32, #tpu.memory_space<vmem>>, vector<16xf32>,
        %get3A_487 = arith.index_cast %and3A_335 : i32 to index
        %get3A_488 = arith.index_cast %add3A_456 : i32 to index
        %get3A_489 = arith.constant 48 : index
        %get3A_490 = tpu.vector_load %arg10[%get3A_487, %get3A_488, %get3A_489] {strides = array<i32>} : memref<4x80x128xf32, #tpu.memory_space<vmem>>, vector<16xf32>,
        %mul3A_491 = arith.mulf %get3A_490, %gather3A_459 : vector<16xf32>
        %swap3A_492 = arith.index_cast %and3A_335 : i32 to index
        %swap3A_493 = arith.index_cast %add3A_456 : i32 to index
        %swap3A_494 = arith.constant 48 : index
        %swap3A_495 = tpu.vector_load %arg10[%swap3A_492, %swap3A_493, %swap3A_494] {strides = array<i32>} : memref<4x80x128xf32, #tpu.memory_space<vmem>>, vector<16xf32>,
        tpu.vector_store %arg10[%swap3A_492, %swap3A_493, %swap3A_494], %mul3A_491 {strides = array<i32>} : memref<4x80x128xf32, #tpu.memory_space<vmem>>, vector<16xf32>,
        %get3A_496 = arith.index_cast %and3A_335 : i32 to index
        %get3A_497 = arith.index_cast %add3A_456 : i32 to index
        %get3A_498 = arith.constant 64 : index
        %get3A_499 = tpu.vector_load %arg10[%get3A_496, %get3A_497, %get3A_498] {strides = array<i32>} : memref<4x80x128xf32, #tpu.memory_space<vmem>>, vector<16xf32>,
        %mul3A_500 = arith.mulf %get3A_499, %gather3A_459 : vector<16xf32>
        %swap3A_501 = arith.index_cast %and3A_335 : i32 to index
        %swap3A_502 = arith.index_cast %add3A_456 : i32 to index
        %swap3A_503 = arith.constant 64 : index
        %swap3A_504 = tpu.vector_load %arg10[%swap3A_501, %swap3A_502, %swap3A_503] {strides = array<i32>} : memref<4x80x128xf32, #tpu.memory_space<vmem>>, vector<16xf32>,
        tpu.vector_store %arg10[%swap3A_501, %swap3A_502, %swap3A_503], %mul3A_500 {strides = array<i32>} : memref<4x80x128xf32, #tpu.memory_space<vmem>>, vector<16xf32>,
        %get3A_505 = arith.index_cast %and3A_335 : i32 to index
        %get3A_506 = arith.index_cast %add3A_456 : i32 to index
        %get3A_507 = arith.constant 80 : index
        %get3A_508 = tpu.vector_load %arg10[%get3A_505, %get3A_506, %get3A_507] {strides = array<i32>} : memref<4x80x128xf32, #tpu.memory_space<vmem>>, vector<16xf32>,
        %mul3A_509 = arith.mulf %get3A_508, %gather3A_459 : vector<16xf32>
        %swap3A_510 = arith.index_cast %and3A_335 : i32 to index
        %swap3A_511 = arith.index_cast %add3A_456 : i32 to index
        %swap3A_512 = arith.constant 80 : index
        %swap3A_513 = tpu.vector_load %arg10[%swap3A_510, %swap3A_511, %swap3A_512] {strides = array<i32>} : memref<4x80x128xf32, #tpu.memory_space<vmem>>, vector<16xf32>,
        tpu.vector_store %arg10[%swap3A_510, %swap3A_511, %swap3A_512], %mul3A_509 {strides = array<i32>} : memref<4x80x128xf32, #tpu.memory_space<vmem>>, vector<16xf32>,
        %get3A_514 = arith.index_cast %and3A_335 : i32 to index
        %get3A_515 = arith.index_cast %add3A_456 : i32 to index
        %get3A_516 = arith.constant 96 : index
        %get3A_517 = tpu.vector_load %arg10[%get3A_514, %get3A_515, %get3A_516] {strides = array<i32>} : memref<4x80x128xf32, #tpu.memory_space<vmem>>, vector<16xf32>,
        %mul3A_518 = arith.mulf %get3A_517, %gather3A_459 : vector<16xf32>
        %swap3A_519 = arith.index_cast %and3A_335 : i32 to index
        %swap3A_520 = arith.index_cast %add3A_456 : i32 to index
        %swap3A_521 = arith.constant 96 : index
        %swap3A_522 = tpu.vector_load %arg10[%swap3A_519, %swap3A_520, %swap3A_521] {strides = array<i32>} : memref<4x80x128xf32, #tpu.memory_space<vmem>>, vector<16xf32>,
        tpu.vector_store %arg10[%swap3A_519, %swap3A_520, %swap3A_521], %mul3A_518 {strides = array<i32>} : memref<4x80x128xf32, #tpu.memory_space<vmem>>, vector<16xf32>,
        %get3A_523 = arith.index_cast %and3A_335 : i32 to index
        %get3A_524 = arith.index_cast %add3A_456 : i32 to index
        %get3A_525 = arith.constant 112 : index
        %get3A_526 = tpu.vector_load %arg10[%get3A_523, %get3A_524, %get3A_525] {strides = array<i32>} : memref<4x80x128xf32, #tpu.memory_space<vmem>>, vector<16xf32>,
        %mul3A_527 = arith.mulf %get3A_526, %gather3A_459 : vector<16xf32>
        %swap3A_528 = arith.index_cast %and3A_335 : i32 to index
        %swap3A_529 = arith.index_cast %add3A_456 : i32 to index
        %swap3A_530 = arith.constant 112 : index
        %swap3A_531 = tpu.vector_load %arg10[%swap3A_528, %swap3A_529, %swap3A_530] {strides = array<i32>} : memref<4x80x128xf32, #tpu.memory_space<vmem>>, vector<16xf32>,
        tpu.vector_store %arg10[%swap3A_528, %swap3A_529, %swap3A_530], %mul3A_527 {strides = array<i32>} : memref<4x80x128xf32, #tpu.memory_space<vmem>>, vector<16xf32>,
        %scan3A_532 = arith.constant 2 : i32
        %scan3A_533 = arith.addi %scan3A_374, %scan3A_532 : i32
        %mul3A_534 = arith.constant 1 : i32
        %mul3A_535 = arith.muli %scan3A_533, %mul3A_534 : i32
        %add3A_536 = arith.constant 0 : i32
        %add3A_537 = arith.addi %add3A_536, %mul3A_535 : i32
        %broadcast_in_dim3A_538 = vector.broadcast %add3A_334 : i32 to vector<16xi32>
        %broadcast_in_dim3A_539 = vector.broadcast %add3A_537 : i32 to vector<16xi32>
        %gather3A_540 = tpu.vector_load_idx %arg9[%broadcast_in_dim3A_538, %broadcast_in_dim3A_539] : memref<25x80xf32, #tpu.memory_space<vmem>>[vector<16xi32>, vector<16xi32>], vector<16xf32>,
        %get3A_541 = arith.index_cast %and3A_335 : i32 to index
        %get3A_542 = arith.index_cast %add3A_537 : i32 to index
        %get3A_543 = arith.constant 0 : index
        %get3A_544 = tpu.vector_load %arg10[%get3A_541, %get3A_542, %get3A_543] {strides = array<i32>} : memref<4x80x128xf32, #tpu.memory_space<vmem>>, vector<16xf32>,
        %mul3A_545 = arith.mulf %get3A_544, %gather3A_540 : vector<16xf32>
        %swap3A_546 = arith.index_cast %and3A_335 : i32 to index
        %swap3A_547 = arith.index_cast %add3A_537 : i32 to index
        %swap3A_548 = arith.constant 0 : index
        %swap3A_549 = tpu.vector_load %arg10[%swap3A_546, %swap3A_547, %swap3A_548] {strides = array<i32>} : memref<4x80x128xf32, #tpu.memory_space<vmem>>, vector<16xf32>,
        tpu.vector_store %arg10[%swap3A_546, %swap3A_547, %swap3A_548], %mul3A_545 {strides = array<i32>} : memref<4x80x128xf32, #tpu.memory_space<vmem>>, vector<16xf32>,
        %get3A_550 = arith.index_cast %and3A_335 : i32 to index
        %get3A_551 = arith.index_cast %add3A_537 : i32 to index
        %get3A_552 = arith.constant 16 : index
        %get3A_553 = tpu.vector_load %arg10[%get3A_550, %get3A_551, %get3A_552] {strides = array<i32>} : memref<4x80x128xf32, #tpu.memory_space<vmem>>, vector<16xf32>,
        %mul3A_554 = arith.mulf %get3A_553, %gather3A_540 : vector<16xf32>
        %swap3A_555 = arith.index_cast %and3A_335 : i32 to index
        %swap3A_556 = arith.index_cast %add3A_537 : i32 to index
        %swap3A_557 = arith.constant 16 : index
        %swap3A_558 = tpu.vector_load %arg10[%swap3A_555, %swap3A_556, %swap3A_557] {strides = array<i32>} : memref<4x80x128xf32, #tpu.memory_space<vmem>>, vector<16xf32>,
        tpu.vector_store %arg10[%swap3A_555, %swap3A_556, %swap3A_557], %mul3A_554 {strides = array<i32>} : memref<4x80x128xf32, #tpu.memory_space<vmem>>, vector<16xf32>,
        %get3A_559 = arith.index_cast %and3A_335 : i32 to index
        %get3A_560 = arith.index_cast %add3A_537 : i32 to index
        %get3A_561 = arith.constant 32 : index
        %get3A_562 = tpu.vector_load %arg10[%get3A_559, %get3A_560, %get3A_561] {strides = array<i32>} : memref<4x80x128xf32, #tpu.memory_space<vmem>>, vector<16xf32>,
        %mul3A_563 = arith.mulf %get3A_562, %gather3A_540 : vector<16xf32>
        %swap3A_564 = arith.index_cast %and3A_335 : i32 to index
        %swap3A_565 = arith.index_cast %add3A_537 : i32 to index
        %swap3A_566 = arith.constant 32 : index
        %swap3A_567 = tpu.vector_load %arg10[%swap3A_564, %swap3A_565, %swap3A_566] {strides = array<i32>} : memref<4x80x128xf32, #tpu.memory_space<vmem>>, vector<16xf32>,
        tpu.vector_store %arg10[%swap3A_564, %swap3A_565, %swap3A_566], %mul3A_563 {strides = array<i32>} : memref<4x80x128xf32, #tpu.memory_space<vmem>>, vector<16xf32>,
        %get3A_568 = arith.index_cast %and3A_335 : i32 to index
        %get3A_569 = arith.index_cast %add3A_537 : i32 to index
        %get3A_570 = arith.constant 48 : index
        %get3A_571 = tpu.vector_load %arg10[%get3A_568, %get3A_569, %get3A_570] {strides = array<i32>} : memref<4x80x128xf32, #tpu.memory_space<vmem>>, vector<16xf32>,
        %mul3A_572 = arith.mulf %get3A_571, %gather3A_540 : vector<16xf32>
        %swap3A_573 = arith.index_cast %and3A_335 : i32 to index
        %swap3A_574 = arith.index_cast %add3A_537 : i32 to index
        %swap3A_575 = arith.constant 48 : index
        %swap3A_576 = tpu.vector_load %arg10[%swap3A_573, %swap3A_574, %swap3A_575] {strides = array<i32>} : memref<4x80x128xf32, #tpu.memory_space<vmem>>, vector<16xf32>,
        tpu.vector_store %arg10[%swap3A_573, %swap3A_574, %swap3A_575], %mul3A_572 {strides = array<i32>} : memref<4x80x128xf32, #tpu.memory_space<vmem>>, vector<16xf32>,
        %get3A_577 = arith.index_cast %and3A_335 : i32 to index
        %get3A_578 = arith.index_cast %add3A_537 : i32 to index
        %get3A_579 = arith.constant 64 : index
        %get3A_580 = tpu.vector_load %arg10[%get3A_577, %get3A_578, %get3A_579] {strides = array<i32>} : memref<4x80x128xf32, #tpu.memory_space<vmem>>, vector<16xf32>,
        %mul3A_581 = arith.mulf %get3A_580, %gather3A_540 : vector<16xf32>
        %swap3A_582 = arith.index_cast %and3A_335 : i32 to index
        %swap3A_583 = arith.index_cast %add3A_537 : i32 to index
        %swap3A_584 = arith.constant 64 : index
        %swap3A_585 = tpu.vector_load %arg10[%swap3A_582, %swap3A_583, %swap3A_584] {strides = array<i32>} : memref<4x80x128xf32, #tpu.memory_space<vmem>>, vector<16xf32>,
        tpu.vector_store %arg10[%swap3A_582, %swap3A_583, %swap3A_584], %mul3A_581 {strides = array<i32>} : memref<4x80x128xf32, #tpu.memory_space<vmem>>, vector<16xf32>,
        %get3A_586 = arith.index_cast %and3A_335 : i32 to index
        %get3A_587 = arith.index_cast %add3A_537 : i32 to index
        %get3A_588 = arith.constant 80 : index
        %get3A_589 = tpu.vector_load %arg10[%get3A_586, %get3A_587, %get3A_588] {strides = array<i32>} : memref<4x80x128xf32, #tpu.memory_space<vmem>>, vector<16xf32>,
        %mul3A_590 = arith.mulf %get3A_589, %gather3A_540 : vector<16xf32>
        %swap3A_591 = arith.index_cast %and3A_335 : i32 to index
        %swap3A_592 = arith.index_cast %add3A_537 : i32 to index
        %swap3A_593 = arith.constant 80 : index
        %swap3A_594 = tpu.vector_load %arg10[%swap3A_591, %swap3A_592, %swap3A_593] {strides = array<i32>} : memref<4x80x128xf32, #tpu.memory_space<vmem>>, vector<16xf32>,
        tpu.vector_store %arg10[%swap3A_591, %swap3A_592, %swap3A_593], %mul3A_590 {strides = array<i32>} : memref<4x80x128xf32, #tpu.memory_space<vmem>>, vector<16xf32>,
        %get3A_595 = arith.index_cast %and3A_335 : i32 to index
        %get3A_596 = arith.index_cast %add3A_537 : i32 to index
        %get3A_597 = arith.constant 96 : index
        %get3A_598 = tpu.vector_load %arg10[%get3A_595, %get3A_596, %get3A_597] {strides = array<i32>} : memref<4x80x128xf32, #tpu.memory_space<vmem>>, vector<16xf32>,
        %mul3A_599 = arith.mulf %get3A_598, %gather3A_540 : vector<16xf32>
        %swap3A_600 = arith.index_cast %and3A_335 : i32 to index
        %swap3A_601 = arith.index_cast %add3A_537 : i32 to index
        %swap3A_602 = arith.constant 96 : index
        %swap3A_603 = tpu.vector_load %arg10[%swap3A_600, %swap3A_601, %swap3A_602] {strides = array<i32>} : memref<4x80x128xf32, #tpu.memory_space<vmem>>, vector<16xf32>,
        tpu.vector_store %arg10[%swap3A_600, %swap3A_601, %swap3A_602], %mul3A_599 {strides = array<i32>} : memref<4x80x128xf32, #tpu.memory_space<vmem>>, vector<16xf32>,
        %get3A_604 = arith.index_cast %and3A_335 : i32 to index
        %get3A_605 = arith.index_cast %add3A_537 : i32 to index
        %get3A_606 = arith.constant 112 : index
        %get3A_607 = tpu.vector_load %arg10[%get3A_604, %get3A_605, %get3A_606] {strides = array<i32>} : memref<4x80x128xf32, #tpu.memory_space<vmem>>, vector<16xf32>,
        %mul3A_608 = arith.mulf %get3A_607, %gather3A_540 : vector<16xf32>
        %swap3A_609 = arith.index_cast %and3A_335 : i32 to index
        %swap3A_610 = arith.index_cast %add3A_537 : i32 to index
        %swap3A_611 = arith.constant 112 : index
        %swap3A_612 = tpu.vector_load %arg10[%swap3A_609, %swap3A_610, %swap3A_611] {strides = array<i32>} : memref<4x80x128xf32, #tpu.memory_space<vmem>>, vector<16xf32>,
        tpu.vector_store %arg10[%swap3A_609, %swap3A_610, %swap3A_611], %mul3A_608 {strides = array<i32>} : memref<4x80x128xf32, #tpu.memory_space<vmem>>, vector<16xf32>,
        %scan3A_613 = arith.constant 3 : i32
        %scan3A_614 = arith.addi %scan3A_374, %scan3A_613 : i32
        %mul3A_615 = arith.constant 1 : i32
        %mul3A_616 = arith.muli %scan3A_614, %mul3A_615 : i32
        %add3A_617 = arith.constant 0 : i32
        %add3A_618 = arith.addi %add3A_617, %mul3A_616 : i32
        %broadcast_in_dim3A_619 = vector.broadcast %add3A_334 : i32 to vector<16xi32>
        %broadcast_in_dim3A_620 = vector.broadcast %add3A_618 : i32 to vector<16xi32>
        %gather3A_621 = tpu.vector_load_idx %arg9[%broadcast_in_dim3A_619, %broadcast_in_dim3A_620] : memref<25x80xf32, #tpu.memory_space<vmem>>[vector<16xi32>, vector<16xi32>], vector<16xf32>,
        %get3A_622 = arith.index_cast %and3A_335 : i32 to index
        %get3A_623 = arith.index_cast %add3A_618 : i32 to index
        %get3A_624 = arith.constant 0 : index
        %get3A_625 = tpu.vector_load %arg10[%get3A_622, %get3A_623, %get3A_624] {strides = array<i32>} : memref<4x80x128xf32, #tpu.memory_space<vmem>>, vector<16xf32>,
        %mul3A_626 = arith.mulf %get3A_625, %gather3A_621 : vector<16xf32>
        %swap3A_627 = arith.index_cast %and3A_335 : i32 to index
        %swap3A_628 = arith.index_cast %add3A_618 : i32 to index
        %swap3A_629 = arith.constant 0 : index
        %swap3A_630 = tpu.vector_load %arg10[%swap3A_627, %swap3A_628, %swap3A_629] {strides = array<i32>} : memref<4x80x128xf32, #tpu.memory_space<vmem>>, vector<16xf32>,
        tpu.vector_store %arg10[%swap3A_627, %swap3A_628, %swap3A_629], %mul3A_626 {strides = array<i32>} : memref<4x80x128xf32, #tpu.memory_space<vmem>>, vector<16xf32>,
        %get3A_631 = arith.index_cast %and3A_335 : i32 to index
        %get3A_632 = arith.index_cast %add3A_618 : i32 to index
        %get3A_633 = arith.constant 16 : index
        %get3A_634 = tpu.vector_load %arg10[%get3A_631, %get3A_632, %get3A_633] {strides = array<i32>} : memref<4x80x128xf32, #tpu.memory_space<vmem>>, vector<16xf32>,
        %mul3A_635 = arith.mulf %get3A_634, %gather3A_621 : vector<16xf32>
        %swap3A_636 = arith.index_cast %and3A_335 : i32 to index
        %swap3A_637 = arith.index_cast %add3A_618 : i32 to index
        %swap3A_638 = arith.constant 16 : index
        %swap3A_639 = tpu.vector_load %arg10[%swap3A_636, %swap3A_637, %swap3A_638] {strides = array<i32>} : memref<4x80x128xf32, #tpu.memory_space<vmem>>, vector<16xf32>,
        tpu.vector_store %arg10[%swap3A_636, %swap3A_637, %swap3A_638], %mul3A_635 {strides = array<i32>} : memref<4x80x128xf32, #tpu.memory_space<vmem>>, vector<16xf32>,
        %get3A_640 = arith.index_cast %and3A_335 : i32 to index
        %get3A_641 = arith.index_cast %add3A_618 : i32 to index
        %get3A_642 = arith.constant 32 : index
        %get3A_643 = tpu.vector_load %arg10[%get3A_640, %get3A_641, %get3A_642] {strides = array<i32>} : memref<4x80x128xf32, #tpu.memory_space<vmem>>, vector<16xf32>,
        %mul3A_644 = arith.mulf %get3A_643, %gather3A_621 : vector<16xf32>
        %swap3A_645 = arith.index_cast %and3A_335 : i32 to index
        %swap3A_646 = arith.index_cast %add3A_618 : i32 to index
        %swap3A_647 = arith.constant 32 : index
        %swap3A_648 = tpu.vector_load %arg10[%swap3A_645, %swap3A_646, %swap3A_647] {strides = array<i32>} : memref<4x80x128xf32, #tpu.memory_space<vmem>>, vector<16xf32>,
        tpu.vector_store %arg10[%swap3A_645, %swap3A_646, %swap3A_647], %mul3A_644 {strides = array<i32>} : memref<4x80x128xf32, #tpu.memory_space<vmem>>, vector<16xf32>,
        %get3A_649 = arith.index_cast %and3A_335 : i32 to index
        %get3A_650 = arith.index_cast %add3A_618 : i32 to index
        %get3A_651 = arith.constant 48 : index
        %get3A_652 = tpu.vector_load %arg10[%get3A_649, %get3A_650, %get3A_651] {strides = array<i32>} : memref<4x80x128xf32, #tpu.memory_space<vmem>>, vector<16xf32>,
        %mul3A_653 = arith.mulf %get3A_652, %gather3A_621 : vector<16xf32>
        %swap3A_654 = arith.index_cast %and3A_335 : i32 to index
        %swap3A_655 = arith.index_cast %add3A_618 : i32 to index
        %swap3A_656 = arith.constant 48 : index
        %swap3A_657 = tpu.vector_load %arg10[%swap3A_654, %swap3A_655, %swap3A_656] {strides = array<i32>} : memref<4x80x128xf32, #tpu.memory_space<vmem>>, vector<16xf32>,
        tpu.vector_store %arg10[%swap3A_654, %swap3A_655, %swap3A_656], %mul3A_653 {strides = array<i32>} : memref<4x80x128xf32, #tpu.memory_space<vmem>>, vector<16xf32>,
        %get3A_658 = arith.index_cast %and3A_335 : i32 to index
        %get3A_659 = arith.index_cast %add3A_618 : i32 to index
        %get3A_660 = arith.constant 64 : index
        %get3A_661 = tpu.vector_load %arg10[%get3A_658, %get3A_659, %get3A_660] {strides = array<i32>} : memref<4x80x128xf32, #tpu.memory_space<vmem>>, vector<16xf32>,
        %mul3A_662 = arith.mulf %get3A_661, %gather3A_621 : vector<16xf32>
        %swap3A_663 = arith.index_cast %and3A_335 : i32 to index
        %swap3A_664 = arith.index_cast %add3A_618 : i32 to index
        %swap3A_665 = arith.constant 64 : index
        %swap3A_666 = tpu.vector_load %arg10[%swap3A_663, %swap3A_664, %swap3A_665] {strides = array<i32>} : memref<4x80x128xf32, #tpu.memory_space<vmem>>, vector<16xf32>,
        tpu.vector_store %arg10[%swap3A_663, %swap3A_664, %swap3A_665], %mul3A_662 {strides = array<i32>} : memref<4x80x128xf32, #tpu.memory_space<vmem>>, vector<16xf32>,
        %get3A_667 = arith.index_cast %and3A_335 : i32 to index
        %get3A_668 = arith.index_cast %add3A_618 : i32 to index
        %get3A_669 = arith.constant 80 : index
        %get3A_670 = tpu.vector_load %arg10[%get3A_667, %get3A_668, %get3A_669] {strides = array<i32>} : memref<4x80x128xf32, #tpu.memory_space<vmem>>, vector<16xf32>,
        %mul3A_671 = arith.mulf %get3A_670, %gather3A_621 : vector<16xf32>
        %swap3A_672 = arith.index_cast %and3A_335 : i32 to index
        %swap3A_673 = arith.index_cast %add3A_618 : i32 to index
        %swap3A_674 = arith.constant 80 : index
        %swap3A_675 = tpu.vector_load %arg10[%swap3A_672, %swap3A_673, %swap3A_674] {strides = array<i32>} : memref<4x80x128xf32, #tpu.memory_space<vmem>>, vector<16xf32>,
        tpu.vector_store %arg10[%swap3A_672, %swap3A_673, %swap3A_674], %mul3A_671 {strides = array<i32>} : memref<4x80x128xf32, #tpu.memory_space<vmem>>, vector<16xf32>,
        %get3A_676 = arith.index_cast %and3A_335 : i32 to index
        %get3A_677 = arith.index_cast %add3A_618 : i32 to index
        %get3A_678 = arith.constant 96 : index
        %get3A_679 = tpu.vector_load %arg10[%get3A_676, %get3A_677, %get3A_678] {strides = array<i32>} : memref<4x80x128xf32, #tpu.memory_space<vmem>>, vector<16xf32>,
        %mul3A_680 = arith.mulf %get3A_679, %gather3A_621 : vector<16xf32>
        %swap3A_681 = arith.index_cast %and3A_335 : i32 to index
        %swap3A_682 = arith.index_cast %add3A_618 : i32 to index
        %swap3A_683 = arith.constant 96 : index
        %swap3A_684 = tpu.vector_load %arg10[%swap3A_681, %swap3A_682, %swap3A_683] {strides = array<i32>} : memref<4x80x128xf32, #tpu.memory_space<vmem>>, vector<16xf32>,
        tpu.vector_store %arg10[%swap3A_681, %swap3A_682, %swap3A_683], %mul3A_680 {strides = array<i32>} : memref<4x80x128xf32, #tpu.memory_space<vmem>>, vector<16xf32>,
        %get3A_685 = arith.index_cast %and3A_335 : i32 to index
        %get3A_686 = arith.index_cast %add3A_618 : i32 to index
        %get3A_687 = arith.constant 112 : index
        %get3A_688 = tpu.vector_load %arg10[%get3A_685, %get3A_686, %get3A_687] {strides = array<i32>} : memref<4x80x128xf32, #tpu.memory_space<vmem>>, vector<16xf32>,
        %mul3A_689 = arith.mulf %get3A_688, %gather3A_621 : vector<16xf32>
        %swap3A_690 = arith.index_cast %and3A_335 : i32 to index
        %swap3A_691 = arith.index_cast %add3A_618 : i32 to index
        %swap3A_692 = arith.constant 112 : index
        %swap3A_693 = tpu.vector_load %arg10[%swap3A_690, %swap3A_691, %swap3A_692] {strides = array<i32>} : memref<4x80x128xf32, #tpu.memory_space<vmem>>, vector<16xf32>,
        tpu.vector_store %arg10[%swap3A_690, %swap3A_691, %swap3A_692], %mul3A_689 {strides = array<i32>} : memref<4x80x128xf32, #tpu.memory_space<vmem>>, vector<16xf32>,
      }
      %scan3A_363 = arith.constant 80 : i32
      %dma_start3A_364 = arith.constant 0 : i32
      %dma_start3A_365 = arith.constant 0 : i32
      %dma_start3A_366 = tpu.memref_slice %arg10[%and3A_335, %dma_start3A_364, %dma_start3A_365] : memref<4x80x128xf32, #tpu.memory_space<vmem>> -> memref<1x80x128xf32, #tpu.memory_space<vmem>>
      %dma_start3A_367 = tpu.memref_squeeze %dma_start3A_366 : memref<1x80x128xf32, #tpu.memory_space<vmem>> -> memref<80x128xf32, #tpu.memory_space<vmem>>
      %dma_start3A_368 = arith.constant 0 : i32
      %dma_start3A_369 = tpu.memref_slice %arg8[%add3A_334, %dma_start3A_368] : memref<25x80xi32, #tpu.memory_space<vmem>> -> memref<1x80xi32, #tpu.memory_space<vmem>>
      %dma_start3A_370 = tpu.memref_squeeze %dma_start3A_369 : memref<1x80xi32, #tpu.memory_space<vmem>> -> memref<80xi32, #tpu.memory_space<vmem>>
      %dma_start3A_371 = arith.constant 0 : i32
      %dma_start3A_372 = arith.constant 0 : i32
      %dma_start3A_373 = tpu.memref_slice %arg11[%dma_start3A_371, %dma_start3A_372] : memref<10000x128xf32, #tpu.memory_space<vmem_shared>> -> memref<10000x128xf32, #tpu.memory_space<vmem_shared>>
      tpu.enqueue_indirect_dma source(%dma_start3A_367 : memref<80x128xf32, #tpu.memory_space<vmem>>) target(%dma_start3A_373 : memref<10000x128xf32, #tpu.memory_space<vmem_shared>>) offsets(%dma_start3A_370 : memref<80xi32, #tpu.memory_space<vmem>>) semaphore(%arg13 : memref<!tpu.dma_semaphore, #tpu.memory_space<semaphore_mem>>) {add = true}
    }
    %scan3A_298 = arith.constant 25 : i32
    %dma_wait3A_299 = arith.constant 0 : i32
    %dma_wait3A_300 = arith.constant 0 : i32
    %dma_wait3A_301 = arith.constant 0 : i32
    %dma_wait3A_302 = tpu.memref_slice %arg10[%dma_wait3A_299, %dma_wait3A_300, %dma_wait3A_301] : memref<4x80x128xf32, #tpu.memory_space<vmem>> -> memref<1x80x128xf32, #tpu.memory_space<vmem>>
    %dma_wait3A_303 = tpu.memref_squeeze %dma_wait3A_302 : memref<1x80x128xf32, #tpu.memory_space<vmem>> -> memref<80x128xf32, #tpu.memory_space<vmem>>
    %dma_wait3A_304 = arith.constant 0 : i32
    %dma_wait3A_305 = arith.constant 0 : i32
    %dma_wait3A_306 = tpu.memref_slice %arg5[%dma_wait3A_304, %dma_wait3A_305] : memref<10000x128xf32, #tpu.memory_space<hbm>> -> memref<80x128xf32, #tpu.memory_space<hbm>>
    %dma_wait3A_307 = arith.constant 0 : i32
    %dma_wait3A_308 = arith.constant 0 : i32
    %dma_wait3A_309 = tpu.memref_slice %arg10[%dma_wait3A_299, %dma_wait3A_307, %dma_wait3A_308] : memref<4x80x128xf32, #tpu.memory_space<vmem>> -> memref<1x80x128xf32, #tpu.memory_space<vmem>>
    %dma_wait3A_310 = tpu.memref_squeeze %dma_wait3A_309 : memref<1x80x128xf32, #tpu.memory_space<vmem>> -> memref<80x128xf32, #tpu.memory_space<vmem>>
    %dma_wait3A_311 = arith.constant 0 : i32
    %dma_wait3A_312 = arith.constant 0 : i32
    %dma_wait3A_313 = tpu.memref_slice %arg5[%dma_wait3A_311, %dma_wait3A_312] : memref<10000x128xf32, #tpu.memory_space<hbm>> -> memref<80x128xf32, #tpu.memory_space<hbm>>
    tpu.wait_dma2 semaphore(%arg13 : memref<!tpu.dma_semaphore, #tpu.memory_space<semaphore_mem>>) src(%dma_wait3A_313 : memref<80x128xf32, #tpu.memory_space<hbm>>) dst(%dma_wait3A_310 : memref<80x128xf32, #tpu.memory_space<vmem>>)
    %dma_wait3A_314 = arith.constant 0 : i32
    %dma_wait3A_315 = arith.constant 0 : i32
    %dma_wait3A_316 = arith.constant 0 : i32
    %dma_wait3A_317 = tpu.memref_slice %arg10[%dma_wait3A_314, %dma_wait3A_315, %dma_wait3A_316] : memref<4x80x128xf32, #tpu.memory_space<vmem>> -> memref<1x80x128xf32, #tpu.memory_space<vmem>>
    %dma_wait3A_318 = tpu.memref_squeeze %dma_wait3A_317 : memref<1x80x128xf32, #tpu.memory_space<vmem>> -> memref<80x128xf32, #tpu.memory_space<vmem>>
    %dma_wait3A_319 = arith.constant 0 : i32
    %dma_wait3A_320 = arith.constant 0 : i32
    %dma_wait3A_321 = tpu.memref_slice %arg5[%dma_wait3A_319, %dma_wait3A_320] : memref<10000x128xf32, #tpu.memory_space<hbm>> -> memref<80x128xf32, #tpu.memory_space<hbm>>
    %dma_wait3A_322 = arith.constant 0 : i32
    %dma_wait3A_323 = arith.constant 0 : i32
    %dma_wait3A_324 = tpu.memref_slice %arg10[%dma_wait3A_314, %dma_wait3A_322, %dma_wait3A_323] : memref<4x80x128xf32, #tpu.memory_space<vmem>> -> memref<1x80x128xf32, #tpu.memory_space<vmem>>
    %dma_wait3A_325 = tpu.memref_squeeze %dma_wait3A_324 : memref<1x80x128xf32, #tpu.memory_space<vmem>> -> memref<80x128xf32, #tpu.memory_space<vmem>>
    %dma_wait3A_326 = arith.constant 0 : i32
    %dma_wait3A_327 = arith.constant 0 : i32
    %dma_wait3A_328 = tpu.memref_slice %arg5[%dma_wait3A_326, %dma_wait3A_327] : memref<10000x128xf32, #tpu.memory_space<hbm>> -> memref<80x128xf32, #tpu.memory_space<hbm>>
    tpu.wait_dma2 semaphore(%arg13 : memref<!tpu.dma_semaphore, #tpu.memory_space<semaphore_mem>>) src(%dma_wait3A_328 : memref<80x128xf32, #tpu.memory_space<hbm>>) dst(%dma_wait3A_325 : memref<80x128xf32, #tpu.memory_space<vmem>>)
    %barrier3A_329 = arith.constant 0 : index
    tpu.barrier barrier_id(%barrier3A_329)
    "tpu.region"() ({
      %run_scoped3A_330 = tpu.sem_alloc : memref<!tpu.dma_semaphore, #tpu.memory_space<semaphore_mem>>
      %dma_start3A_331 = arith.constant 0 : i32
      %dma_start3A_332 = arith.constant 0 : i32
      %dma_start3A_333 = tpu.memref_slice %arg6[%arg0, %dma_start3A_331, %dma_start3A_332] : memref<2x10000x128xf32, #tpu.memory_space<hbm>> -> memref<1x10000x128xf32, #tpu.memory_space<hbm>>
      %dma_start3A_334 = tpu.memref_squeeze %dma_start3A_333 : memref<1x10000x128xf32, #tpu.memory_space<hbm>> -> memref<10000x128xf32, #tpu.memory_space<hbm>>
      %dma_start3A_335 = arith.constant 0 : i32
      %dma_start3A_336 = tpu.memref_slice %dma_start3A_334[%mul3A_12, %dma_start3A_335] : memref<10000x128xf32, #tpu.memory_space<hbm>> -> memref<625x128xf32, #tpu.memory_space<hbm>>
      %dma_start3A_337 = arith.constant 0 : i32
      %dma_start3A_338 = tpu.memref_slice %arg11[%mul3A_12, %dma_start3A_337] : memref<10000x128xf32, #tpu.memory_space<vmem_shared>> -> memref<625x128xf32, #tpu.memory_space<vmem_shared>>
      tpu.enqueue_dma source(%dma_start3A_338 : memref<625x128xf32, #tpu.memory_space<vmem_shared>>) target(%dma_start3A_336 : memref<625x128xf32, #tpu.memory_space<hbm>>) target_semaphore(%run_scoped3A_330 : memref<!tpu.dma_semaphore, #tpu.memory_space<semaphore_mem>>)
      %dma_wait3A_339 = arith.constant 0 : i32
      %dma_wait3A_340 = arith.constant 0 : i32
      %dma_wait3A_341 = tpu.memref_slice %arg6[%arg0, %dma_wait3A_339, %dma_wait3A_340] : memref<2x10000x128xf32, #tpu.memory_space<hbm>> -> memref<1x10000x128xf32, #tpu.memory_space<hbm>>
      %dma_wait3A_342 = tpu.memref_squeeze %dma_wait3A_341 : memref<1x10000x128xf32, #tpu.memory_space<hbm>> -> memref<10000x128xf32, #tpu.memory_space<hbm>>
      %dma_wait3A_343 = arith.constant 0 : i32
      %dma_wait3A_344 = tpu.memref_slice %dma_wait3A_342[%mul3A_12, %dma_wait3A_343] : memref<10000x128xf32, #tpu.memory_space<hbm>> -> memref<625x128xf32, #tpu.memory_space<hbm>>
      %dma_wait3A_345 = arith.constant 0 : i32
      %dma_wait3A_346 = tpu.memref_slice %arg11[%mul3A_12, %dma_wait3A_345] : memref<10000x128xf32, #tpu.memory_space<vmem_shared>> -> memref<625x128xf32, #tpu.memory_space<vmem_shared>>
      tpu.wait_dma2 semaphore(%run_scoped3A_330 : memref<!tpu.dma_semaphore, #tpu.memory_space<semaphore_mem>>) src(%dma_wait3A_346 : memref<625x128xf32, #tpu.memory_space<vmem_shared>>) dst(%dma_wait3A_344 : memref<625x128xf32, #tpu.memory_space<hbm>>)
      tpu.yield
    }) : () -> ()
    return
  }
}

module attributes {stable_mosaic.version = 14 : i64} {
  func.func @_proj_body(%arg0: i32, %arg1: memref<1000x128xf32, #tpu.memory_space<vmem>>, %arg2: memref<128x128xf32, #tpu.memory_space<vmem>>, %arg3: memref<1x128xf32, #tpu.memory_space<vmem>>, %arg4: memref<128x128xf32, #tpu.memory_space<vmem>>, %arg5: memref<128x128xf32, #tpu.memory_space<vmem>>, %arg6: memref<1x128xf32, #tpu.memory_space<vmem>>, %arg7: memref<1x128xf32, #tpu.memory_space<vmem>>, %arg8: memref<128x2xf32, #tpu.memory_space<vmem>>, %arg9: memref<1000x128xf32, #tpu.memory_space<vmem>>, %arg10: memref<1000x128xf32, #tpu.memory_space<vmem>>, %arg11: memref<1000x1xf32, #tpu.memory_space<vmem>>, %arg12: memref<1000x1xf32, #tpu.memory_space<vmem>>, %arg13: memref<1000x1xf32, #tpu.memory_space<vmem>>) attributes {dimension_semantics = [#tpu.dimension_semantics<arbitrary>], iteration_bounds = array<i64: 10>, scalar_prefetch = 0 : i64, scratch_operands = 0 : i64, tpu.core_type = #tpu.core_type<tc>, window_params = [{transform_indices = @transform_0, window_bounds = array<i64: 1000, 128>}, {pipeline_mode = #tpu.pipeline_mode<synchronous>, transform_indices = @transform_1, window_bounds = array<i64: 128, 128>}, {pipeline_mode = #tpu.pipeline_mode<synchronous>, transform_indices = @transform_2, window_bounds = array<i64: 1, 128>}, {pipeline_mode = #tpu.pipeline_mode<synchronous>, transform_indices = @transform_3, window_bounds = array<i64: 128, 128>}, {pipeline_mode = #tpu.pipeline_mode<synchronous>, transform_indices = @transform_4, window_bounds = array<i64: 128, 128>}, {pipeline_mode = #tpu.pipeline_mode<synchronous>, transform_indices = @transform_5, window_bounds = array<i64: 1, 128>}, {pipeline_mode = #tpu.pipeline_mode<synchronous>, transform_indices = @transform_6, window_bounds = array<i64: 1, 128>}, {pipeline_mode = #tpu.pipeline_mode<synchronous>, transform_indices = @transform_7, window_bounds = array<i64: 128, 2>}, {transform_indices = @transform_8, window_bounds = array<i64: 1000, 128>}, {transform_indices = @transform_9, window_bounds = array<i64: 1000, 128>}, {transform_indices = @transform_10, window_bounds = array<i64: 1000, 1>}, {transform_indices = @transform_11, window_bounds = array<i64: 1000, 1>}, {transform_indices = @transform_12, window_bounds = array<i64: 1000, 1>}]} {
    %get3A = arith.constant 0 : index
    %get3A_0 = arith.constant 0 : index
    %get3A_1 = vector.load %arg1[%get3A, %get3A_0] : memref<1000x128xf32, #tpu.memory_space<vmem>>, vector<1000x128xf32>
    %get3A_2 = arith.constant 0 : index
    %get3A_3 = arith.constant 0 : index
    %get3A_4 = vector.load %arg2[%get3A_2, %get3A_3] : memref<128x128xf32, #tpu.memory_space<vmem>>, vector<128x128xf32>
    %dot_general3A = arith.constant dense<0.000000e+00> : vector<1000x128xf32>
    %dot_general3A_5 = tpu.matmul %get3A_1, %get3A_4, %dot_general3A {dimension_numbers = #tpu.dot_dimension_numbers<[1], [0], [0], [1], [0, 0, 1, 1], [], []>, transpose_lhs_hint = false} : vector<1000x128xf32>, vector<128x128xf32>, vector<1000x128xf32> -> vector<1000x128xf32>
    %get3A_6 = arith.constant 0 : index
    %get3A_7 = arith.constant 0 : index
    %get3A_8 = vector.load %arg3[%get3A_6, %get3A_7] : memref<1x128xf32, #tpu.memory_space<vmem>>, vector<1x128xf32>
    %add3A = vector.broadcast %get3A_8 : vector<1x128xf32> to vector<1000x128xf32>
    %add3A_9 = arith.addf %dot_general3A_5, %add3A : vector<1000x128xf32>
    %get3A_10 = arith.constant 0 : index
    %get3A_11 = arith.constant 0 : index
    %get3A_12 = vector.load %arg4[%get3A_10, %get3A_11] : memref<128x128xf32, #tpu.memory_space<vmem>>, vector<128x128xf32>
    %dot_general3A_13 = arith.constant dense<0.000000e+00> : vector<1000x128xf32>
    %dot_general3A_14 = tpu.matmul %add3A_9, %get3A_12, %dot_general3A_13 {dimension_numbers = #tpu.dot_dimension_numbers<[1], [0], [0], [1], [0, 0, 1, 1], [], []>, transpose_lhs_hint = false} : vector<1000x128xf32>, vector<128x128xf32>, vector<1000x128xf32> -> vector<1000x128xf32>
    %get3A_15 = arith.constant 0 : index
    %get3A_16 = arith.constant 0 : index
    %get3A_17 = vector.load %arg5[%get3A_15, %get3A_16] : memref<128x128xf32, #tpu.memory_space<vmem>>, vector<128x128xf32>
    %dot_general3A_18 = arith.constant dense<0.000000e+00> : vector<1000x128xf32>
    %dot_general3A_19 = tpu.matmul %add3A_9, %get3A_17, %dot_general3A_18 {dimension_numbers = #tpu.dot_dimension_numbers<[1], [0], [0], [1], [0, 0, 1, 1], [], []>, transpose_lhs_hint = false} : vector<1000x128xf32>, vector<128x128xf32>, vector<1000x128xf32> -> vector<1000x128xf32>
    %swap3A = arith.constant 0 : index
    %swap3A_20 = arith.constant 0 : index
    %swap3A_21 = vector.load %arg9[%swap3A, %swap3A_20] : memref<1000x128xf32, #tpu.memory_space<vmem>>, vector<1000x128xf32>
    tpu.vector_store %arg9[%swap3A, %swap3A_20], %dot_general3A_14 {strides = array<i32>} : memref<1000x128xf32, #tpu.memory_space<vmem>>, vector<1000x128xf32>,
    %swap3A_22 = arith.constant 0 : index
    %swap3A_23 = arith.constant 0 : index
    %swap3A_24 = vector.load %arg10[%swap3A_22, %swap3A_23] : memref<1000x128xf32, #tpu.memory_space<vmem>>, vector<1000x128xf32>
    tpu.vector_store %arg10[%swap3A_22, %swap3A_23], %dot_general3A_19 {strides = array<i32>} : memref<1000x128xf32, #tpu.memory_space<vmem>>, vector<1000x128xf32>,
    %get3A_25 = arith.constant 0 : index
    %get3A_26 = arith.constant 0 : index
    %get3A_27 = vector.load %arg6[%get3A_25, %get3A_26] : memref<1x128xf32, #tpu.memory_space<vmem>>, vector<1x128xf32>
    %mul3A = vector.broadcast %get3A_27 : vector<1x128xf32> to vector<1000x128xf32>
    %mul3A_28 = arith.mulf %dot_general3A_14, %mul3A : vector<1000x128xf32>
    %reduce_sum3A = arith.constant dense<0.000000e+00> : vector<1000xf32>
    %reduce_sum3A_29 = vector.multi_reduction <add>, %mul3A_28, %reduce_sum3A [1] : vector<1000x128xf32> to vector<1000xf32>
    %broadcast_in_dim3A = vector.shape_cast %reduce_sum3A_29 : vector<1000xf32> to vector<1000x1xf32>
    %swap3A_30 = arith.constant 0 : index
    %swap3A_31 = arith.constant 0 : index
    %swap3A_32 = vector.load %arg11[%swap3A_30, %swap3A_31] : memref<1000x1xf32, #tpu.memory_space<vmem>>, vector<1000x1xf32>
    tpu.vector_store %arg11[%swap3A_30, %swap3A_31], %broadcast_in_dim3A {strides = array<i32>} : memref<1000x1xf32, #tpu.memory_space<vmem>>, vector<1000x1xf32>,
    %get3A_33 = arith.constant 0 : index
    %get3A_34 = arith.constant 0 : index
    %get3A_35 = vector.load %arg7[%get3A_33, %get3A_34] : memref<1x128xf32, #tpu.memory_space<vmem>>, vector<1x128xf32>
    %mul3A_36 = vector.broadcast %get3A_35 : vector<1x128xf32> to vector<1000x128xf32>
    %mul3A_37 = arith.mulf %dot_general3A_19, %mul3A_36 : vector<1000x128xf32>
    %reduce_sum3A_38 = arith.constant dense<0.000000e+00> : vector<1000xf32>
    %reduce_sum3A_39 = vector.multi_reduction <add>, %mul3A_37, %reduce_sum3A_38 [1] : vector<1000x128xf32> to vector<1000xf32>
    %broadcast_in_dim3A_40 = vector.shape_cast %reduce_sum3A_39 : vector<1000xf32> to vector<1000x1xf32>
    %swap3A_41 = arith.constant 0 : index
    %swap3A_42 = arith.constant 0 : index
    %swap3A_43 = vector.load %arg12[%swap3A_41, %swap3A_42] : memref<1000x1xf32, #tpu.memory_space<vmem>>, vector<1000x1xf32>
    tpu.vector_store %arg12[%swap3A_41, %swap3A_42], %broadcast_in_dim3A_40 {strides = array<i32>} : memref<1000x1xf32, #tpu.memory_space<vmem>>, vector<1000x1xf32>,
    %get3A_44 = arith.constant 0 : index
    %get3A_45 = arith.constant 0 : index
    %get3A_46 = vector.load %arg8[%get3A_44, %get3A_45] : memref<128x2xf32, #tpu.memory_space<vmem>>, vector<128x2xf32>
    %dot_general3A_47 = arith.constant dense<0.000000e+00> : vector<1000x2xf32>
    %dot_general3A_48 = tpu.matmul %add3A_9, %get3A_46, %dot_general3A_47 {dimension_numbers = #tpu.dot_dimension_numbers<[1], [0], [0], [1], [0, 0, 1, 1], [], []>, transpose_lhs_hint = false} : vector<1000x128xf32>, vector<128x2xf32>, vector<1000x2xf32> -> vector<1000x2xf32>
    %slice3A = vector.extract_strided_slice %dot_general3A_48 {offsets = [0, 0], sizes = [1000, 1], strides = [1, 1]} : vector<1000x2xf32> to vector<1000x1xf32>
    %slice3A_49 = vector.extract_strided_slice %dot_general3A_48 {offsets = [0, 1], sizes = [1000, 1], strides = [1, 1]} : vector<1000x2xf32> to vector<1000x1xf32>
    %sub3A = arith.subf %slice3A, %slice3A_49 : vector<1000x1xf32>
    %swap3A_50 = arith.constant 0 : index
    %swap3A_51 = arith.constant 0 : index
    %swap3A_52 = vector.load %arg13[%swap3A_50, %swap3A_51] : memref<1000x1xf32, #tpu.memory_space<vmem>>, vector<1000x1xf32>
    tpu.vector_store %arg13[%swap3A_50, %swap3A_51], %sub3A {strides = array<i32>} : memref<1000x1xf32, #tpu.memory_space<vmem>>, vector<1000x1xf32>,
    return
  }
  func.func @transform_0(%arg0: i32) -> (i32, i32) {
    %c0_i32 = arith.constant 0 : i32
    %c0_i32_0 = arith.constant 0 : i32
    return %arg0, %c0_i32 : i32, i32
  }
  func.func @transform_1(%arg0: i32) -> (i32, i32) {
    %c0_i32 = arith.constant 0 : i32
    %c0_i32_0 = arith.constant 0 : i32
    %c0_i32_1 = arith.constant 0 : i32
    return %c0_i32, %c0_i32_0 : i32, i32
  }
  func.func @transform_2(%arg0: i32) -> (i32, i32) {
    %c0_i32 = arith.constant 0 : i32
    %c0_i32_0 = arith.constant 0 : i32
    %c0_i32_1 = arith.constant 0 : i32
    return %c0_i32, %c0_i32_0 : i32, i32
  }
  func.func @transform_3(%arg0: i32) -> (i32, i32) {
    %c0_i32 = arith.constant 0 : i32
    %c0_i32_0 = arith.constant 0 : i32
    %c0_i32_1 = arith.constant 0 : i32
    return %c0_i32, %c0_i32_0 : i32, i32
  }
  func.func @transform_4(%arg0: i32) -> (i32, i32) {
    %c0_i32 = arith.constant 0 : i32
    %c0_i32_0 = arith.constant 0 : i32
    %c0_i32_1 = arith.constant 0 : i32
    return %c0_i32, %c0_i32_0 : i32, i32
  }
  func.func @transform_5(%arg0: i32) -> (i32, i32) {
    %c0_i32 = arith.constant 0 : i32
    %c0_i32_0 = arith.constant 0 : i32
    %c0_i32_1 = arith.constant 0 : i32
    return %c0_i32, %c0_i32_0 : i32, i32
  }
  func.func @transform_6(%arg0: i32) -> (i32, i32) {
    %c0_i32 = arith.constant 0 : i32
    %c0_i32_0 = arith.constant 0 : i32
    %c0_i32_1 = arith.constant 0 : i32
    return %c0_i32, %c0_i32_0 : i32, i32
  }
  func.func @transform_7(%arg0: i32) -> (i32, i32) {
    %c0_i32 = arith.constant 0 : i32
    %c0_i32_0 = arith.constant 0 : i32
    %c0_i32_1 = arith.constant 0 : i32
    return %c0_i32, %c0_i32_0 : i32, i32
  }
  func.func @transform_8(%arg0: i32) -> (i32, i32) {
    %c0_i32 = arith.constant 0 : i32
    %c0_i32_0 = arith.constant 0 : i32
    return %arg0, %c0_i32 : i32, i32
  }
  func.func @transform_9(%arg0: i32) -> (i32, i32) {
    %c0_i32 = arith.constant 0 : i32
    %c0_i32_0 = arith.constant 0 : i32
    return %arg0, %c0_i32 : i32, i32
  }
  func.func @transform_10(%arg0: i32) -> (i32, i32) {
    %c0_i32 = arith.constant 0 : i32
    %c0_i32_0 = arith.constant 0 : i32
    return %arg0, %c0_i32 : i32, i32
  }
  func.func @transform_11(%arg0: i32) -> (i32, i32) {
    %c0_i32 = arith.constant 0 : i32
    %c0_i32_0 = arith.constant 0 : i32
    return %arg0, %c0_i32 : i32, i32
  }
  func.func @transform_12(%arg0: i32) -> (i32, i32) {
    %c0_i32 = arith.constant 0 : i32
    %c0_i32_0 = arith.constant 0 : i32
    return %arg0, %c0_i32 : i32, i32
  }
}

module attributes {stable_mosaic.version = 14 : i64} {
  func.func @_comb_body(%arg0: i32, %arg1: memref<2x1000x128xf32, #tpu.memory_space<vmem>>, %arg2: memref<2x1000x1xf32, #tpu.memory_space<vmem>>, %arg3: memref<1000x1xf32, #tpu.memory_space<vmem>>, %arg4: memref<1000x128xf32, #tpu.memory_space<vmem>>, %arg5: memref<1000x128xf32, #tpu.memory_space<vmem>>) attributes {dimension_semantics = [#tpu.dimension_semantics<arbitrary>], iteration_bounds = array<i64: 10>, scalar_prefetch = 0 : i64, scratch_operands = 0 : i64, tpu.core_type = #tpu.core_type<tc>, window_params = [{transform_indices = @transform_0, window_bounds = array<i64: 2, 1000, 128>}, {transform_indices = @transform_1, window_bounds = array<i64: 2, 1000, 1>}, {transform_indices = @transform_2, window_bounds = array<i64: 1000, 1>}, {transform_indices = @transform_3, window_bounds = array<i64: 1000, 128>}, {transform_indices = @transform_4, window_bounds = array<i64: 1000, 128>}]} {
    %get3A = arith.constant 0 : index
    %get3A_0 = arith.constant 0 : index
    %get3A_1 = arith.constant 0 : index
    %get3A_2 = vector.load %arg1[%get3A, %get3A_0, %get3A_1] : memref<2x1000x128xf32, #tpu.memory_space<vmem>>, vector<1x1000x128xf32>
    %get3A_3 = vector.shape_cast %get3A_2 : vector<1x1000x128xf32> to vector<1000x128xf32>
    %get3A_4 = arith.constant 1 : index
    %get3A_5 = arith.constant 0 : index
    %get3A_6 = arith.constant 0 : index
    %get3A_7 = vector.load %arg1[%get3A_4, %get3A_5, %get3A_6] : memref<2x1000x128xf32, #tpu.memory_space<vmem>>, vector<1x1000x128xf32>
    %get3A_8 = vector.shape_cast %get3A_7 : vector<1x1000x128xf32> to vector<1000x128xf32>
    %add3A = arith.addf %get3A_3, %get3A_8 : vector<1000x128xf32>
    %get3A_9 = arith.constant 0 : index
    %get3A_10 = arith.constant 0 : index
    %get3A_11 = arith.constant 0 : index
    %get3A_12 = vector.load %arg2[%get3A_9, %get3A_10, %get3A_11] : memref<2x1000x1xf32, #tpu.memory_space<vmem>>, vector<1x1000x1xf32>
    %get3A_13 = vector.shape_cast %get3A_12 : vector<1x1000x1xf32> to vector<1000x1xf32>
    %get3A_14 = arith.constant 1 : index
    %get3A_15 = arith.constant 0 : index
    %get3A_16 = arith.constant 0 : index
    %get3A_17 = vector.load %arg2[%get3A_14, %get3A_15, %get3A_16] : memref<2x1000x1xf32, #tpu.memory_space<vmem>>, vector<1x1000x1xf32>
    %get3A_18 = vector.shape_cast %get3A_17 : vector<1x1000x1xf32> to vector<1000x1xf32>
    %add3A_19 = arith.addf %get3A_13, %get3A_18 : vector<1000x1xf32>
    %add3A_20 = arith.constant 1.000000e-16 : f32
    %add3A_21 = vector.broadcast %add3A_20 : f32 to vector<1000x1xf32>
    %add3A_22 = arith.addf %add3A_19, %add3A_21 : vector<1000x1xf32>
    %get3A_23 = arith.constant 0 : index
    %get3A_24 = arith.constant 0 : index
    %get3A_25 = vector.load %arg3[%get3A_23, %get3A_24] : memref<1000x1xf32, #tpu.memory_space<vmem>>, vector<1000x1xf32>
    %logistic3A = arith.negf %get3A_25 : vector<1000x1xf32>
    %logistic3A_26 = math.exp %logistic3A : vector<1000x1xf32>
    %logistic3A_27 = arith.constant 1.000000e+00 : f32
    %logistic3A_28 = vector.broadcast %logistic3A_27 : f32 to vector<1000x1xf32>
    %logistic3A_29 = arith.addf %logistic3A_28, %logistic3A_26 : vector<1000x1xf32>
    %logistic3A_30 = arith.divf %logistic3A_28, %logistic3A_29 : vector<1000x1xf32>
    %div3A = vector.broadcast %add3A_22 : vector<1000x1xf32> to vector<1000x128xf32>
    %div3A_31 = arith.divf %add3A, %div3A : vector<1000x128xf32>
    %mul3A = vector.broadcast %logistic3A_30 : vector<1000x1xf32> to vector<1000x128xf32>
    %mul3A_32 = arith.mulf %mul3A, %div3A_31 : vector<1000x128xf32>
    %sub3A = arith.constant 1.000000e+00 : f32
    %sub3A_33 = vector.broadcast %sub3A : f32 to vector<1000x1xf32>
    %sub3A_34 = arith.subf %sub3A_33, %logistic3A_30 : vector<1000x1xf32>
    %get3A_35 = arith.constant 0 : index
    %get3A_36 = arith.constant 0 : index
    %get3A_37 = vector.load %arg4[%get3A_35, %get3A_36] : memref<1000x128xf32, #tpu.memory_space<vmem>>, vector<1000x128xf32>
    %mul3A_38 = vector.broadcast %sub3A_34 : vector<1000x1xf32> to vector<1000x128xf32>
    %mul3A_39 = arith.mulf %mul3A_38, %get3A_37 : vector<1000x128xf32>
    %add3A_40 = arith.addf %mul3A_32, %mul3A_39 : vector<1000x128xf32>
    %max3A = arith.constant 0.000000e+00 : f32
    %max3A_41 = vector.broadcast %max3A : f32 to vector<1000x128xf32>
    %max3A_42 = arith.maximumf %add3A_40, %max3A_41 : vector<1000x128xf32>
    %swap3A = arith.constant 0 : index
    %swap3A_43 = arith.constant 0 : index
    %swap3A_44 = vector.load %arg5[%swap3A, %swap3A_43] : memref<1000x128xf32, #tpu.memory_space<vmem>>, vector<1000x128xf32>
    tpu.vector_store %arg5[%swap3A, %swap3A_43], %max3A_42 {strides = array<i32>} : memref<1000x128xf32, #tpu.memory_space<vmem>>, vector<1000x128xf32>,
    return
  }
  func.func @transform_0(%arg0: i32) -> (i32, i32, i32) {
    %c0_i32 = arith.constant 0 : i32
    %c0_i32_0 = arith.constant 0 : i32
    %c0_i32_1 = arith.constant 0 : i32
    return %c0_i32, %arg0, %c0_i32_0 : i32, i32, i32
  }
  func.func @transform_1(%arg0: i32) -> (i32, i32, i32) {
    %c0_i32 = arith.constant 0 : i32
    %c0_i32_0 = arith.constant 0 : i32
    %c0_i32_1 = arith.constant 0 : i32
    return %c0_i32, %arg0, %c0_i32_0 : i32, i32, i32
  }
  func.func @transform_2(%arg0: i32) -> (i32, i32) {
    %c0_i32 = arith.constant 0 : i32
    %c0_i32_0 = arith.constant 0 : i32
    return %arg0, %c0_i32 : i32, i32
  }
  func.func @transform_3(%arg0: i32) -> (i32, i32) {
    %c0_i32 = arith.constant 0 : i32
    %c0_i32_0 = arith.constant 0 : i32
    return %arg0, %c0_i32 : i32, i32
  }
  func.func @transform_4(%arg0: i32) -> (i32, i32) {
    %c0_i32 = arith.constant 0 : i32
    %c0_i32_0 = arith.constant 0 : i32
    return %arg0, %c0_i32 : i32, i32
  }
}

</mosaic_0001>

<sc_bundles>
// kernel: kernel.6.cloned.1.call-start
scs
__scs_entry_jumppad:
0x0: {  	(pc) =	sbr.rel $0x88, $3  }
0x1: {  	(tag) =	ssettag $0x0;
	lr =	simm.s32 $0x1  }
0x2: {  	[smem:$0x3F98] =	sst lr;
	_ =	strace $0xD0000000  }
0x3: {  	_ = 	snop  }
0x4: {  	_ = 	snop  }
0x5: {  	_ = 	snop  }
0x6: {  	_ = 	snop  }
0x7: {  	_ = 	snop  }
__scs_overlays_trampoline_lowered:
0x8: {  	[smem:$0x3FA7] =	sst s0  }
0x9: {  	[smem:$0x3FA8] =	sst s1  }
0xa: {  	[smem:$0x3FA9] =	sst s2  }
0xb: {  	[smem:$0x3FAA] =	sst s3  }
0xc: {  	[smem:$0x3FAB] =	sst s4  }
0xd: {  	[smem:$0x3FAC] =	sst s5  }
0xe: {  	[smem:$0x3FAD] =	sst s6  }
0xf: {  	[smem:$0x3FAE] =	sst s7  }
0x10: {  	[smem:$0x3FAF] =	sst s8  }
0x11: {  	[smem:$0x3FB0] =	sst s9;
	s0 =	simm.s32 @!p0 $0x0  }
0x12: {  	s1 =	sld [smem:$0x3F96];
	s0 =	simm.s32 @p0 $0x1  }
0x13: {  	[smem:$0x3FB1] =	sst s0;
	s0 =	simm.s32 @!p1 $0x0  }
0x14: {  	s2 =	sld [smem:$0x3F95];
	s0 =	simm.s32 @p1 $0x1  }
0x15: {  	[smem:$0x3FB2] =	sst s0;
	s0 =	simm.s32 @!p2 $0x0  }
0x16: {  	s3 =	sld [smem:$0x3FDB];
	s0 =	simm.s32 @p2 $0x1  }
0x17: {  	s4 =	simm.s32 $0x1BF5;
	[smem:$0x3FB4] =	sst s0  }
0x18: {  	s0 =	sld [smem:$0x3F97];
	_ =	swait.ge [sflag:s4], $0x0  }
0x19: {  	s7 =	sld [smem:$0x3F98]  }
0x1a: {  	s8 =	sadd.s32 $0xFFFFE003, lr  }
0x1b: {  	s9 =	sadd.s32 $0xFFFFFEF7, lr;
	s5 =	simm.s32 $0xFFFFFFFF;
	p2 =	slt.u32 s8, $0xFFFFF086  }
0x1c: {  	p1 =	slt.u32 s9, $0xF7A;
	s5 =	simm.s32 @!p2 $0x0  }
0x1d: {  	s5 =	simm.s32 @p1 $0x1;
	p0 =	seq.s32 s7, s2  }
0x1e: {  	s7 =	smul.u32 @!p0 $0xF7A, s2;
	p2 =	seq.s32 @!p0 s5, $0x0  }
0x1f: {  	s9 =	smul.u32 $0xF7A, s1;
	s8 =	simm.s32 @!p0 $0x1BF5;
	p2 =	por !p2, p0  }
0x20: {  	[sflag:s8] =	ssyncset.s32 @!p0 $0xFFFFF086;
	s6 =	sadd.s32 @!p0 s3, s7;
	s7 =	simm.s32 @!p0 $0x108  }
0x21: {  	s3 =	sadd.s32 s3, s9;
	s6 =	sadd.s32 @!p0 $0x88, s6;
	s7 =	simm.s32 @p2 $0x1082  }
0x22: {  	[simem:s7], [sflag:s8] =	dma.local @!p0 [hbm:s6], $0xF7A  }
0x23: {  	s9 =	sor.u32 $0xD0000000, s2;
	s6 =	simm.s32 $0x108;
	_ =	swait.ge @!p0 [sflag:s8], $0x0  }
0x24: {  	s3 =	sadd.s32 $0x88, s3;
	s6 =	simm.s32 @!p1 $0x1082;
	[sflag:s4] =	ssyncset.s32 $0xFFFFF086  }
0x25: {  	[simem:s6], [sflag:s4] =	dma.local [hbm:s3], $0xF7A  }
0x26: {  	[smem:$0x3F98] =	sst s1;
	(tag) =	ssettag s2;
	_ =	strace s9  }
0x27: {  	s1 =	sld [smem:$0x3FA8]  }
0x28: {  	s2 =	sld [smem:$0x3FA9]  }
0x29: {  	s4 =	sld [smem:$0x3FAB]  }
0x2a: {  	p0 =	seq.s32 s5, $0x0;
	s5 =	sld [smem:$0x3FAC]  }
0x2b: {  	s6 =	sld [smem:$0x3FAD]  }
0x2c: {  	s7 =	sld [smem:$0x3FAE]  }
0x2d: {  	s3 =	simm.s32 $0x108;
	s8 =	sld [smem:$0x3FAF]  }
0x2e: {  	s3 =	simm.s32 @!p0 $0x1082;
	s9 =	sld [smem:$0x3FB0]  }
0x2f: {  	lr =	sadd.s32 s0, s3;
	s0 =	sld [smem:$0x3FA7]  }
0x30: {  	s3 =	sld [smem:$0x3FAA]  }
0x31: {  	[smem:$0x3FB3] =	sst s10  }
0x32: {  	s10 =	sld [smem:$0x3FB1];
	_ =	sdelay $0x3  }
0x33: {  	p0 =	seq.s32 s10, $0x1;
	s10 =	sld [smem:$0x3FB3];
	_ =	sdelay $0x3  }
0x34: {  	[smem:$0x3FB3] =	sst s10  }
0x35: {  	s10 =	sld [smem:$0x3FB2];
	_ =	sdelay $0x3  }
0x36: {  	p1 =	seq.s32 s10, $0x1;
	s10 =	sld [smem:$0x3FB3];
	_ =	sdelay $0x3  }
0x37: {  	[smem:$0x3FB3] =	sst s10  }
0x38: {  	s10 =	sld [smem:$0x3FB4]  }
0x39: {  	_ = 	snop;
	(pc) =	sbr.ind lr, $3  }
0x3a: {  	_ = 	snop  }
0x3b: {  	_ = 	snop  }
0x3c: {  	p2 =	seq.s32 s10, $0x1;
	s10 =	sld [smem:$0x3FB3]  }
0x3d: {  	_ =	shalt  }
0x3e: {  	_ =	shalt  }
0x3f: {  	_ =	shalt  }
0x40: {  	_ =	shalt  }
0x41: {  	_ =	shalt  }
0x42: {  	_ =	shalt  }
0x43: {  	_ =	shalt  }
0x44: {  	_ =	shalt  }
0x45: {  	_ =	shalt  }
0x46: {  	_ =	shalt  }
0x47: {  	_ =	shalt  }
0x48: {  	_ =	shalt  }
0x49: {  	_ =	shalt  }
0x4a: {  	_ =	shalt  }
0x4b: {  	_ =	shalt  }
0x4c: {  	_ =	shalt  }
0x4d: {  	_ =	shalt  }
0x4e: {  	_ =	shalt  }
0x4f: {  	_ =	shalt  }
0x50: {  	_ =	shalt  }
0x51: {  	_ =	shalt  }
0x52: {  	_ =	shalt  }
0x53: {  	_ =	shalt  }
0x54: {  	_ =	shalt  }
0x55: {  	_ =	shalt  }
0x56: {  	_ =	shalt  }
0x57: {  	_ =	shalt  }
0x58: {  	_ =	shalt  }
0x59: {  	_ =	shalt  }
0x5a: {  	_ =	shalt  }
0x5b: {  	_ =	shalt  }
0x5c: {  	_ =	shalt  }
0x5d: {  	_ =	shalt  }
0x5e: {  	_ =	shalt  }
0x5f: {  	_ =	shalt  }
0x60: {  	_ =	shalt  }
0x61: {  	_ =	shalt  }
0x62: {  	_ =	shalt  }
0x63: {  	_ =	shalt  }
0x64: {  	_ =	shalt  }
0x65: {  	_ =	shalt  }
0x66: {  	_ =	shalt  }
0x67: {  	_ =	shalt  }
0x68: {  	_ =	shalt  }
0x69: {  	_ =	shalt  }
0x6a: {  	_ =	shalt  }
0x6b: {  	_ =	shalt  }
0x6c: {  	_ =	shalt  }
0x6d: {  	_ =	shalt  }
0x6e: {  	_ =	shalt  }
0x6f: {  	_ =	shalt  }
0x70: {  	_ =	shalt  }
0x71: {  	_ =	shalt  }
0x72: {  	_ =	shalt  }
0x73: {  	_ =	shalt  }
0x74: {  	_ =	shalt  }
0x75: {  	_ =	shalt  }
0x76: {  	_ =	shalt  }
0x77: {  	_ =	shalt  }
0x78: {  	_ =	shalt  }
0x79: {  	_ =	shalt  }
0x7a: {  	_ =	shalt  }
0x7b: {  	_ =	shalt  }
0x7c: {  	_ =	shalt  }
0x7d: {  	_ =	shalt  }
0x7e: {  	_ =	shalt  }
0x7f: {  	_ =	shalt  }
0x80: {  	_ =	shalt  }
0x81: {  	_ =	shalt  }
0x82: {  	_ =	shalt  }
0x83: {  	_ =	shalt  }
0x84: {  	_ =	shalt  }
0x85: {  	_ =	shalt  }
0x86: {  	_ =	shalt  }
0x87: {  	_ =	shalt  }
.Lfunc_end0:
.L_simem_size_0:
called_computation_lowered:
.L_overlay_start_0:
0x88: {  	s2 =	sld [smem:$0x3FD9]  }
0x89: {  	s3 =	sld [smem:$0x3FFE];
	_ =	sdelay $0x1  }
0x8a: {  	s1 =	srdreg.scid  }
0x8b: {  	s0 =	sand.u32 $0x1, s1  }
0x8c: {  	s16 =	sshll.u32 s0, $0xA;
	s2 =	sadd.s32 s3, s2  }
0x8d: {  	s2 =	sadd.s32 s2, s16  }
0x8e: {  	[smem:$0x3FBF] =	sst s2  }
0x8f: {  	_ = 	snop  }
0x90: {  	(tm) =	ssettm $0x1  }
0x91: {  	s17 =	sld [smem:$0x3FFB];
	_ =	sdelay $0x3  }
0x92: {  	_ =	strace s17  }
0x93: {  	s2 =	sld [smem:$0x3FFC];
	_ =	sdelay $0x3  }
0x94: {  	_ =	strace s2  }
0x95: {  	s2 =	sld [smem:$0x3FFD];
	_ =	sdelay $0x3  }
0x96: {  	_ =	strace s2  }
0x97: {  	_ =	strace $0x8FFFFFFF  }
0x98: {  	s18 =	sld [smem:$0x3FDB];
	_ =	sdelay $0x1  }
0x99: {  	s19 =	simm.s32 $_scs_section_size  }
0x9a: {  	s4 =	simm.s32 $_size__tile_overlayer_lowered;
	s5 =	simm.s32 $_tile_overlayer_lowered  }
0x9b: {  	s22 =	simm.s32 $0x1BFF;
	s21 =	sshll.u32 s5, $0x1;
	s2 =	sadd.s32 s19, s18  }
0x9c: {  	s6 =	simm.s32 $0x0;
	s20 =	sshll.u32 s4, $0x1;
	s4 =	sadd.s32 s21, s2  }
0x9d: {  	[timem:s6], [sflag:s22] =	dma.local [hbm:s4], s20  }
0x9e: {  	_ =	swait.ge [sflag:s22], s20  }
0x9f: {  	s3 =	ssub.s32 $0x0, s20;
	[sflag:s22] =	ssyncset.done $0x0  }
0xa0: {  	[sflag:s22] =	ssyncadd.s32 s3;
	_ =	sdelay $0x1  }
0xa1: {  	s23 =	simm.s32 $0x1B8B  }
0xa2: {  	_ =	swait.ge [sflag:s23], $0x1  }
0xa3: {  	[sflag:s23] =	ssyncset.done $0x0  }
0xa4: {  	s25 =	simm.s32 $0x1B8E;
	s24 =	sld [smem:$0x3FFE];
	[sflag:s23] =	ssyncadd.s32 $0xFFFFFFFF  }
0xa5: {  	s26 =	simm.s32 $execute0_lowered;
	[smem:$0x3FD2] =	sst s25  }
0xa6: {  	s4 =	sshll.u32 s26, $0x1;
	_ =	strace $0x80000046;
	[dreg:$0x1] =	wrdreg $0xFFFFFFFF  }
0xa7: {  	s28 =	simm.s32 $_size_execute0_lowered;
	s2 =	sadd.s32 s2, s4;
	[dreg:$0x0] =	wrdreg $0x0  }
0xa8: {  	s4 =	sshll.u32 s28, $0x1;
	[dreg:$0x2] =	wrdreg s2  }
0xa9: {  	[dreg:$0x3] =	wrdreg s4  }
0xaa: {  	[dreg:$0x4] =	wrdreg $0xC0  }
0xab: {  	_ =	task [dreg:s6], $0x5FFFF  }
0xac: {  	[dreg:$0x1] =	wrdreg $0xFFFFFFFF  }
0xad: {  	[dreg:$0x0] =	wrdreg $0x60  }
0xae: {  	[dreg:$0x2] =	wrdreg s24  }
0xaf: {  	[dreg:$0x3] =	wrdreg $0xECE00  }
0xb0: {  	[dreg:$0x4] =	wrdreg $0x9  }
0xb1: {  	_ =	task.clear_ibuf [dreg:s6], $0x5FFFF;
	_ =	strace $0x90000046  }
0xb2: {  	s29 =	simm.s32 $0x9;
	_ =	strace $0x80000048  }
0xb3: {  	_ =	swait.ge [sflag:s29], $0x1  }
0xb4: {  	[sflag:s29] =	ssyncadd.s32 $0xFFFFFFFF  }
0xb5: {  	_ =	strace $0x90000048  }
0xb6: {  	_ =	sfence  }
0xb7: {  	s30 =	sld [smem:$0x0];
	_ =	sdelay $0x2  }
0xb8: {  	s31 =	sshll.u32 s1, $0xD;
	s1 =	sshrl.u32 s1, $0x2  }
0xb9: {  	s3 =	sand.u32 $0x4000, s31;
	s1 =	sadd.s32 s1, s30  }
0xba: {  	s0 =	sor.u32 s3, s0;
	s1 =	sshll.u32 s1, $0x11  }
0xbb: {  	s0 =	sor.u32 s1, s0  }
0xbc: {  	s0 =	sadd.s32 $0x8F2B, s0  }
0xbd: {  	[sflag:s0] =	ssyncadd.remote.s32 $0x1  }
0xbe: {  	_ =	sfence.sel $0xFFFF  }
0xbf: {  	[dreg:$0x0] =	wrdreg $0xFFFFFFFF;
	(pc) =	sbr.abs _section_cstart, $3  }
0xc0: {  	[dreg:$0x1] =	wrdreg $0xFFFFFFFF  }
0xc1: {  	_ =	task.clear_ibuf [dreg:s6], $0x2FFFF;
	_ =	strace $0x9FFFFFFF  }
0xc2: {  	(tm) =	ssettm $0x7FFFFFFF  }
0xc3: {  	_ =	shalt  }
tec
execute0_lowered:
.L_overlay_start_1:
0x0: {  	(tag) =	ssettag $0x1  }
0x1: {  	s6 =	rddreg [dreg:$0x0]  }
0x2: {  	s1 =	rddreg [dreg:$0x1];
	s2 =	srdreg.scid  }
0x3: {  	s0 =	rddreg [dreg:$0x2];
	s16 =	stileid.u32;
	s13 =	simm.s32 $0x4E20  }
0x4: {  	s14 =	simm.s32 $0x7530;
	s15 =	simm.s32 $0xEA60;
	s17 =	simm.s32 $0x9C40  }
0x5: {  	s18 =	simm.s32 $0x7D;
	s19 =	simm.s32 $0x1;
	s20 =	simm.s32 $0xEAE0  }
0x6: {  	s21 =	simm.s32 $0xCB20;
	s22 =	simm.s32 $0xEB60;
	s23 =	simm.s32 $0xD2F0  }
0x7: {  	s24 =	simm.s32 $0xEBE0;
	s25 =	simm.s32 $0xDAC0;
	s26 =	simm.s32 $0xEC60  }
0x8: {  	s28 =	simm.s32 $0xE290;
	s29 =	simm.s32 $0x0;
	s4 =	sand.u32 $0x1, s2  }
0x9: {  	s2 =	simm.s32 $0x0;
	s5 =	sadd.s32 $0x3D000, s6;
	p0 =	sne.s32 s16, $0x0  }
0xa: {  	s3 =	sshll.u32 s4, $0x4;
	[smem:$0x7FF] =	sst s2;
	s8 =	smul.u32 $0x4E2, s4  }
0xb: {  	s9 =	ssub.s32 $0x2, s4;
	s4 =	sadd.s32 $0x28800, s6;
	s3 =	sor.u32 s16, s3  }
0xc: {  	_ =	strace $0x80000047;
	s10 =	sshrl.u32 s9, $0x1;
	s7 =	smul.u32 $0x4E2, s3  }
0xd: {  	s16 =	simm.s32 $0xC350;
	s3 =	sadd.s32 $0x28E00, s6;
	s12 =	sadd.s32 s8, s6  }
0xe: {  	s10 =	ssub.s32 s9, s10;
	s9 =	sadd.s32 $0x3D200, s12;
	s11 =	sadd.s32 s7, s6  }
0xf: {  	s10 =	smax.u32 s10, $0x1;
	s12 =	simm.s32 $0x2710;
	s6 =	sadd.s32 $0x33200, s11  }
0x10: {  	v0 =	vimm.f32 $0.0e+00;
	s7 =	sadd.s32 $0x29400, s11;
	s8 =	sadd.s32 $0x3DC00, s11;
	s11 =	simm.s32 $0x2  }
.LBB2_1:
0x11: {  	[tilespmem:s2], [sflag:$0x2] =	stream.linear.gather [hbm4b:s6+s2], $0x2710, $0x38;
	[tilespmem:$0xEF58] =	vst v63  }
0x12: {  	_ =	swait.ge [sflag:s11], $0x2710  }
0x13: {  	[sflag:s11] =	ssyncset.done $0x0  }
0x14: {  	[sflag:s11] =	ssyncadd.s32 $0xFFFFD8F0  }
0x15: {  	[tilespmem:s12], [sflag:$0x2] =	stream.linear.gather [hbm4b:s7+s2], $0x2710, $0x38;
	[tilespmem:$0xEF58] =	vst v63  }
0x16: {  	_ =	swait.ge [sflag:s11], $0x2710  }
0x17: {  	[sflag:s11] =	ssyncset.done $0x0  }
0x18: {  	[sflag:s11] =	ssyncadd.s32 $0xFFFFD8F0  }
0x19: {  	[tilespmem:s13], [sflag:$0x2] =	stream.linear.gather [hbm4b:s3+s2], $0x2710, $0x38;
	[tilespmem:$0xEF58] =	vst v63  }
0x1a: {  	_ =	swait.ge [sflag:s11], $0x2710  }
0x1b: {  	[sflag:s11] =	ssyncset.done $0x0  }
0x1c: {  	[sflag:s11] =	ssyncadd.s32 $0xFFFFD8F0  }
0x1d: {  	[tilespmem:s14], [sflag:$0x2] =	stream.linear.gather [hbm4b:s4+s2], $0x2710, $0x38;
	[tilespmem:$0xEF58] =	vst v63  }
0x1e: {  	_ =	swait.ge [sflag:s11], $0x2710  }
0x1f: {  	[sflag:s11] =	ssyncset.done $0x0  }
0x20: {  	[sflag:s11] =	ssyncadd.s32 $0xFFFFD8F0  }
0x21: {  	[tilespmem:s15], [sflag:$0x2] =	stream.linear.gather [hbm4b:s5+s2], $0x280, $0x38;
	[tilespmem:$0xEF58] =	vst v63  }
0x22: {  	_ =	swait.ge [sflag:s11], $0x280  }
0x23: {  	[sflag:s11] =	ssyncset.done $0x0  }
0x24: {  	s30 =	simm.s32 $0x40;
	s31 =	simm.s32 $0x0;
	[sflag:s11] =	ssyncadd.s32 $0xFFFFFD80  }
.LBB2_2:
0x25: {  	p1 =	sne.s32 s30, $0x9C00;
	[tilespmem:s31+$0xC350] =	vst v0;
	s31 =	smov.u32 s30;
	s30 =	sadd.s32 $0x40, s30  }
.Ltmp0:
0x26: {  	(pc) =	sbr.rel @p1 .LBB2_2-.Ltmp0, $2  }
0x27: {  	_ =	sdelay $0x2  }
0x28: {  	s31 =	sshra.s32 s31, $0x2  }
0x29: {  	[tilespmem:s31+$0xC350] =	vst v0;
	s30 =	simm.s32 @!p0 $0xC350  }
0x2a: {  	[spmem:s1] =	stream.linear.scatter @!p0 [tilespmem:s30], [sflag:$0x2], $0x2710, $0x38;
	[tilespmem:$0xEF58] =	vst v63  }
0x2b: {  	s30 =	simm.s32 @!p0 $0x2  }
0x2c: {  	_ =	swait.ge @!p0 [sflag:s30], $0x2710  }
0x2d: {  	[sflag:s30] =	ssyncset.done @!p0 $0x0  }
0x2e: {  	[sflag:s30] =	ssyncadd.s32 @!p0 $0xFFFFD8F0  }
0x2f: {  	[bflag:$0x0] =	sbarrier.arrive $0xFFFF  }
0x30: {  	s31 =	simm.s32 $0x10;
	v1 =	vld [tilespmem:$0x4E20]  }
0x31: {  	s30 =	simm.s32 $0x80;
	v2 =	vld [tilespmem:s31+$0x4E20]  }
.LBB2_4:
0x32: {  	p1 =	sne.s32 s30, $0x9C00  }
.Ltmp1:
0x33: {  	_ = 	snop;
	(pc) =	sbr.rel @p1 .LBB2_4-.Ltmp1, $3  }
0x34: {  	_ =	sdelay $0x1  }
0x35: {  	s31 =	sshra.s32 s30, $0x2;
	s30 =	sadd.s32 $0x40, s30;
	v1 =	vmax.f32 v1, v2  }
0x36: {  	v2 =	vld [tilespmem:s31+$0x4E20]  }
0x37: {  	_ =	sdelay $0x3  }
0x38: {  	v1 =	vmax.f32 v1, v2  }
0x39: {  	(xrf0) =	vmax.scan.msk.f32 $0xffff, v1;
	_ =	sdelay $0x5  }
0x3a: {  	v1, _, _ =	vpop (xrf0)  }
0x3b: {  	s30 =	simm.s32 $0x0;
	v1 =	vbroadcast v1, $0xF  }
.LBB2_6:
0x3c: {  	s31 =	sshra.s32 s30, $0x2  }
0x3d: {  	v2 =	vld [tilespmem:s31+$0x0]  }
0x3e: {  	v3 =	vld [tilespmem:s31+$0x2710];
	_ =	sdelay $0x6  }
0x3f: {  	v2 =	vld.idx.msk [tilespmem:v2+s13+$0x0], $0xffff  }
0x40: {  	v4 =	vld.idx.msk [tilespmem:v3+s14+$0x0], $0xffff;
	_ =	sdelay $0x4  }
0x41: {  	v2 =	vadd.f32 v4, v2;
	v4 =	vadd.f32 v4, v1;
	_ =	sdelay $0x1  }
0x42: {  	v5 =	vmul.f32 $2.000000030e-01, v2;
	v6 =	vmul.f32 $2.000000030e-01, v4  }
0x43: {  	vm0 =	vge.f32 v2, $0.0e+00;
	vm1 =	vge.f32 v4, $0.0e+00  }
0x44: {  	v2 =	vsel vm0, v2, v5;
	v4 =	vsel vm1, v4, v6  }
0x45: {  	v2 =	vsub.f32 v2, v4;
	_ =	sdelay $0x1  }
0x46: {  	v2 =	vmul.f32 $1.442695020e+00, v2;
	_ =	sdelay $0x1  }
0x47: {  	(erf) = vpow2.f32 v2;
	_ =	sdelay $0x8  }
0x48: {  	v2 =	vpop (erf)  }
0x49: {  	[tilespmem:s31+$0x9C40] =	vst v2  }
0x4a: {  	[tilespmem:v3+s16+$0x0] =	vst.idx.add.f32.msk $0xffff, v2  }
0x4b: {  	v2 =	vld [tilespmem:s31+$0x10]  }
0x4c: {  	v3 =	vld [tilespmem:s31+$0x2720];
	_ =	sdelay $0x6  }
0x4d: {  	v2 =	vld.idx.msk [tilespmem:v2+s13+$0x0], $0xffff  }
0x4e: {  	v52 =	vld.idx.msk [tilespmem:v3+s14+$0x0], $0xffff;
	_ =	sdelay $0x4  }
0x4f: {  	v2 =	vadd.f32 v52, v2;
	v4 =	vadd.f32 v52, v1;
	_ =	sdelay $0x1  }
0x50: {  	v53 =	vmul.f32 $2.000000030e-01, v2;
	v54 =	vmul.f32 $2.000000030e-01, v4  }
0x51: {  	vm8 =	vge.f32 v2, $0.0e+00;
	vm9 =	vge.f32 v4, $0.0e+00  }
0x52: {  	v2 =	vsel vm8, v2, v53;
	v4 =	vsel vm9, v4, v54  }
0x53: {  	v2 =	vsub.f32 v2, v4;
	_ =	sdelay $0x1  }
0x54: {  	v2 =	vmul.f32 $1.442695020e+00, v2;
	_ =	sdelay $0x1  }
0x55: {  	(erf) = vpow2.f32 v2;
	_ =	sdelay $0x8  }
0x56: {  	v2 =	vpop (erf)  }
0x57: {  	[tilespmem:s31+$0x9C50] =	vst v2  }
0x58: {  	[tilespmem:v3+s16+$0x0] =	vst.idx.add.f32.msk $0xffff, v2  }
0x59: {  	v2 =	vld [tilespmem:s31+$0x20]  }
0x5a: {  	v3 =	vld [tilespmem:s31+$0x2730];
	_ =	sdelay $0x6  }
0x5b: {  	v2 =	vld.idx.msk [tilespmem:v2+s13+$0x0], $0xffff  }
0x5c: {  	v55 =	vld.idx.msk [tilespmem:v3+s14+$0x0], $0xffff;
	_ =	sdelay $0x4  }
0x5d: {  	v2 =	vadd.f32 v55, v2;
	v4 =	vadd.f32 v55, v1;
	_ =	sdelay $0x1  }
0x5e: {  	v56 =	vmul.f32 $2.000000030e-01, v2;
	v57 =	vmul.f32 $2.000000030e-01, v4  }
0x5f: {  	vm10 =	vge.f32 v2, $0.0e+00;
	vm11 =	vge.f32 v4, $0.0e+00  }
0x60: {  	v2 =	vsel vm10, v2, v56;
	v4 =	vsel vm11, v4, v57  }
0x61: {  	v2 =	vsub.f32 v2, v4;
	_ =	sdelay $0x1  }
0x62: {  	v2 =	vmul.f32 $1.442695020e+00, v2;
	_ =	sdelay $0x1  }
0x63: {  	(erf) = vpow2.f32 v2;
	_ =	sdelay $0x8  }
0x64: {  	v2 =	vpop (erf)  }
0x65: {  	[tilespmem:s31+$0x9C60] =	vst v2  }
0x66: {  	[tilespmem:v3+s16+$0x0] =	vst.idx.add.f32.msk $0xffff, v2  }
0x67: {  	v2 =	vld [tilespmem:s31+$0x30]  }
0x68: {  	v3 =	vld [tilespmem:s31+$0x2740];
	_ =	sdelay $0x6  }
0x69: {  	v2 =	vld.idx.msk [tilespmem:v2+s13+$0x0], $0xffff  }
0x6a: {  	v58 =	vld.idx.msk [tilespmem:v3+s14+$0x0], $0xffff;
	_ =	sdelay $0x4  }
0x6b: {  	v2 =	vadd.f32 v58, v2;
	v4 =	vadd.f32 v58, v1;
	_ =	sdelay $0x1  }
0x6c: {  	v59 =	vmul.f32 $2.000000030e-01, v2;
	v60 =	vmul.f32 $2.000000030e-01, v4  }
0x6d: {  	vm12 =	vge.f32 v2, $0.0e+00;
	vm13 =	vge.f32 v4, $0.0e+00  }
0x6e: {  	v2 =	vsel vm12, v2, v59;
	v4 =	vsel vm13, v4, v60  }
0x6f: {  	v2 =	vsub.f32 v2, v4;
	_ =	sdelay $0x1  }
0x70: {  	v2 =	vmul.f32 $1.442695020e+00, v2;
	_ =	sdelay $0x1  }
0x71: {  	(erf) = vpow2.f32 v2;
	_ =	sdelay $0x8  }
0x72: {  	v2 =	vpop (erf)  }
0x73: {  	[tilespmem:s31+$0x9C70] =	vst v2  }
0x74: {  	[tilespmem:v3+s16+$0x0] =	vst.idx.add.f32.msk $0xffff, v2  }
0x75: {  	v2 =	vld [tilespmem:s31+$0x40]  }
0x76: {  	v3 =	vld [tilespmem:s31+$0x2750];
	_ =	sdelay $0x6  }
0x77: {  	v2 =	vld.idx.msk [tilespmem:v2+s13+$0x0], $0xffff  }
0x78: {  	v61 =	vld.idx.msk [tilespmem:v3+s14+$0x0], $0xffff;
	_ =	sdelay $0x4  }
0x79: {  	v2 =	vadd.f32 v61, v2;
	v4 =	vadd.f32 v61, v1;
	_ =	sdelay $0x1  }
0x7a: {  	v62 =	vmul.f32 $2.000000030e-01, v2;
	v63 =	vmul.f32 $2.000000030e-01, v4  }
0x7b: {  	vm14 =	vge.f32 v2, $0.0e+00;
	vm15 =	vge.f32 v4, $0.0e+00  }
0x7c: {  	v2 =	vsel vm14, v2, v62;
	v4 =	vsel vm15, v4, v63  }
0x7d: {  	v2 =	vsub.f32 v2, v4;
	_ =	sdelay $0x1  }
0x7e: {  	v2 =	vmul.f32 $1.442695020e+00, v2;
	_ =	sdelay $0x1  }
0x7f: {  	(erf) = vpow2.f32 v2;
	_ =	sdelay $0x5  }
0x80: {  	p1 =	sne.s32 s30, $0x9B00  }
.Ltmp2:
0x81: {  	_ = 	snop;
	(pc) =	sbr.rel @p1 .LBB2_6-.Ltmp2, $4  }
0x82: {  	_ = 	snop  }
0x83: {  	v2 =	vpop (erf)  }
0x84: {  	[tilespmem:s31+$0x9C80] =	vst v2  }
0x85: {  	s30 =	sadd.s32 $0x140, s30;
	[tilespmem:v3+s16+$0x0] =	vst.idx.add.f32.msk $0xffff, v2  }
0x86: {  	[hbm4b:s8+s2] =	stream.linear.scatter [tilespmem:s17], [sflag:$0x2], $0x2710, $0x38;
	[tilespmem:$0xEF58] =	vst v63  }
0x87: {  	_ =	swait.ge [sflag:s11], $0x2710  }
0x88: {  	[sflag:s11] =	ssyncset.done $0x0  }
0x89: {  	[sflag:s11] =	ssyncadd.s32 $0xFFFFD8F0  }
0x8a: {  	[spmem:s1] =	stream.indirect.scatter.add.f32 [tilespmem:s16], [sflag:$0x1], $0x10, s15, s18, $0xb8;
	[tilespmem:$0xEF58] =	vst v63  }
0x8b: {  	_ =	swait.ge [sflag:s19], $0x7D0  }
0x8c: {  	[sflag:s19] =	ssyncset.done $0x0  }
0x8d: {  	[sflag:s19] =	ssyncadd.s32 $0xFFFFF830  }
0x8e: {  	[spmem:s1] =	stream.indirect.scatter.add.f32 [tilespmem:s21], [sflag:$0x1], $0x10, s20, s18, $0xb8;
	[tilespmem:$0xEF58] =	vst v63  }
0x8f: {  	_ =	swait.ge [sflag:s19], $0x7D0  }
0x90: {  	[sflag:s19] =	ssyncset.done $0x0  }
0x91: {  	[sflag:s19] =	ssyncadd.s32 $0xFFFFF830  }
0x92: {  	[spmem:s1] =	stream.indirect.scatter.add.f32 [tilespmem:s23], [sflag:$0x1], $0x10, s22, s18, $0xb8;
	[tilespmem:$0xEF58] =	vst v63  }
0x93: {  	_ =	swait.ge [sflag:s19], $0x7D0  }
0x94: {  	[sflag:s19] =	ssyncset.done $0x0  }
0x95: {  	[sflag:s19] =	ssyncadd.s32 $0xFFFFF830  }
0x96: {  	[spmem:s1] =	stream.indirect.scatter.add.f32 [tilespmem:s25], [sflag:$0x1], $0x10, s24, s18, $0xb8;
	[tilespmem:$0xEF58] =	vst v63  }
0x97: {  	_ =	swait.ge [sflag:s19], $0x7D0  }
0x98: {  	[sflag:s19] =	ssyncset.done $0x0  }
0x99: {  	[sflag:s19] =	ssyncadd.s32 $0xFFFFF830  }
0x9a: {  	[spmem:s1] =	stream.indirect.scatter.add.f32 [tilespmem:s28], [sflag:$0x1], $0x10, s26, s18, $0xb8;
	[tilespmem:$0xEF58] =	vst v63  }
0x9b: {  	_ =	swait.ge [sflag:s19], $0x7D0  }
0x9c: {  	[sflag:s19] =	ssyncset.done $0x0  }
0x9d: {  	s30 =	sshrl.u32 @!p0 s1, $0x3;
	s29 =	sadd.s32 $0x1, s29;
	[sflag:s19] =	ssyncadd.s32 $0xFFFFF830  }
0x9e: {  	s31 =	simm.s32 @!p0 $0x1C02;
	p1 =	sne.s32 s29, s10;
	[bflag:$0x0] =	sbarrier.arrive $0xFFFF  }
0x9f: {  	[hbm:s9], [sflag:s31] =	dma.local @!p0 [spmem:s30], $0x4E2  }
.Ltmp3:
0xa0: {  	_ = 	snop;
	(pc) =	sbr.rel @p1 .LBB2_1-.Ltmp3, $4  }
0xa1: {  	s30 =	simm.s32 @!p0 $0x2  }
0xa2: {  	_ =	swait.ge @!p0 [sflag:s30], $0x4E2  }
0xa3: {  	[sflag:s30] =	ssyncset.done @!p0 $0x0  }
0xa4: {  	[sflag:s30] =	ssyncadd.s32 @!p0 $0xFFFFFB1E  }
0xa5: {  	_ =	sfence.sel $0x180000  }
0xa6: {  	[bflag:$0x0] =	sbarrier.arrive $0xFFFF  }
0xa7: {  	_ =	strace $0x90000047  }
0xa8: {  	s0 =	sadd.s32 @!p0 $0x100000, s0;
	[bflag:$0x2] =	sbarrier.arrive $0xFFFF  }
0xa9: {  	[sflag:s0] =	ssyncadd.tile.s32 @!p0 $0x1;
	_ =	shalt  }
.Lfunc_end2:
_tile_overlayer_lowered:
.L_overlay_start_2:
0xaa: {  	(tag) =	ssettag $0x2  }
0xab: {  	s0 =	rddreg [dreg:$0x0];
	s2 =	stileid.u32  }
0xac: {  	s1 =	rddreg [dreg:$0x1];
	p0 =	sne.s32 s2, $0x0  }
0xad: {  	s3 =	rddreg [dreg:$0x2];
	[bflag:$0x3] =	sbarrier.arrive $0xFFFF;
	s2 =	simm.s32 @!p0 $0x1C02  }
0xae: {  	[timem:s3], [sflag:s2] =	dma.local @!p0 [hbm:s0], s1  }
0xaf: {  	s0 =	simm.s32 @!p0 $0x2  }
0xb0: {  	_ =	swait.ge @!p0 [sflag:s0], s1  }
0xb1: {  	s1 =	ssub.s32 @!p0 $0x0, s1;
	[sflag:s0] =	ssyncset.done @!p0 $0x0  }
0xb2: {  	[sflag:s0] =	ssyncadd.s32 @!p0 s1  }
0xb3: {  	[bflag:$0x3] =	sbarrier.arrive $0xFFFF  }
0xb4: {  	_ =	shalt  }

// kernel: kernel.9.cloned.1.call-start
scs
__scs_entry_jumppad:
0x0: {  	(pc) =	sbr.rel $0x88, $3  }
0x1: {  	(tag) =	ssettag $0x0;
	lr =	simm.s32 $0x1  }
0x2: {  	[smem:$0x3F98] =	sst lr;
	_ =	strace $0xD0000000  }
0x3: {  	_ = 	snop  }
0x4: {  	_ = 	snop  }
0x5: {  	_ = 	snop  }
0x6: {  	_ = 	snop  }
0x7: {  	_ = 	snop  }
__scs_overlays_trampoline_lowered:
0x8: {  	[smem:$0x3FA7] =	sst s0  }
0x9: {  	[smem:$0x3FA8] =	sst s1  }
0xa: {  	[smem:$0x3FA9] =	sst s2  }
0xb: {  	[smem:$0x3FAA] =	sst s3  }
0xc: {  	[smem:$0x3FAB] =	sst s4  }
0xd: {  	[smem:$0x3FAC] =	sst s5  }
0xe: {  	[smem:$0x3FAD] =	sst s6  }
0xf: {  	[smem:$0x3FAE] =	sst s7  }
0x10: {  	[smem:$0x3FAF] =	sst s8  }
0x11: {  	[smem:$0x3FB0] =	sst s9;
	s0 =	simm.s32 @!p0 $0x0  }
0x12: {  	s1 =	sld [smem:$0x3F96];
	s0 =	simm.s32 @p0 $0x1  }
0x13: {  	[smem:$0x3FB1] =	sst s0;
	s0 =	simm.s32 @!p1 $0x0  }
0x14: {  	s2 =	sld [smem:$0x3F95];
	s0 =	simm.s32 @p1 $0x1  }
0x15: {  	[smem:$0x3FB2] =	sst s0;
	s0 =	simm.s32 @!p2 $0x0  }
0x16: {  	s3 =	sld [smem:$0x3FDB];
	s0 =	simm.s32 @p2 $0x1  }
0x17: {  	s4 =	simm.s32 $0x1BF5;
	[smem:$0x3FB4] =	sst s0  }
0x18: {  	s0 =	sld [smem:$0x3F97];
	_ =	swait.ge [sflag:s4], $0x0  }
0x19: {  	s7 =	sld [smem:$0x3F98]  }
0x1a: {  	s8 =	sadd.s32 $0xFFFFE003, lr  }
0x1b: {  	s9 =	sadd.s32 $0xFFFFFEF7, lr;
	s5 =	simm.s32 $0xFFFFFFFF;
	p2 =	slt.u32 s8, $0xFFFFF086  }
0x1c: {  	p1 =	slt.u32 s9, $0xF7A;
	s5 =	simm.s32 @!p2 $0x0  }
0x1d: {  	s5 =	simm.s32 @p1 $0x1;
	p0 =	seq.s32 s7, s2  }
0x1e: {  	s7 =	smul.u32 @!p0 $0xF7A, s2;
	p2 =	seq.s32 @!p0 s5, $0x0  }
0x1f: {  	s9 =	smul.u32 $0xF7A, s1;
	s8 =	simm.s32 @!p0 $0x1BF5;
	p2 =	por !p2, p0  }
0x20: {  	[sflag:s8] =	ssyncset.s32 @!p0 $0xFFFFF086;
	s6 =	sadd.s32 @!p0 s3, s7;
	s7 =	simm.s32 @!p0 $0x108  }
0x21: {  	s3 =	sadd.s32 s3, s9;
	s6 =	sadd.s32 @!p0 $0x88, s6;
	s7 =	simm.s32 @p2 $0x1082  }
0x22: {  	[simem:s7], [sflag:s8] =	dma.local @!p0 [hbm:s6], $0xF7A  }
0x23: {  	s9 =	sor.u32 $0xD0000000, s2;
	s6 =	simm.s32 $0x108;
	_ =	swait.ge @!p0 [sflag:s8], $0x0  }
0x24: {  	s3 =	sadd.s32 $0x88, s3;
	s6 =	simm.s32 @!p1 $0x1082;
	[sflag:s4] =	ssyncset.s32 $0xFFFFF086  }
0x25: {  	[simem:s6], [sflag:s4] =	dma.local [hbm:s3], $0xF7A  }
0x26: {  	[smem:$0x3F98] =	sst s1;
	(tag) =	ssettag s2;
	_ =	strace s9  }
0x27: {  	s1 =	sld [smem:$0x3FA8]  }
0x28: {  	s2 =	sld [smem:$0x3FA9]  }
0x29: {  	s4 =	sld [smem:$0x3FAB]  }
0x2a: {  	p0 =	seq.s32 s5, $0x0;
	s5 =	sld [smem:$0x3FAC]  }
0x2b: {  	s6 =	sld [smem:$0x3FAD]  }
0x2c: {  	s7 =	sld [smem:$0x3FAE]  }
0x2d: {  	s3 =	simm.s32 $0x108;
	s8 =	sld [smem:$0x3FAF]  }
0x2e: {  	s3 =	simm.s32 @!p0 $0x1082;
	s9 =	sld [smem:$0x3FB0]  }
0x2f: {  	lr =	sadd.s32 s0, s3;
	s0 =	sld [smem:$0x3FA7]  }
0x30: {  	s3 =	sld [smem:$0x3FAA]  }
0x31: {  	[smem:$0x3FB3] =	sst s10  }
0x32: {  	s10 =	sld [smem:$0x3FB1];
	_ =	sdelay $0x3  }
0x33: {  	p0 =	seq.s32 s10, $0x1;
	s10 =	sld [smem:$0x3FB3];
	_ =	sdelay $0x3  }
0x34: {  	[smem:$0x3FB3] =	sst s10  }
0x35: {  	s10 =	sld [smem:$0x3FB2];
	_ =	sdelay $0x3  }
0x36: {  	p1 =	seq.s32 s10, $0x1;
	s10 =	sld [smem:$0x3FB3];
	_ =	sdelay $0x3  }
0x37: {  	[smem:$0x3FB3] =	sst s10  }
0x38: {  	s10 =	sld [smem:$0x3FB4]  }
0x39: {  	_ = 	snop;
	(pc) =	sbr.ind lr, $3  }
0x3a: {  	_ = 	snop  }
0x3b: {  	_ = 	snop  }
0x3c: {  	p2 =	seq.s32 s10, $0x1;
	s10 =	sld [smem:$0x3FB3]  }
0x3d: {  	_ =	shalt  }
0x3e: {  	_ =	shalt  }
0x3f: {  	_ =	shalt  }
0x40: {  	_ =	shalt  }
0x41: {  	_ =	shalt  }
0x42: {  	_ =	shalt  }
0x43: {  	_ =	shalt  }
0x44: {  	_ =	shalt  }
0x45: {  	_ =	shalt  }
0x46: {  	_ =	shalt  }
0x47: {  	_ =	shalt  }
0x48: {  	_ =	shalt  }
0x49: {  	_ =	shalt  }
0x4a: {  	_ =	shalt  }
0x4b: {  	_ =	shalt  }
0x4c: {  	_ =	shalt  }
0x4d: {  	_ =	shalt  }
0x4e: {  	_ =	shalt  }
0x4f: {  	_ =	shalt  }
0x50: {  	_ =	shalt  }
0x51: {  	_ =	shalt  }
0x52: {  	_ =	shalt  }
0x53: {  	_ =	shalt  }
0x54: {  	_ =	shalt  }
0x55: {  	_ =	shalt  }
0x56: {  	_ =	shalt  }
0x57: {  	_ =	shalt  }
0x58: {  	_ =	shalt  }
0x59: {  	_ =	shalt  }
0x5a: {  	_ =	shalt  }
0x5b: {  	_ =	shalt  }
0x5c: {  	_ =	shalt  }
0x5d: {  	_ =	shalt  }
0x5e: {  	_ =	shalt  }
0x5f: {  	_ =	shalt  }
0x60: {  	_ =	shalt  }
0x61: {  	_ =	shalt  }
0x62: {  	_ =	shalt  }
0x63: {  	_ =	shalt  }
0x64: {  	_ =	shalt  }
0x65: {  	_ =	shalt  }
0x66: {  	_ =	shalt  }
0x67: {  	_ =	shalt  }
0x68: {  	_ =	shalt  }
0x69: {  	_ =	shalt  }
0x6a: {  	_ =	shalt  }
0x6b: {  	_ =	shalt  }
0x6c: {  	_ =	shalt  }
0x6d: {  	_ =	shalt  }
0x6e: {  	_ =	shalt  }
0x6f: {  	_ =	shalt  }
0x70: {  	_ =	shalt  }
0x71: {  	_ =	shalt  }
0x72: {  	_ =	shalt  }
0x73: {  	_ =	shalt  }
0x74: {  	_ =	shalt  }
0x75: {  	_ =	shalt  }
0x76: {  	_ =	shalt  }
0x77: {  	_ =	shalt  }
0x78: {  	_ =	shalt  }
0x79: {  	_ =	shalt  }
0x7a: {  	_ =	shalt  }
0x7b: {  	_ =	shalt  }
0x7c: {  	_ =	shalt  }
0x7d: {  	_ =	shalt  }
0x7e: {  	_ =	shalt  }
0x7f: {  	_ =	shalt  }
0x80: {  	_ =	shalt  }
0x81: {  	_ =	shalt  }
0x82: {  	_ =	shalt  }
0x83: {  	_ =	shalt  }
0x84: {  	_ =	shalt  }
0x85: {  	_ =	shalt  }
0x86: {  	_ =	shalt  }
0x87: {  	_ =	shalt  }
.Lfunc_end0:
.L_simem_size_0:
called_computation.1_lowered:
.L_overlay_start_0:
0x88: {  	s2 =	sld [smem:$0x3FD9]  }
0x89: {  	s3 =	sld [smem:$0x3FFE];
	_ =	sdelay $0x1  }
0x8a: {  	s1 =	srdreg.scid  }
0x8b: {  	s0 =	sand.u32 $0x1, s1  }
0x8c: {  	s16 =	sshll.u32 s0, $0xA;
	s2 =	sadd.s32 s3, s2  }
0x8d: {  	s2 =	sadd.s32 s2, s16  }
0x8e: {  	[smem:$0x3FBF] =	sst s2  }
0x8f: {  	_ = 	snop  }
0x90: {  	(tm) =	ssettm $0x1  }
0x91: {  	s17 =	sld [smem:$0x3FFB];
	_ =	sdelay $0x3  }
0x92: {  	_ =	strace s17  }
0x93: {  	s2 =	sld [smem:$0x3FFC];
	_ =	sdelay $0x3  }
0x94: {  	_ =	strace s2  }
0x95: {  	s2 =	sld [smem:$0x3FFD];
	_ =	sdelay $0x3  }
0x96: {  	_ =	strace s2  }
0x97: {  	_ =	strace $0x8FFFFFFF  }
0x98: {  	s18 =	sld [smem:$0x3FDB];
	_ =	sdelay $0x1  }
0x99: {  	s19 =	simm.s32 $_scs_section_size  }
0x9a: {  	s4 =	simm.s32 $_size__tile_overlayer_lowered;
	s5 =	simm.s32 $_tile_overlayer_lowered  }
0x9b: {  	s22 =	simm.s32 $0x1BFF;
	s21 =	sshll.u32 s5, $0x1;
	s2 =	sadd.s32 s19, s18  }
0x9c: {  	s6 =	simm.s32 $0x0;
	s20 =	sshll.u32 s4, $0x1;
	s4 =	sadd.s32 s21, s2  }
0x9d: {  	[timem:s6], [sflag:s22] =	dma.local [hbm:s4], s20  }
0x9e: {  	_ =	swait.ge [sflag:s22], s20  }
0x9f: {  	s3 =	ssub.s32 $0x0, s20;
	[sflag:s22] =	ssyncset.done $0x0  }
0xa0: {  	[sflag:s22] =	ssyncadd.s32 s3;
	_ =	sdelay $0x1  }
0xa1: {  	s23 =	simm.s32 $0x1B8B  }
0xa2: {  	_ =	swait.ge [sflag:s23], $0x1  }
0xa3: {  	[sflag:s23] =	ssyncset.done $0x0  }
0xa4: {  	s25 =	simm.s32 $0x1B8E;
	s24 =	sld [smem:$0x3FFE];
	[sflag:s23] =	ssyncadd.s32 $0xFFFFFFFF  }
0xa5: {  	s26 =	simm.s32 $execute0_lowered;
	[smem:$0x3FD2] =	sst s25  }
0xa6: {  	s4 =	sshll.u32 s26, $0x1;
	_ =	strace $0x80000049;
	[dreg:$0x1] =	wrdreg $0xFFFFFFFF  }
0xa7: {  	s28 =	simm.s32 $_size_execute0_lowered;
	s2 =	sadd.s32 s2, s4;
	[dreg:$0x0] =	wrdreg $0x0  }
0xa8: {  	s4 =	sshll.u32 s28, $0x1;
	[dreg:$0x2] =	wrdreg s2  }
0xa9: {  	[dreg:$0x3] =	wrdreg s4  }
0xaa: {  	[dreg:$0x4] =	wrdreg $0xC0  }
0xab: {  	_ =	task [dreg:s6], $0x5FFFF  }
0xac: {  	[dreg:$0x1] =	wrdreg $0xFFFFFFFF  }
0xad: {  	[dreg:$0x0] =	wrdreg $0x60  }
0xae: {  	[dreg:$0x2] =	wrdreg s24  }
0xaf: {  	[dreg:$0x3] =	wrdreg $0xB7700  }
0xb0: {  	[dreg:$0x4] =	wrdreg $0x9  }
0xb1: {  	_ =	task.clear_ibuf [dreg:s6], $0x5FFFF;
	_ =	strace $0x90000049  }
0xb2: {  	s29 =	simm.s32 $0x9;
	_ =	strace $0x8000004B  }
0xb3: {  	_ =	swait.ge [sflag:s29], $0x1  }
0xb4: {  	[sflag:s29] =	ssyncadd.s32 $0xFFFFFFFF  }
0xb5: {  	_ =	strace $0x9000004B  }
0xb6: {  	_ =	sfence  }
0xb7: {  	s30 =	sld [smem:$0x0];
	_ =	sdelay $0x2  }
0xb8: {  	s31 =	sshll.u32 s1, $0xD;
	s1 =	sshrl.u32 s1, $0x2  }
0xb9: {  	s3 =	sand.u32 $0x4000, s31;
	s1 =	sadd.s32 s1, s30  }
0xba: {  	s0 =	sor.u32 s3, s0;
	s1 =	sshll.u32 s1, $0x11  }
0xbb: {  	s0 =	sor.u32 s1, s0  }
0xbc: {  	s0 =	sadd.s32 $0x8F2B, s0  }
0xbd: {  	[sflag:s0] =	ssyncadd.remote.s32 $0x1  }
0xbe: {  	_ =	sfence.sel $0xFFFF  }
0xbf: {  	[dreg:$0x0] =	wrdreg $0xFFFFFFFF;
	(pc) =	sbr.abs _section_cstart, $3  }
0xc0: {  	[dreg:$0x1] =	wrdreg $0xFFFFFFFF  }
0xc1: {  	_ =	task.clear_ibuf [dreg:s6], $0x2FFFF;
	_ =	strace $0x9FFFFFFF  }
0xc2: {  	(tm) =	ssettm $0x7FFFFFFF  }
0xc3: {  	_ =	shalt  }
tec
execute0_lowered:
.L_overlay_start_1:
0x0: {  	(tag) =	ssettag $0x1  }
0x1: {  	s0 =	srdreg.scid;
	s1 =	rddreg [dreg:$0x0]  }
0x2: {  	s2 =	rddreg [dreg:$0x1];
	s7 =	stileid.u32;
	s3 =	simm.s32 $0x0  }
0x3: {  	s17 =	simm.s32 $0x1770;
	s18 =	simm.s32 $0x3;
	s19 =	simm.s32 $0x3F70  }
0x4: {  	s20 =	simm.s32 $0x7D0;
	s21 =	simm.s32 $0xFA0;
	s22 =	simm.s32 $0x50  }
0x5: {  	s23 =	simm.s32 $0x1;
	s25 =	simm.s32 $0x2;
	s5 =	smul.u32 $0x4E200, s7  }
0x6: {  	s0 =	sand.u32 $0x1, s0;
	[smem:$0x7FF] =	sst s3;
	s16 =	smul.u32 $0x13880, s7  }
0x7: {  	s4 =	sshll.u32 s0, $0x4;
	_ =	strace $0x8000004A;
	s6 =	smul.u32 $0x27100, s0  }
0x8: {  	s0 =	ssub.s32 $0x2, s0;
	s4 =	sor.u32 s7, s4;
	s5 =	sshrl.u32 s5, $0x2  }
0x9: {  	s29 =	sshrl.u32 s0, $0x1;
	s24 =	sshrl.u32 s16, $0x3;
	s4 =	smul.u32 $0x4E2, s4  }
0xa: {  	s12 =	sadd.s32 s5, s2;
	s0 =	ssub.s32 s0, s29;
	s5 =	sadd.s32 s16, s2  }
0xb: {  	s30 =	sadd.s32 $0x2800, s12;
	s31 =	sadd.s32 $0x5000, s12;
	s8 =	sadd.s32 $0x7800, s12  }
0xc: {  	s9 =	sadd.s32 $0xA000, s12;
	s10 =	sadd.s32 $0xC800, s12;
	s11 =	sadd.s32 $0xF000, s12  }
0xd: {  	s12 =	sadd.s32 $0x11800, s12;
	s16 =	smax.u32 s0, $0x1;
	s15 =	sadd.s32 s4, s1  }
0xe: {  	s4 =	sadd.s32 $0x1600, s1;
	s1 =	sadd.s32 s6, s1;
	[dreg:$0x3] =	wrdreg s30  }
0xf: {  	[dreg:$0x4] =	wrdreg s31;
	s13 =	sadd.s32 $0x33200, s15;
	s1 =	sadd.s32 $0x47A00, s1  }
0x10: {  	v0 =	vimm.f32 $0.0e+00;
	s14 =	sadd.s32 $0x29400, s15;
	s15 =	sadd.s32 $0x3DC00, s15;
	s24 =	sadd.s32 s24, s1  }
.LBB2_1:
0x11: {  	s0 =	simm.s32 $0x0;
	s1 =	simm.s32 $0x200  }
.LBB2_2:
0x12: {  	p0 =	sne.s32 s1, $0x9E00;
	[tilespmem:s0+$0x17E0] =	vst v0  }
0x13: {  	[tilespmem:s0+$0x1770] =	vst v0  }
0x14: {  	[tilespmem:s0+$0x1780] =	vst v0  }
.Ltmp0:
0x15: {  	[tilespmem:s0+$0x1790] =	vst v0;
	(pc) =	sbr.rel @p0 .LBB2_2-.Ltmp0, $4  }
0x16: {  	[tilespmem:s0+$0x17A0] =	vst v0  }
0x17: {  	[tilespmem:s0+$0x17B0] =	vst v0  }
0x18: {  	[tilespmem:s0+$0x17C0] =	vst v0  }
0x19: {  	[tilespmem:s0+$0x17D0] =	vst v0;
	s0 =	sshra.s32 s1, $0x2;
	s1 =	sadd.s32 $0x200, s1  }
0x1a: {  	[tilespmem:s0+$0x17E0] =	vst v0  }
0x1b: {  	[tilespmem:s0+$0x1770] =	vst v0  }
0x1c: {  	[tilespmem:s0+$0x1780] =	vst v0  }
0x1d: {  	[tilespmem:s0+$0x1790] =	vst v0  }
0x1e: {  	[tilespmem:s0+$0x17A0] =	vst v0  }
0x1f: {  	[tilespmem:s0+$0x17B0] =	vst v0  }
0x20: {  	[tilespmem:s0+$0x17C0] =	vst v0  }
0x21: {  	[tilespmem:s0+$0x17D0] =	vst v0;
	s0 =	simm.s32 $0x0;
	s1 =	simm.s32 $0x200  }
.LBB2_4:
0x22: {  	p0 =	sne.s32 s1, $0x9E00;
	[tilespmem:s0+$0x3FE0] =	vst v0  }
0x23: {  	[tilespmem:s0+$0x3F70] =	vst v0  }
0x24: {  	[tilespmem:s0+$0x3F80] =	vst v0  }
.Ltmp1:
0x25: {  	[tilespmem:s0+$0x3F90] =	vst v0;
	(pc) =	sbr.rel @p0 .LBB2_4-.Ltmp1, $4  }
0x26: {  	[tilespmem:s0+$0x3FA0] =	vst v0  }
0x27: {  	[tilespmem:s0+$0x3FB0] =	vst v0  }
0x28: {  	[tilespmem:s0+$0x3FC0] =	vst v0  }
0x29: {  	[tilespmem:s0+$0x3FD0] =	vst v0;
	s0 =	sshra.s32 s1, $0x2;
	s1 =	sadd.s32 $0x200, s1  }
0x2a: {  	[tilespmem:s0+$0x3FE0] =	vst v0  }
0x2b: {  	[tilespmem:s0+$0x3F70] =	vst v0  }
0x2c: {  	[tilespmem:s0+$0x3F80] =	vst v0  }
0x2d: {  	[tilespmem:s0+$0x3F90] =	vst v0  }
0x2e: {  	[tilespmem:s0+$0x3FA0] =	vst v0  }
0x2f: {  	[tilespmem:s0+$0x3FB0] =	vst v0  }
0x30: {  	[tilespmem:s0+$0x3FC0] =	vst v0  }
0x31: {  	[tilespmem:s0+$0x3FD0] =	vst v0  }
0x32: {  	[spmem:s5] =	stream.linear.scatter [tilespmem:s17], [sflag:$0x3], $0x2800, $0x38;
	[tilespmem:$0x1EFF0] =	vst v63  }
0x33: {  	_ =	swait.ge [sflag:s18], $0x2800  }
0x34: {  	[sflag:s18] =	ssyncset.done $0x0  }
0x35: {  	s30 =	rddreg [dreg:$0x3];
	[sflag:s18] =	ssyncadd.s32 $0xFFFFD800  }
0x36: {  	[spmem:s30] =	stream.linear.scatter [tilespmem:s19], [sflag:$0x3], $0x2800, $0x38;
	[tilespmem:$0x1EFF0] =	vst v63  }
0x37: {  	_ =	swait.ge [sflag:s18], $0x2800  }
0x38: {  	[sflag:s18] =	ssyncset.done $0x0  }
0x39: {  	s31 =	rddreg [dreg:$0x4];
	[sflag:s18] =	ssyncadd.s32 $0xFFFFD800  }
0x3a: {  	[spmem:s31] =	stream.linear.scatter [tilespmem:s17], [sflag:$0x3], $0x2800, $0x38;
	[tilespmem:$0x1EFF0] =	vst v63  }
0x3b: {  	_ =	swait.ge [sflag:s18], $0x2800  }
0x3c: {  	[sflag:s18] =	ssyncset.done $0x0  }
0x3d: {  	[sflag:s18] =	ssyncadd.s32 $0xFFFFD800  }
0x3e: {  	[spmem:s8] =	stream.linear.scatter [tilespmem:s19], [sflag:$0x3], $0x2800, $0x38;
	[tilespmem:$0x1EFF0] =	vst v63  }
0x3f: {  	_ =	swait.ge [sflag:s18], $0x2800  }
0x40: {  	[sflag:s18] =	ssyncset.done $0x0  }
0x41: {  	[sflag:s18] =	ssyncadd.s32 $0xFFFFD800  }
0x42: {  	[spmem:s9] =	stream.linear.scatter [tilespmem:s17], [sflag:$0x3], $0x2800, $0x38;
	[tilespmem:$0x1EFF0] =	vst v63  }
0x43: {  	_ =	swait.ge [sflag:s18], $0x2800  }
0x44: {  	[sflag:s18] =	ssyncset.done $0x0  }
0x45: {  	[sflag:s18] =	ssyncadd.s32 $0xFFFFD800  }
0x46: {  	[spmem:s10] =	stream.linear.scatter [tilespmem:s19], [sflag:$0x3], $0x2800, $0x38;
	[tilespmem:$0x1EFF0] =	vst v63  }
0x47: {  	_ =	swait.ge [sflag:s18], $0x2800  }
0x48: {  	[sflag:s18] =	ssyncset.done $0x0  }
0x49: {  	[sflag:s18] =	ssyncadd.s32 $0xFFFFD800  }
0x4a: {  	[spmem:s11] =	stream.linear.scatter [tilespmem:s17], [sflag:$0x3], $0x2800, $0x38;
	[tilespmem:$0x1EFF0] =	vst v63  }
0x4b: {  	_ =	swait.ge [sflag:s18], $0x2800  }
0x4c: {  	[sflag:s18] =	ssyncset.done $0x0  }
0x4d: {  	[sflag:s18] =	ssyncadd.s32 $0xFFFFD800  }
0x4e: {  	[spmem:s12] =	stream.linear.scatter [tilespmem:s17], [sflag:$0x3], $0x2080, $0x38;
	[tilespmem:$0x1EFF0] =	vst v63  }
0x4f: {  	_ =	swait.ge [sflag:s18], $0x2080  }
0x50: {  	[sflag:s18] =	ssyncset.done $0x0  }
0x51: {  	[sflag:s18] =	ssyncadd.s32 $0xFFFFDF80  }
0x52: {  	s26 =	simm.s32 $0x0;
	[bflag:$0x0] =	sbarrier.arrive $0xFFFF  }
0x53: {  	[tilespmem:s26], [sflag:$0x3] =	stream.linear.gather [hbm4b:s13+s26], $0x7D0, $0x38;
	[tilespmem:$0x1EFF0] =	vst v63  }
0x54: {  	_ =	swait.ge [sflag:s18], $0x7D0  }
0x55: {  	[sflag:s18] =	ssyncset.done $0x0  }
0x56: {  	[sflag:s18] =	ssyncadd.s32 $0xFFFFF830  }
0x57: {  	[tilespmem:s20], [sflag:$0x3] =	stream.linear.gather [hbm4b:s14+s26], $0x7D0, $0x38;
	[tilespmem:$0x1EFF0] =	vst v63  }
0x58: {  	_ =	swait.ge [sflag:s18], $0x7D0  }
0x59: {  	[sflag:s18] =	ssyncset.done $0x0  }
0x5a: {  	[sflag:s18] =	ssyncadd.s32 $0xFFFFF830  }
0x5b: {  	[tilespmem:s21], [sflag:$0x3] =	stream.linear.gather [hbm4b:s15+s26], $0x7D0, $0x38;
	[tilespmem:$0x1EFF0] =	vst v63  }
0x5c: {  	_ =	swait.ge [sflag:s18], $0x7D0  }
0x5d: {  	[sflag:s18] =	ssyncset.done $0x0  }
0x5e: {  	[sflag:s18] =	ssyncadd.s32 $0xFFFFF830  }
0x5f: {  	[tilespmem:s17], [sflag:$0x1] =	stream.indirect.gather [hbm4b:s4+s22], $0x80, s26, s22, $0xb8;
	[tilespmem:$0x1EFF0] =	vst v63  }
0x60: {  	s28 =	simm.s32 $0x0  }
0x61: {  	[tilespmem:s19], [sflag:$0x1] =	stream.indirect.gather [hbm4b:s4+s22], $0x80, s22, s22, $0xb8;
	[tilespmem:$0x1EFF0] =	vst v63  }
.LBB2_6:
0x62: {  	_ =	swait.ge [sflag:s23], $0x2800  }
0x63: {  	p0 =	slt.u32 s28, $0x2;
	[sflag:s23] =	ssyncset.done $0x0  }
0x64: {  	s0 =	simm.s32 @!p0 $0x2;
	[sflag:s23] =	ssyncadd.s32 $0xFFFFD800  }
0x65: {  	p1 =	sgt.u32 @!p0 s28, $0x16;
	_ =	swait.ge @!p0 [sflag:s0], $0x2800  }
0x66: {  	v1 =	vmov s28;
	p1 =	por p0, !p1;
	[sflag:s0] =	ssyncset.done @!p0 $0x0  }
0x67: {  	v1 =	vmul.u32 $0x50, v1;
	[sflag:s0] =	ssyncadd.s32 @!p0 $0xFFFFD800;
	s0 =	sadd.s32 @p1 $0x2, s28  }
0x68: {  	s30 =	simm.s32 $0x0;
	s1 =	sand.u32 @p1 $0x3, s0  }
0x69: {  	v2 =	vmov s30;
	v1 =	vbroadcast v1, $0x0;
	s1 =	smul.u32 @p1 $0xA000, s1  }
0x6a: {  	v3 =	vand.u32 $0x78, v2;
	s0 =	smul.u32 @p1 $0x140, s0  }
0x6b: {  	v2 =	vand.u32 $0x4, v2;
	v3 =	vadd.s32 v1, v3;
	s1 =	sshrl.u32 @p1 s1, $0x2  }
0x6c: {  	s6 =	sand.u32 $0x3, s26;
	v2 =	vor.u32 v2, v3;
	s0 =	sshra.s32 @p1 s0, $0x2;
	s1 =	sadd.s32 @p1 $0x1770, s1  }
0x6d: {  	[tilespmem:s1], [sflag:$0x1] =	stream.indirect.gather @p1 [hbm4b:s4+s22], $0x80, s0, s22, $0xb8;
	[tilespmem:$0x1EFF0] =	vst v63  }
0x6e: {  	s0 =	smul.u32 $0xA000, s6;
	_ =	sdelay $0x1  }
0x6f: {  	s0 =	sshrl.u32 s0, $0x2  }
0x70: {  	v2 =	vld.idx.msk [tilespmem:v2+s21+$0x0], $0xffff;
	s1 =	sadd.s32 $0x1870, s0  }
0x71: {  	v3 =	vld [tilespmem:s1+$0xFFFFFF00]  }
0x72: {  	v4 =	vld [tilespmem:s1+$0xFFFFFF70]  }
0x73: {  	v5 =	vld [tilespmem:s1+$0xFFFFFF50]  }
0x74: {  	v6 =	vld [tilespmem:s1+$0xFFFFFF20]  }
0x75: {  	v7 =	vld [tilespmem:s1+$0xFFFFFF40]  }
0x76: {  	v8 =	vld [tilespmem:s1+$0xFFFFFF30];
	v3 =	vmul.f32 v3, v2  }
0x77: {  	s7 =	simm.s32 $0x1;
	v9 =	vld [tilespmem:s1+$0xFFFFFF10];
	v4 =	vmul.f32 v4, v2  }
0x78: {  	v10 =	vld [tilespmem:s1+$0xFFFFFF60];
	v5 =	vmul.f32 v5, v2;
	[tilespmem:s1+$0xFFFFFF00] =	vst v3;
	v3 =	vmov s7  }
0x79: {  	v6 =	vmul.f32 v6, v2;
	[tilespmem:s1+$0xFFFFFF70] =	vst v4;
	v4 =	vand.u32 $0x78, v3  }
0x7a: {  	v7 =	vmul.f32 v7, v2;
	[tilespmem:s1+$0xFFFFFF50] =	vst v5;
	v3 =	vand.u32 $0x5, v3;
	v4 =	vadd.s32 v1, v4  }
0x7b: {  	v5 =	vmul.f32 v8, v2;
	[tilespmem:s1+$0xFFFFFF20] =	vst v6;
	v3 =	vor.u32 v3, v4  }
0x7c: {  	[tilespmem:s1+$0xFFFFFF40] =	vst v7;
	v4 =	vmul.f32 v9, v2  }
0x7d: {  	[tilespmem:s1+$0xFFFFFF30] =	vst v5;
	v2 =	vmul.f32 v10, v2  }
0x7e: {  	[tilespmem:s1+$0xFFFFFF10] =	vst v4  }
0x7f: {  	[tilespmem:s1+$0xFFFFFF60] =	vst v2;
	v2 =	vld [tilespmem:s1+$0xFFFFFFB0]  }
0x80: {  	v4 =	vld.idx.msk [tilespmem:v3+s21+$0x0], $0xffff  }
0x81: {  	v3 =	vld [tilespmem:s1+$0xFFFFFF80]  }
0x82: {  	v6 =	vld [tilespmem:s1+$0xFFFFFF90]  }
0x83: {  	v5 =	vld [tilespmem:s1+$0xFFFFFFF0]  }
0x84: {  	v7 =	vld [tilespmem:s1+$0xFFFFFFA0]  }
0x85: {  	v8 =	vld [tilespmem:s1+$0xFFFFFFE0];
	v2 =	vmul.f32 v2, v4  }
0x86: {  	v9 =	vld [tilespmem:s1+$0xFFFFFFD0];
	v3 =	vmul.f32 v3, v4  }
0x87: {  	s6 =	simm.s32 $0x2;
	v6 =	vmul.f32 v6, v4;
	[tilespmem:s1+$0xFFFFFFB0] =	vst v2  }
0x88: {  	v10 =	vld [tilespmem:s1+$0xFFFFFFC0];
	v5 =	vmul.f32 v5, v4;
	v2 =	vmov s6;
	[tilespmem:s1+$0xFFFFFF80] =	vst v3  }
0x89: {  	v7 =	vmul.f32 v7, v4;
	[tilespmem:s1+$0xFFFFFF90] =	vst v6;
	v3 =	vand.u32 $0x78, v2  }
0x8a: {  	v8 =	vmul.f32 v8, v4;
	[tilespmem:s1+$0xFFFFFFF0] =	vst v5;
	v5 =	vld [tilespmem:s1+$0x30];
	v2 =	vand.u32 $0x6, v2;
	v3 =	vadd.s32 v1, v3  }
0x8b: {  	v6 =	vmul.f32 v9, v4;
	[tilespmem:s1+$0xFFFFFFA0] =	vst v7;
	v7 =	vld [tilespmem:s1+$0x0];
	v9 =	vor.u32 v2, v3  }
0x8c: {  	s7 =	sand.u32 $0x3, s28;
	[tilespmem:s1+$0xFFFFFFE0] =	vst v8;
	v8 =	vld [tilespmem:s1+$0x20]  }
0x8d: {  	s0 =	smul.u32 $0xA000, s7;
	v4 =	vmul.f32 v10, v4;
	[tilespmem:s1+$0xFFFFFFD0] =	vst v6;
	v6 =	vld [tilespmem:s1+$0x10]  }
0x8e: {  	v2 =	vld [tilespmem:s1+$0x40]  }
0x8f: {  	s0 =	sshrl.u32 s0, $0x2;
	[tilespmem:s1+$0xFFFFFFC0] =	vst v4;
	v3 =	vld [tilespmem:s1+$0x50]  }
0x90: {  	s29 =	smov.u32 s1;
	s31 =	sadd.s32 $0x1770, s0;
	s0 =	simm.s32 $0x4;
	v4 =	vld.idx.msk [tilespmem:v9+s21+$0x0], $0xffff  }
.LBB2_7:
0x91: {  	p0 =	slt.u32 s0, $0x4C  }
0x92: {  	v9 =	vld [tilespmem:s1+$0x70];
	s29 =	sadd.s32 $0x200, s29;
	s6 =	smov.u32 s0;
	s0 =	sadd.s32 $0x4, s0  }
0x93: {  	v10 =	vld [tilespmem:s1+$0x60];
	_ =	sdelay $0x1  }
0x94: {  	v7 =	vmul.f32 v7, v4;
	v6 =	vmul.f32 v6, v4  }
0x95: {  	s7 =	sadd.s32 $0x3, s30;
	s30 =	smov.u32 s6;
	v5 =	vmul.f32 v5, v4;
	v8 =	vmul.f32 v8, v4  }
0x96: {  	v2 =	vmul.f32 v2, v4;
	v3 =	vmul.f32 v3, v4;
	[tilespmem:s1+$0x0] =	vst v7;
	v7 =	vmov s7  }
0x97: {  	[tilespmem:s1+$0x30] =	vst v5;
	v5 =	vmul.f32 v10, v4;
	v4 =	vmul.f32 v9, v4;
	v9 =	vand.u32 $0x78, v7  }
0x98: {  	v7 =	vand.u32 $0x7, v7;
	[tilespmem:s1+$0x20] =	vst v8;
	v8 =	vadd.s32 v1, v9;
	v9 =	vld [tilespmem:s1+$0xB0]  }
0x99: {  	[tilespmem:s1+$0x10] =	vst v6;
	v6 =	vor.u32 v7, v8;
	v7 =	vld [tilespmem:s1+$0x80]  }
0x9a: {  	[tilespmem:s1+$0x40] =	vst v2;
	v8 =	vld [tilespmem:s1+$0xC0]  }
0x9b: {  	v2 =	vld [tilespmem:s29+$0x40];
	[tilespmem:s1+$0x50] =	vst v3  }
0x9c: {  	v3 =	vld [tilespmem:s29+$0x50];
	[tilespmem:s1+$0x70] =	vst v4  }
0x9d: {  	[tilespmem:s1+$0x60] =	vst v5;
	v4 =	vld [tilespmem:s1+$0xF0]  }
0x9e: {  	v5 =	vld.idx.msk [tilespmem:v6+s21+$0x0], $0xffff  }
0x9f: {  	v6 =	vld [tilespmem:s1+$0x90]  }
0xa0: {  	v10 =	vld [tilespmem:s1+$0xA0]  }
0xa1: {  	v11 =	vld [tilespmem:s1+$0xD0]  }
0xa2: {  	v12 =	vld [tilespmem:s1+$0xE0];
	_ =	sdelay $0x1  }
0xa3: {  	v7 =	vmul.f32 v7, v5;
	v6 =	vmul.f32 v6, v5  }
0xa4: {  	v9 =	vmul.f32 v9, v5;
	v10 =	vmul.f32 v10, v5  }
0xa5: {  	v13 =	vmov s30;
	[tilespmem:s1+$0x80] =	vst v7;
	v7 =	vmul.f32 v8, v5;
	v8 =	vmul.f32 v11, v5  }
0xa6: {  	v4 =	vmul.f32 v4, v5;
	v11 =	vand.u32 $0x78, v13;
	[tilespmem:s1+$0xB0] =	vst v9;
	v9 =	vmul.f32 v12, v5  }
0xa7: {  	v5 =	vand.u32 $0x4, v13;
	v11 =	vadd.s32 v1, v11;
	[tilespmem:s1+$0xA0] =	vst v10  }
0xa8: {  	v5 =	vor.u32 v5, v11;
	[tilespmem:s1+$0x90] =	vst v6  }
0xa9: {  	v6 =	vld [tilespmem:s29+$0xFFFFFF40];
	[tilespmem:s1+$0xC0] =	vst v7  }
0xaa: {  	v7 =	vld [tilespmem:s29+$0xFFFFFF60];
	[tilespmem:s1+$0xD0] =	vst v8  }
0xab: {  	v8 =	vld [tilespmem:s29+$0xFFFFFF50];
	[tilespmem:s1+$0xF0] =	vst v4  }
0xac: {  	v4 =	vld [tilespmem:s29+$0xFFFFFF70];
	[tilespmem:s1+$0xE0] =	vst v9;
	s1 =	smov.u32 s29  }
0xad: {  	v5 =	vld.idx.msk [tilespmem:v5+s21+$0x0], $0xffff  }
0xae: {  	v9 =	vld [tilespmem:s29+$0xFFFFFF00]  }
0xaf: {  	v10 =	vld [tilespmem:s29+$0xFFFFFF20]  }
0xb0: {  	v11 =	vld [tilespmem:s29+$0xFFFFFF10]  }
0xb1: {  	v12 =	vld [tilespmem:s29+$0xFFFFFF30];
	_ =	sdelay $0x1  }
0xb2: {  	v4 =	vmul.f32 v4, v5;
	v9 =	vmul.f32 v9, v5  }
0xb3: {  	s6 =	sadd.s32 $0x1, s30;
	v8 =	vmul.f32 v8, v5;
	v10 =	vmul.f32 v10, v5  }
0xb4: {  	v7 =	vmul.f32 v7, v5;
	[tilespmem:s29+$0xFFFFFF00] =	vst v9;
	v9 =	vmul.f32 v11, v5;
	v11 =	vmov s6  }
0xb5: {  	v12 =	vmul.f32 v12, v5;
	v5 =	vmul.f32 v6, v5;
	[tilespmem:s29+$0xFFFFFF70] =	vst v4;
	v4 =	vand.u32 $0x78, v11  }
0xb6: {  	v6 =	vand.u32 $0x5, v11;
	[tilespmem:s29+$0xFFFFFF50] =	vst v8;
	v4 =	vadd.s32 v1, v4  }
0xb7: {  	[tilespmem:s29+$0xFFFFFF20] =	vst v10;
	v4 =	vor.u32 v6, v4  }
0xb8: {  	[tilespmem:s29+$0xFFFFFF40] =	vst v5;
	v5 =	vld [tilespmem:s29+$0xFFFFFFF0]  }
0xb9: {  	[tilespmem:s29+$0xFFFFFF30] =	vst v12;
	v6 =	vld [tilespmem:s29+$0xFFFFFFE0]  }
0xba: {  	[tilespmem:s29+$0xFFFFFF10] =	vst v9;
	v8 =	vld [tilespmem:s29+$0xFFFFFFD0]  }
0xbb: {  	[tilespmem:s29+$0xFFFFFF60] =	vst v7;
	v7 =	vld [tilespmem:s29+$0xFFFFFFB0]  }
0xbc: {  	v4 =	vld.idx.msk [tilespmem:v4+s21+$0x0], $0xffff  }
0xbd: {  	v9 =	vld [tilespmem:s29+$0xFFFFFF80]  }
0xbe: {  	v10 =	vld [tilespmem:s29+$0xFFFFFF90]  }
0xbf: {  	v11 =	vld [tilespmem:s29+$0xFFFFFFA0]  }
0xc0: {  	v12 =	vld [tilespmem:s29+$0xFFFFFFC0];
	_ =	sdelay $0x1  }
0xc1: {  	v7 =	vmul.f32 v7, v4;
	v9 =	vmul.f32 v9, v4  }
0xc2: {  	s6 =	sadd.s32 $0x2, s30;
	v8 =	vmul.f32 v8, v4;
	v10 =	vmul.f32 v10, v4  }
0xc3: {  	v6 =	vmul.f32 v6, v4;
	v11 =	vmul.f32 v11, v4;
	[tilespmem:s29+$0xFFFFFFB0] =	vst v7;
	v7 =	vmov s6  }
0xc4: {  	[tilespmem:s29+$0xFFFFFF80] =	vst v9;
	v9 =	vmul.f32 v12, v4;
	v4 =	vmul.f32 v5, v4;
	v5 =	vand.u32 $0x78, v7  }
0xc5: {  	v7 =	vand.u32 $0x6, v7;
	[tilespmem:s29+$0xFFFFFF90] =	vst v10;
	v5 =	vadd.s32 v1, v5  }
0xc6: {  	[tilespmem:s29+$0xFFFFFFA0] =	vst v11;
	v10 =	vor.u32 v7, v5  }
0xc7: {  	[tilespmem:s29+$0xFFFFFFE0] =	vst v6  }
0xc8: {  	[tilespmem:s29+$0xFFFFFFD0] =	vst v8  }
.Ltmp2:
0xc9: {  	[tilespmem:s29+$0xFFFFFFF0] =	vst v4;
	v5 =	vld [tilespmem:s29+$0x30];
	(pc) =	sbr.rel @p0 .LBB2_7-.Ltmp2, $4  }
0xca: {  	[tilespmem:s29+$0xFFFFFFC0] =	vst v9;
	v7 =	vld [tilespmem:s29+$0x0]  }
0xcb: {  	v4 =	vld.idx.msk [tilespmem:v10+s21+$0x0], $0xffff  }
0xcc: {  	v6 =	vld [tilespmem:s29+$0x10]  }
0xcd: {  	v8 =	vld [tilespmem:s29+$0x20]  }
0xce: {  	_ =	sdelay $0x1  }
0xcf: {  	v7 =	vmul.f32 v7, v4  }
0xd0: {  	v9 =	vld [tilespmem:s1+$0x70];
	s0 =	sadd.s32 $0x3, s30;
	v5 =	vmul.f32 v5, v4  }
0xd1: {  	v10 =	vld [tilespmem:s1+$0x60];
	v54 =	vmov s0;
	v2 =	vmul.f32 v2, v4;
	[tilespmem:s1+$0x0] =	vst v7  }
0xd2: {  	v55 =	vand.u32 $0x78, v54;
	v3 =	vmul.f32 v3, v4;
	[tilespmem:s1+$0x30] =	vst v5  }
0xd3: {  	v6 =	vmul.f32 v6, v4;
	v1 =	vadd.s32 v1, v55;
	v7 =	vand.u32 $0x7, v54;
	[tilespmem:s1+$0x40] =	vst v2  }
0xd4: {  	v8 =	vmul.f32 v8, v4;
	[tilespmem:s1+$0x50] =	vst v3;
	v1 =	vor.u32 v7, v1  }
0xd5: {  	[tilespmem:s1+$0x10] =	vst v6;
	v56 =	vmul.f32 v9, v4  }
0xd6: {  	v2 =	vmul.f32 v10, v4;
	[tilespmem:s1+$0x20] =	vst v8  }
0xd7: {  	[tilespmem:s1+$0x70] =	vst v56  }
0xd8: {  	v57 =	vld [tilespmem:s1+$0x80];
	[tilespmem:s1+$0x60] =	vst v2  }
0xd9: {  	v1 =	vld.idx.msk [tilespmem:v1+s21+$0x0], $0xffff  }
0xda: {  	v2 =	vld [tilespmem:s1+$0xB0]  }
0xdb: {  	v3 =	vld [tilespmem:s1+$0xA0]  }
0xdc: {  	v58 =	vld [tilespmem:s1+$0x90]  }
0xdd: {  	v61 =	vld [tilespmem:s1+$0xF0]  }
0xde: {  	v59 =	vld [tilespmem:s1+$0xC0];
	v6 =	vmul.f32 v57, v1  }
0xdf: {  	v60 =	vld [tilespmem:s1+$0xD0];
	v2 =	vmul.f32 v2, v1  }
0xe0: {  	v62 =	vld [tilespmem:s1+$0xE0];
	v3 =	vmul.f32 v3, v1;
	[tilespmem:s1+$0x80] =	vst v6  }
0xe1: {  	v4 =	vmul.f32 v58, v1;
	[tilespmem:s1+$0xB0] =	vst v2  }
0xe2: {  	s30 =	smul.u32 $0x140, s28;
	s28 =	sadd.s32 $0x1, s28;
	v63 =	vmul.f32 v61, v1;
	[tilespmem:s1+$0xA0] =	vst v3  }
0xe3: {  	p0 =	sne.s32 s28, $0x19;
	v2 =	vmul.f32 v59, v1;
	[tilespmem:s1+$0x90] =	vst v4  }
.Ltmp3:
0xe4: {  	v3 =	vmul.f32 v60, v1;
	[tilespmem:s1+$0xF0] =	vst v63;
	(pc) =	sbr.rel @p0 .LBB2_6-.Ltmp3, $4  }
0xe5: {  	v1 =	vmul.f32 v62, v1;
	[tilespmem:s1+$0xC0] =	vst v2  }
0xe6: {  	s0 =	sshra.s32 s30, $0x2;
	[tilespmem:s1+$0xD0] =	vst v3  }
0xe7: {  	s26 =	sadd.s32 $0x1, s26;
	s0 =	sadd.s32 $0x7D0, s0;
	[tilespmem:s1+$0xE0] =	vst v1  }
0xe8: {  	[spmem:s2] =	stream.indirect.scatter.add.f32 [tilespmem:s31], [sflag:$0x2], $0x80, s0, s22, $0xb8;
	[tilespmem:$0x1EFF0] =	vst v63  }
0xe9: {  	_ =	swait.ge [sflag:s25], $0x2800  }
0xea: {  	[sflag:s25] =	ssyncset.done $0x0  }
0xeb: {  	[sflag:s25] =	ssyncadd.s32 $0xFFFFD800  }
0xec: {  	_ =	swait.ge [sflag:s25], $0x2800  }
0xed: {  	[sflag:s25] =	ssyncset.done $0x0  }
0xee: {  	s0 =	sadd.s32 $0xFA, s13;
	s26 =	simm.s32 $0x0;
	[sflag:s25] =	ssyncadd.s32 $0xFFFFD800  }
0xef: {  	[tilespmem:s26], [sflag:$0x3] =	stream.linear.gather [hbm4b:s0+s26], $0x7D0, $0x38;
	[tilespmem:$0x1EFF0] =	vst v63  }
0xf0: {  	_ =	swait.ge [sflag:s18], $0x7D0  }
0xf1: {  	[sflag:s18] =	ssyncset.done $0x0  }
0xf2: {  	s30 =	sadd.s32 $0xFA, s14;
	[sflag:s18] =	ssyncadd.s32 $0xFFFFF830  }
0xf3: {  	[tilespmem:s20], [sflag:$0x3] =	stream.linear.gather [hbm4b:s30+s26], $0x7D0, $0x38;
	[tilespmem:$0x1EFF0] =	vst v63  }
0xf4: {  	_ =	swait.ge [sflag:s18], $0x7D0  }
0xf5: {  	[sflag:s18] =	ssyncset.done $0x0  }
0xf6: {  	s31 =	sadd.s32 $0xFA, s15;
	[sflag:s18] =	ssyncadd.s32 $0xFFFFF830  }
0xf7: {  	[tilespmem:s21], [sflag:$0x3] =	stream.linear.gather [hbm4b:s31+s26], $0x7D0, $0x38;
	[tilespmem:$0x1EFF0] =	vst v63  }
0xf8: {  	_ =	swait.ge [sflag:s18], $0x7D0  }
0xf9: {  	[sflag:s18] =	ssyncset.done $0x0  }
0xfa: {  	[sflag:s18] =	ssyncadd.s32 $0xFFFFF830  }
0xfb: {  	[tilespmem:s17], [sflag:$0x1] =	stream.indirect.gather [hbm4b:s4+s22], $0x80, s26, s22, $0xb8;
	[tilespmem:$0x1EFF0] =	vst v63  }
0xfc: {  	s28 =	simm.s32 $0x0  }
0xfd: {  	[tilespmem:s19], [sflag:$0x1] =	stream.indirect.gather [hbm4b:s4+s22], $0x80, s22, s22, $0xb8;
	[tilespmem:$0x1EFF0] =	vst v63  }
.LBB2_10:
0xfe: {  	_ =	swait.ge [sflag:s23], $0x2800  }
0xff: {  	p0 =	slt.u32 s28, $0x2;
	[sflag:s23] =	ssyncset.done $0x0  }
0x100: {  	s0 =	simm.s32 @!p0 $0x2;
	[sflag:s23] =	ssyncadd.s32 $0xFFFFD800  }
0x101: {  	p1 =	sgt.u32 @!p0 s28, $0x16;
	_ =	swait.ge @!p0 [sflag:s0], $0x2800  }
0x102: {  	v1 =	vmov s28;
	p1 =	por p0, !p1;
	[sflag:s0] =	ssyncset.done @!p0 $0x0  }
0x103: {  	v1 =	vmul.u32 $0x50, v1;
	[sflag:s0] =	ssyncadd.s32 @!p0 $0xFFFFD800;
	s0 =	sadd.s32 @p1 $0x2, s28  }
0x104: {  	s30 =	simm.s32 $0x0;
	s1 =	sand.u32 @p1 $0x3, s0  }
0x105: {  	v2 =	vmov s30;
	v1 =	vbroadcast v1, $0x0;
	s1 =	smul.u32 @p1 $0xA000, s1  }
0x106: {  	v3 =	vand.u32 $0x78, v2;
	s0 =	smul.u32 @p1 $0x140, s0  }
0x107: {  	v2 =	vand.u32 $0x4, v2;
	v3 =	vadd.s32 v1, v3;
	s1 =	sshrl.u32 @p1 s1, $0x2  }
0x108: {  	s7 =	sand.u32 $0x3, s26;
	v2 =	vor.u32 v2, v3;
	s0 =	sshra.s32 @p1 s0, $0x2;
	s1 =	sadd.s32 @p1 $0x1770, s1  }
0x109: {  	[tilespmem:s1], [sflag:$0x1] =	stream.indirect.gather @p1 [hbm4b:s4+s22], $0x80, s0, s22, $0xb8;
	[tilespmem:$0x1EFF0] =	vst v63  }
0x10a: {  	s0 =	smul.u32 $0xA000, s7;
	_ =	sdelay $0x1  }
0x10b: {  	s0 =	sshrl.u32 s0, $0x2  }
0x10c: {  	v2 =	vld.idx.msk [tilespmem:v2+s21+$0x0], $0xffff;
	s29 =	sadd.s32 $0x1870, s0  }
0x10d: {  	v3 =	vld [tilespmem:s29+$0xFFFFFF00]  }
0x10e: {  	v4 =	vld [tilespmem:s29+$0xFFFFFF70]  }
0x10f: {  	v5 =	vld [tilespmem:s29+$0xFFFFFF50]  }
0x110: {  	v6 =	vld [tilespmem:s29+$0xFFFFFF20]  }
0x111: {  	v7 =	vld [tilespmem:s29+$0xFFFFFF40]  }
0x112: {  	v8 =	vld [tilespmem:s29+$0xFFFFFF30];
	v3 =	vmul.f32 v3, v2  }
0x113: {  	s1 =	simm.s32 $0x1;
	v9 =	vld [tilespmem:s29+$0xFFFFFF10];
	v4 =	vmul.f32 v4, v2  }
0x114: {  	v10 =	vld [tilespmem:s29+$0xFFFFFF60];
	v5 =	vmul.f32 v5, v2;
	[tilespmem:s29+$0xFFFFFF00] =	vst v3;
	v3 =	vmov s1  }
0x115: {  	v6 =	vmul.f32 v6, v2;
	[tilespmem:s29+$0xFFFFFF70] =	vst v4;
	v4 =	vand.u32 $0x78, v3  }
0x116: {  	v7 =	vmul.f32 v7, v2;
	[tilespmem:s29+$0xFFFFFF50] =	vst v5;
	v3 =	vand.u32 $0x5, v3;
	v4 =	vadd.s32 v1, v4  }
0x117: {  	v5 =	vmul.f32 v8, v2;
	[tilespmem:s29+$0xFFFFFF20] =	vst v6;
	v3 =	vor.u32 v3, v4  }
0x118: {  	[tilespmem:s29+$0xFFFFFF40] =	vst v7;
	v4 =	vmul.f32 v9, v2  }
0x119: {  	[tilespmem:s29+$0xFFFFFF30] =	vst v5;
	v2 =	vmul.f32 v10, v2  }
0x11a: {  	[tilespmem:s29+$0xFFFFFF10] =	vst v4  }
0x11b: {  	[tilespmem:s29+$0xFFFFFF60] =	vst v2;
	v2 =	vld [tilespmem:s29+$0xFFFFFFB0]  }
0x11c: {  	v4 =	vld.idx.msk [tilespmem:v3+s21+$0x0], $0xffff  }
0x11d: {  	v3 =	vld [tilespmem:s29+$0xFFFFFF80]  }
0x11e: {  	v6 =	vld [tilespmem:s29+$0xFFFFFF90]  }
0x11f: {  	v5 =	vld [tilespmem:s29+$0xFFFFFFF0]  }
0x120: {  	v7 =	vld [tilespmem:s29+$0xFFFFFFA0]  }
0x121: {  	v8 =	vld [tilespmem:s29+$0xFFFFFFE0];
	v2 =	vmul.f32 v2, v4  }
0x122: {  	v9 =	vld [tilespmem:s29+$0xFFFFFFD0];
	v3 =	vmul.f32 v3, v4  }
0x123: {  	s6 =	simm.s32 $0x2;
	v6 =	vmul.f32 v6, v4;
	[tilespmem:s29+$0xFFFFFFB0] =	vst v2  }
0x124: {  	v10 =	vld [tilespmem:s29+$0xFFFFFFC0];
	v5 =	vmul.f32 v5, v4;
	v2 =	vmov s6;
	[tilespmem:s29+$0xFFFFFF80] =	vst v3  }
0x125: {  	v7 =	vmul.f32 v7, v4;
	[tilespmem:s29+$0xFFFFFF90] =	vst v6;
	v3 =	vand.u32 $0x78, v2  }
0x126: {  	v8 =	vmul.f32 v8, v4;
	[tilespmem:s29+$0xFFFFFFF0] =	vst v5;
	v5 =	vld [tilespmem:s29+$0x30];
	v2 =	vand.u32 $0x6, v2;
	v3 =	vadd.s32 v1, v3  }
0x127: {  	v6 =	vmul.f32 v9, v4;
	[tilespmem:s29+$0xFFFFFFA0] =	vst v7;
	v7 =	vld [tilespmem:s29+$0x0];
	v9 =	vor.u32 v2, v3  }
0x128: {  	s7 =	sand.u32 $0x3, s28;
	[tilespmem:s29+$0xFFFFFFE0] =	vst v8;
	v8 =	vld [tilespmem:s29+$0x20]  }
0x129: {  	s0 =	smul.u32 $0xA000, s7;
	v4 =	vmul.f32 v10, v4;
	[tilespmem:s29+$0xFFFFFFD0] =	vst v6;
	v6 =	vld [tilespmem:s29+$0x10]  }
0x12a: {  	v2 =	vld [tilespmem:s29+$0x40]  }
0x12b: {  	s0 =	sshrl.u32 s0, $0x2;
	[tilespmem:s29+$0xFFFFFFC0] =	vst v4;
	v3 =	vld [tilespmem:s29+$0x50]  }
0x12c: {  	s31 =	sadd.s32 $0x1770, s0;
	s0 =	simm.s32 $0x4;
	s1 =	smov.u32 s29;
	v4 =	vld.idx.msk [tilespmem:v9+s21+$0x0], $0xffff  }
.LBB2_11:
0x12d: {  	p0 =	slt.u32 s0, $0x4C  }
0x12e: {  	v9 =	vld [tilespmem:s29+$0x70];
	s1 =	sadd.s32 $0x200, s1;
	s6 =	smov.u32 s0;
	s0 =	sadd.s32 $0x4, s0  }
0x12f: {  	v10 =	vld [tilespmem:s29+$0x60];
	_ =	sdelay $0x1  }
0x130: {  	v7 =	vmul.f32 v7, v4;
	v6 =	vmul.f32 v6, v4  }
0x131: {  	s7 =	sadd.s32 $0x3, s30;
	s30 =	smov.u32 s6;
	v5 =	vmul.f32 v5, v4;
	v8 =	vmul.f32 v8, v4  }
0x132: {  	v2 =	vmul.f32 v2, v4;
	v3 =	vmul.f32 v3, v4;
	[tilespmem:s29+$0x0] =	vst v7;
	v7 =	vmov s7  }
0x133: {  	[tilespmem:s29+$0x30] =	vst v5;
	v5 =	vmul.f32 v10, v4;
	v4 =	vmul.f32 v9, v4;
	v9 =	vand.u32 $0x78, v7  }
0x134: {  	v7 =	vand.u32 $0x7, v7;
	[tilespmem:s29+$0x20] =	vst v8;
	v8 =	vadd.s32 v1, v9;
	v9 =	vld [tilespmem:s29+$0xB0]  }
0x135: {  	[tilespmem:s29+$0x10] =	vst v6;
	v6 =	vor.u32 v7, v8;
	v7 =	vld [tilespmem:s29+$0x80]  }
0x136: {  	[tilespmem:s29+$0x40] =	vst v2;
	v8 =	vld [tilespmem:s29+$0xC0]  }
0x137: {  	v2 =	vld [tilespmem:s1+$0x40];
	[tilespmem:s29+$0x50] =	vst v3  }
0x138: {  	v3 =	vld [tilespmem:s1+$0x50];
	[tilespmem:s29+$0x70] =	vst v4  }
0x139: {  	[tilespmem:s29+$0x60] =	vst v5;
	v4 =	vld [tilespmem:s29+$0xF0]  }
0x13a: {  	v5 =	vld.idx.msk [tilespmem:v6+s21+$0x0], $0xffff  }
0x13b: {  	v6 =	vld [tilespmem:s29+$0x90]  }
0x13c: {  	v10 =	vld [tilespmem:s29+$0xA0]  }
0x13d: {  	v11 =	vld [tilespmem:s29+$0xD0]  }
0x13e: {  	v12 =	vld [tilespmem:s29+$0xE0];
	_ =	sdelay $0x1  }
0x13f: {  	v7 =	vmul.f32 v7, v5;
	v6 =	vmul.f32 v6, v5  }
0x140: {  	v9 =	vmul.f32 v9, v5;
	v10 =	vmul.f32 v10, v5  }
0x141: {  	v13 =	vmov s30;
	[tilespmem:s29+$0x80] =	vst v7;
	v7 =	vmul.f32 v8, v5;
	v8 =	vmul.f32 v11, v5  }
0x142: {  	v4 =	vmul.f32 v4, v5;
	v11 =	vand.u32 $0x78, v13;
	[tilespmem:s29+$0xB0] =	vst v9;
	v9 =	vmul.f32 v12, v5  }
0x143: {  	v5 =	vand.u32 $0x4, v13;
	v11 =	vadd.s32 v1, v11;
	[tilespmem:s29+$0xA0] =	vst v10  }
0x144: {  	v5 =	vor.u32 v5, v11;
	[tilespmem:s29+$0x90] =	vst v6  }
0x145: {  	v6 =	vld [tilespmem:s1+$0xFFFFFF40];
	[tilespmem:s29+$0xC0] =	vst v7  }
0x146: {  	v7 =	vld [tilespmem:s1+$0xFFFFFF60];
	[tilespmem:s29+$0xD0] =	vst v8  }
0x147: {  	v8 =	vld [tilespmem:s1+$0xFFFFFF50];
	[tilespmem:s29+$0xF0] =	vst v4  }
0x148: {  	v4 =	vld [tilespmem:s1+$0xFFFFFF70];
	[tilespmem:s29+$0xE0] =	vst v9;
	s29 =	smov.u32 s1  }
0x149: {  	v5 =	vld.idx.msk [tilespmem:v5+s21+$0x0], $0xffff  }
0x14a: {  	v9 =	vld [tilespmem:s1+$0xFFFFFF00]  }
0x14b: {  	v10 =	vld [tilespmem:s1+$0xFFFFFF20]  }
0x14c: {  	v11 =	vld [tilespmem:s1+$0xFFFFFF10]  }
0x14d: {  	v12 =	vld [tilespmem:s1+$0xFFFFFF30];
	_ =	sdelay $0x1  }
0x14e: {  	v4 =	vmul.f32 v4, v5;
	v9 =	vmul.f32 v9, v5  }
0x14f: {  	s6 =	sadd.s32 $0x1, s30;
	v8 =	vmul.f32 v8, v5;
	v10 =	vmul.f32 v10, v5  }
0x150: {  	v7 =	vmul.f32 v7, v5;
	[tilespmem:s1+$0xFFFFFF00] =	vst v9;
	v9 =	vmul.f32 v11, v5;
	v11 =	vmov s6  }
0x151: {  	v12 =	vmul.f32 v12, v5;
	v5 =	vmul.f32 v6, v5;
	[tilespmem:s1+$0xFFFFFF70] =	vst v4;
	v4 =	vand.u32 $0x78, v11  }
0x152: {  	v6 =	vand.u32 $0x5, v11;
	[tilespmem:s1+$0xFFFFFF50] =	vst v8;
	v4 =	vadd.s32 v1, v4  }
0x153: {  	[tilespmem:s1+$0xFFFFFF20] =	vst v10;
	v4 =	vor.u32 v6, v4  }
0x154: {  	[tilespmem:s1+$0xFFFFFF40] =	vst v5;
	v5 =	vld [tilespmem:s1+$0xFFFFFFF0]  }
0x155: {  	[tilespmem:s1+$0xFFFFFF30] =	vst v12;
	v6 =	vld [tilespmem:s1+$0xFFFFFFE0]  }
0x156: {  	[tilespmem:s1+$0xFFFFFF10] =	vst v9;
	v8 =	vld [tilespmem:s1+$0xFFFFFFD0]  }
0x157: {  	[tilespmem:s1+$0xFFFFFF60] =	vst v7;
	v7 =	vld [tilespmem:s1+$0xFFFFFFB0]  }
0x158: {  	v4 =	vld.idx.msk [tilespmem:v4+s21+$0x0], $0xffff  }
0x159: {  	v9 =	vld [tilespmem:s1+$0xFFFFFF80]  }
0x15a: {  	v10 =	vld [tilespmem:s1+$0xFFFFFF90]  }
0x15b: {  	v11 =	vld [tilespmem:s1+$0xFFFFFFA0]  }
0x15c: {  	v12 =	vld [tilespmem:s1+$0xFFFFFFC0];
	_ =	sdelay $0x1  }
0x15d: {  	v7 =	vmul.f32 v7, v4;
	v9 =	vmul.f32 v9, v4  }
0x15e: {  	s6 =	sadd.s32 $0x2, s30;
	v8 =	vmul.f32 v8, v4;
	v10 =	vmul.f32 v10, v4  }
0x15f: {  	v6 =	vmul.f32 v6, v4;
	v11 =	vmul.f32 v11, v4;
	[tilespmem:s1+$0xFFFFFFB0] =	vst v7;
	v7 =	vmov s6  }
0x160: {  	[tilespmem:s1+$0xFFFFFF80] =	vst v9;
	v9 =	vmul.f32 v12, v4;
	v4 =	vmul.f32 v5, v4;
	v5 =	vand.u32 $0x78, v7  }
0x161: {  	v7 =	vand.u32 $0x6, v7;
	[tilespmem:s1+$0xFFFFFF90] =	vst v10;
	v5 =	vadd.s32 v1, v5  }
0x162: {  	[tilespmem:s1+$0xFFFFFFA0] =	vst v11;
	v10 =	vor.u32 v7, v5  }
0x163: {  	[tilespmem:s1+$0xFFFFFFE0] =	vst v6  }
0x164: {  	[tilespmem:s1+$0xFFFFFFD0] =	vst v8  }
.Ltmp4:
0x165: {  	[tilespmem:s1+$0xFFFFFFF0] =	vst v4;
	v5 =	vld [tilespmem:s1+$0x30];
	(pc) =	sbr.rel @p0 .LBB2_11-.Ltmp4, $4  }
0x166: {  	[tilespmem:s1+$0xFFFFFFC0] =	vst v9;
	v7 =	vld [tilespmem:s1+$0x0]  }
0x167: {  	v4 =	vld.idx.msk [tilespmem:v10+s21+$0x0], $0xffff  }
0x168: {  	v6 =	vld [tilespmem:s1+$0x10]  }
0x169: {  	v8 =	vld [tilespmem:s1+$0x20]  }
0x16a: {  	_ =	sdelay $0x1  }
0x16b: {  	v7 =	vmul.f32 v7, v4  }
0x16c: {  	v9 =	vld [tilespmem:s29+$0x70];
	s0 =	sadd.s32 $0x3, s30;
	v5 =	vmul.f32 v5, v4  }
0x16d: {  	v10 =	vld [tilespmem:s29+$0x60];
	v54 =	vmov s0;
	v2 =	vmul.f32 v2, v4;
	[tilespmem:s29+$0x0] =	vst v7  }
0x16e: {  	v55 =	vand.u32 $0x78, v54;
	v3 =	vmul.f32 v3, v4;
	[tilespmem:s29+$0x30] =	vst v5  }
0x16f: {  	v6 =	vmul.f32 v6, v4;
	v1 =	vadd.s32 v1, v55;
	v7 =	vand.u32 $0x7, v54;
	[tilespmem:s29+$0x40] =	vst v2  }
0x170: {  	v8 =	vmul.f32 v8, v4;
	[tilespmem:s29+$0x50] =	vst v3;
	v1 =	vor.u32 v7, v1  }
0x171: {  	[tilespmem:s29+$0x10] =	vst v6;
	v56 =	vmul.f32 v9, v4  }
0x172: {  	v2 =	vmul.f32 v10, v4;
	[tilespmem:s29+$0x20] =	vst v8  }
0x173: {  	[tilespmem:s29+$0x70] =	vst v56  }
0x174: {  	v57 =	vld [tilespmem:s29+$0x80];
	[tilespmem:s29+$0x60] =	vst v2  }
0x175: {  	v1 =	vld.idx.msk [tilespmem:v1+s21+$0x0], $0xffff  }
0x176: {  	v2 =	vld [tilespmem:s29+$0xB0]  }
0x177: {  	v3 =	vld [tilespmem:s29+$0xA0]  }
0x178: {  	v58 =	vld [tilespmem:s29+$0x90]  }
0x179: {  	v61 =	vld [tilespmem:s29+$0xF0]  }
0x17a: {  	v59 =	vld [tilespmem:s29+$0xC0];
	v6 =	vmul.f32 v57, v1  }
0x17b: {  	v60 =	vld [tilespmem:s29+$0xD0];
	v2 =	vmul.f32 v2, v1  }
0x17c: {  	v62 =	vld [tilespmem:s29+$0xE0];
	v3 =	vmul.f32 v3, v1;
	[tilespmem:s29+$0x80] =	vst v6  }
0x17d: {  	v4 =	vmul.f32 v58, v1;
	[tilespmem:s29+$0xB0] =	vst v2  }
0x17e: {  	s30 =	smul.u32 $0x140, s28;
	s28 =	sadd.s32 $0x1, s28;
	v63 =	vmul.f32 v61, v1;
	[tilespmem:s29+$0xA0] =	vst v3  }
0x17f: {  	p0 =	sne.s32 s28, $0x19;
	v2 =	vmul.f32 v59, v1;
	[tilespmem:s29+$0x90] =	vst v4  }
.Ltmp5:
0x180: {  	v3 =	vmul.f32 v60, v1;
	[tilespmem:s29+$0xF0] =	vst v63;
	(pc) =	sbr.rel @p0 .LBB2_10-.Ltmp5, $4  }
0x181: {  	v1 =	vmul.f32 v62, v1;
	[tilespmem:s29+$0xC0] =	vst v2  }
0x182: {  	s0 =	sshra.s32 s30, $0x2;
	[tilespmem:s29+$0xD0] =	vst v3  }
0x183: {  	s26 =	sadd.s32 $0x1, s26;
	s0 =	sadd.s32 $0x7D0, s0;
	[tilespmem:s29+$0xE0] =	vst v1  }
0x184: {  	[spmem:s2] =	stream.indirect.scatter.add.f32 [tilespmem:s31], [sflag:$0x2], $0x80, s0, s22, $0xb8;
	[tilespmem:$0x1EFF0] =	vst v63  }
0x185: {  	_ =	swait.ge [sflag:s25], $0x2800  }
0x186: {  	[sflag:s25] =	ssyncset.done $0x0  }
0x187: {  	[sflag:s25] =	ssyncadd.s32 $0xFFFFD800  }
0x188: {  	_ =	swait.ge [sflag:s25], $0x2800  }
0x189: {  	[sflag:s25] =	ssyncset.done $0x0  }
0x18a: {  	s0 =	sadd.s32 $0x1F4, s13;
	s26 =	simm.s32 $0x0;
	[sflag:s25] =	ssyncadd.s32 $0xFFFFD800  }
0x18b: {  	[tilespmem:s26], [sflag:$0x3] =	stream.linear.gather [hbm4b:s0+s26], $0x7D0, $0x38;
	[tilespmem:$0x1EFF0] =	vst v63  }
0x18c: {  	_ =	swait.ge [sflag:s18], $0x7D0  }
0x18d: {  	[sflag:s18] =	ssyncset.done $0x0  }
0x18e: {  	s30 =	sadd.s32 $0x1F4, s14;
	[sflag:s18] =	ssyncadd.s32 $0xFFFFF830  }
0x18f: {  	[tilespmem:s20], [sflag:$0x3] =	stream.linear.gather [hbm4b:s30+s26], $0x7D0, $0x38;
	[tilespmem:$0x1EFF0] =	vst v63  }
0x190: {  	_ =	swait.ge [sflag:s18], $0x7D0  }
0x191: {  	[sflag:s18] =	ssyncset.done $0x0  }
0x192: {  	s31 =	sadd.s32 $0x1F4, s15;
	[sflag:s18] =	ssyncadd.s32 $0xFFFFF830  }
0x193: {  	[tilespmem:s21], [sflag:$0x3] =	stream.linear.gather [hbm4b:s31+s26], $0x7D0, $0x38;
	[tilespmem:$0x1EFF0] =	vst v63  }
0x194: {  	_ =	swait.ge [sflag:s18], $0x7D0  }
0x195: {  	[sflag:s18] =	ssyncset.done $0x0  }
0x196: {  	[sflag:s18] =	ssyncadd.s32 $0xFFFFF830  }
0x197: {  	[tilespmem:s17], [sflag:$0x1] =	stream.indirect.gather [hbm4b:s4+s22], $0x80, s26, s22, $0xb8;
	[tilespmem:$0x1EFF0] =	vst v63  }
0x198: {  	s28 =	simm.s32 $0x0  }
0x199: {  	[tilespmem:s19], [sflag:$0x1] =	stream.indirect.gather [hbm4b:s4+s22], $0x80, s22, s22, $0xb8;
	[tilespmem:$0x1EFF0] =	vst v63  }
.LBB2_14:
0x19a: {  	_ =	swait.ge [sflag:s23], $0x2800  }
0x19b: {  	p0 =	slt.u32 s28, $0x2;
	[sflag:s23] =	ssyncset.done $0x0  }
0x19c: {  	s0 =	simm.s32 @!p0 $0x2;
	[sflag:s23] =	ssyncadd.s32 $0xFFFFD800  }
0x19d: {  	p1 =	sgt.u32 @!p0 s28, $0x16;
	_ =	swait.ge @!p0 [sflag:s0], $0x2800  }
0x19e: {  	v1 =	vmov s28;
	p1 =	por p0, !p1;
	[sflag:s0] =	ssyncset.done @!p0 $0x0  }
0x19f: {  	v1 =	vmul.u32 $0x50, v1;
	[sflag:s0] =	ssyncadd.s32 @!p0 $0xFFFFD800;
	s0 =	sadd.s32 @p1 $0x2, s28  }
0x1a0: {  	s30 =	simm.s32 $0x0;
	s1 =	sand.u32 @p1 $0x3, s0  }
0x1a1: {  	v2 =	vmov s30;
	v1 =	vbroadcast v1, $0x0;
	s1 =	smul.u32 @p1 $0xA000, s1  }
0x1a2: {  	v3 =	vand.u32 $0x78, v2;
	s0 =	smul.u32 @p1 $0x140, s0  }
0x1a3: {  	v2 =	vand.u32 $0x4, v2;
	v3 =	vadd.s32 v1, v3;
	s1 =	sshrl.u32 @p1 s1, $0x2  }
0x1a4: {  	s7 =	sand.u32 $0x3, s26;
	v2 =	vor.u32 v2, v3;
	s0 =	sshra.s32 @p1 s0, $0x2;
	s1 =	sadd.s32 @p1 $0x1770, s1  }
0x1a5: {  	[tilespmem:s1], [sflag:$0x1] =	stream.indirect.gather @p1 [hbm4b:s4+s22], $0x80, s0, s22, $0xb8;
	[tilespmem:$0x1EFF0] =	vst v63  }
0x1a6: {  	s0 =	smul.u32 $0xA000, s7;
	_ =	sdelay $0x1  }
0x1a7: {  	s0 =	sshrl.u32 s0, $0x2  }
0x1a8: {  	v2 =	vld.idx.msk [tilespmem:v2+s21+$0x0], $0xffff;
	s29 =	sadd.s32 $0x1870, s0  }
0x1a9: {  	v3 =	vld [tilespmem:s29+$0xFFFFFF00]  }
0x1aa: {  	v4 =	vld [tilespmem:s29+$0xFFFFFF70]  }
0x1ab: {  	v5 =	vld [tilespmem:s29+$0xFFFFFF50]  }
0x1ac: {  	v6 =	vld [tilespmem:s29+$0xFFFFFF20]  }
0x1ad: {  	v7 =	vld [tilespmem:s29+$0xFFFFFF40]  }
0x1ae: {  	v8 =	vld [tilespmem:s29+$0xFFFFFF30];
	v3 =	vmul.f32 v3, v2  }
0x1af: {  	s1 =	simm.s32 $0x1;
	v9 =	vld [tilespmem:s29+$0xFFFFFF10];
	v4 =	vmul.f32 v4, v2  }
0x1b0: {  	v10 =	vld [tilespmem:s29+$0xFFFFFF60];
	v5 =	vmul.f32 v5, v2;
	[tilespmem:s29+$0xFFFFFF00] =	vst v3;
	v3 =	vmov s1  }
0x1b1: {  	v6 =	vmul.f32 v6, v2;
	[tilespmem:s29+$0xFFFFFF70] =	vst v4;
	v4 =	vand.u32 $0x78, v3  }
0x1b2: {  	v7 =	vmul.f32 v7, v2;
	[tilespmem:s29+$0xFFFFFF50] =	vst v5;
	v3 =	vand.u32 $0x5, v3;
	v4 =	vadd.s32 v1, v4  }
0x1b3: {  	v5 =	vmul.f32 v8, v2;
	[tilespmem:s29+$0xFFFFFF20] =	vst v6;
	v3 =	vor.u32 v3, v4  }
0x1b4: {  	[tilespmem:s29+$0xFFFFFF40] =	vst v7;
	v4 =	vmul.f32 v9, v2  }
0x1b5: {  	[tilespmem:s29+$0xFFFFFF30] =	vst v5;
	v2 =	vmul.f32 v10, v2  }
0x1b6: {  	[tilespmem:s29+$0xFFFFFF10] =	vst v4  }
0x1b7: {  	[tilespmem:s29+$0xFFFFFF60] =	vst v2;
	v2 =	vld [tilespmem:s29+$0xFFFFFFB0]  }
0x1b8: {  	v4 =	vld.idx.msk [tilespmem:v3+s21+$0x0], $0xffff  }
0x1b9: {  	v3 =	vld [tilespmem:s29+$0xFFFFFF80]  }
0x1ba: {  	v6 =	vld [tilespmem:s29+$0xFFFFFF90]  }
0x1bb: {  	v5 =	vld [tilespmem:s29+$0xFFFFFFF0]  }
0x1bc: {  	v7 =	vld [tilespmem:s29+$0xFFFFFFA0]  }
0x1bd: {  	v8 =	vld [tilespmem:s29+$0xFFFFFFE0];
	v2 =	vmul.f32 v2, v4  }
0x1be: {  	v9 =	vld [tilespmem:s29+$0xFFFFFFD0];
	v3 =	vmul.f32 v3, v4  }
0x1bf: {  	s6 =	simm.s32 $0x2;
	v6 =	vmul.f32 v6, v4;
	[tilespmem:s29+$0xFFFFFFB0] =	vst v2  }
0x1c0: {  	v10 =	vld [tilespmem:s29+$0xFFFFFFC0];
	v5 =	vmul.f32 v5, v4;
	v2 =	vmov s6;
	[tilespmem:s29+$0xFFFFFF80] =	vst v3  }
0x1c1: {  	v7 =	vmul.f32 v7, v4;
	[tilespmem:s29+$0xFFFFFF90] =	vst v6;
	v3 =	vand.u32 $0x78, v2  }
0x1c2: {  	v8 =	vmul.f32 v8, v4;
	[tilespmem:s29+$0xFFFFFFF0] =	vst v5;
	v5 =	vld [tilespmem:s29+$0x30];
	v2 =	vand.u32 $0x6, v2;
	v3 =	vadd.s32 v1, v3  }
0x1c3: {  	v6 =	vmul.f32 v9, v4;
	[tilespmem:s29+$0xFFFFFFA0] =	vst v7;
	v7 =	vld [tilespmem:s29+$0x0];
	v9 =	vor.u32 v2, v3  }
0x1c4: {  	s7 =	sand.u32 $0x3, s28;
	[tilespmem:s29+$0xFFFFFFE0] =	vst v8;
	v8 =	vld [tilespmem:s29+$0x20]  }
0x1c5: {  	s0 =	smul.u32 $0xA000, s7;
	v4 =	vmul.f32 v10, v4;
	[tilespmem:s29+$0xFFFFFFD0] =	vst v6;
	v6 =	vld [tilespmem:s29+$0x10]  }
0x1c6: {  	v2 =	vld [tilespmem:s29+$0x40]  }
0x1c7: {  	s0 =	sshrl.u32 s0, $0x2;
	[tilespmem:s29+$0xFFFFFFC0] =	vst v4;
	v3 =	vld [tilespmem:s29+$0x50]  }
0x1c8: {  	s31 =	sadd.s32 $0x1770, s0;
	s0 =	simm.s32 $0x4;
	s1 =	smov.u32 s29;
	v4 =	vld.idx.msk [tilespmem:v9+s21+$0x0], $0xffff  }
.LBB2_15:
0x1c9: {  	p0 =	slt.u32 s0, $0x4C  }
0x1ca: {  	v9 =	vld [tilespmem:s29+$0x70];
	s1 =	sadd.s32 $0x200, s1;
	s6 =	smov.u32 s0;
	s0 =	sadd.s32 $0x4, s0  }
0x1cb: {  	v10 =	vld [tilespmem:s29+$0x60];
	_ =	sdelay $0x1  }
0x1cc: {  	v7 =	vmul.f32 v7, v4;
	v6 =	vmul.f32 v6, v4  }
0x1cd: {  	s7 =	sadd.s32 $0x3, s30;
	s30 =	smov.u32 s6;
	v5 =	vmul.f32 v5, v4;
	v8 =	vmul.f32 v8, v4  }
0x1ce: {  	v2 =	vmul.f32 v2, v4;
	v3 =	vmul.f32 v3, v4;
	[tilespmem:s29+$0x0] =	vst v7;
	v7 =	vmov s7  }
0x1cf: {  	[tilespmem:s29+$0x30] =	vst v5;
	v5 =	vmul.f32 v10, v4;
	v4 =	vmul.f32 v9, v4;
	v9 =	vand.u32 $0x78, v7  }
0x1d0: {  	v7 =	vand.u32 $0x7, v7;
	[tilespmem:s29+$0x20] =	vst v8;
	v8 =	vadd.s32 v1, v9;
	v9 =	vld [tilespmem:s29+$0xB0]  }
0x1d1: {  	[tilespmem:s29+$0x10] =	vst v6;
	v6 =	vor.u32 v7, v8;
	v7 =	vld [tilespmem:s29+$0x80]  }
0x1d2: {  	[tilespmem:s29+$0x40] =	vst v2;
	v8 =	vld [tilespmem:s29+$0xC0]  }
0x1d3: {  	v2 =	vld [tilespmem:s1+$0x40];
	[tilespmem:s29+$0x50] =	vst v3  }
0x1d4: {  	v3 =	vld [tilespmem:s1+$0x50];
	[tilespmem:s29+$0x70] =	vst v4  }
0x1d5: {  	[tilespmem:s29+$0x60] =	vst v5;
	v4 =	vld [tilespmem:s29+$0xF0]  }
0x1d6: {  	v5 =	vld.idx.msk [tilespmem:v6+s21+$0x0], $0xffff  }
0x1d7: {  	v6 =	vld [tilespmem:s29+$0x90]  }
0x1d8: {  	v10 =	vld [tilespmem:s29+$0xA0]  }
0x1d9: {  	v11 =	vld [tilespmem:s29+$0xD0]  }
0x1da: {  	v12 =	vld [tilespmem:s29+$0xE0];
	_ =	sdelay $0x1  }
0x1db: {  	v7 =	vmul.f32 v7, v5;
	v6 =	vmul.f32 v6, v5  }
0x1dc: {  	v9 =	vmul.f32 v9, v5;
	v10 =	vmul.f32 v10, v5  }
0x1dd: {  	v13 =	vmov s30;
	[tilespmem:s29+$0x80] =	vst v7;
	v7 =	vmul.f32 v8, v5;
	v8 =	vmul.f32 v11, v5  }
0x1de: {  	v4 =	vmul.f32 v4, v5;
	v11 =	vand.u32 $0x78, v13;
	[tilespmem:s29+$0xB0] =	vst v9;
	v9 =	vmul.f32 v12, v5  }
0x1df: {  	v5 =	vand.u32 $0x4, v13;
	v11 =	vadd.s32 v1, v11;
	[tilespmem:s29+$0xA0] =	vst v10  }
0x1e0: {  	v5 =	vor.u32 v5, v11;
	[tilespmem:s29+$0x90] =	vst v6  }
0x1e1: {  	v6 =	vld [tilespmem:s1+$0xFFFFFF40];
	[tilespmem:s29+$0xC0] =	vst v7  }
0x1e2: {  	v7 =	vld [tilespmem:s1+$0xFFFFFF60];
	[tilespmem:s29+$0xD0] =	vst v8  }
0x1e3: {  	v8 =	vld [tilespmem:s1+$0xFFFFFF50];
	[tilespmem:s29+$0xF0] =	vst v4  }
0x1e4: {  	v4 =	vld [tilespmem:s1+$0xFFFFFF70];
	[tilespmem:s29+$0xE0] =	vst v9;
	s29 =	smov.u32 s1  }
0x1e5: {  	v5 =	vld.idx.msk [tilespmem:v5+s21+$0x0], $0xffff  }
0x1e6: {  	v9 =	vld [tilespmem:s1+$0xFFFFFF00]  }
0x1e7: {  	v10 =	vld [tilespmem:s1+$0xFFFFFF20]  }
0x1e8: {  	v11 =	vld [tilespmem:s1+$0xFFFFFF10]  }
0x1e9: {  	v12 =	vld [tilespmem:s1+$0xFFFFFF30];
	_ =	sdelay $0x1  }
0x1ea: {  	v4 =	vmul.f32 v4, v5;
	v9 =	vmul.f32 v9, v5  }
0x1eb: {  	s6 =	sadd.s32 $0x1, s30;
	v8 =	vmul.f32 v8, v5;
	v10 =	vmul.f32 v10, v5  }
0x1ec: {  	v7 =	vmul.f32 v7, v5;
	[tilespmem:s1+$0xFFFFFF00] =	vst v9;
	v9 =	vmul.f32 v11, v5;
	v11 =	vmov s6  }
0x1ed: {  	v12 =	vmul.f32 v12, v5;
	v5 =	vmul.f32 v6, v5;
	[tilespmem:s1+$0xFFFFFF70] =	vst v4;
	v4 =	vand.u32 $0x78, v11  }
0x1ee: {  	v6 =	vand.u32 $0x5, v11;
	[tilespmem:s1+$0xFFFFFF50] =	vst v8;
	v4 =	vadd.s32 v1, v4  }
0x1ef: {  	[tilespmem:s1+$0xFFFFFF20] =	vst v10;
	v4 =	vor.u32 v6, v4  }
0x1f0: {  	[tilespmem:s1+$0xFFFFFF40] =	vst v5;
	v5 =	vld [tilespmem:s1+$0xFFFFFFF0]  }
0x1f1: {  	[tilespmem:s1+$0xFFFFFF30] =	vst v12;
	v6 =	vld [tilespmem:s1+$0xFFFFFFE0]  }
0x1f2: {  	[tilespmem:s1+$0xFFFFFF10] =	vst v9;
	v8 =	vld [tilespmem:s1+$0xFFFFFFD0]  }
0x1f3: {  	[tilespmem:s1+$0xFFFFFF60] =	vst v7;
	v7 =	vld [tilespmem:s1+$0xFFFFFFB0]  }
0x1f4: {  	v4 =	vld.idx.msk [tilespmem:v4+s21+$0x0], $0xffff  }
0x1f5: {  	v9 =	vld [tilespmem:s1+$0xFFFFFF80]  }
0x1f6: {  	v10 =	vld [tilespmem:s1+$0xFFFFFF90]  }
0x1f7: {  	v11 =	vld [tilespmem:s1+$0xFFFFFFA0]  }
0x1f8: {  	v12 =	vld [tilespmem:s1+$0xFFFFFFC0];
	_ =	sdelay $0x1  }
0x1f9: {  	v7 =	vmul.f32 v7, v4;
	v9 =	vmul.f32 v9, v4  }
0x1fa: {  	s6 =	sadd.s32 $0x2, s30;
	v8 =	vmul.f32 v8, v4;
	v10 =	vmul.f32 v10, v4  }
0x1fb: {  	v6 =	vmul.f32 v6, v4;
	v11 =	vmul.f32 v11, v4;
	[tilespmem:s1+$0xFFFFFFB0] =	vst v7;
	v7 =	vmov s6  }
0x1fc: {  	[tilespmem:s1+$0xFFFFFF80] =	vst v9;
	v9 =	vmul.f32 v12, v4;
	v4 =	vmul.f32 v5, v4;
	v5 =	vand.u32 $0x78, v7  }
0x1fd: {  	v7 =	vand.u32 $0x6, v7;
	[tilespmem:s1+$0xFFFFFF90] =	vst v10;
	v5 =	vadd.s32 v1, v5  }
0x1fe: {  	[tilespmem:s1+$0xFFFFFFA0] =	vst v11;
	v10 =	vor.u32 v7, v5  }
0x1ff: {  	[tilespmem:s1+$0xFFFFFFE0] =	vst v6  }
0x200: {  	[tilespmem:s1+$0xFFFFFFD0] =	vst v8  }
.Ltmp6:
0x201: {  	[tilespmem:s1+$0xFFFFFFF0] =	vst v4;
	v5 =	vld [tilespmem:s1+$0x30];
	(pc) =	sbr.rel @p0 .LBB2_15-.Ltmp6, $4  }
0x202: {  	[tilespmem:s1+$0xFFFFFFC0] =	vst v9;
	v7 =	vld [tilespmem:s1+$0x0]  }
0x203: {  	v4 =	vld.idx.msk [tilespmem:v10+s21+$0x0], $0xffff  }
0x204: {  	v6 =	vld [tilespmem:s1+$0x10]  }
0x205: {  	v8 =	vld [tilespmem:s1+$0x20]  }
0x206: {  	_ =	sdelay $0x1  }
0x207: {  	v7 =	vmul.f32 v7, v4  }
0x208: {  	v9 =	vld [tilespmem:s29+$0x70];
	s0 =	sadd.s32 $0x3, s30;
	v5 =	vmul.f32 v5, v4  }
0x209: {  	v10 =	vld [tilespmem:s29+$0x60];
	v54 =	vmov s0;
	v2 =	vmul.f32 v2, v4;
	[tilespmem:s29+$0x0] =	vst v7  }
0x20a: {  	v55 =	vand.u32 $0x78, v54;
	v3 =	vmul.f32 v3, v4;
	[tilespmem:s29+$0x30] =	vst v5  }
0x20b: {  	v6 =	vmul.f32 v6, v4;
	v1 =	vadd.s32 v1, v55;
	v7 =	vand.u32 $0x7, v54;
	[tilespmem:s29+$0x40] =	vst v2  }
0x20c: {  	v8 =	vmul.f32 v8, v4;
	[tilespmem:s29+$0x50] =	vst v3;
	v1 =	vor.u32 v7, v1  }
0x20d: {  	[tilespmem:s29+$0x10] =	vst v6;
	v56 =	vmul.f32 v9, v4  }
0x20e: {  	v2 =	vmul.f32 v10, v4;
	[tilespmem:s29+$0x20] =	vst v8  }
0x20f: {  	[tilespmem:s29+$0x70] =	vst v56  }
0x210: {  	v57 =	vld [tilespmem:s29+$0x80];
	[tilespmem:s29+$0x60] =	vst v2  }
0x211: {  	v1 =	vld.idx.msk [tilespmem:v1+s21+$0x0], $0xffff  }
0x212: {  	v2 =	vld [tilespmem:s29+$0xB0]  }
0x213: {  	v3 =	vld [tilespmem:s29+$0xA0]  }
0x214: {  	v58 =	vld [tilespmem:s29+$0x90]  }
0x215: {  	v61 =	vld [tilespmem:s29+$0xF0]  }
0x216: {  	v59 =	vld [tilespmem:s29+$0xC0];
	v6 =	vmul.f32 v57, v1  }
0x217: {  	v60 =	vld [tilespmem:s29+$0xD0];
	v2 =	vmul.f32 v2, v1  }
0x218: {  	v62 =	vld [tilespmem:s29+$0xE0];
	v3 =	vmul.f32 v3, v1;
	[tilespmem:s29+$0x80] =	vst v6  }
0x219: {  	v4 =	vmul.f32 v58, v1;
	[tilespmem:s29+$0xB0] =	vst v2  }
0x21a: {  	s30 =	smul.u32 $0x140, s28;
	s28 =	sadd.s32 $0x1, s28;
	v63 =	vmul.f32 v61, v1;
	[tilespmem:s29+$0xA0] =	vst v3  }
0x21b: {  	p0 =	sne.s32 s28, $0x19;
	v2 =	vmul.f32 v59, v1;
	[tilespmem:s29+$0x90] =	vst v4  }
.Ltmp7:
0x21c: {  	v3 =	vmul.f32 v60, v1;
	[tilespmem:s29+$0xF0] =	vst v63;
	(pc) =	sbr.rel @p0 .LBB2_14-.Ltmp7, $4  }
0x21d: {  	v1 =	vmul.f32 v62, v1;
	[tilespmem:s29+$0xC0] =	vst v2  }
0x21e: {  	s0 =	sshra.s32 s30, $0x2;
	[tilespmem:s29+$0xD0] =	vst v3  }
0x21f: {  	s26 =	sadd.s32 $0x1, s26;
	s0 =	sadd.s32 $0x7D0, s0;
	[tilespmem:s29+$0xE0] =	vst v1  }
0x220: {  	[spmem:s2] =	stream.indirect.scatter.add.f32 [tilespmem:s31], [sflag:$0x2], $0x80, s0, s22, $0xb8;
	[tilespmem:$0x1EFF0] =	vst v63  }
0x221: {  	_ =	swait.ge [sflag:s25], $0x2800  }
0x222: {  	[sflag:s25] =	ssyncset.done $0x0  }
0x223: {  	[sflag:s25] =	ssyncadd.s32 $0xFFFFD800  }
0x224: {  	_ =	swait.ge [sflag:s25], $0x2800  }
0x225: {  	[sflag:s25] =	ssyncset.done $0x0  }
0x226: {  	s0 =	sadd.s32 $0x2EE, s13;
	s26 =	simm.s32 $0x0;
	[sflag:s25] =	ssyncadd.s32 $0xFFFFD800  }
0x227: {  	[tilespmem:s26], [sflag:$0x3] =	stream.linear.gather [hbm4b:s0+s26], $0x7D0, $0x38;
	[tilespmem:$0x1EFF0] =	vst v63  }
0x228: {  	_ =	swait.ge [sflag:s18], $0x7D0  }
0x229: {  	[sflag:s18] =	ssyncset.done $0x0  }
0x22a: {  	s30 =	sadd.s32 $0x2EE, s14;
	[sflag:s18] =	ssyncadd.s32 $0xFFFFF830  }
0x22b: {  	[tilespmem:s20], [sflag:$0x3] =	stream.linear.gather [hbm4b:s30+s26], $0x7D0, $0x38;
	[tilespmem:$0x1EFF0] =	vst v63  }
0x22c: {  	_ =	swait.ge [sflag:s18], $0x7D0  }
0x22d: {  	[sflag:s18] =	ssyncset.done $0x0  }
0x22e: {  	s31 =	sadd.s32 $0x2EE, s15;
	[sflag:s18] =	ssyncadd.s32 $0xFFFFF830  }
0x22f: {  	[tilespmem:s21], [sflag:$0x3] =	stream.linear.gather [hbm4b:s31+s26], $0x7D0, $0x38;
	[tilespmem:$0x1EFF0] =	vst v63  }
0x230: {  	_ =	swait.ge [sflag:s18], $0x7D0  }
0x231: {  	[sflag:s18] =	ssyncset.done $0x0  }
0x232: {  	[sflag:s18] =	ssyncadd.s32 $0xFFFFF830  }
0x233: {  	[tilespmem:s17], [sflag:$0x1] =	stream.indirect.gather [hbm4b:s4+s22], $0x80, s26, s22, $0xb8;
	[tilespmem:$0x1EFF0] =	vst v63  }
0x234: {  	s28 =	simm.s32 $0x0  }
0x235: {  	[tilespmem:s19], [sflag:$0x1] =	stream.indirect.gather [hbm4b:s4+s22], $0x80, s22, s22, $0xb8;
	[tilespmem:$0x1EFF0] =	vst v63  }
.LBB2_18:
0x236: {  	_ =	swait.ge [sflag:s23], $0x2800  }
0x237: {  	p0 =	slt.u32 s28, $0x2;
	[sflag:s23] =	ssyncset.done $0x0  }
0x238: {  	s0 =	simm.s32 @!p0 $0x2;
	[sflag:s23] =	ssyncadd.s32 $0xFFFFD800  }
0x239: {  	p1 =	sgt.u32 @!p0 s28, $0x16;
	_ =	swait.ge @!p0 [sflag:s0], $0x2800  }
0x23a: {  	v1 =	vmov s28;
	p1 =	por p0, !p1;
	[sflag:s0] =	ssyncset.done @!p0 $0x0  }
0x23b: {  	v1 =	vmul.u32 $0x50, v1;
	[sflag:s0] =	ssyncadd.s32 @!p0 $0xFFFFD800;
	s0 =	sadd.s32 @p1 $0x2, s28  }
0x23c: {  	s30 =	simm.s32 $0x0;
	s1 =	sand.u32 @p1 $0x3, s0  }
0x23d: {  	v2 =	vmov s30;
	v1 =	vbroadcast v1, $0x0;
	s1 =	smul.u32 @p1 $0xA000, s1  }
0x23e: {  	v3 =	vand.u32 $0x78, v2;
	s0 =	smul.u32 @p1 $0x140, s0  }
0x23f: {  	v2 =	vand.u32 $0x4, v2;
	v3 =	vadd.s32 v1, v3;
	s1 =	sshrl.u32 @p1 s1, $0x2  }
0x240: {  	s7 =	sand.u32 $0x3, s26;
	v2 =	vor.u32 v2, v3;
	s0 =	sshra.s32 @p1 s0, $0x2;
	s1 =	sadd.s32 @p1 $0x1770, s1  }
0x241: {  	[tilespmem:s1], [sflag:$0x1] =	stream.indirect.gather @p1 [hbm4b:s4+s22], $0x80, s0, s22, $0xb8;
	[tilespmem:$0x1EFF0] =	vst v63  }
0x242: {  	s0 =	smul.u32 $0xA000, s7;
	_ =	sdelay $0x1  }
0x243: {  	s0 =	sshrl.u32 s0, $0x2  }
0x244: {  	v2 =	vld.idx.msk [tilespmem:v2+s21+$0x0], $0xffff;
	s29 =	sadd.s32 $0x1870, s0  }
0x245: {  	v3 =	vld [tilespmem:s29+$0xFFFFFF00]  }
0x246: {  	v4 =	vld [tilespmem:s29+$0xFFFFFF70]  }
0x247: {  	v5 =	vld [tilespmem:s29+$0xFFFFFF50]  }
0x248: {  	v6 =	vld [tilespmem:s29+$0xFFFFFF20]  }
0x249: {  	v7 =	vld [tilespmem:s29+$0xFFFFFF40]  }
0x24a: {  	v8 =	vld [tilespmem:s29+$0xFFFFFF30];
	v3 =	vmul.f32 v3, v2  }
0x24b: {  	s1 =	simm.s32 $0x1;
	v9 =	vld [tilespmem:s29+$0xFFFFFF10];
	v4 =	vmul.f32 v4, v2  }
0x24c: {  	v10 =	vld [tilespmem:s29+$0xFFFFFF60];
	v5 =	vmul.f32 v5, v2;
	[tilespmem:s29+$0xFFFFFF00] =	vst v3;
	v3 =	vmov s1  }
0x24d: {  	v6 =	vmul.f32 v6, v2;
	[tilespmem:s29+$0xFFFFFF70] =	vst v4;
	v4 =	vand.u32 $0x78, v3  }
0x24e: {  	v7 =	vmul.f32 v7, v2;
	[tilespmem:s29+$0xFFFFFF50] =	vst v5;
	v3 =	vand.u32 $0x5, v3;
	v4 =	vadd.s32 v1, v4  }
0x24f: {  	v5 =	vmul.f32 v8, v2;
	[tilespmem:s29+$0xFFFFFF20] =	vst v6;
	v3 =	vor.u32 v3, v4  }
0x250: {  	[tilespmem:s29+$0xFFFFFF40] =	vst v7;
	v4 =	vmul.f32 v9, v2  }
0x251: {  	[tilespmem:s29+$0xFFFFFF30] =	vst v5;
	v2 =	vmul.f32 v10, v2  }
0x252: {  	[tilespmem:s29+$0xFFFFFF10] =	vst v4  }
0x253: {  	[tilespmem:s29+$0xFFFFFF60] =	vst v2;
	v2 =	vld [tilespmem:s29+$0xFFFFFFB0]  }
0x254: {  	v4 =	vld.idx.msk [tilespmem:v3+s21+$0x0], $0xffff  }
0x255: {  	v3 =	vld [tilespmem:s29+$0xFFFFFF80]  }
0x256: {  	v6 =	vld [tilespmem:s29+$0xFFFFFF90]  }
0x257: {  	v5 =	vld [tilespmem:s29+$0xFFFFFFF0]  }
0x258: {  	v7 =	vld [tilespmem:s29+$0xFFFFFFA0]  }
0x259: {  	v8 =	vld [tilespmem:s29+$0xFFFFFFE0];
	v2 =	vmul.f32 v2, v4  }
0x25a: {  	v9 =	vld [tilespmem:s29+$0xFFFFFFD0];
	v3 =	vmul.f32 v3, v4  }
0x25b: {  	s6 =	simm.s32 $0x2;
	v6 =	vmul.f32 v6, v4;
	[tilespmem:s29+$0xFFFFFFB0] =	vst v2  }
0x25c: {  	v10 =	vld [tilespmem:s29+$0xFFFFFFC0];
	v5 =	vmul.f32 v5, v4;
	v2 =	vmov s6;
	[tilespmem:s29+$0xFFFFFF80] =	vst v3  }
0x25d: {  	v7 =	vmul.f32 v7, v4;
	[tilespmem:s29+$0xFFFFFF90] =	vst v6;
	v3 =	vand.u32 $0x78, v2  }
0x25e: {  	v8 =	vmul.f32 v8, v4;
	[tilespmem:s29+$0xFFFFFFF0] =	vst v5;
	v5 =	vld [tilespmem:s29+$0x30];
	v2 =	vand.u32 $0x6, v2;
	v3 =	vadd.s32 v1, v3  }
0x25f: {  	v6 =	vmul.f32 v9, v4;
	[tilespmem:s29+$0xFFFFFFA0] =	vst v7;
	v7 =	vld [tilespmem:s29+$0x0];
	v9 =	vor.u32 v2, v3  }
0x260: {  	s7 =	sand.u32 $0x3, s28;
	[tilespmem:s29+$0xFFFFFFE0] =	vst v8;
	v8 =	vld [tilespmem:s29+$0x20]  }
0x261: {  	s0 =	smul.u32 $0xA000, s7;
	v4 =	vmul.f32 v10, v4;
	[tilespmem:s29+$0xFFFFFFD0] =	vst v6;
	v6 =	vld [tilespmem:s29+$0x10]  }
0x262: {  	v2 =	vld [tilespmem:s29+$0x40]  }
0x263: {  	s0 =	sshrl.u32 s0, $0x2;
	[tilespmem:s29+$0xFFFFFFC0] =	vst v4;
	v3 =	vld [tilespmem:s29+$0x50]  }
0x264: {  	s31 =	sadd.s32 $0x1770, s0;
	s0 =	simm.s32 $0x4;
	s1 =	smov.u32 s29;
	v4 =	vld.idx.msk [tilespmem:v9+s21+$0x0], $0xffff  }
.LBB2_19:
0x265: {  	p0 =	slt.u32 s0, $0x4C  }
0x266: {  	v9 =	vld [tilespmem:s29+$0x70];
	s1 =	sadd.s32 $0x200, s1;
	s6 =	smov.u32 s0;
	s0 =	sadd.s32 $0x4, s0  }
0x267: {  	v10 =	vld [tilespmem:s29+$0x60];
	_ =	sdelay $0x1  }
0x268: {  	v7 =	vmul.f32 v7, v4;
	v6 =	vmul.f32 v6, v4  }
0x269: {  	s7 =	sadd.s32 $0x3, s30;
	s30 =	smov.u32 s6;
	v5 =	vmul.f32 v5, v4;
	v8 =	vmul.f32 v8, v4  }
0x26a: {  	v2 =	vmul.f32 v2, v4;
	v3 =	vmul.f32 v3, v4;
	[tilespmem:s29+$0x0] =	vst v7;
	v7 =	vmov s7  }
0x26b: {  	[tilespmem:s29+$0x30] =	vst v5;
	v5 =	vmul.f32 v10, v4;
	v4 =	vmul.f32 v9, v4;
	v9 =	vand.u32 $0x78, v7  }
0x26c: {  	v7 =	vand.u32 $0x7, v7;
	[tilespmem:s29+$0x20] =	vst v8;
	v8 =	vadd.s32 v1, v9;
	v9 =	vld [tilespmem:s29+$0xB0]  }
0x26d: {  	[tilespmem:s29+$0x10] =	vst v6;
	v6 =	vor.u32 v7, v8;
	v7 =	vld [tilespmem:s29+$0x80]  }
0x26e: {  	[tilespmem:s29+$0x40] =	vst v2;
	v8 =	vld [tilespmem:s29+$0xC0]  }
0x26f: {  	v2 =	vld [tilespmem:s1+$0x40];
	[tilespmem:s29+$0x50] =	vst v3  }
0x270: {  	v3 =	vld [tilespmem:s1+$0x50];
	[tilespmem:s29+$0x70] =	vst v4  }
0x271: {  	[tilespmem:s29+$0x60] =	vst v5;
	v4 =	vld [tilespmem:s29+$0xF0]  }
0x272: {  	v5 =	vld.idx.msk [tilespmem:v6+s21+$0x0], $0xffff  }
0x273: {  	v6 =	vld [tilespmem:s29+$0x90]  }
0x274: {  	v10 =	vld [tilespmem:s29+$0xA0]  }
0x275: {  	v11 =	vld [tilespmem:s29+$0xD0]  }
0x276: {  	v12 =	vld [tilespmem:s29+$0xE0];
	_ =	sdelay $0x1  }
0x277: {  	v7 =	vmul.f32 v7, v5;
	v6 =	vmul.f32 v6, v5  }
0x278: {  	v9 =	vmul.f32 v9, v5;
	v10 =	vmul.f32 v10, v5  }
0x279: {  	v13 =	vmov s30;
	[tilespmem:s29+$0x80] =	vst v7;
	v7 =	vmul.f32 v8, v5;
	v8 =	vmul.f32 v11, v5  }
0x27a: {  	v4 =	vmul.f32 v4, v5;
	v11 =	vand.u32 $0x78, v13;
	[tilespmem:s29+$0xB0] =	vst v9;
	v9 =	vmul.f32 v12, v5  }
0x27b: {  	v5 =	vand.u32 $0x4, v13;
	v11 =	vadd.s32 v1, v11;
	[tilespmem:s29+$0xA0] =	vst v10  }
0x27c: {  	v5 =	vor.u32 v5, v11;
	[tilespmem:s29+$0x90] =	vst v6  }
0x27d: {  	v6 =	vld [tilespmem:s1+$0xFFFFFF40];
	[tilespmem:s29+$0xC0] =	vst v7  }
0x27e: {  	v7 =	vld [tilespmem:s1+$0xFFFFFF60];
	[tilespmem:s29+$0xD0] =	vst v8  }
0x27f: {  	v8 =	vld [tilespmem:s1+$0xFFFFFF50];
	[tilespmem:s29+$0xF0] =	vst v4  }
0x280: {  	v4 =	vld [tilespmem:s1+$0xFFFFFF70];
	[tilespmem:s29+$0xE0] =	vst v9;
	s29 =	smov.u32 s1  }
0x281: {  	v5 =	vld.idx.msk [tilespmem:v5+s21+$0x0], $0xffff  }
0x282: {  	v9 =	vld [tilespmem:s1+$0xFFFFFF00]  }
0x283: {  	v10 =	vld [tilespmem:s1+$0xFFFFFF20]  }
0x284: {  	v11 =	vld [tilespmem:s1+$0xFFFFFF10]  }
0x285: {  	v12 =	vld [tilespmem:s1+$0xFFFFFF30];
	_ =	sdelay $0x1  }
0x286: {  	v4 =	vmul.f32 v4, v5;
	v9 =	vmul.f32 v9, v5  }
0x287: {  	s6 =	sadd.s32 $0x1, s30;
	v8 =	vmul.f32 v8, v5;
	v10 =	vmul.f32 v10, v5  }
0x288: {  	v7 =	vmul.f32 v7, v5;
	[tilespmem:s1+$0xFFFFFF00] =	vst v9;
	v9 =	vmul.f32 v11, v5;
	v11 =	vmov s6  }
0x289: {  	v12 =	vmul.f32 v12, v5;
	v5 =	vmul.f32 v6, v5;
	[tilespmem:s1+$0xFFFFFF70] =	vst v4;
	v4 =	vand.u32 $0x78, v11  }
0x28a: {  	v6 =	vand.u32 $0x5, v11;
	[tilespmem:s1+$0xFFFFFF50] =	vst v8;
	v4 =	vadd.s32 v1, v4  }
0x28b: {  	[tilespmem:s1+$0xFFFFFF20] =	vst v10;
	v4 =	vor.u32 v6, v4  }
0x28c: {  	[tilespmem:s1+$0xFFFFFF40] =	vst v5;
	v5 =	vld [tilespmem:s1+$0xFFFFFFF0]  }
0x28d: {  	[tilespmem:s1+$0xFFFFFF30] =	vst v12;
	v6 =	vld [tilespmem:s1+$0xFFFFFFE0]  }
0x28e: {  	[tilespmem:s1+$0xFFFFFF10] =	vst v9;
	v8 =	vld [tilespmem:s1+$0xFFFFFFD0]  }
0x28f: {  	[tilespmem:s1+$0xFFFFFF60] =	vst v7;
	v7 =	vld [tilespmem:s1+$0xFFFFFFB0]  }
0x290: {  	v4 =	vld.idx.msk [tilespmem:v4+s21+$0x0], $0xffff  }
0x291: {  	v9 =	vld [tilespmem:s1+$0xFFFFFF80]  }
0x292: {  	v10 =	vld [tilespmem:s1+$0xFFFFFF90]  }
0x293: {  	v11 =	vld [tilespmem:s1+$0xFFFFFFA0]  }
0x294: {  	v12 =	vld [tilespmem:s1+$0xFFFFFFC0];
	_ =	sdelay $0x1  }
0x295: {  	v7 =	vmul.f32 v7, v4;
	v9 =	vmul.f32 v9, v4  }
0x296: {  	s6 =	sadd.s32 $0x2, s30;
	v8 =	vmul.f32 v8, v4;
	v10 =	vmul.f32 v10, v4  }
0x297: {  	v6 =	vmul.f32 v6, v4;
	v11 =	vmul.f32 v11, v4;
	[tilespmem:s1+$0xFFFFFFB0] =	vst v7;
	v7 =	vmov s6  }
0x298: {  	[tilespmem:s1+$0xFFFFFF80] =	vst v9;
	v9 =	vmul.f32 v12, v4;
	v4 =	vmul.f32 v5, v4;
	v5 =	vand.u32 $0x78, v7  }
0x299: {  	v7 =	vand.u32 $0x6, v7;
	[tilespmem:s1+$0xFFFFFF90] =	vst v10;
	v5 =	vadd.s32 v1, v5  }
0x29a: {  	[tilespmem:s1+$0xFFFFFFA0] =	vst v11;
	v10 =	vor.u32 v7, v5  }
0x29b: {  	[tilespmem:s1+$0xFFFFFFE0] =	vst v6  }
0x29c: {  	[tilespmem:s1+$0xFFFFFFD0] =	vst v8  }
.Ltmp8:
0x29d: {  	[tilespmem:s1+$0xFFFFFFF0] =	vst v4;
	v5 =	vld [tilespmem:s1+$0x30];
	(pc) =	sbr.rel @p0 .LBB2_19-.Ltmp8, $4  }
0x29e: {  	[tilespmem:s1+$0xFFFFFFC0] =	vst v9;
	v7 =	vld [tilespmem:s1+$0x0]  }
0x29f: {  	v4 =	vld.idx.msk [tilespmem:v10+s21+$0x0], $0xffff  }
0x2a0: {  	v6 =	vld [tilespmem:s1+$0x10]  }
0x2a1: {  	v8 =	vld [tilespmem:s1+$0x20]  }
0x2a2: {  	_ =	sdelay $0x1  }
0x2a3: {  	v7 =	vmul.f32 v7, v4  }
0x2a4: {  	v9 =	vld [tilespmem:s29+$0x70];
	s0 =	sadd.s32 $0x3, s30;
	v5 =	vmul.f32 v5, v4  }
0x2a5: {  	v10 =	vld [tilespmem:s29+$0x60];
	v54 =	vmov s0;
	v2 =	vmul.f32 v2, v4;
	[tilespmem:s29+$0x0] =	vst v7  }
0x2a6: {  	v55 =	vand.u32 $0x78, v54;
	v3 =	vmul.f32 v3, v4;
	[tilespmem:s29+$0x30] =	vst v5  }
0x2a7: {  	v6 =	vmul.f32 v6, v4;
	v1 =	vadd.s32 v1, v55;
	v7 =	vand.u32 $0x7, v54;
	[tilespmem:s29+$0x40] =	vst v2  }
0x2a8: {  	v8 =	vmul.f32 v8, v4;
	[tilespmem:s29+$0x50] =	vst v3;
	v1 =	vor.u32 v7, v1  }
0x2a9: {  	[tilespmem:s29+$0x10] =	vst v6;
	v56 =	vmul.f32 v9, v4  }
0x2aa: {  	v2 =	vmul.f32 v10, v4;
	[tilespmem:s29+$0x20] =	vst v8  }
0x2ab: {  	[tilespmem:s29+$0x70] =	vst v56  }
0x2ac: {  	v57 =	vld [tilespmem:s29+$0x80];
	[tilespmem:s29+$0x60] =	vst v2  }
0x2ad: {  	v1 =	vld.idx.msk [tilespmem:v1+s21+$0x0], $0xffff  }
0x2ae: {  	v2 =	vld [tilespmem:s29+$0xB0]  }
0x2af: {  	v3 =	vld [tilespmem:s29+$0xA0]  }
0x2b0: {  	v58 =	vld [tilespmem:s29+$0x90]  }
0x2b1: {  	v61 =	vld [tilespmem:s29+$0xF0]  }
0x2b2: {  	v59 =	vld [tilespmem:s29+$0xC0];
	v6 =	vmul.f32 v57, v1  }
0x2b3: {  	v60 =	vld [tilespmem:s29+$0xD0];
	v2 =	vmul.f32 v2, v1  }
0x2b4: {  	v62 =	vld [tilespmem:s29+$0xE0];
	v3 =	vmul.f32 v3, v1;
	[tilespmem:s29+$0x80] =	vst v6  }
0x2b5: {  	v4 =	vmul.f32 v58, v1;
	[tilespmem:s29+$0xB0] =	vst v2  }
0x2b6: {  	s30 =	smul.u32 $0x140, s28;
	s28 =	sadd.s32 $0x1, s28;
	v63 =	vmul.f32 v61, v1;
	[tilespmem:s29+$0xA0] =	vst v3  }
0x2b7: {  	p0 =	sne.s32 s28, $0x19;
	v2 =	vmul.f32 v59, v1;
	[tilespmem:s29+$0x90] =	vst v4  }
.Ltmp9:
0x2b8: {  	v3 =	vmul.f32 v60, v1;
	[tilespmem:s29+$0xF0] =	vst v63;
	(pc) =	sbr.rel @p0 .LBB2_18-.Ltmp9, $4  }
0x2b9: {  	v1 =	vmul.f32 v62, v1;
	[tilespmem:s29+$0xC0] =	vst v2  }
0x2ba: {  	s0 =	sshra.s32 s30, $0x2;
	[tilespmem:s29+$0xD0] =	vst v3  }
0x2bb: {  	s26 =	sadd.s32 $0x1, s26;
	s0 =	sadd.s32 $0x7D0, s0;
	[tilespmem:s29+$0xE0] =	vst v1  }
0x2bc: {  	[spmem:s2] =	stream.indirect.scatter.add.f32 [tilespmem:s31], [sflag:$0x2], $0x80, s0, s22, $0xb8;
	[tilespmem:$0x1EFF0] =	vst v63  }
0x2bd: {  	_ =	swait.ge [sflag:s25], $0x2800  }
0x2be: {  	[sflag:s25] =	ssyncset.done $0x0  }
0x2bf: {  	[sflag:s25] =	ssyncadd.s32 $0xFFFFD800  }
0x2c0: {  	_ =	swait.ge [sflag:s25], $0x2800  }
0x2c1: {  	[sflag:s25] =	ssyncset.done $0x0  }
0x2c2: {  	s0 =	sadd.s32 $0x3E8, s13;
	s26 =	simm.s32 $0x0;
	[sflag:s25] =	ssyncadd.s32 $0xFFFFD800  }
0x2c3: {  	[tilespmem:s26], [sflag:$0x3] =	stream.linear.gather [hbm4b:s0+s26], $0x7D0, $0x38;
	[tilespmem:$0x1EFF0] =	vst v63  }
0x2c4: {  	_ =	swait.ge [sflag:s18], $0x7D0  }
0x2c5: {  	[sflag:s18] =	ssyncset.done $0x0  }
0x2c6: {  	s30 =	sadd.s32 $0x3E8, s14;
	[sflag:s18] =	ssyncadd.s32 $0xFFFFF830  }
0x2c7: {  	[tilespmem:s20], [sflag:$0x3] =	stream.linear.gather [hbm4b:s30+s26], $0x7D0, $0x38;
	[tilespmem:$0x1EFF0] =	vst v63  }
0x2c8: {  	_ =	swait.ge [sflag:s18], $0x7D0  }
0x2c9: {  	[sflag:s18] =	ssyncset.done $0x0  }
0x2ca: {  	s31 =	sadd.s32 $0x3E8, s15;
	[sflag:s18] =	ssyncadd.s32 $0xFFFFF830  }
0x2cb: {  	[tilespmem:s21], [sflag:$0x3] =	stream.linear.gather [hbm4b:s31+s26], $0x7D0, $0x38;
	[tilespmem:$0x1EFF0] =	vst v63  }
0x2cc: {  	_ =	swait.ge [sflag:s18], $0x7D0  }
0x2cd: {  	[sflag:s18] =	ssyncset.done $0x0  }
0x2ce: {  	[sflag:s18] =	ssyncadd.s32 $0xFFFFF830  }
0x2cf: {  	[tilespmem:s17], [sflag:$0x1] =	stream.indirect.gather [hbm4b:s4+s22], $0x80, s26, s22, $0xb8;
	[tilespmem:$0x1EFF0] =	vst v63  }
0x2d0: {  	s28 =	simm.s32 $0x0  }
0x2d1: {  	[tilespmem:s19], [sflag:$0x1] =	stream.indirect.gather [hbm4b:s4+s22], $0x80, s22, s22, $0xb8;
	[tilespmem:$0x1EFF0] =	vst v63  }
.LBB2_22:
0x2d2: {  	_ =	swait.ge [sflag:s23], $0x2800  }
0x2d3: {  	p0 =	slt.u32 s28, $0x2;
	[sflag:s23] =	ssyncset.done $0x0  }
0x2d4: {  	s0 =	simm.s32 @!p0 $0x2;
	[sflag:s23] =	ssyncadd.s32 $0xFFFFD800  }
0x2d5: {  	p1 =	sgt.u32 @!p0 s28, $0x16;
	_ =	swait.ge @!p0 [sflag:s0], $0x2800  }
0x2d6: {  	v1 =	vmov s28;
	p1 =	por p0, !p1;
	[sflag:s0] =	ssyncset.done @!p0 $0x0  }
0x2d7: {  	v1 =	vmul.u32 $0x50, v1;
	[sflag:s0] =	ssyncadd.s32 @!p0 $0xFFFFD800;
	s0 =	sadd.s32 @p1 $0x2, s28  }
0x2d8: {  	s30 =	simm.s32 $0x0;
	s1 =	sand.u32 @p1 $0x3, s0  }
0x2d9: {  	v2 =	vmov s30;
	v1 =	vbroadcast v1, $0x0;
	s1 =	smul.u32 @p1 $0xA000, s1  }
0x2da: {  	v3 =	vand.u32 $0x78, v2;
	s0 =	smul.u32 @p1 $0x140, s0  }
0x2db: {  	v2 =	vand.u32 $0x4, v2;
	v3 =	vadd.s32 v1, v3;
	s1 =	sshrl.u32 @p1 s1, $0x2  }
0x2dc: {  	s7 =	sand.u32 $0x3, s26;
	v2 =	vor.u32 v2, v3;
	s0 =	sshra.s32 @p1 s0, $0x2;
	s1 =	sadd.s32 @p1 $0x1770, s1  }
0x2dd: {  	[tilespmem:s1], [sflag:$0x1] =	stream.indirect.gather @p1 [hbm4b:s4+s22], $0x80, s0, s22, $0xb8;
	[tilespmem:$0x1EFF0] =	vst v63  }
0x2de: {  	s0 =	smul.u32 $0xA000, s7;
	_ =	sdelay $0x1  }
0x2df: {  	s0 =	sshrl.u32 s0, $0x2  }
0x2e0: {  	v2 =	vld.idx.msk [tilespmem:v2+s21+$0x0], $0xffff;
	s29 =	sadd.s32 $0x1870, s0  }
0x2e1: {  	v3 =	vld [tilespmem:s29+$0xFFFFFF00]  }
0x2e2: {  	v4 =	vld [tilespmem:s29+$0xFFFFFF70]  }
0x2e3: {  	v5 =	vld [tilespmem:s29+$0xFFFFFF50]  }
0x2e4: {  	v6 =	vld [tilespmem:s29+$0xFFFFFF20]  }
0x2e5: {  	v7 =	vld [tilespmem:s29+$0xFFFFFF40]  }
0x2e6: {  	v8 =	vld [tilespmem:s29+$0xFFFFFF30];
	v3 =	vmul.f32 v3, v2  }
0x2e7: {  	s1 =	simm.s32 $0x1;
	v9 =	vld [tilespmem:s29+$0xFFFFFF10];
	v4 =	vmul.f32 v4, v2  }
0x2e8: {  	v10 =	vld [tilespmem:s29+$0xFFFFFF60];
	v5 =	vmul.f32 v5, v2;
	[tilespmem:s29+$0xFFFFFF00] =	vst v3;
	v3 =	vmov s1  }
0x2e9: {  	v6 =	vmul.f32 v6, v2;
	[tilespmem:s29+$0xFFFFFF70] =	vst v4;
	v4 =	vand.u32 $0x78, v3  }
0x2ea: {  	v7 =	vmul.f32 v7, v2;
	[tilespmem:s29+$0xFFFFFF50] =	vst v5;
	v3 =	vand.u32 $0x5, v3;
	v4 =	vadd.s32 v1, v4  }
0x2eb: {  	v5 =	vmul.f32 v8, v2;
	[tilespmem:s29+$0xFFFFFF20] =	vst v6;
	v3 =	vor.u32 v3, v4  }
0x2ec: {  	[tilespmem:s29+$0xFFFFFF40] =	vst v7;
	v4 =	vmul.f32 v9, v2  }
0x2ed: {  	[tilespmem:s29+$0xFFFFFF30] =	vst v5;
	v2 =	vmul.f32 v10, v2  }
0x2ee: {  	[tilespmem:s29+$0xFFFFFF10] =	vst v4  }
0x2ef: {  	[tilespmem:s29+$0xFFFFFF60] =	vst v2;
	v2 =	vld [tilespmem:s29+$0xFFFFFFB0]  }
0x2f0: {  	v4 =	vld.idx.msk [tilespmem:v3+s21+$0x0], $0xffff  }
0x2f1: {  	v3 =	vld [tilespmem:s29+$0xFFFFFF80]  }
0x2f2: {  	v6 =	vld [tilespmem:s29+$0xFFFFFF90]  }
0x2f3: {  	v5 =	vld [tilespmem:s29+$0xFFFFFFF0]  }
0x2f4: {  	v7 =	vld [tilespmem:s29+$0xFFFFFFA0]  }
0x2f5: {  	v8 =	vld [tilespmem:s29+$0xFFFFFFE0];
	v2 =	vmul.f32 v2, v4  }
0x2f6: {  	v9 =	vld [tilespmem:s29+$0xFFFFFFD0];
	v3 =	vmul.f32 v3, v4  }
0x2f7: {  	s6 =	simm.s32 $0x2;
	v6 =	vmul.f32 v6, v4;
	[tilespmem:s29+$0xFFFFFFB0] =	vst v2  }
0x2f8: {  	v10 =	vld [tilespmem:s29+$0xFFFFFFC0];
	v5 =	vmul.f32 v5, v4;
	v2 =	vmov s6;
	[tilespmem:s29+$0xFFFFFF80] =	vst v3  }
0x2f9: {  	v7 =	vmul.f32 v7, v4;
	[tilespmem:s29+$0xFFFFFF90] =	vst v6;
	v3 =	vand.u32 $0x78, v2  }
0x2fa: {  	v8 =	vmul.f32 v8, v4;
	[tilespmem:s29+$0xFFFFFFF0] =	vst v5;
	v5 =	vld [tilespmem:s29+$0x30];
	v2 =	vand.u32 $0x6, v2;
	v3 =	vadd.s32 v1, v3  }
0x2fb: {  	v6 =	vmul.f32 v9, v4;
	[tilespmem:s29+$0xFFFFFFA0] =	vst v7;
	v7 =	vld [tilespmem:s29+$0x0];
	v9 =	vor.u32 v2, v3  }
0x2fc: {  	s7 =	sand.u32 $0x3, s28;
	[tilespmem:s29+$0xFFFFFFE0] =	vst v8;
	v8 =	vld [tilespmem:s29+$0x20]  }
0x2fd: {  	s0 =	smul.u32 $0xA000, s7;
	v4 =	vmul.f32 v10, v4;
	[tilespmem:s29+$0xFFFFFFD0] =	vst v6;
	v6 =	vld [tilespmem:s29+$0x10]  }
0x2fe: {  	v2 =	vld [tilespmem:s29+$0x40]  }
0x2ff: {  	s0 =	sshrl.u32 s0, $0x2;
	[tilespmem:s29+$0xFFFFFFC0] =	vst v4;
	v3 =	vld [tilespmem:s29+$0x50]  }
0x300: {  	s31 =	sadd.s32 $0x1770, s0;
	s0 =	simm.s32 $0x4;
	s1 =	smov.u32 s29;
	v4 =	vld.idx.msk [tilespmem:v9+s21+$0x0], $0xffff  }
.LBB2_23:
0x301: {  	p0 =	slt.u32 s0, $0x4C  }
0x302: {  	v9 =	vld [tilespmem:s29+$0x70];
	s1 =	sadd.s32 $0x200, s1;
	s6 =	smov.u32 s0;
	s0 =	sadd.s32 $0x4, s0  }
0x303: {  	v10 =	vld [tilespmem:s29+$0x60];
	_ =	sdelay $0x1  }
0x304: {  	v7 =	vmul.f32 v7, v4;
	v6 =	vmul.f32 v6, v4  }
0x305: {  	s7 =	sadd.s32 $0x3, s30;
	s30 =	smov.u32 s6;
	v5 =	vmul.f32 v5, v4;
	v8 =	vmul.f32 v8, v4  }
0x306: {  	v2 =	vmul.f32 v2, v4;
	v3 =	vmul.f32 v3, v4;
	[tilespmem:s29+$0x0] =	vst v7;
	v7 =	vmov s7  }
0x307: {  	[tilespmem:s29+$0x30] =	vst v5;
	v5 =	vmul.f32 v10, v4;
	v4 =	vmul.f32 v9, v4;
	v9 =	vand.u32 $0x78, v7  }
0x308: {  	v7 =	vand.u32 $0x7, v7;
	[tilespmem:s29+$0x20] =	vst v8;
	v8 =	vadd.s32 v1, v9;
	v9 =	vld [tilespmem:s29+$0xB0]  }
0x309: {  	[tilespmem:s29+$0x10] =	vst v6;
	v6 =	vor.u32 v7, v8;
	v7 =	vld [tilespmem:s29+$0x80]  }
0x30a: {  	[tilespmem:s29+$0x40] =	vst v2;
	v8 =	vld [tilespmem:s29+$0xC0]  }
0x30b: {  	v2 =	vld [tilespmem:s1+$0x40];
	[tilespmem:s29+$0x50] =	vst v3  }
0x30c: {  	v3 =	vld [tilespmem:s1+$0x50];
	[tilespmem:s29+$0x70] =	vst v4  }
0x30d: {  	[tilespmem:s29+$0x60] =	vst v5;
	v4 =	vld [tilespmem:s29+$0xF0]  }
0x30e: {  	v5 =	vld.idx.msk [tilespmem:v6+s21+$0x0], $0xffff  }
0x30f: {  	v6 =	vld [tilespmem:s29+$0x90]  }
0x310: {  	v10 =	vld [tilespmem:s29+$0xA0]  }
0x311: {  	v11 =	vld [tilespmem:s29+$0xD0]  }
0x312: {  	v12 =	vld [tilespmem:s29+$0xE0];
	_ =	sdelay $0x1  }
0x313: {  	v7 =	vmul.f32 v7, v5;
	v6 =	vmul.f32 v6, v5  }
0x314: {  	v9 =	vmul.f32 v9, v5;
	v10 =	vmul.f32 v10, v5  }
0x315: {  	v13 =	vmov s30;
	[tilespmem:s29+$0x80] =	vst v7;
	v7 =	vmul.f32 v8, v5;
	v8 =	vmul.f32 v11, v5  }
0x316: {  	v4 =	vmul.f32 v4, v5;
	v11 =	vand.u32 $0x78, v13;
	[tilespmem:s29+$0xB0] =	vst v9;
	v9 =	vmul.f32 v12, v5  }
0x317: {  	v5 =	vand.u32 $0x4, v13;
	v11 =	vadd.s32 v1, v11;
	[tilespmem:s29+$0xA0] =	vst v10  }
0x318: {  	v5 =	vor.u32 v5, v11;
	[tilespmem:s29+$0x90] =	vst v6  }
0x319: {  	v6 =	vld [tilespmem:s1+$0xFFFFFF40];
	[tilespmem:s29+$0xC0] =	vst v7  }
0x31a: {  	v7 =	vld [tilespmem:s1+$0xFFFFFF60];
	[tilespmem:s29+$0xD0] =	vst v8  }
0x31b: {  	v8 =	vld [tilespmem:s1+$0xFFFFFF50];
	[tilespmem:s29+$0xF0] =	vst v4  }
0x31c: {  	v4 =	vld [tilespmem:s1+$0xFFFFFF70];
	[tilespmem:s29+$0xE0] =	vst v9;
	s29 =	smov.u32 s1  }
0x31d: {  	v5 =	vld.idx.msk [tilespmem:v5+s21+$0x0], $0xffff  }
0x31e: {  	v9 =	vld [tilespmem:s1+$0xFFFFFF00]  }
0x31f: {  	v10 =	vld [tilespmem:s1+$0xFFFFFF20]  }
0x320: {  	v11 =	vld [tilespmem:s1+$0xFFFFFF10]  }
0x321: {  	v12 =	vld [tilespmem:s1+$0xFFFFFF30];
	_ =	sdelay $0x1  }
0x322: {  	v4 =	vmul.f32 v4, v5;
	v9 =	vmul.f32 v9, v5  }
0x323: {  	s6 =	sadd.s32 $0x1, s30;
	v8 =	vmul.f32 v8, v5;
	v10 =	vmul.f32 v10, v5  }
0x324: {  	v7 =	vmul.f32 v7, v5;
	[tilespmem:s1+$0xFFFFFF00] =	vst v9;
	v9 =	vmul.f32 v11, v5;
	v11 =	vmov s6  }
0x325: {  	v12 =	vmul.f32 v12, v5;
	v5 =	vmul.f32 v6, v5;
	[tilespmem:s1+$0xFFFFFF70] =	vst v4;
	v4 =	vand.u32 $0x78, v11  }
0x326: {  	v6 =	vand.u32 $0x5, v11;
	[tilespmem:s1+$0xFFFFFF50] =	vst v8;
	v4 =	vadd.s32 v1, v4  }
0x327: {  	[tilespmem:s1+$0xFFFFFF20] =	vst v10;
	v4 =	vor.u32 v6, v4  }
0x328: {  	[tilespmem:s1+$0xFFFFFF40] =	vst v5;
	v5 =	vld [tilespmem:s1+$0xFFFFFFF0]  }
0x329: {  	[tilespmem:s1+$0xFFFFFF30] =	vst v12;
	v6 =	vld [tilespmem:s1+$0xFFFFFFE0]  }
0x32a: {  	[tilespmem:s1+$0xFFFFFF10] =	vst v9;
	v8 =	vld [tilespmem:s1+$0xFFFFFFD0]  }
0x32b: {  	[tilespmem:s1+$0xFFFFFF60] =	vst v7;
	v7 =	vld [tilespmem:s1+$0xFFFFFFB0]  }
0x32c: {  	v4 =	vld.idx.msk [tilespmem:v4+s21+$0x0], $0xffff  }
0x32d: {  	v9 =	vld [tilespmem:s1+$0xFFFFFF80]  }
0x32e: {  	v10 =	vld [tilespmem:s1+$0xFFFFFF90]  }
0x32f: {  	v11 =	vld [tilespmem:s1+$0xFFFFFFA0]  }
0x330: {  	v12 =	vld [tilespmem:s1+$0xFFFFFFC0];
	_ =	sdelay $0x1  }
0x331: {  	v7 =	vmul.f32 v7, v4;
	v9 =	vmul.f32 v9, v4  }
0x332: {  	s6 =	sadd.s32 $0x2, s30;
	v8 =	vmul.f32 v8, v4;
	v10 =	vmul.f32 v10, v4  }
0x333: {  	v6 =	vmul.f32 v6, v4;
	v11 =	vmul.f32 v11, v4;
	[tilespmem:s1+$0xFFFFFFB0] =	vst v7;
	v7 =	vmov s6  }
0x334: {  	[tilespmem:s1+$0xFFFFFF80] =	vst v9;
	v9 =	vmul.f32 v12, v4;
	v4 =	vmul.f32 v5, v4;
	v5 =	vand.u32 $0x78, v7  }
0x335: {  	v7 =	vand.u32 $0x6, v7;
	[tilespmem:s1+$0xFFFFFF90] =	vst v10;
	v5 =	vadd.s32 v1, v5  }
0x336: {  	[tilespmem:s1+$0xFFFFFFA0] =	vst v11;
	v10 =	vor.u32 v7, v5  }
0x337: {  	[tilespmem:s1+$0xFFFFFFE0] =	vst v6  }
0x338: {  	[tilespmem:s1+$0xFFFFFFD0] =	vst v8  }
.Ltmp10:
0x339: {  	[tilespmem:s1+$0xFFFFFFF0] =	vst v4;
	v5 =	vld [tilespmem:s1+$0x30];
	(pc) =	sbr.rel @p0 .LBB2_23-.Ltmp10, $4  }
0x33a: {  	[tilespmem:s1+$0xFFFFFFC0] =	vst v9;
	v7 =	vld [tilespmem:s1+$0x0]  }
0x33b: {  	v4 =	vld.idx.msk [tilespmem:v10+s21+$0x0], $0xffff  }
0x33c: {  	v6 =	vld [tilespmem:s1+$0x10]  }
0x33d: {  	v8 =	vld [tilespmem:s1+$0x20]  }
0x33e: {  	_ =	sdelay $0x1  }
0x33f: {  	v7 =	vmul.f32 v7, v4  }
0x340: {  	v9 =	vld [tilespmem:s29+$0x70];
	s0 =	sadd.s32 $0x3, s30;
	v5 =	vmul.f32 v5, v4  }
0x341: {  	v10 =	vld [tilespmem:s29+$0x60];
	v54 =	vmov s0;
	v2 =	vmul.f32 v2, v4;
	[tilespmem:s29+$0x0] =	vst v7  }
0x342: {  	v55 =	vand.u32 $0x78, v54;
	v3 =	vmul.f32 v3, v4;
	[tilespmem:s29+$0x30] =	vst v5  }
0x343: {  	v6 =	vmul.f32 v6, v4;
	v1 =	vadd.s32 v1, v55;
	v7 =	vand.u32 $0x7, v54;
	[tilespmem:s29+$0x40] =	vst v2  }
0x344: {  	v8 =	vmul.f32 v8, v4;
	[tilespmem:s29+$0x50] =	vst v3;
	v1 =	vor.u32 v7, v1  }
0x345: {  	[tilespmem:s29+$0x10] =	vst v6;
	v56 =	vmul.f32 v9, v4  }
0x346: {  	v2 =	vmul.f32 v10, v4;
	[tilespmem:s29+$0x20] =	vst v8  }
0x347: {  	[tilespmem:s29+$0x70] =	vst v56  }
0x348: {  	v57 =	vld [tilespmem:s29+$0x80];
	[tilespmem:s29+$0x60] =	vst v2  }
0x349: {  	v1 =	vld.idx.msk [tilespmem:v1+s21+$0x0], $0xffff  }
0x34a: {  	v2 =	vld [tilespmem:s29+$0xB0]  }
0x34b: {  	v3 =	vld [tilespmem:s29+$0xA0]  }
0x34c: {  	v58 =	vld [tilespmem:s29+$0x90]  }
0x34d: {  	v61 =	vld [tilespmem:s29+$0xF0]  }
0x34e: {  	v59 =	vld [tilespmem:s29+$0xC0];
	v6 =	vmul.f32 v57, v1  }
0x34f: {  	v60 =	vld [tilespmem:s29+$0xD0];
	v2 =	vmul.f32 v2, v1  }
0x350: {  	v62 =	vld [tilespmem:s29+$0xE0];
	v3 =	vmul.f32 v3, v1;
	[tilespmem:s29+$0x80] =	vst v6  }
0x351: {  	v4 =	vmul.f32 v58, v1;
	[tilespmem:s29+$0xB0] =	vst v2  }
0x352: {  	s30 =	smul.u32 $0x140, s28;
	s28 =	sadd.s32 $0x1, s28;
	v63 =	vmul.f32 v61, v1;
	[tilespmem:s29+$0xA0] =	vst v3  }
0x353: {  	p0 =	sne.s32 s28, $0x19;
	v2 =	vmul.f32 v59, v1;
	[tilespmem:s29+$0x90] =	vst v4  }
.Ltmp11:
0x354: {  	v3 =	vmul.f32 v60, v1;
	[tilespmem:s29+$0xF0] =	vst v63;
	(pc) =	sbr.rel @p0 .LBB2_22-.Ltmp11, $4  }
0x355: {  	v1 =	vmul.f32 v62, v1;
	[tilespmem:s29+$0xC0] =	vst v2  }
0x356: {  	s0 =	sshra.s32 s30, $0x2;
	[tilespmem:s29+$0xD0] =	vst v3  }
0x357: {  	s26 =	sadd.s32 $0x1, s26;
	s0 =	sadd.s32 $0x7D0, s0;
	[tilespmem:s29+$0xE0] =	vst v1  }
0x358: {  	[spmem:s2] =	stream.indirect.scatter.add.f32 [tilespmem:s31], [sflag:$0x2], $0x80, s0, s22, $0xb8;
	[tilespmem:$0x1EFF0] =	vst v63  }
0x359: {  	_ =	swait.ge [sflag:s25], $0x2800  }
0x35a: {  	[sflag:s25] =	ssyncset.done $0x0  }
0x35b: {  	[sflag:s25] =	ssyncadd.s32 $0xFFFFD800  }
0x35c: {  	s0 =	stileid.u32;
	_ =	swait.ge [sflag:s25], $0x2800  }
0x35d: {  	s1 =	sshrl.u32 s5, $0x3;
	s3 =	sadd.s32 $0x1, s3;
	[sflag:s25] =	ssyncset.done $0x0  }
0x35e: {  	s0 =	sshll.u32 s0, $0x6;
	p0 =	sne.s32 s3, s16;
	[sflag:s25] =	ssyncadd.s32 $0xFFFFD800  }
.Ltmp12:
0x35f: {  	s0 =	sor.u32 $0x1C03, s0;
	[bflag:$0x0] =	sbarrier.arrive $0xFFFF;
	(pc) =	sbr.rel @p0 .LBB2_1-.Ltmp12, $4  }
0x360: {  	[hbm:s24], [sflag:s0] =	dma.local [spmem:s1], $0x2710  }
0x361: {  	_ =	swait.ge [sflag:s18], $0x2710  }
0x362: {  	[sflag:s18] =	ssyncset.done $0x0  }
0x363: {  	[sflag:s18] =	ssyncadd.s32 $0xFFFFD8F0  }
0x364: {  	_ =	sfence.sel $0x180000  }
0x365: {  	[bflag:$0x0] =	sbarrier.arrive $0xFFFF  }
0x366: {  	_ =	strace $0x9000004A  }
0x367: {  	s0 =	stileid.u32;
	[bflag:$0x2] =	sbarrier.arrive $0xFFFF  }
0x368: {  	p0 =	sne.s32 s0, $0x0;
	s0 =	rddreg [dreg:$0x2]  }
0x369: {  	s0 =	sadd.s32 @!p0 $0x100000, s0  }
0x36a: {  	[sflag:s0] =	ssyncadd.tile.s32 @!p0 $0x1;
	_ =	shalt  }
.Lfunc_end2:
_tile_overlayer_lowered:
.L_overlay_start_2:
0x36b: {  	(tag) =	ssettag $0x2  }
0x36c: {  	s0 =	rddreg [dreg:$0x0];
	s2 =	stileid.u32  }
0x36d: {  	s1 =	rddreg [dreg:$0x1];
	p0 =	sne.s32 s2, $0x0  }
0x36e: {  	s3 =	rddreg [dreg:$0x2];
	[bflag:$0x3] =	sbarrier.arrive $0xFFFF;
	s2 =	simm.s32 @!p0 $0x1C03  }
0x36f: {  	[timem:s3], [sflag:s2] =	dma.local @!p0 [hbm:s0], s1  }
0x370: {  	s0 =	simm.s32 @!p0 $0x3  }
0x371: {  	_ =	swait.ge @!p0 [sflag:s0], s1  }
0x372: {  	s1 =	ssub.s32 @!p0 $0x0, s1;
	[sflag:s0] =	ssyncset.done @!p0 $0x0  }
0x373: {  	[sflag:s0] =	ssyncadd.s32 @!p0 s1  }
0x374: {  	[bflag:$0x3] =	sbarrier.arrive $0xFFFF  }
0x375: {  	_ =	shalt  }

</sc_bundles>
